<compile_context>
chip_gen: v7x
topology: tpu7x:2x2x1
jax: 0.10.2.dev20260603
libtpu: 0.0.44.dev20260713+nightly
codegen_flags: <defaults>
</compile_context>

<pallas_src>
import functools

import jax
import jax.numpy as jnp
from jax import lax
from jax.experimental import pallas as pl
from jax.experimental.pallas import tpu as pltpu
from jax.experimental.pallas import tpu_sc as plsc

_EPS = 1e-5
_NG = 16


def _ln(h, g, b):
    mu = jnp.mean(h, axis=-1, keepdims=True)
    var = jnp.mean((h - mu) ** 2, axis=-1, keepdims=True)
    return (h - mu) * lax.rsqrt(var + _EPS) * g + b


def _mlp_conv16(x, W1, b1, ln1_g, ln1_b, W2, b2, ln2_g, ln2_b, ED):
    N, D = x.shape
    H = W1.shape[1]
    BN = 1000
    grid = (N // BN,)

    def body(x_ref, w1_ref, b1_ref, g1_ref, bb1_ref, w2_ref, b2_ref, g2_ref,
             bb2_ref, o_ref):
        xb = x_ref[...]
        h = jnp.dot(xb, w1_ref[...], preferred_element_type=jnp.float32)
        h = _ln(h + b1_ref[...], g1_ref[...], bb1_ref[...])
        h = jnp.maximum(h, 0.0)
        h2 = jnp.dot(h, w2_ref[...], preferred_element_type=jnp.float32)
        h2 = _ln(h2 + b2_ref[...], g2_ref[...], bb2_ref[...])
        o_ref[...] = h2[:, :ED]

    row_spec = lambda r: pl.BlockSpec((1, r), lambda i: (0, 0))
    return pl.pallas_call(
        body,
        grid=grid,
        in_specs=[
            pl.BlockSpec((BN, D), lambda i: (i, 0)),
            pl.BlockSpec((D, H), lambda i: (0, 0)),
            row_spec(H), row_spec(H), row_spec(H),
            pl.BlockSpec((H, D), lambda i: (0, 0)),
            row_spec(D), row_spec(D), row_spec(D),
        ],
        out_specs=pl.BlockSpec((BN, ED), lambda i: (i, 0)),
        out_shape=jax.ShapeDtypeStruct((N, ED), jnp.float32),
    )(x, W1, b1.reshape(1, H), ln1_g.reshape(1, H), ln1_b.reshape(1, H),
      W2, b2.reshape(1, D), ln2_g.reshape(1, D), ln2_b.reshape(1, D))


def _sc_edge_agg(conv16, ei3, ea, N_pad):
    ED = conv16.shape[1]
    NC, NS = 2, 16
    NW = NC * NS
    G = ei3.shape[1]
    CH = 128
    NB = 4
    MAXG = -(-G // NW)
    MAXG = -(-MAXG // NB) * NB
    NT = MAXG // NB
    RPS = N_pad // NS

    mesh = plsc.VectorSubcoreMesh(core_axis_name="c", subcore_axis_name="s")

    @functools.partial(
        pl.kernel,
        out_type=jax.ShapeDtypeStruct((NC, N_pad, ED), jnp.float32),
        mesh=mesh,
        scratch_types=[
            pltpu.VMEM((NB, CH), jnp.int32),
            pltpu.VMEM((NB, CH), jnp.int32),
            pltpu.VMEM((NB * CH, ED), jnp.float32),
            pltpu.VMEM((NB * CH, ED), jnp.float32),
            pltpu.VMEM((RPS, ED), jnp.float32),
            pltpu.VMEM_SHARED((N_pad, ED), jnp.float32),
            pltpu.SemaphoreType.DMA((2,)),
            pltpu.SemaphoreType.DMA((2,)),
            pltpu.SemaphoreType.DMA((2,)),
        ],
        compiler_params=pltpu.CompilerParams(use_tc_tiling_on_sc=False),
    )
    def sck(conv_hbm, ei_hbm, ea_hbm, out_hbm,
            src_v, dst_v, ea_v, rows_v, stripe_v, agg_sh,
            sem_lin, sem_g, sem_s):
        c = lax.axis_index("c")
        s = lax.axis_index("s")
        wid = c * NS + s

        zero = jnp.zeros((ED,), jnp.float32)

        @plsc.parallel_loop(0, RPS, unroll=8)
        def _(i):
            stripe_v[i] = zero

        pltpu.sync_copy(stripe_v, agg_sh.at[pl.ds(s * RPS, RPS)])
        plsc.subcore_barrier()

        def lin_descs(g, slot):
            gc = jnp.minimum(wid * MAXG + g, G - 1)
            p = slot % 2
            return [
                pltpu.make_async_copy(ei_hbm.at[0, gc], src_v.at[slot],
                                      sem_lin.at[p]),
                pltpu.make_async_copy(ei_hbm.at[1, gc], dst_v.at[slot],
                                      sem_lin.at[p]),
                pltpu.make_async_copy(ea_hbm.at[pl.ds(gc * CH, CH)],
                                      ea_v.at[pl.ds(slot * CH, CH)],
                                      sem_lin.at[p]),
            ]

        def gather_desc(slot):
            return pltpu.make_async_copy(
                conv_hbm.at[dst_v.at[slot]],
                rows_v.at[pl.ds(slot * CH, CH)], sem_g.at[slot % 2])

        def scatter_desc(slot):
            return pltpu.make_async_copy(
                rows_v.at[pl.ds(slot * CH, CH)],
                agg_sh.at[src_v.at[slot]], sem_s.at[slot % 2])

        def multiply(g, slot):
            scale = jnp.where(wid * MAXG + g < G, 1.0, 0.0).astype(jnp.float32)

            @plsc.parallel_loop(0, CH, unroll=8)
            def _(i):
                k = slot * CH + i
                rows_v[k] = rows_v[k] * ea_v[k] * scale

        def step(g, b, scatter_wait, lin_issue, gather_issue):
            if scatter_wait:
                scatter_desc((b + 2) % NB).wait()
            if lin_issue:
                for d in lin_descs(g + 2, (b + 2) % NB):
                    d.start()
            if gather_issue:
                for d in lin_descs(g + 1, (b + 1) % NB):
                    d.wait()
                gather_desc((b + 1) % NB).start()
            gather_desc(b).wait()
            multiply(g, b)
            scatter_desc(b).start(add=True)

        for d in lin_descs(0, 0):
            d.start()
        for d in lin_descs(1, 1):
            d.start()
        for d in lin_descs(0, 0):
            d.wait()
        gather_desc(0).start()

        for b in range(NB):
            step(b, b, scatter_wait=(b >= 2), lin_issue=True,
                 gather_issue=True)

        def super_iter(t, carry):
            for b in range(NB):
                step(t * NB + b, b, scatter_wait=True, lin_issue=True,
                     gather_issue=True)
            return carry

        lax.fori_loop(1, NT - 1, super_iter, 0)

        for b in range(NB):
            g = MAXG - NB + b
            step(g, b, scatter_wait=True, lin_issue=(b < 2),
                 gather_issue=(b < NB - 1))
        scatter_desc(NB - 2).wait()
        scatter_desc(NB - 1).wait()

        plsc.subcore_barrier()

        pltpu.sync_copy(agg_sh.at[pl.ds(s * RPS, RPS)], stripe_v)
        pltpu.sync_copy(stripe_v, out_hbm.at[c].at[pl.ds(s * RPS, RPS)])

    return sck(conv16, ei3, ea)


def _final_ln(x, agg2, out_g, out_b):
    N, D = x.shape
    ED = agg2.shape[2]
    BN = 1000
    grid = (N // BN,)

    def body(x_ref, a_ref, g_ref, b_ref, o_ref):
        a = a_ref[0] + a_ref[1]
        h = x_ref[...] + jnp.concatenate(
            [a, jnp.zeros((BN, D - ED), jnp.float32)], axis=1)
        o_ref[...] = _ln(h, g_ref[...], b_ref[...])

    return pl.pallas_call(
        body,
        grid=grid,
        in_specs=[
            pl.BlockSpec((BN, D), lambda i: (i, 0)),
            pl.BlockSpec((2, BN, ED), lambda i: (0, i, 0)),
            pl.BlockSpec((1, D), lambda i: (0, 0)),
            pl.BlockSpec((1, D), lambda i: (0, 0)),
        ],
        out_specs=pl.BlockSpec((BN, D), lambda i: (i, 0)),
        out_shape=jax.ShapeDtypeStruct((N, D), jnp.float32),
    )(x, agg2, out_g.reshape(1, D), out_b.reshape(1, D))


def kernel(x, edge_index, edge_attr, W1, b1, ln1_g, ln1_b, W2, b2, ln2_g,
           ln2_b, out_g, out_b):
    N, D = x.shape
    E, ED = edge_attr.shape
    NW, GROUP = 32, 128

    conv16 = _mlp_conv16(x, W1, b1, ln1_g, ln1_b, W2, b2, ln2_g, ln2_b, ED)

    if E % GROUP:
        pad = GROUP - E % GROUP
        edge_index = jnp.pad(edge_index, ((0, 0), (0, pad)))
        edge_attr = jnp.pad(edge_attr, ((0, pad), (0, 0)))
        E += pad
    ei3 = edge_index.reshape(2, E // GROUP, GROUP)

    N_pad = -(-N // (16 * 8)) * (16 * 8)
    agg2 = _sc_edge_agg(conv16, ei3, edge_attr, N_pad)
    return _final_ln(x, agg2, out_g, out_b)

# --- scband reference (transcript-rebuilt; emitter-appended) ---
"""Pipeline reference for scband-atom-aggregation-layer-59880434041200 (READ-ONLY COPY).

The authoritative reference and input builder live on the scoring server;
editing this copy changes nothing except your own understanding.
"""

import jax, jax.numpy as jnp
import numpy as np


def layer_norm(h, g, b, eps=1e-5):
    mu = jnp.mean(h, axis=-1, keepdims=True)
    var = jnp.mean((h - mu) ** 2, axis=-1, keepdims=True)
    return (h - mu) / jnp.sqrt(var + eps) * g + b


def setup_inputs(seed: int = 0) -> dict:
    key = jax.random.key(seed)
    ks = jax.random.split(key, 8)
    N, E, D, ED, H = 10000, 320000, 128, 16, 64
    x = jax.random.normal(ks[0], (N, D), dtype=jnp.float32)
    edge_index = jax.random.randint(ks[1], (2, E), 0, N, dtype=jnp.int32)
    edge_attr = jax.random.normal(ks[2], (E, ED), dtype=jnp.float32)
    s1 = 1.0 / np.sqrt(D)
    s2 = 1.0 / np.sqrt(H)
    W1 = jax.random.uniform(ks[3], (D, H), jnp.float32, -s1, s1)
    b1 = jax.random.uniform(ks[4], (H,), jnp.float32, -s1, s1)
    W2 = jax.random.uniform(ks[5], (H, D), jnp.float32, -s2, s2)
    b2 = jax.random.uniform(ks[6], (D,), jnp.float32, -s2, s2)
    ln1_g = jnp.ones((H,), jnp.float32)
    ln1_b = jnp.zeros((H,), jnp.float32)
    ln2_g = jnp.ones((D,), jnp.float32)
    ln2_b = jnp.zeros((D,), jnp.float32)
    out_g = jnp.ones((D,), jnp.float32)
    out_b = jnp.zeros((D,), jnp.float32)
    return {"x": x, "edge_index": edge_index, "edge_attr": edge_attr, "W1": W1, "b1": b1, "ln1_g": ln1_g, "ln1_b": ln1_b, "W2": W2, "b2": b2, "ln2_g": ln2_g, "ln2_b": ln2_b, "out_g": out_g, "out_b": out_b}


def reference(x, edge_index, edge_attr, W1, b1, ln1_g, ln1_b, W2, b2, ln2_g, ln2_b, out_g, out_b):
    # ConvMLP: Linear -> LayerNorm -> ReLU -> Linear -> LayerNorm (per node, identical to per-edge eval in torch loop)
    conv = layer_norm(jnp.maximum(layer_norm(x @ W1 + b1, ln1_g, ln1_b), 0.0) @ W2 + b2, ln2_g, ln2_b)
    src = edge_index[0]
    dst = edge_index[1]
    ED = edge_attr.shape[1]
    D = x.shape[1]
    # msg = Conv(h[w])[:edge_dim] * e[v,w], zero-padded back to node_dim
    msg = jnp.take(conv, dst, axis=0)[:, :ED] * edge_attr
    msg_full = jnp.pad(msg, ((0, 0), (0, D - ED)))
    # scatter-add into source node v
    agg = jnp.zeros_like(x).at[src].add(msg_full)
    h_new = agg + x
    return layer_norm(h_new, out_g, out_b)

if __name__ == "__main__":
    import jax
    _d = setup_inputs()
    print(jax.jit(kernel)(*tuple(_d.values())))

</pallas_src>

<mosaic_0001>
#map = affine_map<(d0, d1) -> (0, 0)>
#map1 = affine_map<(d0, d1) -> (0, 0, 0)>
module attributes {stable_mosaic.version = 14 : i64} {
  func.func @sck(%arg0: i32, %arg1: i32, %arg2: memref<10000x16xf32, #tpu.memory_space<hbm>>, %arg3: memref<2x2500x128xi32, #tpu.memory_space<hbm>>, %arg4: memref<320000x16xf32, #tpu.memory_space<hbm>>, %arg5: memref<2x10112x16xf32, #tpu.memory_space<hbm>>, %arg6: memref<4x128xi32, #tpu.memory_space<vmem>>, %arg7: memref<4x128xi32, #tpu.memory_space<vmem>>, %arg8: memref<512x16xf32, #tpu.memory_space<vmem>>, %arg9: memref<512x16xf32, #tpu.memory_space<vmem>>, %arg10: memref<632x16xf32, #tpu.memory_space<vmem>>, %arg11: memref<10112x16xf32, #tpu.memory_space<vmem_shared>>, %arg12: memref<2x!tpu.dma_semaphore, #tpu.memory_space<semaphore_mem>>, %arg13: memref<2x!tpu.dma_semaphore, #tpu.memory_space<semaphore_mem>>, %arg14: memref<2x!tpu.dma_semaphore, #tpu.memory_space<semaphore_mem>>) attributes {dimension_semantics = [#tpu.dimension_semantics<core_parallel>, #tpu.dimension_semantics<subcore_parallel>], iteration_bounds = array<i64: 2, 16>, scalar_prefetch = 0 : i64, scratch_operands = 9 : i64, tpu.core_type = #tpu.core_type<sc_vector_subcore>, window_params = [{transform_indices = #map}, {transform_indices = #map1}, {transform_indices = #map}, {transform_indices = #map1}]} {
    %mul3A = arith.constant 16 : i32
    %mul3A_0 = arith.muli %arg0, %mul3A : i32
    %add3A = arith.addi %mul3A_0, %arg1 : i32
    %broadcast_in_dim3A = arith.constant 0.000000e+00 : f32
    %broadcast_in_dim3A_1 = vector.broadcast %broadcast_in_dim3A : f32 to vector<16xf32>
    %parallel_loop3A = arith.constant 0 : i32
    %parallel_loop3A_2 = arith.constant 632 : i32
    %parallel_loop3A_3 = arith.constant 1 : i32
    scf.for %parallel_loop3A_1402 = %parallel_loop3A to %parallel_loop3A_2 step %parallel_loop3A_3  : i32 {
      %parallel_loop3A_1403 = arith.index_cast %parallel_loop3A_1402 : i32 to index
      %parallel_loop3A_1404 = arith.constant 0 : index
      %parallel_loop3A_1405 = tpu.vector_load %arg10[%parallel_loop3A_1403, %parallel_loop3A_1404] {strides = array<i32>} : memref<632x16xf32, #tpu.memory_space<vmem>>, vector<1x16xf32>,
      %parallel_loop3A_1406 = vector.shape_cast %parallel_loop3A_1405 : vector<1x16xf32> to vector<16xf32>
      %parallel_loop3A_1407 = vector.shape_cast %broadcast_in_dim3A_1 : vector<16xf32> to vector<1x16xf32>
      tpu.vector_store %arg10[%parallel_loop3A_1403, %parallel_loop3A_1404], %parallel_loop3A_1407 {strides = array<i32>} : memref<632x16xf32, #tpu.memory_space<vmem>>, vector<1x16xf32>,
    } {sc.loop_unroll_factor = 8 : i64, sc.parallel_access}
    %mul3A_4 = arith.constant 632 : i32
    %mul3A_5 = arith.muli %arg1, %mul3A_4 : i32
    "tpu.region"() ({
      %run_scoped3A = tpu.sem_alloc : memref<!tpu.dma_semaphore, #tpu.memory_space<semaphore_mem>>
      %dma_start3A_1402 = arith.constant 0 : i32
      %dma_start3A_1403 = tpu.memref_slice %arg11[%mul3A_5, %dma_start3A_1402] : memref<10112x16xf32, #tpu.memory_space<vmem_shared>> -> memref<632x16xf32, #tpu.memory_space<vmem_shared>>
      %dma_start3A_1404 = arith.constant 0 : i32
      %dma_start3A_1405 = tpu.memref_slice %arg11[%mul3A_5, %dma_start3A_1404] : memref<10112x16xf32, #tpu.memory_space<vmem_shared>> -> memref<632x16xf32, #tpu.memory_space<vmem_shared>>
      tpu.enqueue_dma source(%arg10 : memref<632x16xf32, #tpu.memory_space<vmem>>) target(%dma_start3A_1405 : memref<632x16xf32, #tpu.memory_space<vmem_shared>>) target_semaphore(%run_scoped3A : memref<!tpu.dma_semaphore, #tpu.memory_space<semaphore_mem>>)
      %dma_wait3A_1406 = arith.constant 0 : i32
      %dma_wait3A_1407 = tpu.memref_slice %arg11[%mul3A_5, %dma_wait3A_1406] : memref<10112x16xf32, #tpu.memory_space<vmem_shared>> -> memref<632x16xf32, #tpu.memory_space<vmem_shared>>
      %dma_wait3A_1408 = arith.constant 0 : i32
      %dma_wait3A_1409 = tpu.memref_slice %arg11[%mul3A_5, %dma_wait3A_1408] : memref<10112x16xf32, #tpu.memory_space<vmem_shared>> -> memref<632x16xf32, #tpu.memory_space<vmem_shared>>
      tpu.wait_dma2 semaphore(%run_scoped3A : memref<!tpu.dma_semaphore, #tpu.memory_space<semaphore_mem>>) src(%arg10 : memref<632x16xf32, #tpu.memory_space<vmem>>) dst(%dma_wait3A_1409 : memref<632x16xf32, #tpu.memory_space<vmem_shared>>)
      tpu.yield
    }) : () -> ()
    %barrier3A = arith.constant 0 : index
    tpu.barrier barrier_id(%barrier3A)
    %mul3A_6 = arith.constant 80 : i32
    %mul3A_7 = arith.muli %add3A, %mul3A_6 : i32
    %add3A_8 = arith.constant 0 : i32
    %add3A_9 = arith.addi %mul3A_7, %add3A_8 : i32
    %min3A = arith.constant 2499 : i32
    %min3A_10 = arith.minsi %add3A_9, %min3A : i32
    %mul3A_11 = arith.constant 128 : i32
    %mul3A_12 = arith.muli %min3A_10, %mul3A_11 : i32
    %dma_start3A = arith.constant 0 : i32
    %dma_start3A_13 = arith.constant 0 : i32
    %dma_start3A_14 = arith.constant 0 : i32
    %dma_start3A_15 = arith.constant 0 : i32
    %dma_start3A_16 = tpu.memref_slice %arg6[%dma_start3A_13, %dma_start3A_15] : memref<4x128xi32, #tpu.memory_space<vmem>> -> memref<1x128xi32, #tpu.memory_space<vmem>>
    %dma_start3A_17 = tpu.memref_squeeze %dma_start3A_16 : memref<1x128xi32, #tpu.memory_space<vmem>> -> memref<128xi32, #tpu.memory_space<vmem>>
    %dma_start3A_18 = arith.constant 0 : i32
    %dma_start3A_19 = tpu.memref_slice %arg3[%dma_start3A, %min3A_10, %dma_start3A_18] : memref<2x2500x128xi32, #tpu.memory_space<hbm>> -> memref<1x1x128xi32, #tpu.memory_space<hbm>>
    %dma_start3A_20 = tpu.memref_squeeze %dma_start3A_19 : memref<1x1x128xi32, #tpu.memory_space<hbm>> -> memref<128xi32, #tpu.memory_space<hbm>>
    %dma_start3A_21 = tpu.memref_slice %arg12[%dma_start3A_14] : memref<2x!tpu.dma_semaphore, #tpu.memory_space<semaphore_mem>> -> memref<1x!tpu.dma_semaphore, #tpu.memory_space<semaphore_mem>>
    %dma_start3A_22 = tpu.memref_squeeze %dma_start3A_21 : memref<1x!tpu.dma_semaphore, #tpu.memory_space<semaphore_mem>> -> memref<!tpu.dma_semaphore, #tpu.memory_space<semaphore_mem>>
    %dma_start3A_23 = arith.constant 0 : i32
    %dma_start3A_24 = tpu.memref_slice %arg6[%dma_start3A_13, %dma_start3A_23] : memref<4x128xi32, #tpu.memory_space<vmem>> -> memref<1x128xi32, #tpu.memory_space<vmem>>
    %dma_start3A_25 = tpu.memref_squeeze %dma_start3A_24 : memref<1x128xi32, #tpu.memory_space<vmem>> -> memref<128xi32, #tpu.memory_space<vmem>>
    %dma_start3A_26 = arith.constant 0 : i32
    %dma_start3A_27 = tpu.memref_slice %arg3[%dma_start3A, %min3A_10, %dma_start3A_26] : memref<2x2500x128xi32, #tpu.memory_space<hbm>> -> memref<1x1x128xi32, #tpu.memory_space<hbm>>
    %dma_start3A_28 = tpu.memref_squeeze %dma_start3A_27 : memref<1x1x128xi32, #tpu.memory_space<hbm>> -> memref<128xi32, #tpu.memory_space<hbm>>
    tpu.enqueue_dma source(%dma_start3A_28 : memref<128xi32, #tpu.memory_space<hbm>>) target(%dma_start3A_25 : memref<128xi32, #tpu.memory_space<vmem>>) target_semaphore(%dma_start3A_22 : memref<!tpu.dma_semaphore, #tpu.memory_space<semaphore_mem>>)
    %dma_start3A_29 = arith.constant 1 : i32
    %dma_start3A_30 = arith.constant 0 : i32
    %dma_start3A_31 = arith.constant 0 : i32
    %dma_start3A_32 = arith.constant 0 : i32
    %dma_start3A_33 = tpu.memref_slice %arg7[%dma_start3A_30, %dma_start3A_32] : memref<4x128xi32, #tpu.memory_space<vmem>> -> memref<1x128xi32, #tpu.memory_space<vmem>>
    %dma_start3A_34 = tpu.memref_squeeze %dma_start3A_33 : memref<1x128xi32, #tpu.memory_space<vmem>> -> memref<128xi32, #tpu.memory_space<vmem>>
    %dma_start3A_35 = arith.constant 0 : i32
    %dma_start3A_36 = tpu.memref_slice %arg3[%dma_start3A_29, %min3A_10, %dma_start3A_35] : memref<2x2500x128xi32, #tpu.memory_space<hbm>> -> memref<1x1x128xi32, #tpu.memory_space<hbm>>
    %dma_start3A_37 = tpu.memref_squeeze %dma_start3A_36 : memref<1x1x128xi32, #tpu.memory_space<hbm>> -> memref<128xi32, #tpu.memory_space<hbm>>
    %dma_start3A_38 = tpu.memref_slice %arg12[%dma_start3A_31] : memref<2x!tpu.dma_semaphore, #tpu.memory_space<semaphore_mem>> -> memref<1x!tpu.dma_semaphore, #tpu.memory_space<semaphore_mem>>
    %dma_start3A_39 = tpu.memref_squeeze %dma_start3A_38 : memref<1x!tpu.dma_semaphore, #tpu.memory_space<semaphore_mem>> -> memref<!tpu.dma_semaphore, #tpu.memory_space<semaphore_mem>>
    %dma_start3A_40 = arith.constant 0 : i32
    %dma_start3A_41 = tpu.memref_slice %arg7[%dma_start3A_30, %dma_start3A_40] : memref<4x128xi32, #tpu.memory_space<vmem>> -> memref<1x128xi32, #tpu.memory_space<vmem>>
    %dma_start3A_42 = tpu.memref_squeeze %dma_start3A_41 : memref<1x128xi32, #tpu.memory_space<vmem>> -> memref<128xi32, #tpu.memory_space<vmem>>
    %dma_start3A_43 = arith.constant 0 : i32
    %dma_start3A_44 = tpu.memref_slice %arg3[%dma_start3A_29, %min3A_10, %dma_start3A_43] : memref<2x2500x128xi32, #tpu.memory_space<hbm>> -> memref<1x1x128xi32, #tpu.memory_space<hbm>>
    %dma_start3A_45 = tpu.memref_squeeze %dma_start3A_44 : memref<1x1x128xi32, #tpu.memory_space<hbm>> -> memref<128xi32, #tpu.memory_space<hbm>>
    tpu.enqueue_dma source(%dma_start3A_45 : memref<128xi32, #tpu.memory_space<hbm>>) target(%dma_start3A_42 : memref<128xi32, #tpu.memory_space<vmem>>) target_semaphore(%dma_start3A_39 : memref<!tpu.dma_semaphore, #tpu.memory_space<semaphore_mem>>)
    %dma_start3A_46 = arith.constant 0 : i32
    %dma_start3A_47 = arith.constant 0 : i32
    %dma_start3A_48 = arith.constant 0 : i32
    %dma_start3A_49 = tpu.memref_slice %arg8[%dma_start3A_47, %dma_start3A_48] : memref<512x16xf32, #tpu.memory_space<vmem>> -> memref<128x16xf32, #tpu.memory_space<vmem>>
    %dma_start3A_50 = arith.constant 0 : i32
    %dma_start3A_51 = tpu.memref_slice %arg4[%mul3A_12, %dma_start3A_50] : memref<320000x16xf32, #tpu.memory_space<hbm>> -> memref<128x16xf32, #tpu.memory_space<hbm>>
    %dma_start3A_52 = tpu.memref_slice %arg12[%dma_start3A_46] : memref<2x!tpu.dma_semaphore, #tpu.memory_space<semaphore_mem>> -> memref<1x!tpu.dma_semaphore, #tpu.memory_space<semaphore_mem>>
    %dma_start3A_53 = tpu.memref_squeeze %dma_start3A_52 : memref<1x!tpu.dma_semaphore, #tpu.memory_space<semaphore_mem>> -> memref<!tpu.dma_semaphore, #tpu.memory_space<semaphore_mem>>
    %dma_start3A_54 = arith.constant 0 : i32
    %dma_start3A_55 = arith.constant 0 : i32
    %dma_start3A_56 = tpu.memref_slice %arg8[%dma_start3A_54, %dma_start3A_55] : memref<512x16xf32, #tpu.memory_space<vmem>> -> memref<128x16xf32, #tpu.memory_space<vmem>>
    %dma_start3A_57 = arith.constant 0 : i32
    %dma_start3A_58 = tpu.memref_slice %arg4[%mul3A_12, %dma_start3A_57] : memref<320000x16xf32, #tpu.memory_space<hbm>> -> memref<128x16xf32, #tpu.memory_space<hbm>>
    tpu.enqueue_dma source(%dma_start3A_58 : memref<128x16xf32, #tpu.memory_space<hbm>>) target(%dma_start3A_56 : memref<128x16xf32, #tpu.memory_space<vmem>>) target_semaphore(%dma_start3A_53 : memref<!tpu.dma_semaphore, #tpu.memory_space<semaphore_mem>>)
    %mul3A_59 = arith.constant 80 : i32
    %mul3A_60 = arith.muli %add3A, %mul3A_59 : i32
    %add3A_61 = arith.constant 1 : i32
    %add3A_62 = arith.addi %mul3A_60, %add3A_61 : i32
    %min3A_63 = arith.constant 2499 : i32
    %min3A_64 = arith.minsi %add3A_62, %min3A_63 : i32
    %mul3A_65 = arith.constant 128 : i32
    %mul3A_66 = arith.muli %min3A_64, %mul3A_65 : i32
    %dma_start3A_67 = arith.constant 0 : i32
    %dma_start3A_68 = arith.constant 1 : i32
    %dma_start3A_69 = arith.constant 1 : i32
    %dma_start3A_70 = arith.constant 0 : i32
    %dma_start3A_71 = tpu.memref_slice %arg6[%dma_start3A_68, %dma_start3A_70] : memref<4x128xi32, #tpu.memory_space<vmem>> -> memref<1x128xi32, #tpu.memory_space<vmem>>
    %dma_start3A_72 = tpu.memref_squeeze %dma_start3A_71 : memref<1x128xi32, #tpu.memory_space<vmem>> -> memref<128xi32, #tpu.memory_space<vmem>>
    %dma_start3A_73 = arith.constant 0 : i32
    %dma_start3A_74 = tpu.memref_slice %arg3[%dma_start3A_67, %min3A_64, %dma_start3A_73] : memref<2x2500x128xi32, #tpu.memory_space<hbm>> -> memref<1x1x128xi32, #tpu.memory_space<hbm>>
    %dma_start3A_75 = tpu.memref_squeeze %dma_start3A_74 : memref<1x1x128xi32, #tpu.memory_space<hbm>> -> memref<128xi32, #tpu.memory_space<hbm>>
    %dma_start3A_76 = tpu.memref_slice %arg12[%dma_start3A_69] : memref<2x!tpu.dma_semaphore, #tpu.memory_space<semaphore_mem>> -> memref<1x!tpu.dma_semaphore, #tpu.memory_space<semaphore_mem>>
    %dma_start3A_77 = tpu.memref_squeeze %dma_start3A_76 : memref<1x!tpu.dma_semaphore, #tpu.memory_space<semaphore_mem>> -> memref<!tpu.dma_semaphore, #tpu.memory_space<semaphore_mem>>
    %dma_start3A_78 = arith.constant 0 : i32
    %dma_start3A_79 = tpu.memref_slice %arg6[%dma_start3A_68, %dma_start3A_78] : memref<4x128xi32, #tpu.memory_space<vmem>> -> memref<1x128xi32, #tpu.memory_space<vmem>>
    %dma_start3A_80 = tpu.memref_squeeze %dma_start3A_79 : memref<1x128xi32, #tpu.memory_space<vmem>> -> memref<128xi32, #tpu.memory_space<vmem>>
    %dma_start3A_81 = arith.constant 0 : i32
    %dma_start3A_82 = tpu.memref_slice %arg3[%dma_start3A_67, %min3A_64, %dma_start3A_81] : memref<2x2500x128xi32, #tpu.memory_space<hbm>> -> memref<1x1x128xi32, #tpu.memory_space<hbm>>
    %dma_start3A_83 = tpu.memref_squeeze %dma_start3A_82 : memref<1x1x128xi32, #tpu.memory_space<hbm>> -> memref<128xi32, #tpu.memory_space<hbm>>
    tpu.enqueue_dma source(%dma_start3A_83 : memref<128xi32, #tpu.memory_space<hbm>>) target(%dma_start3A_80 : memref<128xi32, #tpu.memory_space<vmem>>) target_semaphore(%dma_start3A_77 : memref<!tpu.dma_semaphore, #tpu.memory_space<semaphore_mem>>)
    %dma_start3A_84 = arith.constant 1 : i32
    %dma_start3A_85 = arith.constant 1 : i32
    %dma_start3A_86 = arith.constant 1 : i32
    %dma_start3A_87 = arith.constant 0 : i32
    %dma_start3A_88 = tpu.memref_slice %arg7[%dma_start3A_85, %dma_start3A_87] : memref<4x128xi32, #tpu.memory_space<vmem>> -> memref<1x128xi32, #tpu.memory_space<vmem>>
    %dma_start3A_89 = tpu.memref_squeeze %dma_start3A_88 : memref<1x128xi32, #tpu.memory_space<vmem>> -> memref<128xi32, #tpu.memory_space<vmem>>
    %dma_start3A_90 = arith.constant 0 : i32
    %dma_start3A_91 = tpu.memref_slice %arg3[%dma_start3A_84, %min3A_64, %dma_start3A_90] : memref<2x2500x128xi32, #tpu.memory_space<hbm>> -> memref<1x1x128xi32, #tpu.memory_space<hbm>>
    %dma_start3A_92 = tpu.memref_squeeze %dma_start3A_91 : memref<1x1x128xi32, #tpu.memory_space<hbm>> -> memref<128xi32, #tpu.memory_space<hbm>>
    %dma_start3A_93 = tpu.memref_slice %arg12[%dma_start3A_86] : memref<2x!tpu.dma_semaphore, #tpu.memory_space<semaphore_mem>> -> memref<1x!tpu.dma_semaphore, #tpu.memory_space<semaphore_mem>>
    %dma_start3A_94 = tpu.memref_squeeze %dma_start3A_93 : memref<1x!tpu.dma_semaphore, #tpu.memory_space<semaphore_mem>> -> memref<!tpu.dma_semaphore, #tpu.memory_space<semaphore_mem>>
    %dma_start3A_95 = arith.constant 0 : i32
    %dma_start3A_96 = tpu.memref_slice %arg7[%dma_start3A_85, %dma_start3A_95] : memref<4x128xi32, #tpu.memory_space<vmem>> -> memref<1x128xi32, #tpu.memory_space<vmem>>
    %dma_start3A_97 = tpu.memref_squeeze %dma_start3A_96 : memref<1x128xi32, #tpu.memory_space<vmem>> -> memref<128xi32, #tpu.memory_space<vmem>>
    %dma_start3A_98 = arith.constant 0 : i32
    %dma_start3A_99 = tpu.memref_slice %arg3[%dma_start3A_84, %min3A_64, %dma_start3A_98] : memref<2x2500x128xi32, #tpu.memory_space<hbm>> -> memref<1x1x128xi32, #tpu.memory_space<hbm>>
    %dma_start3A_100 = tpu.memref_squeeze %dma_start3A_99 : memref<1x1x128xi32, #tpu.memory_space<hbm>> -> memref<128xi32, #tpu.memory_space<hbm>>
    tpu.enqueue_dma source(%dma_start3A_100 : memref<128xi32, #tpu.memory_space<hbm>>) target(%dma_start3A_97 : memref<128xi32, #tpu.memory_space<vmem>>) target_semaphore(%dma_start3A_94 : memref<!tpu.dma_semaphore, #tpu.memory_space<semaphore_mem>>)
    %dma_start3A_101 = arith.constant 1 : i32
    %dma_start3A_102 = arith.constant 128 : i32
    %dma_start3A_103 = arith.constant 0 : i32
    %dma_start3A_104 = tpu.memref_slice %arg8[%dma_start3A_102, %dma_start3A_103] : memref<512x16xf32, #tpu.memory_space<vmem>> -> memref<128x16xf32, #tpu.memory_space<vmem>>
    %dma_start3A_105 = arith.constant 0 : i32
    %dma_start3A_106 = tpu.memref_slice %arg4[%mul3A_66, %dma_start3A_105] : memref<320000x16xf32, #tpu.memory_space<hbm>> -> memref<128x16xf32, #tpu.memory_space<hbm>>
    %dma_start3A_107 = tpu.memref_slice %arg12[%dma_start3A_101] : memref<2x!tpu.dma_semaphore, #tpu.memory_space<semaphore_mem>> -> memref<1x!tpu.dma_semaphore, #tpu.memory_space<semaphore_mem>>
    %dma_start3A_108 = tpu.memref_squeeze %dma_start3A_107 : memref<1x!tpu.dma_semaphore, #tpu.memory_space<semaphore_mem>> -> memref<!tpu.dma_semaphore, #tpu.memory_space<semaphore_mem>>
    %dma_start3A_109 = arith.constant 128 : i32
    %dma_start3A_110 = arith.constant 0 : i32
    %dma_start3A_111 = tpu.memref_slice %arg8[%dma_start3A_109, %dma_start3A_110] : memref<512x16xf32, #tpu.memory_space<vmem>> -> memref<128x16xf32, #tpu.memory_space<vmem>>
    %dma_start3A_112 = arith.constant 0 : i32
    %dma_start3A_113 = tpu.memref_slice %arg4[%mul3A_66, %dma_start3A_112] : memref<320000x16xf32, #tpu.memory_space<hbm>> -> memref<128x16xf32, #tpu.memory_space<hbm>>
    tpu.enqueue_dma source(%dma_start3A_113 : memref<128x16xf32, #tpu.memory_space<hbm>>) target(%dma_start3A_111 : memref<128x16xf32, #tpu.memory_space<vmem>>) target_semaphore(%dma_start3A_108 : memref<!tpu.dma_semaphore, #tpu.memory_space<semaphore_mem>>)
    %mul3A_114 = arith.constant 80 : i32
    %mul3A_115 = arith.muli %add3A, %mul3A_114 : i32
    %add3A_116 = arith.constant 0 : i32
    %add3A_117 = arith.addi %mul3A_115, %add3A_116 : i32
    %min3A_118 = arith.constant 2499 : i32
    %min3A_119 = arith.minsi %add3A_117, %min3A_118 : i32
    %mul3A_120 = arith.constant 128 : i32
    %mul3A_121 = arith.muli %min3A_119, %mul3A_120 : i32
    %dma_wait3A = arith.constant 0 : i32
    %dma_wait3A_122 = arith.constant 0 : i32
    %dma_wait3A_123 = arith.constant 0 : i32
    %dma_wait3A_124 = arith.constant 0 : i32
    %dma_wait3A_125 = tpu.memref_slice %arg6[%dma_wait3A_122, %dma_wait3A_124] : memref<4x128xi32, #tpu.memory_space<vmem>> -> memref<1x128xi32, #tpu.memory_space<vmem>>
    %dma_wait3A_126 = tpu.memref_squeeze %dma_wait3A_125 : memref<1x128xi32, #tpu.memory_space<vmem>> -> memref<128xi32, #tpu.memory_space<vmem>>
    %dma_wait3A_127 = arith.constant 0 : i32
    %dma_wait3A_128 = tpu.memref_slice %arg3[%dma_wait3A, %min3A_119, %dma_wait3A_127] : memref<2x2500x128xi32, #tpu.memory_space<hbm>> -> memref<1x1x128xi32, #tpu.memory_space<hbm>>
    %dma_wait3A_129 = tpu.memref_squeeze %dma_wait3A_128 : memref<1x1x128xi32, #tpu.memory_space<hbm>> -> memref<128xi32, #tpu.memory_space<hbm>>
    %dma_wait3A_130 = tpu.memref_slice %arg12[%dma_wait3A_123] : memref<2x!tpu.dma_semaphore, #tpu.memory_space<semaphore_mem>> -> memref<1x!tpu.dma_semaphore, #tpu.memory_space<semaphore_mem>>
    %dma_wait3A_131 = tpu.memref_squeeze %dma_wait3A_130 : memref<1x!tpu.dma_semaphore, #tpu.memory_space<semaphore_mem>> -> memref<!tpu.dma_semaphore, #tpu.memory_space<semaphore_mem>>
    %dma_wait3A_132 = arith.constant 0 : i32
    %dma_wait3A_133 = tpu.memref_slice %arg6[%dma_wait3A_122, %dma_wait3A_132] : memref<4x128xi32, #tpu.memory_space<vmem>> -> memref<1x128xi32, #tpu.memory_space<vmem>>
    %dma_wait3A_134 = tpu.memref_squeeze %dma_wait3A_133 : memref<1x128xi32, #tpu.memory_space<vmem>> -> memref<128xi32, #tpu.memory_space<vmem>>
    %dma_wait3A_135 = arith.constant 0 : i32
    %dma_wait3A_136 = tpu.memref_slice %arg3[%dma_wait3A, %min3A_119, %dma_wait3A_135] : memref<2x2500x128xi32, #tpu.memory_space<hbm>> -> memref<1x1x128xi32, #tpu.memory_space<hbm>>
    %dma_wait3A_137 = tpu.memref_squeeze %dma_wait3A_136 : memref<1x1x128xi32, #tpu.memory_space<hbm>> -> memref<128xi32, #tpu.memory_space<hbm>>
    tpu.wait_dma2 semaphore(%dma_wait3A_131 : memref<!tpu.dma_semaphore, #tpu.memory_space<semaphore_mem>>) src(%dma_wait3A_137 : memref<128xi32, #tpu.memory_space<hbm>>) dst(%dma_wait3A_134 : memref<128xi32, #tpu.memory_space<vmem>>)
    %dma_wait3A_138 = arith.constant 1 : i32
    %dma_wait3A_139 = arith.constant 0 : i32
    %dma_wait3A_140 = arith.constant 0 : i32
    %dma_wait3A_141 = arith.constant 0 : i32
    %dma_wait3A_142 = tpu.memref_slice %arg7[%dma_wait3A_139, %dma_wait3A_141] : memref<4x128xi32, #tpu.memory_space<vmem>> -> memref<1x128xi32, #tpu.memory_space<vmem>>
    %dma_wait3A_143 = tpu.memref_squeeze %dma_wait3A_142 : memref<1x128xi32, #tpu.memory_space<vmem>> -> memref<128xi32, #tpu.memory_space<vmem>>
    %dma_wait3A_144 = arith.constant 0 : i32
    %dma_wait3A_145 = tpu.memref_slice %arg3[%dma_wait3A_138, %min3A_119, %dma_wait3A_144] : memref<2x2500x128xi32, #tpu.memory_space<hbm>> -> memref<1x1x128xi32, #tpu.memory_space<hbm>>
    %dma_wait3A_146 = tpu.memref_squeeze %dma_wait3A_145 : memref<1x1x128xi32, #tpu.memory_space<hbm>> -> memref<128xi32, #tpu.memory_space<hbm>>
    %dma_wait3A_147 = tpu.memref_slice %arg12[%dma_wait3A_140] : memref<2x!tpu.dma_semaphore, #tpu.memory_space<semaphore_mem>> -> memref<1x!tpu.dma_semaphore, #tpu.memory_space<semaphore_mem>>
    %dma_wait3A_148 = tpu.memref_squeeze %dma_wait3A_147 : memref<1x!tpu.dma_semaphore, #tpu.memory_space<semaphore_mem>> -> memref<!tpu.dma_semaphore, #tpu.memory_space<semaphore_mem>>
    %dma_wait3A_149 = arith.constant 0 : i32
    %dma_wait3A_150 = tpu.memref_slice %arg7[%dma_wait3A_139, %dma_wait3A_149] : memref<4x128xi32, #tpu.memory_space<vmem>> -> memref<1x128xi32, #tpu.memory_space<vmem>>
    %dma_wait3A_151 = tpu.memref_squeeze %dma_wait3A_150 : memref<1x128xi32, #tpu.memory_space<vmem>> -> memref<128xi32, #tpu.memory_space<vmem>>
    %dma_wait3A_152 = arith.constant 0 : i32
    %dma_wait3A_153 = tpu.memref_slice %arg3[%dma_wait3A_138, %min3A_119, %dma_wait3A_152] : memref<2x2500x128xi32, #tpu.memory_space<hbm>> -> memref<1x1x128xi32, #tpu.memory_space<hbm>>
    %dma_wait3A_154 = tpu.memref_squeeze %dma_wait3A_153 : memref<1x1x128xi32, #tpu.memory_space<hbm>> -> memref<128xi32, #tpu.memory_space<hbm>>
    tpu.wait_dma2 semaphore(%dma_wait3A_148 : memref<!tpu.dma_semaphore, #tpu.memory_space<semaphore_mem>>) src(%dma_wait3A_154 : memref<128xi32, #tpu.memory_space<hbm>>) dst(%dma_wait3A_151 : memref<128xi32, #tpu.memory_space<vmem>>)
    %dma_wait3A_155 = arith.constant 0 : i32
    %dma_wait3A_156 = arith.constant 0 : i32
    %dma_wait3A_157 = arith.constant 0 : i32
    %dma_wait3A_158 = tpu.memref_slice %arg8[%dma_wait3A_156, %dma_wait3A_157] : memref<512x16xf32, #tpu.memory_space<vmem>> -> memref<128x16xf32, #tpu.memory_space<vmem>>
    %dma_wait3A_159 = arith.constant 0 : i32
    %dma_wait3A_160 = tpu.memref_slice %arg4[%mul3A_121, %dma_wait3A_159] : memref<320000x16xf32, #tpu.memory_space<hbm>> -> memref<128x16xf32, #tpu.memory_space<hbm>>
    %dma_wait3A_161 = tpu.memref_slice %arg12[%dma_wait3A_155] : memref<2x!tpu.dma_semaphore, #tpu.memory_space<semaphore_mem>> -> memref<1x!tpu.dma_semaphore, #tpu.memory_space<semaphore_mem>>
    %dma_wait3A_162 = tpu.memref_squeeze %dma_wait3A_161 : memref<1x!tpu.dma_semaphore, #tpu.memory_space<semaphore_mem>> -> memref<!tpu.dma_semaphore, #tpu.memory_space<semaphore_mem>>
    %dma_wait3A_163 = arith.constant 0 : i32
    %dma_wait3A_164 = arith.constant 0 : i32
    %dma_wait3A_165 = tpu.memref_slice %arg8[%dma_wait3A_163, %dma_wait3A_164] : memref<512x16xf32, #tpu.memory_space<vmem>> -> memref<128x16xf32, #tpu.memory_space<vmem>>
    %dma_wait3A_166 = arith.constant 0 : i32
    %dma_wait3A_167 = tpu.memref_slice %arg4[%mul3A_121, %dma_wait3A_166] : memref<320000x16xf32, #tpu.memory_space<hbm>> -> memref<128x16xf32, #tpu.memory_space<hbm>>
    tpu.wait_dma2 semaphore(%dma_wait3A_162 : memref<!tpu.dma_semaphore, #tpu.memory_space<semaphore_mem>>) src(%dma_wait3A_167 : memref<128x16xf32, #tpu.memory_space<hbm>>) dst(%dma_wait3A_165 : memref<128x16xf32, #tpu.memory_space<vmem>>)
    %dma_start3A_168 = arith.constant 0 : i32
    %dma_start3A_169 = arith.constant 0 : i32
    %dma_start3A_170 = arith.constant 0 : i32
    %dma_start3A_171 = arith.constant 0 : i32
    %dma_start3A_172 = tpu.memref_slice %arg9[%dma_start3A_170, %dma_start3A_171] : memref<512x16xf32, #tpu.memory_space<vmem>> -> memref<128x16xf32, #tpu.memory_space<vmem>>
    %dma_start3A_173 = arith.constant 0 : i32
    %dma_start3A_174 = tpu.memref_slice %arg7[%dma_start3A_168, %dma_start3A_173] : memref<4x128xi32, #tpu.memory_space<vmem>> -> memref<1x128xi32, #tpu.memory_space<vmem>>
    %dma_start3A_175 = tpu.memref_squeeze %dma_start3A_174 : memref<1x128xi32, #tpu.memory_space<vmem>> -> memref<128xi32, #tpu.memory_space<vmem>>
    %dma_start3A_176 = arith.constant 0 : i32
    %dma_start3A_177 = arith.constant 0 : i32
    %dma_start3A_178 = tpu.memref_slice %arg2[%dma_start3A_176, %dma_start3A_177] : memref<10000x16xf32, #tpu.memory_space<hbm>> -> memref<10000x16xf32, #tpu.memory_space<hbm>>
    %dma_start3A_179 = tpu.memref_slice %arg13[%dma_start3A_169] : memref<2x!tpu.dma_semaphore, #tpu.memory_space<semaphore_mem>> -> memref<1x!tpu.dma_semaphore, #tpu.memory_space<semaphore_mem>>
    %dma_start3A_180 = tpu.memref_squeeze %dma_start3A_179 : memref<1x!tpu.dma_semaphore, #tpu.memory_space<semaphore_mem>> -> memref<!tpu.dma_semaphore, #tpu.memory_space<semaphore_mem>>
    tpu.enqueue_indirect_dma source(%dma_start3A_178 : memref<10000x16xf32, #tpu.memory_space<hbm>>) target(%dma_start3A_172 : memref<128x16xf32, #tpu.memory_space<vmem>>) offsets(%dma_start3A_175 : memref<128xi32, #tpu.memory_space<vmem>>) semaphore(%dma_start3A_180 : memref<!tpu.dma_semaphore, #tpu.memory_space<semaphore_mem>>)
    %mul3A_181 = arith.constant 80 : i32
    %mul3A_182 = arith.muli %add3A, %mul3A_181 : i32
    %add3A_183 = arith.constant 2 : i32
    %add3A_184 = arith.addi %mul3A_182, %add3A_183 : i32
    %min3A_185 = arith.constant 2499 : i32
    %min3A_186 = arith.minsi %add3A_184, %min3A_185 : i32
    %mul3A_187 = arith.constant 128 : i32
    %mul3A_188 = arith.muli %min3A_186, %mul3A_187 : i32
    %dma_start3A_189 = arith.constant 0 : i32
    %dma_start3A_190 = arith.constant 2 : i32
    %dma_start3A_191 = arith.constant 0 : i32
    %dma_start3A_192 = arith.constant 0 : i32
    %dma_start3A_193 = tpu.memref_slice %arg6[%dma_start3A_190, %dma_start3A_192] : memref<4x128xi32, #tpu.memory_space<vmem>> -> memref<1x128xi32, #tpu.memory_space<vmem>>
    %dma_start3A_194 = tpu.memref_squeeze %dma_start3A_193 : memref<1x128xi32, #tpu.memory_space<vmem>> -> memref<128xi32, #tpu.memory_space<vmem>>
    %dma_start3A_195 = arith.constant 0 : i32
    %dma_start3A_196 = tpu.memref_slice %arg3[%dma_start3A_189, %min3A_186, %dma_start3A_195] : memref<2x2500x128xi32, #tpu.memory_space<hbm>> -> memref<1x1x128xi32, #tpu.memory_space<hbm>>
    %dma_start3A_197 = tpu.memref_squeeze %dma_start3A_196 : memref<1x1x128xi32, #tpu.memory_space<hbm>> -> memref<128xi32, #tpu.memory_space<hbm>>
    %dma_start3A_198 = tpu.memref_slice %arg12[%dma_start3A_191] : memref<2x!tpu.dma_semaphore, #tpu.memory_space<semaphore_mem>> -> memref<1x!tpu.dma_semaphore, #tpu.memory_space<semaphore_mem>>
    %dma_start3A_199 = tpu.memref_squeeze %dma_start3A_198 : memref<1x!tpu.dma_semaphore, #tpu.memory_space<semaphore_mem>> -> memref<!tpu.dma_semaphore, #tpu.memory_space<semaphore_mem>>
    %dma_start3A_200 = arith.constant 0 : i32
    %dma_start3A_201 = tpu.memref_slice %arg6[%dma_start3A_190, %dma_start3A_200] : memref<4x128xi32, #tpu.memory_space<vmem>> -> memref<1x128xi32, #tpu.memory_space<vmem>>
    %dma_start3A_202 = tpu.memref_squeeze %dma_start3A_201 : memref<1x128xi32, #tpu.memory_space<vmem>> -> memref<128xi32, #tpu.memory_space<vmem>>
    %dma_start3A_203 = arith.constant 0 : i32
    %dma_start3A_204 = tpu.memref_slice %arg3[%dma_start3A_189, %min3A_186, %dma_start3A_203] : memref<2x2500x128xi32, #tpu.memory_space<hbm>> -> memref<1x1x128xi32, #tpu.memory_space<hbm>>
    %dma_start3A_205 = tpu.memref_squeeze %dma_start3A_204 : memref<1x1x128xi32, #tpu.memory_space<hbm>> -> memref<128xi32, #tpu.memory_space<hbm>>
    tpu.enqueue_dma source(%dma_start3A_205 : memref<128xi32, #tpu.memory_space<hbm>>) target(%dma_start3A_202 : memref<128xi32, #tpu.memory_space<vmem>>) target_semaphore(%dma_start3A_199 : memref<!tpu.dma_semaphore, #tpu.memory_space<semaphore_mem>>)
    %dma_start3A_206 = arith.constant 1 : i32
    %dma_start3A_207 = arith.constant 2 : i32
    %dma_start3A_208 = arith.constant 0 : i32
    %dma_start3A_209 = arith.constant 0 : i32
    %dma_start3A_210 = tpu.memref_slice %arg7[%dma_start3A_207, %dma_start3A_209] : memref<4x128xi32, #tpu.memory_space<vmem>> -> memref<1x128xi32, #tpu.memory_space<vmem>>
    %dma_start3A_211 = tpu.memref_squeeze %dma_start3A_210 : memref<1x128xi32, #tpu.memory_space<vmem>> -> memref<128xi32, #tpu.memory_space<vmem>>
    %dma_start3A_212 = arith.constant 0 : i32
    %dma_start3A_213 = tpu.memref_slice %arg3[%dma_start3A_206, %min3A_186, %dma_start3A_212] : memref<2x2500x128xi32, #tpu.memory_space<hbm>> -> memref<1x1x128xi32, #tpu.memory_space<hbm>>
    %dma_start3A_214 = tpu.memref_squeeze %dma_start3A_213 : memref<1x1x128xi32, #tpu.memory_space<hbm>> -> memref<128xi32, #tpu.memory_space<hbm>>
    %dma_start3A_215 = tpu.memref_slice %arg12[%dma_start3A_208] : memref<2x!tpu.dma_semaphore, #tpu.memory_space<semaphore_mem>> -> memref<1x!tpu.dma_semaphore, #tpu.memory_space<semaphore_mem>>
    %dma_start3A_216 = tpu.memref_squeeze %dma_start3A_215 : memref<1x!tpu.dma_semaphore, #tpu.memory_space<semaphore_mem>> -> memref<!tpu.dma_semaphore, #tpu.memory_space<semaphore_mem>>
    %dma_start3A_217 = arith.constant 0 : i32
    %dma_start3A_218 = tpu.memref_slice %arg7[%dma_start3A_207, %dma_start3A_217] : memref<4x128xi32, #tpu.memory_space<vmem>> -> memref<1x128xi32, #tpu.memory_space<vmem>>
    %dma_start3A_219 = tpu.memref_squeeze %dma_start3A_218 : memref<1x128xi32, #tpu.memory_space<vmem>> -> memref<128xi32, #tpu.memory_space<vmem>>
    %dma_start3A_220 = arith.constant 0 : i32
    %dma_start3A_221 = tpu.memref_slice %arg3[%dma_start3A_206, %min3A_186, %dma_start3A_220] : memref<2x2500x128xi32, #tpu.memory_space<hbm>> -> memref<1x1x128xi32, #tpu.memory_space<hbm>>
    %dma_start3A_222 = tpu.memref_squeeze %dma_start3A_221 : memref<1x1x128xi32, #tpu.memory_space<hbm>> -> memref<128xi32, #tpu.memory_space<hbm>>
    tpu.enqueue_dma source(%dma_start3A_222 : memref<128xi32, #tpu.memory_space<hbm>>) target(%dma_start3A_219 : memref<128xi32, #tpu.memory_space<vmem>>) target_semaphore(%dma_start3A_216 : memref<!tpu.dma_semaphore, #tpu.memory_space<semaphore_mem>>)
    %dma_start3A_223 = arith.constant 0 : i32
    %dma_start3A_224 = arith.constant 256 : i32
    %dma_start3A_225 = arith.constant 0 : i32
    %dma_start3A_226 = tpu.memref_slice %arg8[%dma_start3A_224, %dma_start3A_225] : memref<512x16xf32, #tpu.memory_space<vmem>> -> memref<128x16xf32, #tpu.memory_space<vmem>>
    %dma_start3A_227 = arith.constant 0 : i32
    %dma_start3A_228 = tpu.memref_slice %arg4[%mul3A_188, %dma_start3A_227] : memref<320000x16xf32, #tpu.memory_space<hbm>> -> memref<128x16xf32, #tpu.memory_space<hbm>>
    %dma_start3A_229 = tpu.memref_slice %arg12[%dma_start3A_223] : memref<2x!tpu.dma_semaphore, #tpu.memory_space<semaphore_mem>> -> memref<1x!tpu.dma_semaphore, #tpu.memory_space<semaphore_mem>>
    %dma_start3A_230 = tpu.memref_squeeze %dma_start3A_229 : memref<1x!tpu.dma_semaphore, #tpu.memory_space<semaphore_mem>> -> memref<!tpu.dma_semaphore, #tpu.memory_space<semaphore_mem>>
    %dma_start3A_231 = arith.constant 256 : i32
    %dma_start3A_232 = arith.constant 0 : i32
    %dma_start3A_233 = tpu.memref_slice %arg8[%dma_start3A_231, %dma_start3A_232] : memref<512x16xf32, #tpu.memory_space<vmem>> -> memref<128x16xf32, #tpu.memory_space<vmem>>
    %dma_start3A_234 = arith.constant 0 : i32
    %dma_start3A_235 = tpu.memref_slice %arg4[%mul3A_188, %dma_start3A_234] : memref<320000x16xf32, #tpu.memory_space<hbm>> -> memref<128x16xf32, #tpu.memory_space<hbm>>
    tpu.enqueue_dma source(%dma_start3A_235 : memref<128x16xf32, #tpu.memory_space<hbm>>) target(%dma_start3A_233 : memref<128x16xf32, #tpu.memory_space<vmem>>) target_semaphore(%dma_start3A_230 : memref<!tpu.dma_semaphore, #tpu.memory_space<semaphore_mem>>)
    %mul3A_236 = arith.constant 80 : i32
    %mul3A_237 = arith.muli %add3A, %mul3A_236 : i32
    %add3A_238 = arith.constant 1 : i32
    %add3A_239 = arith.addi %mul3A_237, %add3A_238 : i32
    %min3A_240 = arith.constant 2499 : i32
    %min3A_241 = arith.minsi %add3A_239, %min3A_240 : i32
    %mul3A_242 = arith.constant 128 : i32
    %mul3A_243 = arith.muli %min3A_241, %mul3A_242 : i32
    %dma_wait3A_244 = arith.constant 0 : i32
    %dma_wait3A_245 = arith.constant 1 : i32
    %dma_wait3A_246 = arith.constant 1 : i32
    %dma_wait3A_247 = arith.constant 0 : i32
    %dma_wait3A_248 = tpu.memref_slice %arg6[%dma_wait3A_245, %dma_wait3A_247] : memref<4x128xi32, #tpu.memory_space<vmem>> -> memref<1x128xi32, #tpu.memory_space<vmem>>
    %dma_wait3A_249 = tpu.memref_squeeze %dma_wait3A_248 : memref<1x128xi32, #tpu.memory_space<vmem>> -> memref<128xi32, #tpu.memory_space<vmem>>
    %dma_wait3A_250 = arith.constant 0 : i32
    %dma_wait3A_251 = tpu.memref_slice %arg3[%dma_wait3A_244, %min3A_241, %dma_wait3A_250] : memref<2x2500x128xi32, #tpu.memory_space<hbm>> -> memref<1x1x128xi32, #tpu.memory_space<hbm>>
    %dma_wait3A_252 = tpu.memref_squeeze %dma_wait3A_251 : memref<1x1x128xi32, #tpu.memory_space<hbm>> -> memref<128xi32, #tpu.memory_space<hbm>>
    %dma_wait3A_253 = tpu.memref_slice %arg12[%dma_wait3A_246] : memref<2x!tpu.dma_semaphore, #tpu.memory_space<semaphore_mem>> -> memref<1x!tpu.dma_semaphore, #tpu.memory_space<semaphore_mem>>
    %dma_wait3A_254 = tpu.memref_squeeze %dma_wait3A_253 : memref<1x!tpu.dma_semaphore, #tpu.memory_space<semaphore_mem>> -> memref<!tpu.dma_semaphore, #tpu.memory_space<semaphore_mem>>
    %dma_wait3A_255 = arith.constant 0 : i32
    %dma_wait3A_256 = tpu.memref_slice %arg6[%dma_wait3A_245, %dma_wait3A_255] : memref<4x128xi32, #tpu.memory_space<vmem>> -> memref<1x128xi32, #tpu.memory_space<vmem>>
    %dma_wait3A_257 = tpu.memref_squeeze %dma_wait3A_256 : memref<1x128xi32, #tpu.memory_space<vmem>> -> memref<128xi32, #tpu.memory_space<vmem>>
    %dma_wait3A_258 = arith.constant 0 : i32
    %dma_wait3A_259 = tpu.memref_slice %arg3[%dma_wait3A_244, %min3A_241, %dma_wait3A_258] : memref<2x2500x128xi32, #tpu.memory_space<hbm>> -> memref<1x1x128xi32, #tpu.memory_space<hbm>>
    %dma_wait3A_260 = tpu.memref_squeeze %dma_wait3A_259 : memref<1x1x128xi32, #tpu.memory_space<hbm>> -> memref<128xi32, #tpu.memory_space<hbm>>
    tpu.wait_dma2 semaphore(%dma_wait3A_254 : memref<!tpu.dma_semaphore, #tpu.memory_space<semaphore_mem>>) src(%dma_wait3A_260 : memref<128xi32, #tpu.memory_space<hbm>>) dst(%dma_wait3A_257 : memref<128xi32, #tpu.memory_space<vmem>>)
    %dma_wait3A_261 = arith.constant 1 : i32
    %dma_wait3A_262 = arith.constant 1 : i32
    %dma_wait3A_263 = arith.constant 1 : i32
    %dma_wait3A_264 = arith.constant 0 : i32
    %dma_wait3A_265 = tpu.memref_slice %arg7[%dma_wait3A_262, %dma_wait3A_264] : memref<4x128xi32, #tpu.memory_space<vmem>> -> memref<1x128xi32, #tpu.memory_space<vmem>>
    %dma_wait3A_266 = tpu.memref_squeeze %dma_wait3A_265 : memref<1x128xi32, #tpu.memory_space<vmem>> -> memref<128xi32, #tpu.memory_space<vmem>>
    %dma_wait3A_267 = arith.constant 0 : i32
    %dma_wait3A_268 = tpu.memref_slice %arg3[%dma_wait3A_261, %min3A_241, %dma_wait3A_267] : memref<2x2500x128xi32, #tpu.memory_space<hbm>> -> memref<1x1x128xi32, #tpu.memory_space<hbm>>
    %dma_wait3A_269 = tpu.memref_squeeze %dma_wait3A_268 : memref<1x1x128xi32, #tpu.memory_space<hbm>> -> memref<128xi32, #tpu.memory_space<hbm>>
    %dma_wait3A_270 = tpu.memref_slice %arg12[%dma_wait3A_263] : memref<2x!tpu.dma_semaphore, #tpu.memory_space<semaphore_mem>> -> memref<1x!tpu.dma_semaphore, #tpu.memory_space<semaphore_mem>>
    %dma_wait3A_271 = tpu.memref_squeeze %dma_wait3A_270 : memref<1x!tpu.dma_semaphore, #tpu.memory_space<semaphore_mem>> -> memref<!tpu.dma_semaphore, #tpu.memory_space<semaphore_mem>>
    %dma_wait3A_272 = arith.constant 0 : i32
    %dma_wait3A_273 = tpu.memref_slice %arg7[%dma_wait3A_262, %dma_wait3A_272] : memref<4x128xi32, #tpu.memory_space<vmem>> -> memref<1x128xi32, #tpu.memory_space<vmem>>
    %dma_wait3A_274 = tpu.memref_squeeze %dma_wait3A_273 : memref<1x128xi32, #tpu.memory_space<vmem>> -> memref<128xi32, #tpu.memory_space<vmem>>
    %dma_wait3A_275 = arith.constant 0 : i32
    %dma_wait3A_276 = tpu.memref_slice %arg3[%dma_wait3A_261, %min3A_241, %dma_wait3A_275] : memref<2x2500x128xi32, #tpu.memory_space<hbm>> -> memref<1x1x128xi32, #tpu.memory_space<hbm>>
    %dma_wait3A_277 = tpu.memref_squeeze %dma_wait3A_276 : memref<1x1x128xi32, #tpu.memory_space<hbm>> -> memref<128xi32, #tpu.memory_space<hbm>>
    tpu.wait_dma2 semaphore(%dma_wait3A_271 : memref<!tpu.dma_semaphore, #tpu.memory_space<semaphore_mem>>) src(%dma_wait3A_277 : memref<128xi32, #tpu.memory_space<hbm>>) dst(%dma_wait3A_274 : memref<128xi32, #tpu.memory_space<vmem>>)
    %dma_wait3A_278 = arith.constant 1 : i32
    %dma_wait3A_279 = arith.constant 128 : i32
    %dma_wait3A_280 = arith.constant 0 : i32
    %dma_wait3A_281 = tpu.memref_slice %arg8[%dma_wait3A_279, %dma_wait3A_280] : memref<512x16xf32, #tpu.memory_space<vmem>> -> memref<128x16xf32, #tpu.memory_space<vmem>>
    %dma_wait3A_282 = arith.constant 0 : i32
    %dma_wait3A_283 = tpu.memref_slice %arg4[%mul3A_243, %dma_wait3A_282] : memref<320000x16xf32, #tpu.memory_space<hbm>> -> memref<128x16xf32, #tpu.memory_space<hbm>>
    %dma_wait3A_284 = tpu.memref_slice %arg12[%dma_wait3A_278] : memref<2x!tpu.dma_semaphore, #tpu.memory_space<semaphore_mem>> -> memref<1x!tpu.dma_semaphore, #tpu.memory_space<semaphore_mem>>
    %dma_wait3A_285 = tpu.memref_squeeze %dma_wait3A_284 : memref<1x!tpu.dma_semaphore, #tpu.memory_space<semaphore_mem>> -> memref<!tpu.dma_semaphore, #tpu.memory_space<semaphore_mem>>
    %dma_wait3A_286 = arith.constant 128 : i32
    %dma_wait3A_287 = arith.constant 0 : i32
    %dma_wait3A_288 = tpu.memref_slice %arg8[%dma_wait3A_286, %dma_wait3A_287] : memref<512x16xf32, #tpu.memory_space<vmem>> -> memref<128x16xf32, #tpu.memory_space<vmem>>
    %dma_wait3A_289 = arith.constant 0 : i32
    %dma_wait3A_290 = tpu.memref_slice %arg4[%mul3A_243, %dma_wait3A_289] : memref<320000x16xf32, #tpu.memory_space<hbm>> -> memref<128x16xf32, #tpu.memory_space<hbm>>
    tpu.wait_dma2 semaphore(%dma_wait3A_285 : memref<!tpu.dma_semaphore, #tpu.memory_space<semaphore_mem>>) src(%dma_wait3A_290 : memref<128x16xf32, #tpu.memory_space<hbm>>) dst(%dma_wait3A_288 : memref<128x16xf32, #tpu.memory_space<vmem>>)
    %dma_start3A_291 = arith.constant 1 : i32
    %dma_start3A_292 = arith.constant 1 : i32
    %dma_start3A_293 = arith.constant 128 : i32
    %dma_start3A_294 = arith.constant 0 : i32
    %dma_start3A_295 = tpu.memref_slice %arg9[%dma_start3A_293, %dma_start3A_294] : memref<512x16xf32, #tpu.memory_space<vmem>> -> memref<128x16xf32, #tpu.memory_space<vmem>>
    %dma_start3A_296 = arith.constant 0 : i32
    %dma_start3A_297 = tpu.memref_slice %arg7[%dma_start3A_291, %dma_start3A_296] : memref<4x128xi32, #tpu.memory_space<vmem>> -> memref<1x128xi32, #tpu.memory_space<vmem>>
    %dma_start3A_298 = tpu.memref_squeeze %dma_start3A_297 : memref<1x128xi32, #tpu.memory_space<vmem>> -> memref<128xi32, #tpu.memory_space<vmem>>
    %dma_start3A_299 = arith.constant 0 : i32
    %dma_start3A_300 = arith.constant 0 : i32
    %dma_start3A_301 = tpu.memref_slice %arg2[%dma_start3A_299, %dma_start3A_300] : memref<10000x16xf32, #tpu.memory_space<hbm>> -> memref<10000x16xf32, #tpu.memory_space<hbm>>
    %dma_start3A_302 = tpu.memref_slice %arg13[%dma_start3A_292] : memref<2x!tpu.dma_semaphore, #tpu.memory_space<semaphore_mem>> -> memref<1x!tpu.dma_semaphore, #tpu.memory_space<semaphore_mem>>
    %dma_start3A_303 = tpu.memref_squeeze %dma_start3A_302 : memref<1x!tpu.dma_semaphore, #tpu.memory_space<semaphore_mem>> -> memref<!tpu.dma_semaphore, #tpu.memory_space<semaphore_mem>>
    tpu.enqueue_indirect_dma source(%dma_start3A_301 : memref<10000x16xf32, #tpu.memory_space<hbm>>) target(%dma_start3A_295 : memref<128x16xf32, #tpu.memory_space<vmem>>) offsets(%dma_start3A_298 : memref<128xi32, #tpu.memory_space<vmem>>) semaphore(%dma_start3A_303 : memref<!tpu.dma_semaphore, #tpu.memory_space<semaphore_mem>>)
    %dma_wait3A_304 = arith.constant 0 : i32
    %dma_wait3A_305 = arith.constant 0 : i32
    %dma_wait3A_306 = arith.constant 0 : i32
    %dma_wait3A_307 = arith.constant 0 : i32
    %dma_wait3A_308 = tpu.memref_slice %arg9[%dma_wait3A_306, %dma_wait3A_307] : memref<512x16xf32, #tpu.memory_space<vmem>> -> memref<128x16xf32, #tpu.memory_space<vmem>>
    %dma_wait3A_309 = arith.constant 0 : i32
    %dma_wait3A_310 = tpu.memref_slice %arg7[%dma_wait3A_304, %dma_wait3A_309] : memref<4x128xi32, #tpu.memory_space<vmem>> -> memref<1x128xi32, #tpu.memory_space<vmem>>
    %dma_wait3A_311 = tpu.memref_squeeze %dma_wait3A_310 : memref<1x128xi32, #tpu.memory_space<vmem>> -> memref<128xi32, #tpu.memory_space<vmem>>
    %dma_wait3A_312 = arith.constant 0 : i32
    %dma_wait3A_313 = arith.constant 0 : i32
    %dma_wait3A_314 = tpu.memref_slice %arg2[%dma_wait3A_312, %dma_wait3A_313] : memref<10000x16xf32, #tpu.memory_space<hbm>> -> memref<10000x16xf32, #tpu.memory_space<hbm>>
    %dma_wait3A_315 = tpu.memref_slice %arg13[%dma_wait3A_305] : memref<2x!tpu.dma_semaphore, #tpu.memory_space<semaphore_mem>> -> memref<1x!tpu.dma_semaphore, #tpu.memory_space<semaphore_mem>>
    %dma_wait3A_316 = tpu.memref_squeeze %dma_wait3A_315 : memref<1x!tpu.dma_semaphore, #tpu.memory_space<semaphore_mem>> -> memref<!tpu.dma_semaphore, #tpu.memory_space<semaphore_mem>>
    tpu.wait_indirect_dma semaphore(%dma_wait3A_316 : memref<!tpu.dma_semaphore, #tpu.memory_space<semaphore_mem>>) src(%dma_wait3A_314 : memref<10000x16xf32, #tpu.memory_space<hbm>>) dst(%dma_wait3A_308 : memref<128x16xf32, #tpu.memory_space<vmem>>)
    %mul3A_317 = arith.constant 80 : i32
    %mul3A_318 = arith.muli %add3A, %mul3A_317 : i32
    %add3A_319 = arith.constant 0 : i32
    %add3A_320 = arith.addi %mul3A_318, %add3A_319 : i32
    %lt3A = arith.constant 2500 : i32
    %lt3A_321 = arith.cmpi slt, %add3A_320, %lt3A : i32
    %jit3A = arith.constant 1.000000e+00 : f32
    %jit3A_322 = arith.constant 0.000000e+00 : f32
    %select_n3A = arith.select %lt3A_321, %jit3A, %jit3A_322 : f32
    %parallel_loop3A_323 = arith.constant 0 : i32
    %parallel_loop3A_324 = arith.constant 128 : i32
    %parallel_loop3A_325 = arith.constant 1 : i32
    scf.for %parallel_loop3A_1402 = %parallel_loop3A_323 to %parallel_loop3A_324 step %parallel_loop3A_325  : i32 {
      %parallel_loop3A_1403 = arith.constant 0 : i32
      %parallel_loop3A_1404 = arith.addi %parallel_loop3A_1403, %parallel_loop3A_1402 : i32
      %parallel_loop3A_1405 = arith.index_cast %parallel_loop3A_1404 : i32 to index
      %parallel_loop3A_1406 = arith.constant 0 : index
      %parallel_loop3A_1407 = tpu.vector_load %arg9[%parallel_loop3A_1405, %parallel_loop3A_1406] {strides = array<i32>} : memref<512x16xf32, #tpu.memory_space<vmem>>, vector<1x16xf32>,
      %parallel_loop3A_1408 = vector.shape_cast %parallel_loop3A_1407 : vector<1x16xf32> to vector<16xf32>
      %parallel_loop3A_1409 = arith.index_cast %parallel_loop3A_1404 : i32 to index
      %parallel_loop3A_1410 = arith.constant 0 : index
      %parallel_loop3A_1411 = tpu.vector_load %arg8[%parallel_loop3A_1409, %parallel_loop3A_1410] {strides = array<i32>} : memref<512x16xf32, #tpu.memory_space<vmem>>, vector<1x16xf32>,
      %parallel_loop3A_1412 = vector.shape_cast %parallel_loop3A_1411 : vector<1x16xf32> to vector<16xf32>
      %parallel_loop3A_1413 = arith.mulf %parallel_loop3A_1408, %parallel_loop3A_1412 : vector<16xf32>
      %parallel_loop3A_1414 = vector.broadcast %select_n3A : f32 to vector<16xf32>
      %parallel_loop3A_1415 = arith.mulf %parallel_loop3A_1413, %parallel_loop3A_1414 : vector<16xf32>
      %parallel_loop3A_1416 = arith.index_cast %parallel_loop3A_1404 : i32 to index
      %parallel_loop3A_1417 = arith.constant 0 : index
      %parallel_loop3A_1418 = tpu.vector_load %arg9[%parallel_loop3A_1416, %parallel_loop3A_1417] {strides = array<i32>} : memref<512x16xf32, #tpu.memory_space<vmem>>, vector<1x16xf32>,
      %parallel_loop3A_1419 = vector.shape_cast %parallel_loop3A_1418 : vector<1x16xf32> to vector<16xf32>
      %parallel_loop3A_1420 = vector.shape_cast %parallel_loop3A_1415 : vector<16xf32> to vector<1x16xf32>
      tpu.vector_store %arg9[%parallel_loop3A_1416, %parallel_loop3A_1417], %parallel_loop3A_1420 {strides = array<i32>} : memref<512x16xf32, #tpu.memory_space<vmem>>, vector<1x16xf32>,
    } {sc.loop_unroll_factor = 8 : i64, sc.parallel_access}
    %dma_start3A_326 = arith.constant 0 : i32
    %dma_start3A_327 = arith.constant 0 : i32
    %dma_start3A_328 = arith.constant 0 : i32
    %dma_start3A_329 = arith.constant 0 : i32
    %dma_start3A_330 = tpu.memref_slice %arg9[%dma_start3A_328, %dma_start3A_329] : memref<512x16xf32, #tpu.memory_space<vmem>> -> memref<128x16xf32, #tpu.memory_space<vmem>>
    %dma_start3A_331 = arith.constant 0 : i32
    %dma_start3A_332 = tpu.memref_slice %arg6[%dma_start3A_326, %dma_start3A_331] : memref<4x128xi32, #tpu.memory_space<vmem>> -> memref<1x128xi32, #tpu.memory_space<vmem>>
    %dma_start3A_333 = tpu.memref_squeeze %dma_start3A_332 : memref<1x128xi32, #tpu.memory_space<vmem>> -> memref<128xi32, #tpu.memory_space<vmem>>
    %dma_start3A_334 = arith.constant 0 : i32
    %dma_start3A_335 = arith.constant 0 : i32
    %dma_start3A_336 = tpu.memref_slice %arg11[%dma_start3A_334, %dma_start3A_335] : memref<10112x16xf32, #tpu.memory_space<vmem_shared>> -> memref<10112x16xf32, #tpu.memory_space<vmem_shared>>
    %dma_start3A_337 = tpu.memref_slice %arg14[%dma_start3A_327] : memref<2x!tpu.dma_semaphore, #tpu.memory_space<semaphore_mem>> -> memref<1x!tpu.dma_semaphore, #tpu.memory_space<semaphore_mem>>
    %dma_start3A_338 = tpu.memref_squeeze %dma_start3A_337 : memref<1x!tpu.dma_semaphore, #tpu.memory_space<semaphore_mem>> -> memref<!tpu.dma_semaphore, #tpu.memory_space<semaphore_mem>>
    tpu.enqueue_indirect_dma source(%dma_start3A_330 : memref<128x16xf32, #tpu.memory_space<vmem>>) target(%dma_start3A_336 : memref<10112x16xf32, #tpu.memory_space<vmem_shared>>) offsets(%dma_start3A_333 : memref<128xi32, #tpu.memory_space<vmem>>) semaphore(%dma_start3A_338 : memref<!tpu.dma_semaphore, #tpu.memory_space<semaphore_mem>>) {add = true}
    %mul3A_339 = arith.constant 80 : i32
    %mul3A_340 = arith.muli %add3A, %mul3A_339 : i32
    %add3A_341 = arith.constant 3 : i32
    %add3A_342 = arith.addi %mul3A_340, %add3A_341 : i32
    %min3A_343 = arith.constant 2499 : i32
    %min3A_344 = arith.minsi %add3A_342, %min3A_343 : i32
    %mul3A_345 = arith.constant 128 : i32
    %mul3A_346 = arith.muli %min3A_344, %mul3A_345 : i32
    %dma_start3A_347 = arith.constant 0 : i32
    %dma_start3A_348 = arith.constant 3 : i32
    %dma_start3A_349 = arith.constant 1 : i32
    %dma_start3A_350 = arith.constant 0 : i32
    %dma_start3A_351 = tpu.memref_slice %arg6[%dma_start3A_348, %dma_start3A_350] : memref<4x128xi32, #tpu.memory_space<vmem>> -> memref<1x128xi32, #tpu.memory_space<vmem>>
    %dma_start3A_352 = tpu.memref_squeeze %dma_start3A_351 : memref<1x128xi32, #tpu.memory_space<vmem>> -> memref<128xi32, #tpu.memory_space<vmem>>
    %dma_start3A_353 = arith.constant 0 : i32
    %dma_start3A_354 = tpu.memref_slice %arg3[%dma_start3A_347, %min3A_344, %dma_start3A_353] : memref<2x2500x128xi32, #tpu.memory_space<hbm>> -> memref<1x1x128xi32, #tpu.memory_space<hbm>>
    %dma_start3A_355 = tpu.memref_squeeze %dma_start3A_354 : memref<1x1x128xi32, #tpu.memory_space<hbm>> -> memref<128xi32, #tpu.memory_space<hbm>>
    %dma_start3A_356 = tpu.memref_slice %arg12[%dma_start3A_349] : memref<2x!tpu.dma_semaphore, #tpu.memory_space<semaphore_mem>> -> memref<1x!tpu.dma_semaphore, #tpu.memory_space<semaphore_mem>>
    %dma_start3A_357 = tpu.memref_squeeze %dma_start3A_356 : memref<1x!tpu.dma_semaphore, #tpu.memory_space<semaphore_mem>> -> memref<!tpu.dma_semaphore, #tpu.memory_space<semaphore_mem>>
    %dma_start3A_358 = arith.constant 0 : i32
    %dma_start3A_359 = tpu.memref_slice %arg6[%dma_start3A_348, %dma_start3A_358] : memref<4x128xi32, #tpu.memory_space<vmem>> -> memref<1x128xi32, #tpu.memory_space<vmem>>
    %dma_start3A_360 = tpu.memref_squeeze %dma_start3A_359 : memref<1x128xi32, #tpu.memory_space<vmem>> -> memref<128xi32, #tpu.memory_space<vmem>>
    %dma_start3A_361 = arith.constant 0 : i32
    %dma_start3A_362 = tpu.memref_slice %arg3[%dma_start3A_347, %min3A_344, %dma_start3A_361] : memref<2x2500x128xi32, #tpu.memory_space<hbm>> -> memref<1x1x128xi32, #tpu.memory_space<hbm>>
    %dma_start3A_363 = tpu.memref_squeeze %dma_start3A_362 : memref<1x1x128xi32, #tpu.memory_space<hbm>> -> memref<128xi32, #tpu.memory_space<hbm>>
    tpu.enqueue_dma source(%dma_start3A_363 : memref<128xi32, #tpu.memory_space<hbm>>) target(%dma_start3A_360 : memref<128xi32, #tpu.memory_space<vmem>>) target_semaphore(%dma_start3A_357 : memref<!tpu.dma_semaphore, #tpu.memory_space<semaphore_mem>>)
    %dma_start3A_364 = arith.constant 1 : i32
    %dma_start3A_365 = arith.constant 3 : i32
    %dma_start3A_366 = arith.constant 1 : i32
    %dma_start3A_367 = arith.constant 0 : i32
    %dma_start3A_368 = tpu.memref_slice %arg7[%dma_start3A_365, %dma_start3A_367] : memref<4x128xi32, #tpu.memory_space<vmem>> -> memref<1x128xi32, #tpu.memory_space<vmem>>
    %dma_start3A_369 = tpu.memref_squeeze %dma_start3A_368 : memref<1x128xi32, #tpu.memory_space<vmem>> -> memref<128xi32, #tpu.memory_space<vmem>>
    %dma_start3A_370 = arith.constant 0 : i32
    %dma_start3A_371 = tpu.memref_slice %arg3[%dma_start3A_364, %min3A_344, %dma_start3A_370] : memref<2x2500x128xi32, #tpu.memory_space<hbm>> -> memref<1x1x128xi32, #tpu.memory_space<hbm>>
    %dma_start3A_372 = tpu.memref_squeeze %dma_start3A_371 : memref<1x1x128xi32, #tpu.memory_space<hbm>> -> memref<128xi32, #tpu.memory_space<hbm>>
    %dma_start3A_373 = tpu.memref_slice %arg12[%dma_start3A_366] : memref<2x!tpu.dma_semaphore, #tpu.memory_space<semaphore_mem>> -> memref<1x!tpu.dma_semaphore, #tpu.memory_space<semaphore_mem>>
    %dma_start3A_374 = tpu.memref_squeeze %dma_start3A_373 : memref<1x!tpu.dma_semaphore, #tpu.memory_space<semaphore_mem>> -> memref<!tpu.dma_semaphore, #tpu.memory_space<semaphore_mem>>
    %dma_start3A_375 = arith.constant 0 : i32
    %dma_start3A_376 = tpu.memref_slice %arg7[%dma_start3A_365, %dma_start3A_375] : memref<4x128xi32, #tpu.memory_space<vmem>> -> memref<1x128xi32, #tpu.memory_space<vmem>>
    %dma_start3A_377 = tpu.memref_squeeze %dma_start3A_376 : memref<1x128xi32, #tpu.memory_space<vmem>> -> memref<128xi32, #tpu.memory_space<vmem>>
    %dma_start3A_378 = arith.constant 0 : i32
    %dma_start3A_379 = tpu.memref_slice %arg3[%dma_start3A_364, %min3A_344, %dma_start3A_378] : memref<2x2500x128xi32, #tpu.memory_space<hbm>> -> memref<1x1x128xi32, #tpu.memory_space<hbm>>
    %dma_start3A_380 = tpu.memref_squeeze %dma_start3A_379 : memref<1x1x128xi32, #tpu.memory_space<hbm>> -> memref<128xi32, #tpu.memory_space<hbm>>
    tpu.enqueue_dma source(%dma_start3A_380 : memref<128xi32, #tpu.memory_space<hbm>>) target(%dma_start3A_377 : memref<128xi32, #tpu.memory_space<vmem>>) target_semaphore(%dma_start3A_374 : memref<!tpu.dma_semaphore, #tpu.memory_space<semaphore_mem>>)
    %dma_start3A_381 = arith.constant 1 : i32
    %dma_start3A_382 = arith.constant 384 : i32
    %dma_start3A_383 = arith.constant 0 : i32
    %dma_start3A_384 = tpu.memref_slice %arg8[%dma_start3A_382, %dma_start3A_383] : memref<512x16xf32, #tpu.memory_space<vmem>> -> memref<128x16xf32, #tpu.memory_space<vmem>>
    %dma_start3A_385 = arith.constant 0 : i32
    %dma_start3A_386 = tpu.memref_slice %arg4[%mul3A_346, %dma_start3A_385] : memref<320000x16xf32, #tpu.memory_space<hbm>> -> memref<128x16xf32, #tpu.memory_space<hbm>>
    %dma_start3A_387 = tpu.memref_slice %arg12[%dma_start3A_381] : memref<2x!tpu.dma_semaphore, #tpu.memory_space<semaphore_mem>> -> memref<1x!tpu.dma_semaphore, #tpu.memory_space<semaphore_mem>>
    %dma_start3A_388 = tpu.memref_squeeze %dma_start3A_387 : memref<1x!tpu.dma_semaphore, #tpu.memory_space<semaphore_mem>> -> memref<!tpu.dma_semaphore, #tpu.memory_space<semaphore_mem>>
    %dma_start3A_389 = arith.constant 384 : i32
    %dma_start3A_390 = arith.constant 0 : i32
    %dma_start3A_391 = tpu.memref_slice %arg8[%dma_start3A_389, %dma_start3A_390] : memref<512x16xf32, #tpu.memory_space<vmem>> -> memref<128x16xf32, #tpu.memory_space<vmem>>
    %dma_start3A_392 = arith.constant 0 : i32
    %dma_start3A_393 = tpu.memref_slice %arg4[%mul3A_346, %dma_start3A_392] : memref<320000x16xf32, #tpu.memory_space<hbm>> -> memref<128x16xf32, #tpu.memory_space<hbm>>
    tpu.enqueue_dma source(%dma_start3A_393 : memref<128x16xf32, #tpu.memory_space<hbm>>) target(%dma_start3A_391 : memref<128x16xf32, #tpu.memory_space<vmem>>) target_semaphore(%dma_start3A_388 : memref<!tpu.dma_semaphore, #tpu.memory_space<semaphore_mem>>)
    %mul3A_394 = arith.constant 80 : i32
    %mul3A_395 = arith.muli %add3A, %mul3A_394 : i32
    %add3A_396 = arith.constant 2 : i32
    %add3A_397 = arith.addi %mul3A_395, %add3A_396 : i32
    %min3A_398 = arith.constant 2499 : i32
    %min3A_399 = arith.minsi %add3A_397, %min3A_398 : i32
    %mul3A_400 = arith.constant 128 : i32
    %mul3A_401 = arith.muli %min3A_399, %mul3A_400 : i32
    %dma_wait3A_402 = arith.constant 0 : i32
    %dma_wait3A_403 = arith.constant 2 : i32
    %dma_wait3A_404 = arith.constant 0 : i32
    %dma_wait3A_405 = arith.constant 0 : i32
    %dma_wait3A_406 = tpu.memref_slice %arg6[%dma_wait3A_403, %dma_wait3A_405] : memref<4x128xi32, #tpu.memory_space<vmem>> -> memref<1x128xi32, #tpu.memory_space<vmem>>
    %dma_wait3A_407 = tpu.memref_squeeze %dma_wait3A_406 : memref<1x128xi32, #tpu.memory_space<vmem>> -> memref<128xi32, #tpu.memory_space<vmem>>
    %dma_wait3A_408 = arith.constant 0 : i32
    %dma_wait3A_409 = tpu.memref_slice %arg3[%dma_wait3A_402, %min3A_399, %dma_wait3A_408] : memref<2x2500x128xi32, #tpu.memory_space<hbm>> -> memref<1x1x128xi32, #tpu.memory_space<hbm>>
    %dma_wait3A_410 = tpu.memref_squeeze %dma_wait3A_409 : memref<1x1x128xi32, #tpu.memory_space<hbm>> -> memref<128xi32, #tpu.memory_space<hbm>>
    %dma_wait3A_411 = tpu.memref_slice %arg12[%dma_wait3A_404] : memref<2x!tpu.dma_semaphore, #tpu.memory_space<semaphore_mem>> -> memref<1x!tpu.dma_semaphore, #tpu.memory_space<semaphore_mem>>
    %dma_wait3A_412 = tpu.memref_squeeze %dma_wait3A_411 : memref<1x!tpu.dma_semaphore, #tpu.memory_space<semaphore_mem>> -> memref<!tpu.dma_semaphore, #tpu.memory_space<semaphore_mem>>
    %dma_wait3A_413 = arith.constant 0 : i32
    %dma_wait3A_414 = tpu.memref_slice %arg6[%dma_wait3A_403, %dma_wait3A_413] : memref<4x128xi32, #tpu.memory_space<vmem>> -> memref<1x128xi32, #tpu.memory_space<vmem>>
    %dma_wait3A_415 = tpu.memref_squeeze %dma_wait3A_414 : memref<1x128xi32, #tpu.memory_space<vmem>> -> memref<128xi32, #tpu.memory_space<vmem>>
    %dma_wait3A_416 = arith.constant 0 : i32
    %dma_wait3A_417 = tpu.memref_slice %arg3[%dma_wait3A_402, %min3A_399, %dma_wait3A_416] : memref<2x2500x128xi32, #tpu.memory_space<hbm>> -> memref<1x1x128xi32, #tpu.memory_space<hbm>>
    %dma_wait3A_418 = tpu.memref_squeeze %dma_wait3A_417 : memref<1x1x128xi32, #tpu.memory_space<hbm>> -> memref<128xi32, #tpu.memory_space<hbm>>
    tpu.wait_dma2 semaphore(%dma_wait3A_412 : memref<!tpu.dma_semaphore, #tpu.memory_space<semaphore_mem>>) src(%dma_wait3A_418 : memref<128xi32, #tpu.memory_space<hbm>>) dst(%dma_wait3A_415 : memref<128xi32, #tpu.memory_space<vmem>>)
    %dma_wait3A_419 = arith.constant 1 : i32
    %dma_wait3A_420 = arith.constant 2 : i32
    %dma_wait3A_421 = arith.constant 0 : i32
    %dma_wait3A_422 = arith.constant 0 : i32
    %dma_wait3A_423 = tpu.memref_slice %arg7[%dma_wait3A_420, %dma_wait3A_422] : memref<4x128xi32, #tpu.memory_space<vmem>> -> memref<1x128xi32, #tpu.memory_space<vmem>>
    %dma_wait3A_424 = tpu.memref_squeeze %dma_wait3A_423 : memref<1x128xi32, #tpu.memory_space<vmem>> -> memref<128xi32, #tpu.memory_space<vmem>>
    %dma_wait3A_425 = arith.constant 0 : i32
    %dma_wait3A_426 = tpu.memref_slice %arg3[%dma_wait3A_419, %min3A_399, %dma_wait3A_425] : memref<2x2500x128xi32, #tpu.memory_space<hbm>> -> memref<1x1x128xi32, #tpu.memory_space<hbm>>
    %dma_wait3A_427 = tpu.memref_squeeze %dma_wait3A_426 : memref<1x1x128xi32, #tpu.memory_space<hbm>> -> memref<128xi32, #tpu.memory_space<hbm>>
    %dma_wait3A_428 = tpu.memref_slice %arg12[%dma_wait3A_421] : memref<2x!tpu.dma_semaphore, #tpu.memory_space<semaphore_mem>> -> memref<1x!tpu.dma_semaphore, #tpu.memory_space<semaphore_mem>>
    %dma_wait3A_429 = tpu.memref_squeeze %dma_wait3A_428 : memref<1x!tpu.dma_semaphore, #tpu.memory_space<semaphore_mem>> -> memref<!tpu.dma_semaphore, #tpu.memory_space<semaphore_mem>>
    %dma_wait3A_430 = arith.constant 0 : i32
    %dma_wait3A_431 = tpu.memref_slice %arg7[%dma_wait3A_420, %dma_wait3A_430] : memref<4x128xi32, #tpu.memory_space<vmem>> -> memref<1x128xi32, #tpu.memory_space<vmem>>
    %dma_wait3A_432 = tpu.memref_squeeze %dma_wait3A_431 : memref<1x128xi32, #tpu.memory_space<vmem>> -> memref<128xi32, #tpu.memory_space<vmem>>
    %dma_wait3A_433 = arith.constant 0 : i32
    %dma_wait3A_434 = tpu.memref_slice %arg3[%dma_wait3A_419, %min3A_399, %dma_wait3A_433] : memref<2x2500x128xi32, #tpu.memory_space<hbm>> -> memref<1x1x128xi32, #tpu.memory_space<hbm>>
    %dma_wait3A_435 = tpu.memref_squeeze %dma_wait3A_434 : memref<1x1x128xi32, #tpu.memory_space<hbm>> -> memref<128xi32, #tpu.memory_space<hbm>>
    tpu.wait_dma2 semaphore(%dma_wait3A_429 : memref<!tpu.dma_semaphore, #tpu.memory_space<semaphore_mem>>) src(%dma_wait3A_435 : memref<128xi32, #tpu.memory_space<hbm>>) dst(%dma_wait3A_432 : memref<128xi32, #tpu.memory_space<vmem>>)
    %dma_wait3A_436 = arith.constant 0 : i32
    %dma_wait3A_437 = arith.constant 256 : i32
    %dma_wait3A_438 = arith.constant 0 : i32
    %dma_wait3A_439 = tpu.memref_slice %arg8[%dma_wait3A_437, %dma_wait3A_438] : memref<512x16xf32, #tpu.memory_space<vmem>> -> memref<128x16xf32, #tpu.memory_space<vmem>>
    %dma_wait3A_440 = arith.constant 0 : i32
    %dma_wait3A_441 = tpu.memref_slice %arg4[%mul3A_401, %dma_wait3A_440] : memref<320000x16xf32, #tpu.memory_space<hbm>> -> memref<128x16xf32, #tpu.memory_space<hbm>>
    %dma_wait3A_442 = tpu.memref_slice %arg12[%dma_wait3A_436] : memref<2x!tpu.dma_semaphore, #tpu.memory_space<semaphore_mem>> -> memref<1x!tpu.dma_semaphore, #tpu.memory_space<semaphore_mem>>
    %dma_wait3A_443 = tpu.memref_squeeze %dma_wait3A_442 : memref<1x!tpu.dma_semaphore, #tpu.memory_space<semaphore_mem>> -> memref<!tpu.dma_semaphore, #tpu.memory_space<semaphore_mem>>
    %dma_wait3A_444 = arith.constant 256 : i32
    %dma_wait3A_445 = arith.constant 0 : i32
    %dma_wait3A_446 = tpu.memref_slice %arg8[%dma_wait3A_444, %dma_wait3A_445] : memref<512x16xf32, #tpu.memory_space<vmem>> -> memref<128x16xf32, #tpu.memory_space<vmem>>
    %dma_wait3A_447 = arith.constant 0 : i32
    %dma_wait3A_448 = tpu.memref_slice %arg4[%mul3A_401, %dma_wait3A_447] : memref<320000x16xf32, #tpu.memory_space<hbm>> -> memref<128x16xf32, #tpu.memory_space<hbm>>
    tpu.wait_dma2 semaphore(%dma_wait3A_443 : memref<!tpu.dma_semaphore, #tpu.memory_space<semaphore_mem>>) src(%dma_wait3A_448 : memref<128x16xf32, #tpu.memory_space<hbm>>) dst(%dma_wait3A_446 : memref<128x16xf32, #tpu.memory_space<vmem>>)
    %dma_start3A_449 = arith.constant 2 : i32
    %dma_start3A_450 = arith.constant 0 : i32
    %dma_start3A_451 = arith.constant 256 : i32
    %dma_start3A_452 = arith.constant 0 : i32
    %dma_start3A_453 = tpu.memref_slice %arg9[%dma_start3A_451, %dma_start3A_452] : memref<512x16xf32, #tpu.memory_space<vmem>> -> memref<128x16xf32, #tpu.memory_space<vmem>>
    %dma_start3A_454 = arith.constant 0 : i32
    %dma_start3A_455 = tpu.memref_slice %arg7[%dma_start3A_449, %dma_start3A_454] : memref<4x128xi32, #tpu.memory_space<vmem>> -> memref<1x128xi32, #tpu.memory_space<vmem>>
    %dma_start3A_456 = tpu.memref_squeeze %dma_start3A_455 : memref<1x128xi32, #tpu.memory_space<vmem>> -> memref<128xi32, #tpu.memory_space<vmem>>
    %dma_start3A_457 = arith.constant 0 : i32
    %dma_start3A_458 = arith.constant 0 : i32
    %dma_start3A_459 = tpu.memref_slice %arg2[%dma_start3A_457, %dma_start3A_458] : memref<10000x16xf32, #tpu.memory_space<hbm>> -> memref<10000x16xf32, #tpu.memory_space<hbm>>
    %dma_start3A_460 = tpu.memref_slice %arg13[%dma_start3A_450] : memref<2x!tpu.dma_semaphore, #tpu.memory_space<semaphore_mem>> -> memref<1x!tpu.dma_semaphore, #tpu.memory_space<semaphore_mem>>
    %dma_start3A_461 = tpu.memref_squeeze %dma_start3A_460 : memref<1x!tpu.dma_semaphore, #tpu.memory_space<semaphore_mem>> -> memref<!tpu.dma_semaphore, #tpu.memory_space<semaphore_mem>>
    tpu.enqueue_indirect_dma source(%dma_start3A_459 : memref<10000x16xf32, #tpu.memory_space<hbm>>) target(%dma_start3A_453 : memref<128x16xf32, #tpu.memory_space<vmem>>) offsets(%dma_start3A_456 : memref<128xi32, #tpu.memory_space<vmem>>) semaphore(%dma_start3A_461 : memref<!tpu.dma_semaphore, #tpu.memory_space<semaphore_mem>>)
    %dma_wait3A_462 = arith.constant 1 : i32
    %dma_wait3A_463 = arith.constant 1 : i32
    %dma_wait3A_464 = arith.constant 128 : i32
    %dma_wait3A_465 = arith.constant 0 : i32
    %dma_wait3A_466 = tpu.memref_slice %arg9[%dma_wait3A_464, %dma_wait3A_465] : memref<512x16xf32, #tpu.memory_space<vmem>> -> memref<128x16xf32, #tpu.memory_space<vmem>>
    %dma_wait3A_467 = arith.constant 0 : i32
    %dma_wait3A_468 = tpu.memref_slice %arg7[%dma_wait3A_462, %dma_wait3A_467] : memref<4x128xi32, #tpu.memory_space<vmem>> -> memref<1x128xi32, #tpu.memory_space<vmem>>
    %dma_wait3A_469 = tpu.memref_squeeze %dma_wait3A_468 : memref<1x128xi32, #tpu.memory_space<vmem>> -> memref<128xi32, #tpu.memory_space<vmem>>
    %dma_wait3A_470 = arith.constant 0 : i32
    %dma_wait3A_471 = arith.constant 0 : i32
    %dma_wait3A_472 = tpu.memref_slice %arg2[%dma_wait3A_470, %dma_wait3A_471] : memref<10000x16xf32, #tpu.memory_space<hbm>> -> memref<10000x16xf32, #tpu.memory_space<hbm>>
    %dma_wait3A_473 = tpu.memref_slice %arg13[%dma_wait3A_463] : memref<2x!tpu.dma_semaphore, #tpu.memory_space<semaphore_mem>> -> memref<1x!tpu.dma_semaphore, #tpu.memory_space<semaphore_mem>>
    %dma_wait3A_474 = tpu.memref_squeeze %dma_wait3A_473 : memref<1x!tpu.dma_semaphore, #tpu.memory_space<semaphore_mem>> -> memref<!tpu.dma_semaphore, #tpu.memory_space<semaphore_mem>>
    tpu.wait_indirect_dma semaphore(%dma_wait3A_474 : memref<!tpu.dma_semaphore, #tpu.memory_space<semaphore_mem>>) src(%dma_wait3A_472 : memref<10000x16xf32, #tpu.memory_space<hbm>>) dst(%dma_wait3A_466 : memref<128x16xf32, #tpu.memory_space<vmem>>)
    %mul3A_475 = arith.constant 80 : i32
    %mul3A_476 = arith.muli %add3A, %mul3A_475 : i32
    %add3A_477 = arith.constant 1 : i32
    %add3A_478 = arith.addi %mul3A_476, %add3A_477 : i32
    %lt3A_479 = arith.constant 2500 : i32
    %lt3A_480 = arith.cmpi slt, %add3A_478, %lt3A_479 : i32
    %jit3A_481 = arith.constant 1.000000e+00 : f32
    %jit3A_482 = arith.constant 0.000000e+00 : f32
    %select_n3A_483 = arith.select %lt3A_480, %jit3A_481, %jit3A_482 : f32
    %parallel_loop3A_484 = arith.constant 0 : i32
    %parallel_loop3A_485 = arith.constant 128 : i32
    %parallel_loop3A_486 = arith.constant 1 : i32
    scf.for %parallel_loop3A_1402 = %parallel_loop3A_484 to %parallel_loop3A_485 step %parallel_loop3A_486  : i32 {
      %parallel_loop3A_1403 = arith.constant 128 : i32
      %parallel_loop3A_1404 = arith.addi %parallel_loop3A_1403, %parallel_loop3A_1402 : i32
      %parallel_loop3A_1405 = arith.index_cast %parallel_loop3A_1404 : i32 to index
      %parallel_loop3A_1406 = arith.constant 0 : index
      %parallel_loop3A_1407 = tpu.vector_load %arg9[%parallel_loop3A_1405, %parallel_loop3A_1406] {strides = array<i32>} : memref<512x16xf32, #tpu.memory_space<vmem>>, vector<1x16xf32>,
      %parallel_loop3A_1408 = vector.shape_cast %parallel_loop3A_1407 : vector<1x16xf32> to vector<16xf32>
      %parallel_loop3A_1409 = arith.index_cast %parallel_loop3A_1404 : i32 to index
      %parallel_loop3A_1410 = arith.constant 0 : index
      %parallel_loop3A_1411 = tpu.vector_load %arg8[%parallel_loop3A_1409, %parallel_loop3A_1410] {strides = array<i32>} : memref<512x16xf32, #tpu.memory_space<vmem>>, vector<1x16xf32>,
      %parallel_loop3A_1412 = vector.shape_cast %parallel_loop3A_1411 : vector<1x16xf32> to vector<16xf32>
      %parallel_loop3A_1413 = arith.mulf %parallel_loop3A_1408, %parallel_loop3A_1412 : vector<16xf32>
      %parallel_loop3A_1414 = vector.broadcast %select_n3A_483 : f32 to vector<16xf32>
      %parallel_loop3A_1415 = arith.mulf %parallel_loop3A_1413, %parallel_loop3A_1414 : vector<16xf32>
      %parallel_loop3A_1416 = arith.index_cast %parallel_loop3A_1404 : i32 to index
      %parallel_loop3A_1417 = arith.constant 0 : index
      %parallel_loop3A_1418 = tpu.vector_load %arg9[%parallel_loop3A_1416, %parallel_loop3A_1417] {strides = array<i32>} : memref<512x16xf32, #tpu.memory_space<vmem>>, vector<1x16xf32>,
      %parallel_loop3A_1419 = vector.shape_cast %parallel_loop3A_1418 : vector<1x16xf32> to vector<16xf32>
      %parallel_loop3A_1420 = vector.shape_cast %parallel_loop3A_1415 : vector<16xf32> to vector<1x16xf32>
      tpu.vector_store %arg9[%parallel_loop3A_1416, %parallel_loop3A_1417], %parallel_loop3A_1420 {strides = array<i32>} : memref<512x16xf32, #tpu.memory_space<vmem>>, vector<1x16xf32>,
    } {sc.loop_unroll_factor = 8 : i64, sc.parallel_access}
    %dma_start3A_487 = arith.constant 1 : i32
    %dma_start3A_488 = arith.constant 1 : i32
    %dma_start3A_489 = arith.constant 128 : i32
    %dma_start3A_490 = arith.constant 0 : i32
    %dma_start3A_491 = tpu.memref_slice %arg9[%dma_start3A_489, %dma_start3A_490] : memref<512x16xf32, #tpu.memory_space<vmem>> -> memref<128x16xf32, #tpu.memory_space<vmem>>
    %dma_start3A_492 = arith.constant 0 : i32
    %dma_start3A_493 = tpu.memref_slice %arg6[%dma_start3A_487, %dma_start3A_492] : memref<4x128xi32, #tpu.memory_space<vmem>> -> memref<1x128xi32, #tpu.memory_space<vmem>>
    %dma_start3A_494 = tpu.memref_squeeze %dma_start3A_493 : memref<1x128xi32, #tpu.memory_space<vmem>> -> memref<128xi32, #tpu.memory_space<vmem>>
    %dma_start3A_495 = arith.constant 0 : i32
    %dma_start3A_496 = arith.constant 0 : i32
    %dma_start3A_497 = tpu.memref_slice %arg11[%dma_start3A_495, %dma_start3A_496] : memref<10112x16xf32, #tpu.memory_space<vmem_shared>> -> memref<10112x16xf32, #tpu.memory_space<vmem_shared>>
    %dma_start3A_498 = tpu.memref_slice %arg14[%dma_start3A_488] : memref<2x!tpu.dma_semaphore, #tpu.memory_space<semaphore_mem>> -> memref<1x!tpu.dma_semaphore, #tpu.memory_space<semaphore_mem>>
    %dma_start3A_499 = tpu.memref_squeeze %dma_start3A_498 : memref<1x!tpu.dma_semaphore, #tpu.memory_space<semaphore_mem>> -> memref<!tpu.dma_semaphore, #tpu.memory_space<semaphore_mem>>
    tpu.enqueue_indirect_dma source(%dma_start3A_491 : memref<128x16xf32, #tpu.memory_space<vmem>>) target(%dma_start3A_497 : memref<10112x16xf32, #tpu.memory_space<vmem_shared>>) offsets(%dma_start3A_494 : memref<128xi32, #tpu.memory_space<vmem>>) semaphore(%dma_start3A_499 : memref<!tpu.dma_semaphore, #tpu.memory_space<semaphore_mem>>) {add = true}
    %dma_wait3A_500 = arith.constant 0 : i32
    %dma_wait3A_501 = arith.constant 0 : i32
    %dma_wait3A_502 = arith.constant 0 : i32
    %dma_wait3A_503 = arith.constant 0 : i32
    %dma_wait3A_504 = tpu.memref_slice %arg9[%dma_wait3A_502, %dma_wait3A_503] : memref<512x16xf32, #tpu.memory_space<vmem>> -> memref<128x16xf32, #tpu.memory_space<vmem>>
    %dma_wait3A_505 = arith.constant 0 : i32
    %dma_wait3A_506 = tpu.memref_slice %arg6[%dma_wait3A_500, %dma_wait3A_505] : memref<4x128xi32, #tpu.memory_space<vmem>> -> memref<1x128xi32, #tpu.memory_space<vmem>>
    %dma_wait3A_507 = tpu.memref_squeeze %dma_wait3A_506 : memref<1x128xi32, #tpu.memory_space<vmem>> -> memref<128xi32, #tpu.memory_space<vmem>>
    %dma_wait3A_508 = arith.constant 0 : i32
    %dma_wait3A_509 = arith.constant 0 : i32
    %dma_wait3A_510 = tpu.memref_slice %arg11[%dma_wait3A_508, %dma_wait3A_509] : memref<10112x16xf32, #tpu.memory_space<vmem_shared>> -> memref<10112x16xf32, #tpu.memory_space<vmem_shared>>
    %dma_wait3A_511 = tpu.memref_slice %arg14[%dma_wait3A_501] : memref<2x!tpu.dma_semaphore, #tpu.memory_space<semaphore_mem>> -> memref<1x!tpu.dma_semaphore, #tpu.memory_space<semaphore_mem>>
    %dma_wait3A_512 = tpu.memref_squeeze %dma_wait3A_511 : memref<1x!tpu.dma_semaphore, #tpu.memory_space<semaphore_mem>> -> memref<!tpu.dma_semaphore, #tpu.memory_space<semaphore_mem>>
    tpu.wait_indirect_dma semaphore(%dma_wait3A_512 : memref<!tpu.dma_semaphore, #tpu.memory_space<semaphore_mem>>) src(%dma_wait3A_504 : memref<128x16xf32, #tpu.memory_space<vmem>>) dst(%dma_wait3A_510 : memref<10112x16xf32, #tpu.memory_space<vmem_shared>>)
    %mul3A_513 = arith.constant 80 : i32
    %mul3A_514 = arith.muli %add3A, %mul3A_513 : i32
    %add3A_515 = arith.constant 4 : i32
    %add3A_516 = arith.addi %mul3A_514, %add3A_515 : i32
    %min3A_517 = arith.constant 2499 : i32
    %min3A_518 = arith.minsi %add3A_516, %min3A_517 : i32
    %mul3A_519 = arith.constant 128 : i32
    %mul3A_520 = arith.muli %min3A_518, %mul3A_519 : i32
    %dma_start3A_521 = arith.constant 0 : i32
    %dma_start3A_522 = arith.constant 0 : i32
    %dma_start3A_523 = arith.constant 0 : i32
    %dma_start3A_524 = arith.constant 0 : i32
    %dma_start3A_525 = tpu.memref_slice %arg6[%dma_start3A_522, %dma_start3A_524] : memref<4x128xi32, #tpu.memory_space<vmem>> -> memref<1x128xi32, #tpu.memory_space<vmem>>
    %dma_start3A_526 = tpu.memref_squeeze %dma_start3A_525 : memref<1x128xi32, #tpu.memory_space<vmem>> -> memref<128xi32, #tpu.memory_space<vmem>>
    %dma_start3A_527 = arith.constant 0 : i32
    %dma_start3A_528 = tpu.memref_slice %arg3[%dma_start3A_521, %min3A_518, %dma_start3A_527] : memref<2x2500x128xi32, #tpu.memory_space<hbm>> -> memref<1x1x128xi32, #tpu.memory_space<hbm>>
    %dma_start3A_529 = tpu.memref_squeeze %dma_start3A_528 : memref<1x1x128xi32, #tpu.memory_space<hbm>> -> memref<128xi32, #tpu.memory_space<hbm>>
    %dma_start3A_530 = tpu.memref_slice %arg12[%dma_start3A_523] : memref<2x!tpu.dma_semaphore, #tpu.memory_space<semaphore_mem>> -> memref<1x!tpu.dma_semaphore, #tpu.memory_space<semaphore_mem>>
    %dma_start3A_531 = tpu.memref_squeeze %dma_start3A_530 : memref<1x!tpu.dma_semaphore, #tpu.memory_space<semaphore_mem>> -> memref<!tpu.dma_semaphore, #tpu.memory_space<semaphore_mem>>
    %dma_start3A_532 = arith.constant 0 : i32
    %dma_start3A_533 = tpu.memref_slice %arg6[%dma_start3A_522, %dma_start3A_532] : memref<4x128xi32, #tpu.memory_space<vmem>> -> memref<1x128xi32, #tpu.memory_space<vmem>>
    %dma_start3A_534 = tpu.memref_squeeze %dma_start3A_533 : memref<1x128xi32, #tpu.memory_space<vmem>> -> memref<128xi32, #tpu.memory_space<vmem>>
    %dma_start3A_535 = arith.constant 0 : i32
    %dma_start3A_536 = tpu.memref_slice %arg3[%dma_start3A_521, %min3A_518, %dma_start3A_535] : memref<2x2500x128xi32, #tpu.memory_space<hbm>> -> memref<1x1x128xi32, #tpu.memory_space<hbm>>
    %dma_start3A_537 = tpu.memref_squeeze %dma_start3A_536 : memref<1x1x128xi32, #tpu.memory_space<hbm>> -> memref<128xi32, #tpu.memory_space<hbm>>
    tpu.enqueue_dma source(%dma_start3A_537 : memref<128xi32, #tpu.memory_space<hbm>>) target(%dma_start3A_534 : memref<128xi32, #tpu.memory_space<vmem>>) target_semaphore(%dma_start3A_531 : memref<!tpu.dma_semaphore, #tpu.memory_space<semaphore_mem>>)
    %dma_start3A_538 = arith.constant 1 : i32
    %dma_start3A_539 = arith.constant 0 : i32
    %dma_start3A_540 = arith.constant 0 : i32
    %dma_start3A_541 = arith.constant 0 : i32
    %dma_start3A_542 = tpu.memref_slice %arg7[%dma_start3A_539, %dma_start3A_541] : memref<4x128xi32, #tpu.memory_space<vmem>> -> memref<1x128xi32, #tpu.memory_space<vmem>>
    %dma_start3A_543 = tpu.memref_squeeze %dma_start3A_542 : memref<1x128xi32, #tpu.memory_space<vmem>> -> memref<128xi32, #tpu.memory_space<vmem>>
    %dma_start3A_544 = arith.constant 0 : i32
    %dma_start3A_545 = tpu.memref_slice %arg3[%dma_start3A_538, %min3A_518, %dma_start3A_544] : memref<2x2500x128xi32, #tpu.memory_space<hbm>> -> memref<1x1x128xi32, #tpu.memory_space<hbm>>
    %dma_start3A_546 = tpu.memref_squeeze %dma_start3A_545 : memref<1x1x128xi32, #tpu.memory_space<hbm>> -> memref<128xi32, #tpu.memory_space<hbm>>
    %dma_start3A_547 = tpu.memref_slice %arg12[%dma_start3A_540] : memref<2x!tpu.dma_semaphore, #tpu.memory_space<semaphore_mem>> -> memref<1x!tpu.dma_semaphore, #tpu.memory_space<semaphore_mem>>
    %dma_start3A_548 = tpu.memref_squeeze %dma_start3A_547 : memref<1x!tpu.dma_semaphore, #tpu.memory_space<semaphore_mem>> -> memref<!tpu.dma_semaphore, #tpu.memory_space<semaphore_mem>>
    %dma_start3A_549 = arith.constant 0 : i32
    %dma_start3A_550 = tpu.memref_slice %arg7[%dma_start3A_539, %dma_start3A_549] : memref<4x128xi32, #tpu.memory_space<vmem>> -> memref<1x128xi32, #tpu.memory_space<vmem>>
    %dma_start3A_551 = tpu.memref_squeeze %dma_start3A_550 : memref<1x128xi32, #tpu.memory_space<vmem>> -> memref<128xi32, #tpu.memory_space<vmem>>
    %dma_start3A_552 = arith.constant 0 : i32
    %dma_start3A_553 = tpu.memref_slice %arg3[%dma_start3A_538, %min3A_518, %dma_start3A_552] : memref<2x2500x128xi32, #tpu.memory_space<hbm>> -> memref<1x1x128xi32, #tpu.memory_space<hbm>>
    %dma_start3A_554 = tpu.memref_squeeze %dma_start3A_553 : memref<1x1x128xi32, #tpu.memory_space<hbm>> -> memref<128xi32, #tpu.memory_space<hbm>>
    tpu.enqueue_dma source(%dma_start3A_554 : memref<128xi32, #tpu.memory_space<hbm>>) target(%dma_start3A_551 : memref<128xi32, #tpu.memory_space<vmem>>) target_semaphore(%dma_start3A_548 : memref<!tpu.dma_semaphore, #tpu.memory_space<semaphore_mem>>)
    %dma_start3A_555 = arith.constant 0 : i32
    %dma_start3A_556 = arith.constant 0 : i32
    %dma_start3A_557 = arith.constant 0 : i32
    %dma_start3A_558 = tpu.memref_slice %arg8[%dma_start3A_556, %dma_start3A_557] : memref<512x16xf32, #tpu.memory_space<vmem>> -> memref<128x16xf32, #tpu.memory_space<vmem>>
    %dma_start3A_559 = arith.constant 0 : i32
    %dma_start3A_560 = tpu.memref_slice %arg4[%mul3A_520, %dma_start3A_559] : memref<320000x16xf32, #tpu.memory_space<hbm>> -> memref<128x16xf32, #tpu.memory_space<hbm>>
    %dma_start3A_561 = tpu.memref_slice %arg12[%dma_start3A_555] : memref<2x!tpu.dma_semaphore, #tpu.memory_space<semaphore_mem>> -> memref<1x!tpu.dma_semaphore, #tpu.memory_space<semaphore_mem>>
    %dma_start3A_562 = tpu.memref_squeeze %dma_start3A_561 : memref<1x!tpu.dma_semaphore, #tpu.memory_space<semaphore_mem>> -> memref<!tpu.dma_semaphore, #tpu.memory_space<semaphore_mem>>
    %dma_start3A_563 = arith.constant 0 : i32
    %dma_start3A_564 = arith.constant 0 : i32
    %dma_start3A_565 = tpu.memref_slice %arg8[%dma_start3A_563, %dma_start3A_564] : memref<512x16xf32, #tpu.memory_space<vmem>> -> memref<128x16xf32, #tpu.memory_space<vmem>>
    %dma_start3A_566 = arith.constant 0 : i32
    %dma_start3A_567 = tpu.memref_slice %arg4[%mul3A_520, %dma_start3A_566] : memref<320000x16xf32, #tpu.memory_space<hbm>> -> memref<128x16xf32, #tpu.memory_space<hbm>>
    tpu.enqueue_dma source(%dma_start3A_567 : memref<128x16xf32, #tpu.memory_space<hbm>>) target(%dma_start3A_565 : memref<128x16xf32, #tpu.memory_space<vmem>>) target_semaphore(%dma_start3A_562 : memref<!tpu.dma_semaphore, #tpu.memory_space<semaphore_mem>>)
    %mul3A_568 = arith.constant 80 : i32
    %mul3A_569 = arith.muli %add3A, %mul3A_568 : i32
    %add3A_570 = arith.constant 3 : i32
    %add3A_571 = arith.addi %mul3A_569, %add3A_570 : i32
    %min3A_572 = arith.constant 2499 : i32
    %min3A_573 = arith.minsi %add3A_571, %min3A_572 : i32
    %mul3A_574 = arith.constant 128 : i32
    %mul3A_575 = arith.muli %min3A_573, %mul3A_574 : i32
    %dma_wait3A_576 = arith.constant 0 : i32
    %dma_wait3A_577 = arith.constant 3 : i32
    %dma_wait3A_578 = arith.constant 1 : i32
    %dma_wait3A_579 = arith.constant 0 : i32
    %dma_wait3A_580 = tpu.memref_slice %arg6[%dma_wait3A_577, %dma_wait3A_579] : memref<4x128xi32, #tpu.memory_space<vmem>> -> memref<1x128xi32, #tpu.memory_space<vmem>>
    %dma_wait3A_581 = tpu.memref_squeeze %dma_wait3A_580 : memref<1x128xi32, #tpu.memory_space<vmem>> -> memref<128xi32, #tpu.memory_space<vmem>>
    %dma_wait3A_582 = arith.constant 0 : i32
    %dma_wait3A_583 = tpu.memref_slice %arg3[%dma_wait3A_576, %min3A_573, %dma_wait3A_582] : memref<2x2500x128xi32, #tpu.memory_space<hbm>> -> memref<1x1x128xi32, #tpu.memory_space<hbm>>
    %dma_wait3A_584 = tpu.memref_squeeze %dma_wait3A_583 : memref<1x1x128xi32, #tpu.memory_space<hbm>> -> memref<128xi32, #tpu.memory_space<hbm>>
    %dma_wait3A_585 = tpu.memref_slice %arg12[%dma_wait3A_578] : memref<2x!tpu.dma_semaphore, #tpu.memory_space<semaphore_mem>> -> memref<1x!tpu.dma_semaphore, #tpu.memory_space<semaphore_mem>>
    %dma_wait3A_586 = tpu.memref_squeeze %dma_wait3A_585 : memref<1x!tpu.dma_semaphore, #tpu.memory_space<semaphore_mem>> -> memref<!tpu.dma_semaphore, #tpu.memory_space<semaphore_mem>>
    %dma_wait3A_587 = arith.constant 0 : i32
    %dma_wait3A_588 = tpu.memref_slice %arg6[%dma_wait3A_577, %dma_wait3A_587] : memref<4x128xi32, #tpu.memory_space<vmem>> -> memref<1x128xi32, #tpu.memory_space<vmem>>
    %dma_wait3A_589 = tpu.memref_squeeze %dma_wait3A_588 : memref<1x128xi32, #tpu.memory_space<vmem>> -> memref<128xi32, #tpu.memory_space<vmem>>
    %dma_wait3A_590 = arith.constant 0 : i32
    %dma_wait3A_591 = tpu.memref_slice %arg3[%dma_wait3A_576, %min3A_573, %dma_wait3A_590] : memref<2x2500x128xi32, #tpu.memory_space<hbm>> -> memref<1x1x128xi32, #tpu.memory_space<hbm>>
    %dma_wait3A_592 = tpu.memref_squeeze %dma_wait3A_591 : memref<1x1x128xi32, #tpu.memory_space<hbm>> -> memref<128xi32, #tpu.memory_space<hbm>>
    tpu.wait_dma2 semaphore(%dma_wait3A_586 : memref<!tpu.dma_semaphore, #tpu.memory_space<semaphore_mem>>) src(%dma_wait3A_592 : memref<128xi32, #tpu.memory_space<hbm>>) dst(%dma_wait3A_589 : memref<128xi32, #tpu.memory_space<vmem>>)
    %dma_wait3A_593 = arith.constant 1 : i32
    %dma_wait3A_594 = arith.constant 3 : i32
    %dma_wait3A_595 = arith.constant 1 : i32
    %dma_wait3A_596 = arith.constant 0 : i32
    %dma_wait3A_597 = tpu.memref_slice %arg7[%dma_wait3A_594, %dma_wait3A_596] : memref<4x128xi32, #tpu.memory_space<vmem>> -> memref<1x128xi32, #tpu.memory_space<vmem>>
    %dma_wait3A_598 = tpu.memref_squeeze %dma_wait3A_597 : memref<1x128xi32, #tpu.memory_space<vmem>> -> memref<128xi32, #tpu.memory_space<vmem>>
    %dma_wait3A_599 = arith.constant 0 : i32
    %dma_wait3A_600 = tpu.memref_slice %arg3[%dma_wait3A_593, %min3A_573, %dma_wait3A_599] : memref<2x2500x128xi32, #tpu.memory_space<hbm>> -> memref<1x1x128xi32, #tpu.memory_space<hbm>>
    %dma_wait3A_601 = tpu.memref_squeeze %dma_wait3A_600 : memref<1x1x128xi32, #tpu.memory_space<hbm>> -> memref<128xi32, #tpu.memory_space<hbm>>
    %dma_wait3A_602 = tpu.memref_slice %arg12[%dma_wait3A_595] : memref<2x!tpu.dma_semaphore, #tpu.memory_space<semaphore_mem>> -> memref<1x!tpu.dma_semaphore, #tpu.memory_space<semaphore_mem>>
    %dma_wait3A_603 = tpu.memref_squeeze %dma_wait3A_602 : memref<1x!tpu.dma_semaphore, #tpu.memory_space<semaphore_mem>> -> memref<!tpu.dma_semaphore, #tpu.memory_space<semaphore_mem>>
    %dma_wait3A_604 = arith.constant 0 : i32
    %dma_wait3A_605 = tpu.memref_slice %arg7[%dma_wait3A_594, %dma_wait3A_604] : memref<4x128xi32, #tpu.memory_space<vmem>> -> memref<1x128xi32, #tpu.memory_space<vmem>>
    %dma_wait3A_606 = tpu.memref_squeeze %dma_wait3A_605 : memref<1x128xi32, #tpu.memory_space<vmem>> -> memref<128xi32, #tpu.memory_space<vmem>>
    %dma_wait3A_607 = arith.constant 0 : i32
    %dma_wait3A_608 = tpu.memref_slice %arg3[%dma_wait3A_593, %min3A_573, %dma_wait3A_607] : memref<2x2500x128xi32, #tpu.memory_space<hbm>> -> memref<1x1x128xi32, #tpu.memory_space<hbm>>
    %dma_wait3A_609 = tpu.memref_squeeze %dma_wait3A_608 : memref<1x1x128xi32, #tpu.memory_space<hbm>> -> memref<128xi32, #tpu.memory_space<hbm>>
    tpu.wait_dma2 semaphore(%dma_wait3A_603 : memref<!tpu.dma_semaphore, #tpu.memory_space<semaphore_mem>>) src(%dma_wait3A_609 : memref<128xi32, #tpu.memory_space<hbm>>) dst(%dma_wait3A_606 : memref<128xi32, #tpu.memory_space<vmem>>)
    %dma_wait3A_610 = arith.constant 1 : i32
    %dma_wait3A_611 = arith.constant 384 : i32
    %dma_wait3A_612 = arith.constant 0 : i32
    %dma_wait3A_613 = tpu.memref_slice %arg8[%dma_wait3A_611, %dma_wait3A_612] : memref<512x16xf32, #tpu.memory_space<vmem>> -> memref<128x16xf32, #tpu.memory_space<vmem>>
    %dma_wait3A_614 = arith.constant 0 : i32
    %dma_wait3A_615 = tpu.memref_slice %arg4[%mul3A_575, %dma_wait3A_614] : memref<320000x16xf32, #tpu.memory_space<hbm>> -> memref<128x16xf32, #tpu.memory_space<hbm>>
    %dma_wait3A_616 = tpu.memref_slice %arg12[%dma_wait3A_610] : memref<2x!tpu.dma_semaphore, #tpu.memory_space<semaphore_mem>> -> memref<1x!tpu.dma_semaphore, #tpu.memory_space<semaphore_mem>>
    %dma_wait3A_617 = tpu.memref_squeeze %dma_wait3A_616 : memref<1x!tpu.dma_semaphore, #tpu.memory_space<semaphore_mem>> -> memref<!tpu.dma_semaphore, #tpu.memory_space<semaphore_mem>>
    %dma_wait3A_618 = arith.constant 384 : i32
    %dma_wait3A_619 = arith.constant 0 : i32
    %dma_wait3A_620 = tpu.memref_slice %arg8[%dma_wait3A_618, %dma_wait3A_619] : memref<512x16xf32, #tpu.memory_space<vmem>> -> memref<128x16xf32, #tpu.memory_space<vmem>>
    %dma_wait3A_621 = arith.constant 0 : i32
    %dma_wait3A_622 = tpu.memref_slice %arg4[%mul3A_575, %dma_wait3A_621] : memref<320000x16xf32, #tpu.memory_space<hbm>> -> memref<128x16xf32, #tpu.memory_space<hbm>>
    tpu.wait_dma2 semaphore(%dma_wait3A_617 : memref<!tpu.dma_semaphore, #tpu.memory_space<semaphore_mem>>) src(%dma_wait3A_622 : memref<128x16xf32, #tpu.memory_space<hbm>>) dst(%dma_wait3A_620 : memref<128x16xf32, #tpu.memory_space<vmem>>)
    %dma_start3A_623 = arith.constant 3 : i32
    %dma_start3A_624 = arith.constant 1 : i32
    %dma_start3A_625 = arith.constant 384 : i32
    %dma_start3A_626 = arith.constant 0 : i32
    %dma_start3A_627 = tpu.memref_slice %arg9[%dma_start3A_625, %dma_start3A_626] : memref<512x16xf32, #tpu.memory_space<vmem>> -> memref<128x16xf32, #tpu.memory_space<vmem>>
    %dma_start3A_628 = arith.constant 0 : i32
    %dma_start3A_629 = tpu.memref_slice %arg7[%dma_start3A_623, %dma_start3A_628] : memref<4x128xi32, #tpu.memory_space<vmem>> -> memref<1x128xi32, #tpu.memory_space<vmem>>
    %dma_start3A_630 = tpu.memref_squeeze %dma_start3A_629 : memref<1x128xi32, #tpu.memory_space<vmem>> -> memref<128xi32, #tpu.memory_space<vmem>>
    %dma_start3A_631 = arith.constant 0 : i32
    %dma_start3A_632 = arith.constant 0 : i32
    %dma_start3A_633 = tpu.memref_slice %arg2[%dma_start3A_631, %dma_start3A_632] : memref<10000x16xf32, #tpu.memory_space<hbm>> -> memref<10000x16xf32, #tpu.memory_space<hbm>>
    %dma_start3A_634 = tpu.memref_slice %arg13[%dma_start3A_624] : memref<2x!tpu.dma_semaphore, #tpu.memory_space<semaphore_mem>> -> memref<1x!tpu.dma_semaphore, #tpu.memory_space<semaphore_mem>>
    %dma_start3A_635 = tpu.memref_squeeze %dma_start3A_634 : memref<1x!tpu.dma_semaphore, #tpu.memory_space<semaphore_mem>> -> memref<!tpu.dma_semaphore, #tpu.memory_space<semaphore_mem>>
    tpu.enqueue_indirect_dma source(%dma_start3A_633 : memref<10000x16xf32, #tpu.memory_space<hbm>>) target(%dma_start3A_627 : memref<128x16xf32, #tpu.memory_space<vmem>>) offsets(%dma_start3A_630 : memref<128xi32, #tpu.memory_space<vmem>>) semaphore(%dma_start3A_635 : memref<!tpu.dma_semaphore, #tpu.memory_space<semaphore_mem>>)
    %dma_wait3A_636 = arith.constant 2 : i32
    %dma_wait3A_637 = arith.constant 0 : i32
    %dma_wait3A_638 = arith.constant 256 : i32
    %dma_wait3A_639 = arith.constant 0 : i32
    %dma_wait3A_640 = tpu.memref_slice %arg9[%dma_wait3A_638, %dma_wait3A_639] : memref<512x16xf32, #tpu.memory_space<vmem>> -> memref<128x16xf32, #tpu.memory_space<vmem>>
    %dma_wait3A_641 = arith.constant 0 : i32
    %dma_wait3A_642 = tpu.memref_slice %arg7[%dma_wait3A_636, %dma_wait3A_641] : memref<4x128xi32, #tpu.memory_space<vmem>> -> memref<1x128xi32, #tpu.memory_space<vmem>>
    %dma_wait3A_643 = tpu.memref_squeeze %dma_wait3A_642 : memref<1x128xi32, #tpu.memory_space<vmem>> -> memref<128xi32, #tpu.memory_space<vmem>>
    %dma_wait3A_644 = arith.constant 0 : i32
    %dma_wait3A_645 = arith.constant 0 : i32
    %dma_wait3A_646 = tpu.memref_slice %arg2[%dma_wait3A_644, %dma_wait3A_645] : memref<10000x16xf32, #tpu.memory_space<hbm>> -> memref<10000x16xf32, #tpu.memory_space<hbm>>
    %dma_wait3A_647 = tpu.memref_slice %arg13[%dma_wait3A_637] : memref<2x!tpu.dma_semaphore, #tpu.memory_space<semaphore_mem>> -> memref<1x!tpu.dma_semaphore, #tpu.memory_space<semaphore_mem>>
    %dma_wait3A_648 = tpu.memref_squeeze %dma_wait3A_647 : memref<1x!tpu.dma_semaphore, #tpu.memory_space<semaphore_mem>> -> memref<!tpu.dma_semaphore, #tpu.memory_space<semaphore_mem>>
    tpu.wait_indirect_dma semaphore(%dma_wait3A_648 : memref<!tpu.dma_semaphore, #tpu.memory_space<semaphore_mem>>) src(%dma_wait3A_646 : memref<10000x16xf32, #tpu.memory_space<hbm>>) dst(%dma_wait3A_640 : memref<128x16xf32, #tpu.memory_space<vmem>>)
    %mul3A_649 = arith.constant 80 : i32
    %mul3A_650 = arith.muli %add3A, %mul3A_649 : i32
    %add3A_651 = arith.constant 2 : i32
    %add3A_652 = arith.addi %mul3A_650, %add3A_651 : i32
    %lt3A_653 = arith.constant 2500 : i32
    %lt3A_654 = arith.cmpi slt, %add3A_652, %lt3A_653 : i32
    %jit3A_655 = arith.constant 1.000000e+00 : f32
    %jit3A_656 = arith.constant 0.000000e+00 : f32
    %select_n3A_657 = arith.select %lt3A_654, %jit3A_655, %jit3A_656 : f32
    %parallel_loop3A_658 = arith.constant 0 : i32
    %parallel_loop3A_659 = arith.constant 128 : i32
    %parallel_loop3A_660 = arith.constant 1 : i32
    scf.for %parallel_loop3A_1402 = %parallel_loop3A_658 to %parallel_loop3A_659 step %parallel_loop3A_660  : i32 {
      %parallel_loop3A_1403 = arith.constant 256 : i32
      %parallel_loop3A_1404 = arith.addi %parallel_loop3A_1403, %parallel_loop3A_1402 : i32
      %parallel_loop3A_1405 = arith.index_cast %parallel_loop3A_1404 : i32 to index
      %parallel_loop3A_1406 = arith.constant 0 : index
      %parallel_loop3A_1407 = tpu.vector_load %arg9[%parallel_loop3A_1405, %parallel_loop3A_1406] {strides = array<i32>} : memref<512x16xf32, #tpu.memory_space<vmem>>, vector<1x16xf32>,
      %parallel_loop3A_1408 = vector.shape_cast %parallel_loop3A_1407 : vector<1x16xf32> to vector<16xf32>
      %parallel_loop3A_1409 = arith.index_cast %parallel_loop3A_1404 : i32 to index
      %parallel_loop3A_1410 = arith.constant 0 : index
      %parallel_loop3A_1411 = tpu.vector_load %arg8[%parallel_loop3A_1409, %parallel_loop3A_1410] {strides = array<i32>} : memref<512x16xf32, #tpu.memory_space<vmem>>, vector<1x16xf32>,
      %parallel_loop3A_1412 = vector.shape_cast %parallel_loop3A_1411 : vector<1x16xf32> to vector<16xf32>
      %parallel_loop3A_1413 = arith.mulf %parallel_loop3A_1408, %parallel_loop3A_1412 : vector<16xf32>
      %parallel_loop3A_1414 = vector.broadcast %select_n3A_657 : f32 to vector<16xf32>
      %parallel_loop3A_1415 = arith.mulf %parallel_loop3A_1413, %parallel_loop3A_1414 : vector<16xf32>
      %parallel_loop3A_1416 = arith.index_cast %parallel_loop3A_1404 : i32 to index
      %parallel_loop3A_1417 = arith.constant 0 : index
      %parallel_loop3A_1418 = tpu.vector_load %arg9[%parallel_loop3A_1416, %parallel_loop3A_1417] {strides = array<i32>} : memref<512x16xf32, #tpu.memory_space<vmem>>, vector<1x16xf32>,
      %parallel_loop3A_1419 = vector.shape_cast %parallel_loop3A_1418 : vector<1x16xf32> to vector<16xf32>
      %parallel_loop3A_1420 = vector.shape_cast %parallel_loop3A_1415 : vector<16xf32> to vector<1x16xf32>
      tpu.vector_store %arg9[%parallel_loop3A_1416, %parallel_loop3A_1417], %parallel_loop3A_1420 {strides = array<i32>} : memref<512x16xf32, #tpu.memory_space<vmem>>, vector<1x16xf32>,
    } {sc.loop_unroll_factor = 8 : i64, sc.parallel_access}
    %dma_start3A_661 = arith.constant 2 : i32
    %dma_start3A_662 = arith.constant 0 : i32
    %dma_start3A_663 = arith.constant 256 : i32
    %dma_start3A_664 = arith.constant 0 : i32
    %dma_start3A_665 = tpu.memref_slice %arg9[%dma_start3A_663, %dma_start3A_664] : memref<512x16xf32, #tpu.memory_space<vmem>> -> memref<128x16xf32, #tpu.memory_space<vmem>>
    %dma_start3A_666 = arith.constant 0 : i32
    %dma_start3A_667 = tpu.memref_slice %arg6[%dma_start3A_661, %dma_start3A_666] : memref<4x128xi32, #tpu.memory_space<vmem>> -> memref<1x128xi32, #tpu.memory_space<vmem>>
    %dma_start3A_668 = tpu.memref_squeeze %dma_start3A_667 : memref<1x128xi32, #tpu.memory_space<vmem>> -> memref<128xi32, #tpu.memory_space<vmem>>
    %dma_start3A_669 = arith.constant 0 : i32
    %dma_start3A_670 = arith.constant 0 : i32
    %dma_start3A_671 = tpu.memref_slice %arg11[%dma_start3A_669, %dma_start3A_670] : memref<10112x16xf32, #tpu.memory_space<vmem_shared>> -> memref<10112x16xf32, #tpu.memory_space<vmem_shared>>
    %dma_start3A_672 = tpu.memref_slice %arg14[%dma_start3A_662] : memref<2x!tpu.dma_semaphore, #tpu.memory_space<semaphore_mem>> -> memref<1x!tpu.dma_semaphore, #tpu.memory_space<semaphore_mem>>
    %dma_start3A_673 = tpu.memref_squeeze %dma_start3A_672 : memref<1x!tpu.dma_semaphore, #tpu.memory_space<semaphore_mem>> -> memref<!tpu.dma_semaphore, #tpu.memory_space<semaphore_mem>>
    tpu.enqueue_indirect_dma source(%dma_start3A_665 : memref<128x16xf32, #tpu.memory_space<vmem>>) target(%dma_start3A_671 : memref<10112x16xf32, #tpu.memory_space<vmem_shared>>) offsets(%dma_start3A_668 : memref<128xi32, #tpu.memory_space<vmem>>) semaphore(%dma_start3A_673 : memref<!tpu.dma_semaphore, #tpu.memory_space<semaphore_mem>>) {add = true}
    %dma_wait3A_674 = arith.constant 1 : i32
    %dma_wait3A_675 = arith.constant 1 : i32
    %dma_wait3A_676 = arith.constant 128 : i32
    %dma_wait3A_677 = arith.constant 0 : i32
    %dma_wait3A_678 = tpu.memref_slice %arg9[%dma_wait3A_676, %dma_wait3A_677] : memref<512x16xf32, #tpu.memory_space<vmem>> -> memref<128x16xf32, #tpu.memory_space<vmem>>
    %dma_wait3A_679 = arith.constant 0 : i32
    %dma_wait3A_680 = tpu.memref_slice %arg6[%dma_wait3A_674, %dma_wait3A_679] : memref<4x128xi32, #tpu.memory_space<vmem>> -> memref<1x128xi32, #tpu.memory_space<vmem>>
    %dma_wait3A_681 = tpu.memref_squeeze %dma_wait3A_680 : memref<1x128xi32, #tpu.memory_space<vmem>> -> memref<128xi32, #tpu.memory_space<vmem>>
    %dma_wait3A_682 = arith.constant 0 : i32
    %dma_wait3A_683 = arith.constant 0 : i32
    %dma_wait3A_684 = tpu.memref_slice %arg11[%dma_wait3A_682, %dma_wait3A_683] : memref<10112x16xf32, #tpu.memory_space<vmem_shared>> -> memref<10112x16xf32, #tpu.memory_space<vmem_shared>>
    %dma_wait3A_685 = tpu.memref_slice %arg14[%dma_wait3A_675] : memref<2x!tpu.dma_semaphore, #tpu.memory_space<semaphore_mem>> -> memref<1x!tpu.dma_semaphore, #tpu.memory_space<semaphore_mem>>
    %dma_wait3A_686 = tpu.memref_squeeze %dma_wait3A_685 : memref<1x!tpu.dma_semaphore, #tpu.memory_space<semaphore_mem>> -> memref<!tpu.dma_semaphore, #tpu.memory_space<semaphore_mem>>
    tpu.wait_indirect_dma semaphore(%dma_wait3A_686 : memref<!tpu.dma_semaphore, #tpu.memory_space<semaphore_mem>>) src(%dma_wait3A_678 : memref<128x16xf32, #tpu.memory_space<vmem>>) dst(%dma_wait3A_684 : memref<10112x16xf32, #tpu.memory_space<vmem_shared>>)
    %mul3A_687 = arith.constant 80 : i32
    %mul3A_688 = arith.muli %add3A, %mul3A_687 : i32
    %add3A_689 = arith.constant 5 : i32
    %add3A_690 = arith.addi %mul3A_688, %add3A_689 : i32
    %min3A_691 = arith.constant 2499 : i32
    %min3A_692 = arith.minsi %add3A_690, %min3A_691 : i32
    %mul3A_693 = arith.constant 128 : i32
    %mul3A_694 = arith.muli %min3A_692, %mul3A_693 : i32
    %dma_start3A_695 = arith.constant 0 : i32
    %dma_start3A_696 = arith.constant 1 : i32
    %dma_start3A_697 = arith.constant 1 : i32
    %dma_start3A_698 = arith.constant 0 : i32
    %dma_start3A_699 = tpu.memref_slice %arg6[%dma_start3A_696, %dma_start3A_698] : memref<4x128xi32, #tpu.memory_space<vmem>> -> memref<1x128xi32, #tpu.memory_space<vmem>>
    %dma_start3A_700 = tpu.memref_squeeze %dma_start3A_699 : memref<1x128xi32, #tpu.memory_space<vmem>> -> memref<128xi32, #tpu.memory_space<vmem>>
    %dma_start3A_701 = arith.constant 0 : i32
    %dma_start3A_702 = tpu.memref_slice %arg3[%dma_start3A_695, %min3A_692, %dma_start3A_701] : memref<2x2500x128xi32, #tpu.memory_space<hbm>> -> memref<1x1x128xi32, #tpu.memory_space<hbm>>
    %dma_start3A_703 = tpu.memref_squeeze %dma_start3A_702 : memref<1x1x128xi32, #tpu.memory_space<hbm>> -> memref<128xi32, #tpu.memory_space<hbm>>
    %dma_start3A_704 = tpu.memref_slice %arg12[%dma_start3A_697] : memref<2x!tpu.dma_semaphore, #tpu.memory_space<semaphore_mem>> -> memref<1x!tpu.dma_semaphore, #tpu.memory_space<semaphore_mem>>
    %dma_start3A_705 = tpu.memref_squeeze %dma_start3A_704 : memref<1x!tpu.dma_semaphore, #tpu.memory_space<semaphore_mem>> -> memref<!tpu.dma_semaphore, #tpu.memory_space<semaphore_mem>>
    %dma_start3A_706 = arith.constant 0 : i32
    %dma_start3A_707 = tpu.memref_slice %arg6[%dma_start3A_696, %dma_start3A_706] : memref<4x128xi32, #tpu.memory_space<vmem>> -> memref<1x128xi32, #tpu.memory_space<vmem>>
    %dma_start3A_708 = tpu.memref_squeeze %dma_start3A_707 : memref<1x128xi32, #tpu.memory_space<vmem>> -> memref<128xi32, #tpu.memory_space<vmem>>
    %dma_start3A_709 = arith.constant 0 : i32
    %dma_start3A_710 = tpu.memref_slice %arg3[%dma_start3A_695, %min3A_692, %dma_start3A_709] : memref<2x2500x128xi32, #tpu.memory_space<hbm>> -> memref<1x1x128xi32, #tpu.memory_space<hbm>>
    %dma_start3A_711 = tpu.memref_squeeze %dma_start3A_710 : memref<1x1x128xi32, #tpu.memory_space<hbm>> -> memref<128xi32, #tpu.memory_space<hbm>>
    tpu.enqueue_dma source(%dma_start3A_711 : memref<128xi32, #tpu.memory_space<hbm>>) target(%dma_start3A_708 : memref<128xi32, #tpu.memory_space<vmem>>) target_semaphore(%dma_start3A_705 : memref<!tpu.dma_semaphore, #tpu.memory_space<semaphore_mem>>)
    %dma_start3A_712 = arith.constant 1 : i32
    %dma_start3A_713 = arith.constant 1 : i32
    %dma_start3A_714 = arith.constant 1 : i32
    %dma_start3A_715 = arith.constant 0 : i32
    %dma_start3A_716 = tpu.memref_slice %arg7[%dma_start3A_713, %dma_start3A_715] : memref<4x128xi32, #tpu.memory_space<vmem>> -> memref<1x128xi32, #tpu.memory_space<vmem>>
    %dma_start3A_717 = tpu.memref_squeeze %dma_start3A_716 : memref<1x128xi32, #tpu.memory_space<vmem>> -> memref<128xi32, #tpu.memory_space<vmem>>
    %dma_start3A_718 = arith.constant 0 : i32
    %dma_start3A_719 = tpu.memref_slice %arg3[%dma_start3A_712, %min3A_692, %dma_start3A_718] : memref<2x2500x128xi32, #tpu.memory_space<hbm>> -> memref<1x1x128xi32, #tpu.memory_space<hbm>>
    %dma_start3A_720 = tpu.memref_squeeze %dma_start3A_719 : memref<1x1x128xi32, #tpu.memory_space<hbm>> -> memref<128xi32, #tpu.memory_space<hbm>>
    %dma_start3A_721 = tpu.memref_slice %arg12[%dma_start3A_714] : memref<2x!tpu.dma_semaphore, #tpu.memory_space<semaphore_mem>> -> memref<1x!tpu.dma_semaphore, #tpu.memory_space<semaphore_mem>>
    %dma_start3A_722 = tpu.memref_squeeze %dma_start3A_721 : memref<1x!tpu.dma_semaphore, #tpu.memory_space<semaphore_mem>> -> memref<!tpu.dma_semaphore, #tpu.memory_space<semaphore_mem>>
    %dma_start3A_723 = arith.constant 0 : i32
    %dma_start3A_724 = tpu.memref_slice %arg7[%dma_start3A_713, %dma_start3A_723] : memref<4x128xi32, #tpu.memory_space<vmem>> -> memref<1x128xi32, #tpu.memory_space<vmem>>
    %dma_start3A_725 = tpu.memref_squeeze %dma_start3A_724 : memref<1x128xi32, #tpu.memory_space<vmem>> -> memref<128xi32, #tpu.memory_space<vmem>>
    %dma_start3A_726 = arith.constant 0 : i32
    %dma_start3A_727 = tpu.memref_slice %arg3[%dma_start3A_712, %min3A_692, %dma_start3A_726] : memref<2x2500x128xi32, #tpu.memory_space<hbm>> -> memref<1x1x128xi32, #tpu.memory_space<hbm>>
    %dma_start3A_728 = tpu.memref_squeeze %dma_start3A_727 : memref<1x1x128xi32, #tpu.memory_space<hbm>> -> memref<128xi32, #tpu.memory_space<hbm>>
    tpu.enqueue_dma source(%dma_start3A_728 : memref<128xi32, #tpu.memory_space<hbm>>) target(%dma_start3A_725 : memref<128xi32, #tpu.memory_space<vmem>>) target_semaphore(%dma_start3A_722 : memref<!tpu.dma_semaphore, #tpu.memory_space<semaphore_mem>>)
    %dma_start3A_729 = arith.constant 1 : i32
    %dma_start3A_730 = arith.constant 128 : i32
    %dma_start3A_731 = arith.constant 0 : i32
    %dma_start3A_732 = tpu.memref_slice %arg8[%dma_start3A_730, %dma_start3A_731] : memref<512x16xf32, #tpu.memory_space<vmem>> -> memref<128x16xf32, #tpu.memory_space<vmem>>
    %dma_start3A_733 = arith.constant 0 : i32
    %dma_start3A_734 = tpu.memref_slice %arg4[%mul3A_694, %dma_start3A_733] : memref<320000x16xf32, #tpu.memory_space<hbm>> -> memref<128x16xf32, #tpu.memory_space<hbm>>
    %dma_start3A_735 = tpu.memref_slice %arg12[%dma_start3A_729] : memref<2x!tpu.dma_semaphore, #tpu.memory_space<semaphore_mem>> -> memref<1x!tpu.dma_semaphore, #tpu.memory_space<semaphore_mem>>
    %dma_start3A_736 = tpu.memref_squeeze %dma_start3A_735 : memref<1x!tpu.dma_semaphore, #tpu.memory_space<semaphore_mem>> -> memref<!tpu.dma_semaphore, #tpu.memory_space<semaphore_mem>>
    %dma_start3A_737 = arith.constant 128 : i32
    %dma_start3A_738 = arith.constant 0 : i32
    %dma_start3A_739 = tpu.memref_slice %arg8[%dma_start3A_737, %dma_start3A_738] : memref<512x16xf32, #tpu.memory_space<vmem>> -> memref<128x16xf32, #tpu.memory_space<vmem>>
    %dma_start3A_740 = arith.constant 0 : i32
    %dma_start3A_741 = tpu.memref_slice %arg4[%mul3A_694, %dma_start3A_740] : memref<320000x16xf32, #tpu.memory_space<hbm>> -> memref<128x16xf32, #tpu.memory_space<hbm>>
    tpu.enqueue_dma source(%dma_start3A_741 : memref<128x16xf32, #tpu.memory_space<hbm>>) target(%dma_start3A_739 : memref<128x16xf32, #tpu.memory_space<vmem>>) target_semaphore(%dma_start3A_736 : memref<!tpu.dma_semaphore, #tpu.memory_space<semaphore_mem>>)
    %mul3A_742 = arith.constant 80 : i32
    %mul3A_743 = arith.muli %add3A, %mul3A_742 : i32
    %add3A_744 = arith.constant 4 : i32
    %add3A_745 = arith.addi %mul3A_743, %add3A_744 : i32
    %min3A_746 = arith.constant 2499 : i32
    %min3A_747 = arith.minsi %add3A_745, %min3A_746 : i32
    %mul3A_748 = arith.constant 128 : i32
    %mul3A_749 = arith.muli %min3A_747, %mul3A_748 : i32
    %dma_wait3A_750 = arith.constant 0 : i32
    %dma_wait3A_751 = arith.constant 0 : i32
    %dma_wait3A_752 = arith.constant 0 : i32
    %dma_wait3A_753 = arith.constant 0 : i32
    %dma_wait3A_754 = tpu.memref_slice %arg6[%dma_wait3A_751, %dma_wait3A_753] : memref<4x128xi32, #tpu.memory_space<vmem>> -> memref<1x128xi32, #tpu.memory_space<vmem>>
    %dma_wait3A_755 = tpu.memref_squeeze %dma_wait3A_754 : memref<1x128xi32, #tpu.memory_space<vmem>> -> memref<128xi32, #tpu.memory_space<vmem>>
    %dma_wait3A_756 = arith.constant 0 : i32
    %dma_wait3A_757 = tpu.memref_slice %arg3[%dma_wait3A_750, %min3A_747, %dma_wait3A_756] : memref<2x2500x128xi32, #tpu.memory_space<hbm>> -> memref<1x1x128xi32, #tpu.memory_space<hbm>>
    %dma_wait3A_758 = tpu.memref_squeeze %dma_wait3A_757 : memref<1x1x128xi32, #tpu.memory_space<hbm>> -> memref<128xi32, #tpu.memory_space<hbm>>
    %dma_wait3A_759 = tpu.memref_slice %arg12[%dma_wait3A_752] : memref<2x!tpu.dma_semaphore, #tpu.memory_space<semaphore_mem>> -> memref<1x!tpu.dma_semaphore, #tpu.memory_space<semaphore_mem>>
    %dma_wait3A_760 = tpu.memref_squeeze %dma_wait3A_759 : memref<1x!tpu.dma_semaphore, #tpu.memory_space<semaphore_mem>> -> memref<!tpu.dma_semaphore, #tpu.memory_space<semaphore_mem>>
    %dma_wait3A_761 = arith.constant 0 : i32
    %dma_wait3A_762 = tpu.memref_slice %arg6[%dma_wait3A_751, %dma_wait3A_761] : memref<4x128xi32, #tpu.memory_space<vmem>> -> memref<1x128xi32, #tpu.memory_space<vmem>>
    %dma_wait3A_763 = tpu.memref_squeeze %dma_wait3A_762 : memref<1x128xi32, #tpu.memory_space<vmem>> -> memref<128xi32, #tpu.memory_space<vmem>>
    %dma_wait3A_764 = arith.constant 0 : i32
    %dma_wait3A_765 = tpu.memref_slice %arg3[%dma_wait3A_750, %min3A_747, %dma_wait3A_764] : memref<2x2500x128xi32, #tpu.memory_space<hbm>> -> memref<1x1x128xi32, #tpu.memory_space<hbm>>
    %dma_wait3A_766 = tpu.memref_squeeze %dma_wait3A_765 : memref<1x1x128xi32, #tpu.memory_space<hbm>> -> memref<128xi32, #tpu.memory_space<hbm>>
    tpu.wait_dma2 semaphore(%dma_wait3A_760 : memref<!tpu.dma_semaphore, #tpu.memory_space<semaphore_mem>>) src(%dma_wait3A_766 : memref<128xi32, #tpu.memory_space<hbm>>) dst(%dma_wait3A_763 : memref<128xi32, #tpu.memory_space<vmem>>)
    %dma_wait3A_767 = arith.constant 1 : i32
    %dma_wait3A_768 = arith.constant 0 : i32
    %dma_wait3A_769 = arith.constant 0 : i32
    %dma_wait3A_770 = arith.constant 0 : i32
    %dma_wait3A_771 = tpu.memref_slice %arg7[%dma_wait3A_768, %dma_wait3A_770] : memref<4x128xi32, #tpu.memory_space<vmem>> -> memref<1x128xi32, #tpu.memory_space<vmem>>
    %dma_wait3A_772 = tpu.memref_squeeze %dma_wait3A_771 : memref<1x128xi32, #tpu.memory_space<vmem>> -> memref<128xi32, #tpu.memory_space<vmem>>
    %dma_wait3A_773 = arith.constant 0 : i32
    %dma_wait3A_774 = tpu.memref_slice %arg3[%dma_wait3A_767, %min3A_747, %dma_wait3A_773] : memref<2x2500x128xi32, #tpu.memory_space<hbm>> -> memref<1x1x128xi32, #tpu.memory_space<hbm>>
    %dma_wait3A_775 = tpu.memref_squeeze %dma_wait3A_774 : memref<1x1x128xi32, #tpu.memory_space<hbm>> -> memref<128xi32, #tpu.memory_space<hbm>>
    %dma_wait3A_776 = tpu.memref_slice %arg12[%dma_wait3A_769] : memref<2x!tpu.dma_semaphore, #tpu.memory_space<semaphore_mem>> -> memref<1x!tpu.dma_semaphore, #tpu.memory_space<semaphore_mem>>
    %dma_wait3A_777 = tpu.memref_squeeze %dma_wait3A_776 : memref<1x!tpu.dma_semaphore, #tpu.memory_space<semaphore_mem>> -> memref<!tpu.dma_semaphore, #tpu.memory_space<semaphore_mem>>
    %dma_wait3A_778 = arith.constant 0 : i32
    %dma_wait3A_779 = tpu.memref_slice %arg7[%dma_wait3A_768, %dma_wait3A_778] : memref<4x128xi32, #tpu.memory_space<vmem>> -> memref<1x128xi32, #tpu.memory_space<vmem>>
    %dma_wait3A_780 = tpu.memref_squeeze %dma_wait3A_779 : memref<1x128xi32, #tpu.memory_space<vmem>> -> memref<128xi32, #tpu.memory_space<vmem>>
    %dma_wait3A_781 = arith.constant 0 : i32
    %dma_wait3A_782 = tpu.memref_slice %arg3[%dma_wait3A_767, %min3A_747, %dma_wait3A_781] : memref<2x2500x128xi32, #tpu.memory_space<hbm>> -> memref<1x1x128xi32, #tpu.memory_space<hbm>>
    %dma_wait3A_783 = tpu.memref_squeeze %dma_wait3A_782 : memref<1x1x128xi32, #tpu.memory_space<hbm>> -> memref<128xi32, #tpu.memory_space<hbm>>
    tpu.wait_dma2 semaphore(%dma_wait3A_777 : memref<!tpu.dma_semaphore, #tpu.memory_space<semaphore_mem>>) src(%dma_wait3A_783 : memref<128xi32, #tpu.memory_space<hbm>>) dst(%dma_wait3A_780 : memref<128xi32, #tpu.memory_space<vmem>>)
    %dma_wait3A_784 = arith.constant 0 : i32
    %dma_wait3A_785 = arith.constant 0 : i32
    %dma_wait3A_786 = arith.constant 0 : i32
    %dma_wait3A_787 = tpu.memref_slice %arg8[%dma_wait3A_785, %dma_wait3A_786] : memref<512x16xf32, #tpu.memory_space<vmem>> -> memref<128x16xf32, #tpu.memory_space<vmem>>
    %dma_wait3A_788 = arith.constant 0 : i32
    %dma_wait3A_789 = tpu.memref_slice %arg4[%mul3A_749, %dma_wait3A_788] : memref<320000x16xf32, #tpu.memory_space<hbm>> -> memref<128x16xf32, #tpu.memory_space<hbm>>
    %dma_wait3A_790 = tpu.memref_slice %arg12[%dma_wait3A_784] : memref<2x!tpu.dma_semaphore, #tpu.memory_space<semaphore_mem>> -> memref<1x!tpu.dma_semaphore, #tpu.memory_space<semaphore_mem>>
    %dma_wait3A_791 = tpu.memref_squeeze %dma_wait3A_790 : memref<1x!tpu.dma_semaphore, #tpu.memory_space<semaphore_mem>> -> memref<!tpu.dma_semaphore, #tpu.memory_space<semaphore_mem>>
    %dma_wait3A_792 = arith.constant 0 : i32
    %dma_wait3A_793 = arith.constant 0 : i32
    %dma_wait3A_794 = tpu.memref_slice %arg8[%dma_wait3A_792, %dma_wait3A_793] : memref<512x16xf32, #tpu.memory_space<vmem>> -> memref<128x16xf32, #tpu.memory_space<vmem>>
    %dma_wait3A_795 = arith.constant 0 : i32
    %dma_wait3A_796 = tpu.memref_slice %arg4[%mul3A_749, %dma_wait3A_795] : memref<320000x16xf32, #tpu.memory_space<hbm>> -> memref<128x16xf32, #tpu.memory_space<hbm>>
    tpu.wait_dma2 semaphore(%dma_wait3A_791 : memref<!tpu.dma_semaphore, #tpu.memory_space<semaphore_mem>>) src(%dma_wait3A_796 : memref<128x16xf32, #tpu.memory_space<hbm>>) dst(%dma_wait3A_794 : memref<128x16xf32, #tpu.memory_space<vmem>>)
    %dma_start3A_797 = arith.constant 0 : i32
    %dma_start3A_798 = arith.constant 0 : i32
    %dma_start3A_799 = arith.constant 0 : i32
    %dma_start3A_800 = arith.constant 0 : i32
    %dma_start3A_801 = tpu.memref_slice %arg9[%dma_start3A_799, %dma_start3A_800] : memref<512x16xf32, #tpu.memory_space<vmem>> -> memref<128x16xf32, #tpu.memory_space<vmem>>
    %dma_start3A_802 = arith.constant 0 : i32
    %dma_start3A_803 = tpu.memref_slice %arg7[%dma_start3A_797, %dma_start3A_802] : memref<4x128xi32, #tpu.memory_space<vmem>> -> memref<1x128xi32, #tpu.memory_space<vmem>>
    %dma_start3A_804 = tpu.memref_squeeze %dma_start3A_803 : memref<1x128xi32, #tpu.memory_space<vmem>> -> memref<128xi32, #tpu.memory_space<vmem>>
    %dma_start3A_805 = arith.constant 0 : i32
    %dma_start3A_806 = arith.constant 0 : i32
    %dma_start3A_807 = tpu.memref_slice %arg2[%dma_start3A_805, %dma_start3A_806] : memref<10000x16xf32, #tpu.memory_space<hbm>> -> memref<10000x16xf32, #tpu.memory_space<hbm>>
    %dma_start3A_808 = tpu.memref_slice %arg13[%dma_start3A_798] : memref<2x!tpu.dma_semaphore, #tpu.memory_space<semaphore_mem>> -> memref<1x!tpu.dma_semaphore, #tpu.memory_space<semaphore_mem>>
    %dma_start3A_809 = tpu.memref_squeeze %dma_start3A_808 : memref<1x!tpu.dma_semaphore, #tpu.memory_space<semaphore_mem>> -> memref<!tpu.dma_semaphore, #tpu.memory_space<semaphore_mem>>
    tpu.enqueue_indirect_dma source(%dma_start3A_807 : memref<10000x16xf32, #tpu.memory_space<hbm>>) target(%dma_start3A_801 : memref<128x16xf32, #tpu.memory_space<vmem>>) offsets(%dma_start3A_804 : memref<128xi32, #tpu.memory_space<vmem>>) semaphore(%dma_start3A_809 : memref<!tpu.dma_semaphore, #tpu.memory_space<semaphore_mem>>)
    %dma_wait3A_810 = arith.constant 3 : i32
    %dma_wait3A_811 = arith.constant 1 : i32
    %dma_wait3A_812 = arith.constant 384 : i32
    %dma_wait3A_813 = arith.constant 0 : i32
    %dma_wait3A_814 = tpu.memref_slice %arg9[%dma_wait3A_812, %dma_wait3A_813] : memref<512x16xf32, #tpu.memory_space<vmem>> -> memref<128x16xf32, #tpu.memory_space<vmem>>
    %dma_wait3A_815 = arith.constant 0 : i32
    %dma_wait3A_816 = tpu.memref_slice %arg7[%dma_wait3A_810, %dma_wait3A_815] : memref<4x128xi32, #tpu.memory_space<vmem>> -> memref<1x128xi32, #tpu.memory_space<vmem>>
    %dma_wait3A_817 = tpu.memref_squeeze %dma_wait3A_816 : memref<1x128xi32, #tpu.memory_space<vmem>> -> memref<128xi32, #tpu.memory_space<vmem>>
    %dma_wait3A_818 = arith.constant 0 : i32
    %dma_wait3A_819 = arith.constant 0 : i32
    %dma_wait3A_820 = tpu.memref_slice %arg2[%dma_wait3A_818, %dma_wait3A_819] : memref<10000x16xf32, #tpu.memory_space<hbm>> -> memref<10000x16xf32, #tpu.memory_space<hbm>>
    %dma_wait3A_821 = tpu.memref_slice %arg13[%dma_wait3A_811] : memref<2x!tpu.dma_semaphore, #tpu.memory_space<semaphore_mem>> -> memref<1x!tpu.dma_semaphore, #tpu.memory_space<semaphore_mem>>
    %dma_wait3A_822 = tpu.memref_squeeze %dma_wait3A_821 : memref<1x!tpu.dma_semaphore, #tpu.memory_space<semaphore_mem>> -> memref<!tpu.dma_semaphore, #tpu.memory_space<semaphore_mem>>
    tpu.wait_indirect_dma semaphore(%dma_wait3A_822 : memref<!tpu.dma_semaphore, #tpu.memory_space<semaphore_mem>>) src(%dma_wait3A_820 : memref<10000x16xf32, #tpu.memory_space<hbm>>) dst(%dma_wait3A_814 : memref<128x16xf32, #tpu.memory_space<vmem>>)
    %mul3A_823 = arith.constant 80 : i32
    %mul3A_824 = arith.muli %add3A, %mul3A_823 : i32
    %add3A_825 = arith.constant 3 : i32
    %add3A_826 = arith.addi %mul3A_824, %add3A_825 : i32
    %lt3A_827 = arith.constant 2500 : i32
    %lt3A_828 = arith.cmpi slt, %add3A_826, %lt3A_827 : i32
    %jit3A_829 = arith.constant 1.000000e+00 : f32
    %jit3A_830 = arith.constant 0.000000e+00 : f32
    %select_n3A_831 = arith.select %lt3A_828, %jit3A_829, %jit3A_830 : f32
    %parallel_loop3A_832 = arith.constant 0 : i32
    %parallel_loop3A_833 = arith.constant 128 : i32
    %parallel_loop3A_834 = arith.constant 1 : i32
    scf.for %parallel_loop3A_1402 = %parallel_loop3A_832 to %parallel_loop3A_833 step %parallel_loop3A_834  : i32 {
      %parallel_loop3A_1403 = arith.constant 384 : i32
      %parallel_loop3A_1404 = arith.addi %parallel_loop3A_1403, %parallel_loop3A_1402 : i32
      %parallel_loop3A_1405 = arith.index_cast %parallel_loop3A_1404 : i32 to index
      %parallel_loop3A_1406 = arith.constant 0 : index
      %parallel_loop3A_1407 = tpu.vector_load %arg9[%parallel_loop3A_1405, %parallel_loop3A_1406] {strides = array<i32>} : memref<512x16xf32, #tpu.memory_space<vmem>>, vector<1x16xf32>,
      %parallel_loop3A_1408 = vector.shape_cast %parallel_loop3A_1407 : vector<1x16xf32> to vector<16xf32>
      %parallel_loop3A_1409 = arith.index_cast %parallel_loop3A_1404 : i32 to index
      %parallel_loop3A_1410 = arith.constant 0 : index
      %parallel_loop3A_1411 = tpu.vector_load %arg8[%parallel_loop3A_1409, %parallel_loop3A_1410] {strides = array<i32>} : memref<512x16xf32, #tpu.memory_space<vmem>>, vector<1x16xf32>,
      %parallel_loop3A_1412 = vector.shape_cast %parallel_loop3A_1411 : vector<1x16xf32> to vector<16xf32>
      %parallel_loop3A_1413 = arith.mulf %parallel_loop3A_1408, %parallel_loop3A_1412 : vector<16xf32>
      %parallel_loop3A_1414 = vector.broadcast %select_n3A_831 : f32 to vector<16xf32>
      %parallel_loop3A_1415 = arith.mulf %parallel_loop3A_1413, %parallel_loop3A_1414 : vector<16xf32>
      %parallel_loop3A_1416 = arith.index_cast %parallel_loop3A_1404 : i32 to index
      %parallel_loop3A_1417 = arith.constant 0 : index
      %parallel_loop3A_1418 = tpu.vector_load %arg9[%parallel_loop3A_1416, %parallel_loop3A_1417] {strides = array<i32>} : memref<512x16xf32, #tpu.memory_space<vmem>>, vector<1x16xf32>,
      %parallel_loop3A_1419 = vector.shape_cast %parallel_loop3A_1418 : vector<1x16xf32> to vector<16xf32>
      %parallel_loop3A_1420 = vector.shape_cast %parallel_loop3A_1415 : vector<16xf32> to vector<1x16xf32>
      tpu.vector_store %arg9[%parallel_loop3A_1416, %parallel_loop3A_1417], %parallel_loop3A_1420 {strides = array<i32>} : memref<512x16xf32, #tpu.memory_space<vmem>>, vector<1x16xf32>,
    } {sc.loop_unroll_factor = 8 : i64, sc.parallel_access}
    %dma_start3A_835 = arith.constant 3 : i32
    %dma_start3A_836 = arith.constant 1 : i32
    %dma_start3A_837 = arith.constant 384 : i32
    %dma_start3A_838 = arith.constant 0 : i32
    %dma_start3A_839 = tpu.memref_slice %arg9[%dma_start3A_837, %dma_start3A_838] : memref<512x16xf32, #tpu.memory_space<vmem>> -> memref<128x16xf32, #tpu.memory_space<vmem>>
    %dma_start3A_840 = arith.constant 0 : i32
    %dma_start3A_841 = tpu.memref_slice %arg6[%dma_start3A_835, %dma_start3A_840] : memref<4x128xi32, #tpu.memory_space<vmem>> -> memref<1x128xi32, #tpu.memory_space<vmem>>
    %dma_start3A_842 = tpu.memref_squeeze %dma_start3A_841 : memref<1x128xi32, #tpu.memory_space<vmem>> -> memref<128xi32, #tpu.memory_space<vmem>>
    %dma_start3A_843 = arith.constant 0 : i32
    %dma_start3A_844 = arith.constant 0 : i32
    %dma_start3A_845 = tpu.memref_slice %arg11[%dma_start3A_843, %dma_start3A_844] : memref<10112x16xf32, #tpu.memory_space<vmem_shared>> -> memref<10112x16xf32, #tpu.memory_space<vmem_shared>>
    %dma_start3A_846 = tpu.memref_slice %arg14[%dma_start3A_836] : memref<2x!tpu.dma_semaphore, #tpu.memory_space<semaphore_mem>> -> memref<1x!tpu.dma_semaphore, #tpu.memory_space<semaphore_mem>>
    %dma_start3A_847 = tpu.memref_squeeze %dma_start3A_846 : memref<1x!tpu.dma_semaphore, #tpu.memory_space<semaphore_mem>> -> memref<!tpu.dma_semaphore, #tpu.memory_space<semaphore_mem>>
    tpu.enqueue_indirect_dma source(%dma_start3A_839 : memref<128x16xf32, #tpu.memory_space<vmem>>) target(%dma_start3A_845 : memref<10112x16xf32, #tpu.memory_space<vmem_shared>>) offsets(%dma_start3A_842 : memref<128xi32, #tpu.memory_space<vmem>>) semaphore(%dma_start3A_847 : memref<!tpu.dma_semaphore, #tpu.memory_space<semaphore_mem>>) {add = true}
    %scan3A = arith.constant 0 : i32
    %scan3A_848 = arith.constant 1 : i32
    %scan3A_849 = arith.constant 18 : i32
    %scan3A_850 = arith.addi %scan3A_848, %scan3A_849 : i32
    %scan3A_851 = arith.constant 1 : i32
    scf.for %scan3A_1402 = %scan3A_848 to %scan3A_850 step %scan3A_851  : i32 {
      %mul3A_1403 = arith.constant 4 : i32
      %mul3A_1404 = arith.muli %scan3A_1402, %mul3A_1403 : i32
      %add3A_1405 = arith.constant 0 : i32
      %add3A_1406 = arith.addi %mul3A_1404, %add3A_1405 : i32
      %dma_wait3A_1407 = arith.constant 2 : i32
      %dma_wait3A_1408 = arith.constant 0 : i32
      %dma_wait3A_1409 = arith.constant 256 : i32
      %dma_wait3A_1410 = arith.constant 0 : i32
      %dma_wait3A_1411 = tpu.memref_slice %arg9[%dma_wait3A_1409, %dma_wait3A_1410] : memref<512x16xf32, #tpu.memory_space<vmem>> -> memref<128x16xf32, #tpu.memory_space<vmem>>
      %dma_wait3A_1412 = arith.constant 0 : i32
      %dma_wait3A_1413 = tpu.memref_slice %arg6[%dma_wait3A_1407, %dma_wait3A_1412] : memref<4x128xi32, #tpu.memory_space<vmem>> -> memref<1x128xi32, #tpu.memory_space<vmem>>
      %dma_wait3A_1414 = tpu.memref_squeeze %dma_wait3A_1413 : memref<1x128xi32, #tpu.memory_space<vmem>> -> memref<128xi32, #tpu.memory_space<vmem>>
      %dma_wait3A_1415 = arith.constant 0 : i32
      %dma_wait3A_1416 = arith.constant 0 : i32
      %dma_wait3A_1417 = tpu.memref_slice %arg11[%dma_wait3A_1415, %dma_wait3A_1416] : memref<10112x16xf32, #tpu.memory_space<vmem_shared>> -> memref<10112x16xf32, #tpu.memory_space<vmem_shared>>
      %dma_wait3A_1418 = tpu.memref_slice %arg14[%dma_wait3A_1408] : memref<2x!tpu.dma_semaphore, #tpu.memory_space<semaphore_mem>> -> memref<1x!tpu.dma_semaphore, #tpu.memory_space<semaphore_mem>>
      %dma_wait3A_1419 = tpu.memref_squeeze %dma_wait3A_1418 : memref<1x!tpu.dma_semaphore, #tpu.memory_space<semaphore_mem>> -> memref<!tpu.dma_semaphore, #tpu.memory_space<semaphore_mem>>
      tpu.wait_indirect_dma semaphore(%dma_wait3A_1419 : memref<!tpu.dma_semaphore, #tpu.memory_space<semaphore_mem>>) src(%dma_wait3A_1411 : memref<128x16xf32, #tpu.memory_space<vmem>>) dst(%dma_wait3A_1417 : memref<10112x16xf32, #tpu.memory_space<vmem_shared>>)
      %add3A_1420 = arith.constant 2 : i32
      %add3A_1421 = arith.addi %add3A_1406, %add3A_1420 : i32
      %mul3A_1422 = arith.constant 80 : i32
      %mul3A_1423 = arith.muli %add3A, %mul3A_1422 : i32
      %add3A_1424 = arith.addi %mul3A_1423, %add3A_1421 : i32
      %min3A_1425 = arith.constant 2499 : i32
      %min3A_1426 = arith.minsi %add3A_1424, %min3A_1425 : i32
      %mul3A_1427 = arith.constant 128 : i32
      %mul3A_1428 = arith.muli %min3A_1426, %mul3A_1427 : i32
      %dma_start3A_1429 = arith.constant 0 : i32
      %dma_start3A_1430 = arith.constant 2 : i32
      %dma_start3A_1431 = arith.constant 0 : i32
      %dma_start3A_1432 = arith.constant 0 : i32
      %dma_start3A_1433 = tpu.memref_slice %arg6[%dma_start3A_1430, %dma_start3A_1432] : memref<4x128xi32, #tpu.memory_space<vmem>> -> memref<1x128xi32, #tpu.memory_space<vmem>>
      %dma_start3A_1434 = tpu.memref_squeeze %dma_start3A_1433 : memref<1x128xi32, #tpu.memory_space<vmem>> -> memref<128xi32, #tpu.memory_space<vmem>>
      %dma_start3A_1435 = arith.constant 0 : i32
      %dma_start3A_1436 = tpu.memref_slice %arg3[%dma_start3A_1429, %min3A_1426, %dma_start3A_1435] : memref<2x2500x128xi32, #tpu.memory_space<hbm>> -> memref<1x1x128xi32, #tpu.memory_space<hbm>>
      %dma_start3A_1437 = tpu.memref_squeeze %dma_start3A_1436 : memref<1x1x128xi32, #tpu.memory_space<hbm>> -> memref<128xi32, #tpu.memory_space<hbm>>
      %dma_start3A_1438 = tpu.memref_slice %arg12[%dma_start3A_1431] : memref<2x!tpu.dma_semaphore, #tpu.memory_space<semaphore_mem>> -> memref<1x!tpu.dma_semaphore, #tpu.memory_space<semaphore_mem>>
      %dma_start3A_1439 = tpu.memref_squeeze %dma_start3A_1438 : memref<1x!tpu.dma_semaphore, #tpu.memory_space<semaphore_mem>> -> memref<!tpu.dma_semaphore, #tpu.memory_space<semaphore_mem>>
      %dma_start3A_1440 = arith.constant 0 : i32
      %dma_start3A_1441 = tpu.memref_slice %arg6[%dma_start3A_1430, %dma_start3A_1440] : memref<4x128xi32, #tpu.memory_space<vmem>> -> memref<1x128xi32, #tpu.memory_space<vmem>>
      %dma_start3A_1442 = tpu.memref_squeeze %dma_start3A_1441 : memref<1x128xi32, #tpu.memory_space<vmem>> -> memref<128xi32, #tpu.memory_space<vmem>>
      %dma_start3A_1443 = arith.constant 0 : i32
      %dma_start3A_1444 = tpu.memref_slice %arg3[%dma_start3A_1429, %min3A_1426, %dma_start3A_1443] : memref<2x2500x128xi32, #tpu.memory_space<hbm>> -> memref<1x1x128xi32, #tpu.memory_space<hbm>>
      %dma_start3A_1445 = tpu.memref_squeeze %dma_start3A_1444 : memref<1x1x128xi32, #tpu.memory_space<hbm>> -> memref<128xi32, #tpu.memory_space<hbm>>
      tpu.enqueue_dma source(%dma_start3A_1445 : memref<128xi32, #tpu.memory_space<hbm>>) target(%dma_start3A_1442 : memref<128xi32, #tpu.memory_space<vmem>>) target_semaphore(%dma_start3A_1439 : memref<!tpu.dma_semaphore, #tpu.memory_space<semaphore_mem>>)
      %dma_start3A_1446 = arith.constant 1 : i32
      %dma_start3A_1447 = arith.constant 2 : i32
      %dma_start3A_1448 = arith.constant 0 : i32
      %dma_start3A_1449 = arith.constant 0 : i32
      %dma_start3A_1450 = tpu.memref_slice %arg7[%dma_start3A_1447, %dma_start3A_1449] : memref<4x128xi32, #tpu.memory_space<vmem>> -> memref<1x128xi32, #tpu.memory_space<vmem>>
      %dma_start3A_1451 = tpu.memref_squeeze %dma_start3A_1450 : memref<1x128xi32, #tpu.memory_space<vmem>> -> memref<128xi32, #tpu.memory_space<vmem>>
      %dma_start3A_1452 = arith.constant 0 : i32
      %dma_start3A_1453 = tpu.memref_slice %arg3[%dma_start3A_1446, %min3A_1426, %dma_start3A_1452] : memref<2x2500x128xi32, #tpu.memory_space<hbm>> -> memref<1x1x128xi32, #tpu.memory_space<hbm>>
      %dma_start3A_1454 = tpu.memref_squeeze %dma_start3A_1453 : memref<1x1x128xi32, #tpu.memory_space<hbm>> -> memref<128xi32, #tpu.memory_space<hbm>>
      %dma_start3A_1455 = tpu.memref_slice %arg12[%dma_start3A_1448] : memref<2x!tpu.dma_semaphore, #tpu.memory_space<semaphore_mem>> -> memref<1x!tpu.dma_semaphore, #tpu.memory_space<semaphore_mem>>
      %dma_start3A_1456 = tpu.memref_squeeze %dma_start3A_1455 : memref<1x!tpu.dma_semaphore, #tpu.memory_space<semaphore_mem>> -> memref<!tpu.dma_semaphore, #tpu.memory_space<semaphore_mem>>
      %dma_start3A_1457 = arith.constant 0 : i32
      %dma_start3A_1458 = tpu.memref_slice %arg7[%dma_start3A_1447, %dma_start3A_1457] : memref<4x128xi32, #tpu.memory_space<vmem>> -> memref<1x128xi32, #tpu.memory_space<vmem>>
      %dma_start3A_1459 = tpu.memref_squeeze %dma_start3A_1458 : memref<1x128xi32, #tpu.memory_space<vmem>> -> memref<128xi32, #tpu.memory_space<vmem>>
      %dma_start3A_1460 = arith.constant 0 : i32
      %dma_start3A_1461 = tpu.memref_slice %arg3[%dma_start3A_1446, %min3A_1426, %dma_start3A_1460] : memref<2x2500x128xi32, #tpu.memory_space<hbm>> -> memref<1x1x128xi32, #tpu.memory_space<hbm>>
      %dma_start3A_1462 = tpu.memref_squeeze %dma_start3A_1461 : memref<1x1x128xi32, #tpu.memory_space<hbm>> -> memref<128xi32, #tpu.memory_space<hbm>>
      tpu.enqueue_dma source(%dma_start3A_1462 : memref<128xi32, #tpu.memory_space<hbm>>) target(%dma_start3A_1459 : memref<128xi32, #tpu.memory_space<vmem>>) target_semaphore(%dma_start3A_1456 : memref<!tpu.dma_semaphore, #tpu.memory_space<semaphore_mem>>)
      %dma_start3A_1463 = arith.constant 0 : i32
      %dma_start3A_1464 = arith.constant 256 : i32
      %dma_start3A_1465 = arith.constant 0 : i32
      %dma_start3A_1466 = tpu.memref_slice %arg8[%dma_start3A_1464, %dma_start3A_1465] : memref<512x16xf32, #tpu.memory_space<vmem>> -> memref<128x16xf32, #tpu.memory_space<vmem>>
      %dma_start3A_1467 = arith.constant 0 : i32
      %dma_start3A_1468 = tpu.memref_slice %arg4[%mul3A_1428, %dma_start3A_1467] : memref<320000x16xf32, #tpu.memory_space<hbm>> -> memref<128x16xf32, #tpu.memory_space<hbm>>
      %dma_start3A_1469 = tpu.memref_slice %arg12[%dma_start3A_1463] : memref<2x!tpu.dma_semaphore, #tpu.memory_space<semaphore_mem>> -> memref<1x!tpu.dma_semaphore, #tpu.memory_space<semaphore_mem>>
      %dma_start3A_1470 = tpu.memref_squeeze %dma_start3A_1469 : memref<1x!tpu.dma_semaphore, #tpu.memory_space<semaphore_mem>> -> memref<!tpu.dma_semaphore, #tpu.memory_space<semaphore_mem>>
      %dma_start3A_1471 = arith.constant 256 : i32
      %dma_start3A_1472 = arith.constant 0 : i32
      %dma_start3A_1473 = tpu.memref_slice %arg8[%dma_start3A_1471, %dma_start3A_1472] : memref<512x16xf32, #tpu.memory_space<vmem>> -> memref<128x16xf32, #tpu.memory_space<vmem>>
      %dma_start3A_1474 = arith.constant 0 : i32
      %dma_start3A_1475 = tpu.memref_slice %arg4[%mul3A_1428, %dma_start3A_1474] : memref<320000x16xf32, #tpu.memory_space<hbm>> -> memref<128x16xf32, #tpu.memory_space<hbm>>
      tpu.enqueue_dma source(%dma_start3A_1475 : memref<128x16xf32, #tpu.memory_space<hbm>>) target(%dma_start3A_1473 : memref<128x16xf32, #tpu.memory_space<vmem>>) target_semaphore(%dma_start3A_1470 : memref<!tpu.dma_semaphore, #tpu.memory_space<semaphore_mem>>)
      %add3A_1476 = arith.constant 1 : i32
      %add3A_1477 = arith.addi %add3A_1406, %add3A_1476 : i32
      %mul3A_1478 = arith.constant 80 : i32
      %mul3A_1479 = arith.muli %add3A, %mul3A_1478 : i32
      %add3A_1480 = arith.addi %mul3A_1479, %add3A_1477 : i32
      %min3A_1481 = arith.constant 2499 : i32
      %min3A_1482 = arith.minsi %add3A_1480, %min3A_1481 : i32
      %mul3A_1483 = arith.constant 128 : i32
      %mul3A_1484 = arith.muli %min3A_1482, %mul3A_1483 : i32
      %dma_wait3A_1485 = arith.constant 0 : i32
      %dma_wait3A_1486 = arith.constant 1 : i32
      %dma_wait3A_1487 = arith.constant 1 : i32
      %dma_wait3A_1488 = arith.constant 0 : i32
      %dma_wait3A_1489 = tpu.memref_slice %arg6[%dma_wait3A_1486, %dma_wait3A_1488] : memref<4x128xi32, #tpu.memory_space<vmem>> -> memref<1x128xi32, #tpu.memory_space<vmem>>
      %dma_wait3A_1490 = tpu.memref_squeeze %dma_wait3A_1489 : memref<1x128xi32, #tpu.memory_space<vmem>> -> memref<128xi32, #tpu.memory_space<vmem>>
      %dma_wait3A_1491 = arith.constant 0 : i32
      %dma_wait3A_1492 = tpu.memref_slice %arg3[%dma_wait3A_1485, %min3A_1482, %dma_wait3A_1491] : memref<2x2500x128xi32, #tpu.memory_space<hbm>> -> memref<1x1x128xi32, #tpu.memory_space<hbm>>
      %dma_wait3A_1493 = tpu.memref_squeeze %dma_wait3A_1492 : memref<1x1x128xi32, #tpu.memory_space<hbm>> -> memref<128xi32, #tpu.memory_space<hbm>>
      %dma_wait3A_1494 = tpu.memref_slice %arg12[%dma_wait3A_1487] : memref<2x!tpu.dma_semaphore, #tpu.memory_space<semaphore_mem>> -> memref<1x!tpu.dma_semaphore, #tpu.memory_space<semaphore_mem>>
      %dma_wait3A_1495 = tpu.memref_squeeze %dma_wait3A_1494 : memref<1x!tpu.dma_semaphore, #tpu.memory_space<semaphore_mem>> -> memref<!tpu.dma_semaphore, #tpu.memory_space<semaphore_mem>>
      %dma_wait3A_1496 = arith.constant 0 : i32
      %dma_wait3A_1497 = tpu.memref_slice %arg6[%dma_wait3A_1486, %dma_wait3A_1496] : memref<4x128xi32, #tpu.memory_space<vmem>> -> memref<1x128xi32, #tpu.memory_space<vmem>>
      %dma_wait3A_1498 = tpu.memref_squeeze %dma_wait3A_1497 : memref<1x128xi32, #tpu.memory_space<vmem>> -> memref<128xi32, #tpu.memory_space<vmem>>
      %dma_wait3A_1499 = arith.constant 0 : i32
      %dma_wait3A_1500 = tpu.memref_slice %arg3[%dma_wait3A_1485, %min3A_1482, %dma_wait3A_1499] : memref<2x2500x128xi32, #tpu.memory_space<hbm>> -> memref<1x1x128xi32, #tpu.memory_space<hbm>>
      %dma_wait3A_1501 = tpu.memref_squeeze %dma_wait3A_1500 : memref<1x1x128xi32, #tpu.memory_space<hbm>> -> memref<128xi32, #tpu.memory_space<hbm>>
      tpu.wait_dma2 semaphore(%dma_wait3A_1495 : memref<!tpu.dma_semaphore, #tpu.memory_space<semaphore_mem>>) src(%dma_wait3A_1501 : memref<128xi32, #tpu.memory_space<hbm>>) dst(%dma_wait3A_1498 : memref<128xi32, #tpu.memory_space<vmem>>)
      %dma_wait3A_1502 = arith.constant 1 : i32
      %dma_wait3A_1503 = arith.constant 1 : i32
      %dma_wait3A_1504 = arith.constant 1 : i32
      %dma_wait3A_1505 = arith.constant 0 : i32
      %dma_wait3A_1506 = tpu.memref_slice %arg7[%dma_wait3A_1503, %dma_wait3A_1505] : memref<4x128xi32, #tpu.memory_space<vmem>> -> memref<1x128xi32, #tpu.memory_space<vmem>>
      %dma_wait3A_1507 = tpu.memref_squeeze %dma_wait3A_1506 : memref<1x128xi32, #tpu.memory_space<vmem>> -> memref<128xi32, #tpu.memory_space<vmem>>
      %dma_wait3A_1508 = arith.constant 0 : i32
      %dma_wait3A_1509 = tpu.memref_slice %arg3[%dma_wait3A_1502, %min3A_1482, %dma_wait3A_1508] : memref<2x2500x128xi32, #tpu.memory_space<hbm>> -> memref<1x1x128xi32, #tpu.memory_space<hbm>>
      %dma_wait3A_1510 = tpu.memref_squeeze %dma_wait3A_1509 : memref<1x1x128xi32, #tpu.memory_space<hbm>> -> memref<128xi32, #tpu.memory_space<hbm>>
      %dma_wait3A_1511 = tpu.memref_slice %arg12[%dma_wait3A_1504] : memref<2x!tpu.dma_semaphore, #tpu.memory_space<semaphore_mem>> -> memref<1x!tpu.dma_semaphore, #tpu.memory_space<semaphore_mem>>
      %dma_wait3A_1512 = tpu.memref_squeeze %dma_wait3A_1511 : memref<1x!tpu.dma_semaphore, #tpu.memory_space<semaphore_mem>> -> memref<!tpu.dma_semaphore, #tpu.memory_space<semaphore_mem>>
      %dma_wait3A_1513 = arith.constant 0 : i32
      %dma_wait3A_1514 = tpu.memref_slice %arg7[%dma_wait3A_1503, %dma_wait3A_1513] : memref<4x128xi32, #tpu.memory_space<vmem>> -> memref<1x128xi32, #tpu.memory_space<vmem>>
      %dma_wait3A_1515 = tpu.memref_squeeze %dma_wait3A_1514 : memref<1x128xi32, #tpu.memory_space<vmem>> -> memref<128xi32, #tpu.memory_space<vmem>>
      %dma_wait3A_1516 = arith.constant 0 : i32
      %dma_wait3A_1517 = tpu.memref_slice %arg3[%dma_wait3A_1502, %min3A_1482, %dma_wait3A_1516] : memref<2x2500x128xi32, #tpu.memory_space<hbm>> -> memref<1x1x128xi32, #tpu.memory_space<hbm>>
      %dma_wait3A_1518 = tpu.memref_squeeze %dma_wait3A_1517 : memref<1x1x128xi32, #tpu.memory_space<hbm>> -> memref<128xi32, #tpu.memory_space<hbm>>
      tpu.wait_dma2 semaphore(%dma_wait3A_1512 : memref<!tpu.dma_semaphore, #tpu.memory_space<semaphore_mem>>) src(%dma_wait3A_1518 : memref<128xi32, #tpu.memory_space<hbm>>) dst(%dma_wait3A_1515 : memref<128xi32, #tpu.memory_space<vmem>>)
      %dma_wait3A_1519 = arith.constant 1 : i32
      %dma_wait3A_1520 = arith.constant 128 : i32
      %dma_wait3A_1521 = arith.constant 0 : i32
      %dma_wait3A_1522 = tpu.memref_slice %arg8[%dma_wait3A_1520, %dma_wait3A_1521] : memref<512x16xf32, #tpu.memory_space<vmem>> -> memref<128x16xf32, #tpu.memory_space<vmem>>
      %dma_wait3A_1523 = arith.constant 0 : i32
      %dma_wait3A_1524 = tpu.memref_slice %arg4[%mul3A_1484, %dma_wait3A_1523] : memref<320000x16xf32, #tpu.memory_space<hbm>> -> memref<128x16xf32, #tpu.memory_space<hbm>>
      %dma_wait3A_1525 = tpu.memref_slice %arg12[%dma_wait3A_1519] : memref<2x!tpu.dma_semaphore, #tpu.memory_space<semaphore_mem>> -> memref<1x!tpu.dma_semaphore, #tpu.memory_space<semaphore_mem>>
      %dma_wait3A_1526 = tpu.memref_squeeze %dma_wait3A_1525 : memref<1x!tpu.dma_semaphore, #tpu.memory_space<semaphore_mem>> -> memref<!tpu.dma_semaphore, #tpu.memory_space<semaphore_mem>>
      %dma_wait3A_1527 = arith.constant 128 : i32
      %dma_wait3A_1528 = arith.constant 0 : i32
      %dma_wait3A_1529 = tpu.memref_slice %arg8[%dma_wait3A_1527, %dma_wait3A_1528] : memref<512x16xf32, #tpu.memory_space<vmem>> -> memref<128x16xf32, #tpu.memory_space<vmem>>
      %dma_wait3A_1530 = arith.constant 0 : i32
      %dma_wait3A_1531 = tpu.memref_slice %arg4[%mul3A_1484, %dma_wait3A_1530] : memref<320000x16xf32, #tpu.memory_space<hbm>> -> memref<128x16xf32, #tpu.memory_space<hbm>>
      tpu.wait_dma2 semaphore(%dma_wait3A_1526 : memref<!tpu.dma_semaphore, #tpu.memory_space<semaphore_mem>>) src(%dma_wait3A_1531 : memref<128x16xf32, #tpu.memory_space<hbm>>) dst(%dma_wait3A_1529 : memref<128x16xf32, #tpu.memory_space<vmem>>)
      %dma_start3A_1532 = arith.constant 1 : i32
      %dma_start3A_1533 = arith.constant 1 : i32
      %dma_start3A_1534 = arith.constant 128 : i32
      %dma_start3A_1535 = arith.constant 0 : i32
      %dma_start3A_1536 = tpu.memref_slice %arg9[%dma_start3A_1534, %dma_start3A_1535] : memref<512x16xf32, #tpu.memory_space<vmem>> -> memref<128x16xf32, #tpu.memory_space<vmem>>
      %dma_start3A_1537 = arith.constant 0 : i32
      %dma_start3A_1538 = tpu.memref_slice %arg7[%dma_start3A_1532, %dma_start3A_1537] : memref<4x128xi32, #tpu.memory_space<vmem>> -> memref<1x128xi32, #tpu.memory_space<vmem>>
      %dma_start3A_1539 = tpu.memref_squeeze %dma_start3A_1538 : memref<1x128xi32, #tpu.memory_space<vmem>> -> memref<128xi32, #tpu.memory_space<vmem>>
      %dma_start3A_1540 = arith.constant 0 : i32
      %dma_start3A_1541 = arith.constant 0 : i32
      %dma_start3A_1542 = tpu.memref_slice %arg2[%dma_start3A_1540, %dma_start3A_1541] : memref<10000x16xf32, #tpu.memory_space<hbm>> -> memref<10000x16xf32, #tpu.memory_space<hbm>>
      %dma_start3A_1543 = tpu.memref_slice %arg13[%dma_start3A_1533] : memref<2x!tpu.dma_semaphore, #tpu.memory_space<semaphore_mem>> -> memref<1x!tpu.dma_semaphore, #tpu.memory_space<semaphore_mem>>
      %dma_start3A_1544 = tpu.memref_squeeze %dma_start3A_1543 : memref<1x!tpu.dma_semaphore, #tpu.memory_space<semaphore_mem>> -> memref<!tpu.dma_semaphore, #tpu.memory_space<semaphore_mem>>
      tpu.enqueue_indirect_dma source(%dma_start3A_1542 : memref<10000x16xf32, #tpu.memory_space<hbm>>) target(%dma_start3A_1536 : memref<128x16xf32, #tpu.memory_space<vmem>>) offsets(%dma_start3A_1539 : memref<128xi32, #tpu.memory_space<vmem>>) semaphore(%dma_start3A_1544 : memref<!tpu.dma_semaphore, #tpu.memory_space<semaphore_mem>>)
      %dma_wait3A_1545 = arith.constant 0 : i32
      %dma_wait3A_1546 = arith.constant 0 : i32
      %dma_wait3A_1547 = arith.constant 0 : i32
      %dma_wait3A_1548 = arith.constant 0 : i32
      %dma_wait3A_1549 = tpu.memref_slice %arg9[%dma_wait3A_1547, %dma_wait3A_1548] : memref<512x16xf32, #tpu.memory_space<vmem>> -> memref<128x16xf32, #tpu.memory_space<vmem>>
      %dma_wait3A_1550 = arith.constant 0 : i32
      %dma_wait3A_1551 = tpu.memref_slice %arg7[%dma_wait3A_1545, %dma_wait3A_1550] : memref<4x128xi32, #tpu.memory_space<vmem>> -> memref<1x128xi32, #tpu.memory_space<vmem>>
      %dma_wait3A_1552 = tpu.memref_squeeze %dma_wait3A_1551 : memref<1x128xi32, #tpu.memory_space<vmem>> -> memref<128xi32, #tpu.memory_space<vmem>>
      %dma_wait3A_1553 = arith.constant 0 : i32
      %dma_wait3A_1554 = arith.constant 0 : i32
      %dma_wait3A_1555 = tpu.memref_slice %arg2[%dma_wait3A_1553, %dma_wait3A_1554] : memref<10000x16xf32, #tpu.memory_space<hbm>> -> memref<10000x16xf32, #tpu.memory_space<hbm>>
      %dma_wait3A_1556 = tpu.memref_slice %arg13[%dma_wait3A_1546] : memref<2x!tpu.dma_semaphore, #tpu.memory_space<semaphore_mem>> -> memref<1x!tpu.dma_semaphore, #tpu.memory_space<semaphore_mem>>
      %dma_wait3A_1557 = tpu.memref_squeeze %dma_wait3A_1556 : memref<1x!tpu.dma_semaphore, #tpu.memory_space<semaphore_mem>> -> memref<!tpu.dma_semaphore, #tpu.memory_space<semaphore_mem>>
      tpu.wait_indirect_dma semaphore(%dma_wait3A_1557 : memref<!tpu.dma_semaphore, #tpu.memory_space<semaphore_mem>>) src(%dma_wait3A_1555 : memref<10000x16xf32, #tpu.memory_space<hbm>>) dst(%dma_wait3A_1549 : memref<128x16xf32, #tpu.memory_space<vmem>>)
      %mul3A_1558 = arith.constant 80 : i32
      %mul3A_1559 = arith.muli %add3A, %mul3A_1558 : i32
      %add3A_1560 = arith.addi %mul3A_1559, %add3A_1406 : i32
      %lt3A_1561 = arith.constant 2500 : i32
      %lt3A_1562 = arith.cmpi slt, %add3A_1560, %lt3A_1561 : i32
      %jit3A_1563 = arith.constant 1.000000e+00 : f32
      %jit3A_1564 = arith.constant 0.000000e+00 : f32
      %select_n3A_1565 = arith.select %lt3A_1562, %jit3A_1563, %jit3A_1564 : f32
      %parallel_loop3A_1566 = arith.constant 0 : i32
      %parallel_loop3A_1567 = arith.constant 128 : i32
      %parallel_loop3A_1568 = arith.constant 1 : i32
      scf.for %parallel_loop3A_2119 = %parallel_loop3A_1566 to %parallel_loop3A_1567 step %parallel_loop3A_1568  : i32 {
        %parallel_loop3A_2120 = arith.constant 0 : i32
        %parallel_loop3A_2121 = arith.addi %parallel_loop3A_2120, %parallel_loop3A_2119 : i32
        %parallel_loop3A_2122 = arith.index_cast %parallel_loop3A_2121 : i32 to index
        %parallel_loop3A_2123 = arith.constant 0 : index
        %parallel_loop3A_2124 = tpu.vector_load %arg9[%parallel_loop3A_2122, %parallel_loop3A_2123] {strides = array<i32>} : memref<512x16xf32, #tpu.memory_space<vmem>>, vector<1x16xf32>,
        %parallel_loop3A_2125 = vector.shape_cast %parallel_loop3A_2124 : vector<1x16xf32> to vector<16xf32>
        %parallel_loop3A_2126 = arith.index_cast %parallel_loop3A_2121 : i32 to index
        %parallel_loop3A_2127 = arith.constant 0 : index
        %parallel_loop3A_2128 = tpu.vector_load %arg8[%parallel_loop3A_2126, %parallel_loop3A_2127] {strides = array<i32>} : memref<512x16xf32, #tpu.memory_space<vmem>>, vector<1x16xf32>,
        %parallel_loop3A_2129 = vector.shape_cast %parallel_loop3A_2128 : vector<1x16xf32> to vector<16xf32>
        %parallel_loop3A_2130 = arith.mulf %parallel_loop3A_2125, %parallel_loop3A_2129 : vector<16xf32>
        %parallel_loop3A_2131 = vector.broadcast %select_n3A_1565 : f32 to vector<16xf32>
        %parallel_loop3A_2132 = arith.mulf %parallel_loop3A_2130, %parallel_loop3A_2131 : vector<16xf32>
        %parallel_loop3A_2133 = arith.index_cast %parallel_loop3A_2121 : i32 to index
        %parallel_loop3A_2134 = arith.constant 0 : index
        %parallel_loop3A_2135 = tpu.vector_load %arg9[%parallel_loop3A_2133, %parallel_loop3A_2134] {strides = array<i32>} : memref<512x16xf32, #tpu.memory_space<vmem>>, vector<1x16xf32>,
        %parallel_loop3A_2136 = vector.shape_cast %parallel_loop3A_2135 : vector<1x16xf32> to vector<16xf32>
        %parallel_loop3A_2137 = vector.shape_cast %parallel_loop3A_2132 : vector<16xf32> to vector<1x16xf32>
        tpu.vector_store %arg9[%parallel_loop3A_2133, %parallel_loop3A_2134], %parallel_loop3A_2137 {strides = array<i32>} : memref<512x16xf32, #tpu.memory_space<vmem>>, vector<1x16xf32>,
      } {sc.loop_unroll_factor = 8 : i64, sc.parallel_access}
      %dma_start3A_1569 = arith.constant 0 : i32
      %dma_start3A_1570 = arith.constant 0 : i32
      %dma_start3A_1571 = arith.constant 0 : i32
      %dma_start3A_1572 = arith.constant 0 : i32
      %dma_start3A_1573 = tpu.memref_slice %arg9[%dma_start3A_1571, %dma_start3A_1572] : memref<512x16xf32, #tpu.memory_space<vmem>> -> memref<128x16xf32, #tpu.memory_space<vmem>>
      %dma_start3A_1574 = arith.constant 0 : i32
      %dma_start3A_1575 = tpu.memref_slice %arg6[%dma_start3A_1569, %dma_start3A_1574] : memref<4x128xi32, #tpu.memory_space<vmem>> -> memref<1x128xi32, #tpu.memory_space<vmem>>
      %dma_start3A_1576 = tpu.memref_squeeze %dma_start3A_1575 : memref<1x128xi32, #tpu.memory_space<vmem>> -> memref<128xi32, #tpu.memory_space<vmem>>
      %dma_start3A_1577 = arith.constant 0 : i32
      %dma_start3A_1578 = arith.constant 0 : i32
      %dma_start3A_1579 = tpu.memref_slice %arg11[%dma_start3A_1577, %dma_start3A_1578] : memref<10112x16xf32, #tpu.memory_space<vmem_shared>> -> memref<10112x16xf32, #tpu.memory_space<vmem_shared>>
      %dma_start3A_1580 = tpu.memref_slice %arg14[%dma_start3A_1570] : memref<2x!tpu.dma_semaphore, #tpu.memory_space<semaphore_mem>> -> memref<1x!tpu.dma_semaphore, #tpu.memory_space<semaphore_mem>>
      %dma_start3A_1581 = tpu.memref_squeeze %dma_start3A_1580 : memref<1x!tpu.dma_semaphore, #tpu.memory_space<semaphore_mem>> -> memref<!tpu.dma_semaphore, #tpu.memory_space<semaphore_mem>>
      tpu.enqueue_indirect_dma source(%dma_start3A_1573 : memref<128x16xf32, #tpu.memory_space<vmem>>) target(%dma_start3A_1579 : memref<10112x16xf32, #tpu.memory_space<vmem_shared>>) offsets(%dma_start3A_1576 : memref<128xi32, #tpu.memory_space<vmem>>) semaphore(%dma_start3A_1581 : memref<!tpu.dma_semaphore, #tpu.memory_space<semaphore_mem>>) {add = true}
      %mul3A_1582 = arith.constant 4 : i32
      %mul3A_1583 = arith.muli %scan3A_1402, %mul3A_1582 : i32
      %add3A_1584 = arith.constant 1 : i32
      %add3A_1585 = arith.addi %mul3A_1583, %add3A_1584 : i32
      %dma_wait3A_1586 = arith.constant 3 : i32
      %dma_wait3A_1587 = arith.constant 1 : i32
      %dma_wait3A_1588 = arith.constant 384 : i32
      %dma_wait3A_1589 = arith.constant 0 : i32
      %dma_wait3A_1590 = tpu.memref_slice %arg9[%dma_wait3A_1588, %dma_wait3A_1589] : memref<512x16xf32, #tpu.memory_space<vmem>> -> memref<128x16xf32, #tpu.memory_space<vmem>>
      %dma_wait3A_1591 = arith.constant 0 : i32
      %dma_wait3A_1592 = tpu.memref_slice %arg6[%dma_wait3A_1586, %dma_wait3A_1591] : memref<4x128xi32, #tpu.memory_space<vmem>> -> memref<1x128xi32, #tpu.memory_space<vmem>>
      %dma_wait3A_1593 = tpu.memref_squeeze %dma_wait3A_1592 : memref<1x128xi32, #tpu.memory_space<vmem>> -> memref<128xi32, #tpu.memory_space<vmem>>
      %dma_wait3A_1594 = arith.constant 0 : i32
      %dma_wait3A_1595 = arith.constant 0 : i32
      %dma_wait3A_1596 = tpu.memref_slice %arg11[%dma_wait3A_1594, %dma_wait3A_1595] : memref<10112x16xf32, #tpu.memory_space<vmem_shared>> -> memref<10112x16xf32, #tpu.memory_space<vmem_shared>>
      %dma_wait3A_1597 = tpu.memref_slice %arg14[%dma_wait3A_1587] : memref<2x!tpu.dma_semaphore, #tpu.memory_space<semaphore_mem>> -> memref<1x!tpu.dma_semaphore, #tpu.memory_space<semaphore_mem>>
      %dma_wait3A_1598 = tpu.memref_squeeze %dma_wait3A_1597 : memref<1x!tpu.dma_semaphore, #tpu.memory_space<semaphore_mem>> -> memref<!tpu.dma_semaphore, #tpu.memory_space<semaphore_mem>>
      tpu.wait_indirect_dma semaphore(%dma_wait3A_1598 : memref<!tpu.dma_semaphore, #tpu.memory_space<semaphore_mem>>) src(%dma_wait3A_1590 : memref<128x16xf32, #tpu.memory_space<vmem>>) dst(%dma_wait3A_1596 : memref<10112x16xf32, #tpu.memory_space<vmem_shared>>)
      %add3A_1599 = arith.constant 2 : i32
      %add3A_1600 = arith.addi %add3A_1585, %add3A_1599 : i32
      %mul3A_1601 = arith.constant 80 : i32
      %mul3A_1602 = arith.muli %add3A, %mul3A_1601 : i32
      %add3A_1603 = arith.addi %mul3A_1602, %add3A_1600 : i32
      %min3A_1604 = arith.constant 2499 : i32
      %min3A_1605 = arith.minsi %add3A_1603, %min3A_1604 : i32
      %mul3A_1606 = arith.constant 128 : i32
      %mul3A_1607 = arith.muli %min3A_1605, %mul3A_1606 : i32
      %dma_start3A_1608 = arith.constant 0 : i32
      %dma_start3A_1609 = arith.constant 3 : i32
      %dma_start3A_1610 = arith.constant 1 : i32
      %dma_start3A_1611 = arith.constant 0 : i32
      %dma_start3A_1612 = tpu.memref_slice %arg6[%dma_start3A_1609, %dma_start3A_1611] : memref<4x128xi32, #tpu.memory_space<vmem>> -> memref<1x128xi32, #tpu.memory_space<vmem>>
      %dma_start3A_1613 = tpu.memref_squeeze %dma_start3A_1612 : memref<1x128xi32, #tpu.memory_space<vmem>> -> memref<128xi32, #tpu.memory_space<vmem>>
      %dma_start3A_1614 = arith.constant 0 : i32
      %dma_start3A_1615 = tpu.memref_slice %arg3[%dma_start3A_1608, %min3A_1605, %dma_start3A_1614] : memref<2x2500x128xi32, #tpu.memory_space<hbm>> -> memref<1x1x128xi32, #tpu.memory_space<hbm>>
      %dma_start3A_1616 = tpu.memref_squeeze %dma_start3A_1615 : memref<1x1x128xi32, #tpu.memory_space<hbm>> -> memref<128xi32, #tpu.memory_space<hbm>>
      %dma_start3A_1617 = tpu.memref_slice %arg12[%dma_start3A_1610] : memref<2x!tpu.dma_semaphore, #tpu.memory_space<semaphore_mem>> -> memref<1x!tpu.dma_semaphore, #tpu.memory_space<semaphore_mem>>
      %dma_start3A_1618 = tpu.memref_squeeze %dma_start3A_1617 : memref<1x!tpu.dma_semaphore, #tpu.memory_space<semaphore_mem>> -> memref<!tpu.dma_semaphore, #tpu.memory_space<semaphore_mem>>
      %dma_start3A_1619 = arith.constant 0 : i32
      %dma_start3A_1620 = tpu.memref_slice %arg6[%dma_start3A_1609, %dma_start3A_1619] : memref<4x128xi32, #tpu.memory_space<vmem>> -> memref<1x128xi32, #tpu.memory_space<vmem>>
      %dma_start3A_1621 = tpu.memref_squeeze %dma_start3A_1620 : memref<1x128xi32, #tpu.memory_space<vmem>> -> memref<128xi32, #tpu.memory_space<vmem>>
      %dma_start3A_1622 = arith.constant 0 : i32
      %dma_start3A_1623 = tpu.memref_slice %arg3[%dma_start3A_1608, %min3A_1605, %dma_start3A_1622] : memref<2x2500x128xi32, #tpu.memory_space<hbm>> -> memref<1x1x128xi32, #tpu.memory_space<hbm>>
      %dma_start3A_1624 = tpu.memref_squeeze %dma_start3A_1623 : memref<1x1x128xi32, #tpu.memory_space<hbm>> -> memref<128xi32, #tpu.memory_space<hbm>>
      tpu.enqueue_dma source(%dma_start3A_1624 : memref<128xi32, #tpu.memory_space<hbm>>) target(%dma_start3A_1621 : memref<128xi32, #tpu.memory_space<vmem>>) target_semaphore(%dma_start3A_1618 : memref<!tpu.dma_semaphore, #tpu.memory_space<semaphore_mem>>)
      %dma_start3A_1625 = arith.constant 1 : i32
      %dma_start3A_1626 = arith.constant 3 : i32
      %dma_start3A_1627 = arith.constant 1 : i32
      %dma_start3A_1628 = arith.constant 0 : i32
      %dma_start3A_1629 = tpu.memref_slice %arg7[%dma_start3A_1626, %dma_start3A_1628] : memref<4x128xi32, #tpu.memory_space<vmem>> -> memref<1x128xi32, #tpu.memory_space<vmem>>
      %dma_start3A_1630 = tpu.memref_squeeze %dma_start3A_1629 : memref<1x128xi32, #tpu.memory_space<vmem>> -> memref<128xi32, #tpu.memory_space<vmem>>
      %dma_start3A_1631 = arith.constant 0 : i32
      %dma_start3A_1632 = tpu.memref_slice %arg3[%dma_start3A_1625, %min3A_1605, %dma_start3A_1631] : memref<2x2500x128xi32, #tpu.memory_space<hbm>> -> memref<1x1x128xi32, #tpu.memory_space<hbm>>
      %dma_start3A_1633 = tpu.memref_squeeze %dma_start3A_1632 : memref<1x1x128xi32, #tpu.memory_space<hbm>> -> memref<128xi32, #tpu.memory_space<hbm>>
      %dma_start3A_1634 = tpu.memref_slice %arg12[%dma_start3A_1627] : memref<2x!tpu.dma_semaphore, #tpu.memory_space<semaphore_mem>> -> memref<1x!tpu.dma_semaphore, #tpu.memory_space<semaphore_mem>>
      %dma_start3A_1635 = tpu.memref_squeeze %dma_start3A_1634 : memref<1x!tpu.dma_semaphore, #tpu.memory_space<semaphore_mem>> -> memref<!tpu.dma_semaphore, #tpu.memory_space<semaphore_mem>>
      %dma_start3A_1636 = arith.constant 0 : i32
      %dma_start3A_1637 = tpu.memref_slice %arg7[%dma_start3A_1626, %dma_start3A_1636] : memref<4x128xi32, #tpu.memory_space<vmem>> -> memref<1x128xi32, #tpu.memory_space<vmem>>
      %dma_start3A_1638 = tpu.memref_squeeze %dma_start3A_1637 : memref<1x128xi32, #tpu.memory_space<vmem>> -> memref<128xi32, #tpu.memory_space<vmem>>
      %dma_start3A_1639 = arith.constant 0 : i32
      %dma_start3A_1640 = tpu.memref_slice %arg3[%dma_start3A_1625, %min3A_1605, %dma_start3A_1639] : memref<2x2500x128xi32, #tpu.memory_space<hbm>> -> memref<1x1x128xi32, #tpu.memory_space<hbm>>
      %dma_start3A_1641 = tpu.memref_squeeze %dma_start3A_1640 : memref<1x1x128xi32, #tpu.memory_space<hbm>> -> memref<128xi32, #tpu.memory_space<hbm>>
      tpu.enqueue_dma source(%dma_start3A_1641 : memref<128xi32, #tpu.memory_space<hbm>>) target(%dma_start3A_1638 : memref<128xi32, #tpu.memory_space<vmem>>) target_semaphore(%dma_start3A_1635 : memref<!tpu.dma_semaphore, #tpu.memory_space<semaphore_mem>>)
      %dma_start3A_1642 = arith.constant 1 : i32
      %dma_start3A_1643 = arith.constant 384 : i32
      %dma_start3A_1644 = arith.constant 0 : i32
      %dma_start3A_1645 = tpu.memref_slice %arg8[%dma_start3A_1643, %dma_start3A_1644] : memref<512x16xf32, #tpu.memory_space<vmem>> -> memref<128x16xf32, #tpu.memory_space<vmem>>
      %dma_start3A_1646 = arith.constant 0 : i32
      %dma_start3A_1647 = tpu.memref_slice %arg4[%mul3A_1607, %dma_start3A_1646] : memref<320000x16xf32, #tpu.memory_space<hbm>> -> memref<128x16xf32, #tpu.memory_space<hbm>>
      %dma_start3A_1648 = tpu.memref_slice %arg12[%dma_start3A_1642] : memref<2x!tpu.dma_semaphore, #tpu.memory_space<semaphore_mem>> -> memref<1x!tpu.dma_semaphore, #tpu.memory_space<semaphore_mem>>
      %dma_start3A_1649 = tpu.memref_squeeze %dma_start3A_1648 : memref<1x!tpu.dma_semaphore, #tpu.memory_space<semaphore_mem>> -> memref<!tpu.dma_semaphore, #tpu.memory_space<semaphore_mem>>
      %dma_start3A_1650 = arith.constant 384 : i32
      %dma_start3A_1651 = arith.constant 0 : i32
      %dma_start3A_1652 = tpu.memref_slice %arg8[%dma_start3A_1650, %dma_start3A_1651] : memref<512x16xf32, #tpu.memory_space<vmem>> -> memref<128x16xf32, #tpu.memory_space<vmem>>
      %dma_start3A_1653 = arith.constant 0 : i32
      %dma_start3A_1654 = tpu.memref_slice %arg4[%mul3A_1607, %dma_start3A_1653] : memref<320000x16xf32, #tpu.memory_space<hbm>> -> memref<128x16xf32, #tpu.memory_space<hbm>>
      tpu.enqueue_dma source(%dma_start3A_1654 : memref<128x16xf32, #tpu.memory_space<hbm>>) target(%dma_start3A_1652 : memref<128x16xf32, #tpu.memory_space<vmem>>) target_semaphore(%dma_start3A_1649 : memref<!tpu.dma_semaphore, #tpu.memory_space<semaphore_mem>>)
      %add3A_1655 = arith.constant 1 : i32
      %add3A_1656 = arith.addi %add3A_1585, %add3A_1655 : i32
      %mul3A_1657 = arith.constant 80 : i32
      %mul3A_1658 = arith.muli %add3A, %mul3A_1657 : i32
      %add3A_1659 = arith.addi %mul3A_1658, %add3A_1656 : i32
      %min3A_1660 = arith.constant 2499 : i32
      %min3A_1661 = arith.minsi %add3A_1659, %min3A_1660 : i32
      %mul3A_1662 = arith.constant 128 : i32
      %mul3A_1663 = arith.muli %min3A_1661, %mul3A_1662 : i32
      %dma_wait3A_1664 = arith.constant 0 : i32
      %dma_wait3A_1665 = arith.constant 2 : i32
      %dma_wait3A_1666 = arith.constant 0 : i32
      %dma_wait3A_1667 = arith.constant 0 : i32
      %dma_wait3A_1668 = tpu.memref_slice %arg6[%dma_wait3A_1665, %dma_wait3A_1667] : memref<4x128xi32, #tpu.memory_space<vmem>> -> memref<1x128xi32, #tpu.memory_space<vmem>>
      %dma_wait3A_1669 = tpu.memref_squeeze %dma_wait3A_1668 : memref<1x128xi32, #tpu.memory_space<vmem>> -> memref<128xi32, #tpu.memory_space<vmem>>
      %dma_wait3A_1670 = arith.constant 0 : i32
      %dma_wait3A_1671 = tpu.memref_slice %arg3[%dma_wait3A_1664, %min3A_1661, %dma_wait3A_1670] : memref<2x2500x128xi32, #tpu.memory_space<hbm>> -> memref<1x1x128xi32, #tpu.memory_space<hbm>>
      %dma_wait3A_1672 = tpu.memref_squeeze %dma_wait3A_1671 : memref<1x1x128xi32, #tpu.memory_space<hbm>> -> memref<128xi32, #tpu.memory_space<hbm>>
      %dma_wait3A_1673 = tpu.memref_slice %arg12[%dma_wait3A_1666] : memref<2x!tpu.dma_semaphore, #tpu.memory_space<semaphore_mem>> -> memref<1x!tpu.dma_semaphore, #tpu.memory_space<semaphore_mem>>
      %dma_wait3A_1674 = tpu.memref_squeeze %dma_wait3A_1673 : memref<1x!tpu.dma_semaphore, #tpu.memory_space<semaphore_mem>> -> memref<!tpu.dma_semaphore, #tpu.memory_space<semaphore_mem>>
      %dma_wait3A_1675 = arith.constant 0 : i32
      %dma_wait3A_1676 = tpu.memref_slice %arg6[%dma_wait3A_1665, %dma_wait3A_1675] : memref<4x128xi32, #tpu.memory_space<vmem>> -> memref<1x128xi32, #tpu.memory_space<vmem>>
      %dma_wait3A_1677 = tpu.memref_squeeze %dma_wait3A_1676 : memref<1x128xi32, #tpu.memory_space<vmem>> -> memref<128xi32, #tpu.memory_space<vmem>>
      %dma_wait3A_1678 = arith.constant 0 : i32
      %dma_wait3A_1679 = tpu.memref_slice %arg3[%dma_wait3A_1664, %min3A_1661, %dma_wait3A_1678] : memref<2x2500x128xi32, #tpu.memory_space<hbm>> -> memref<1x1x128xi32, #tpu.memory_space<hbm>>
      %dma_wait3A_1680 = tpu.memref_squeeze %dma_wait3A_1679 : memref<1x1x128xi32, #tpu.memory_space<hbm>> -> memref<128xi32, #tpu.memory_space<hbm>>
      tpu.wait_dma2 semaphore(%dma_wait3A_1674 : memref<!tpu.dma_semaphore, #tpu.memory_space<semaphore_mem>>) src(%dma_wait3A_1680 : memref<128xi32, #tpu.memory_space<hbm>>) dst(%dma_wait3A_1677 : memref<128xi32, #tpu.memory_space<vmem>>)
      %dma_wait3A_1681 = arith.constant 1 : i32
      %dma_wait3A_1682 = arith.constant 2 : i32
      %dma_wait3A_1683 = arith.constant 0 : i32
      %dma_wait3A_1684 = arith.constant 0 : i32
      %dma_wait3A_1685 = tpu.memref_slice %arg7[%dma_wait3A_1682, %dma_wait3A_1684] : memref<4x128xi32, #tpu.memory_space<vmem>> -> memref<1x128xi32, #tpu.memory_space<vmem>>
      %dma_wait3A_1686 = tpu.memref_squeeze %dma_wait3A_1685 : memref<1x128xi32, #tpu.memory_space<vmem>> -> memref<128xi32, #tpu.memory_space<vmem>>
      %dma_wait3A_1687 = arith.constant 0 : i32
      %dma_wait3A_1688 = tpu.memref_slice %arg3[%dma_wait3A_1681, %min3A_1661, %dma_wait3A_1687] : memref<2x2500x128xi32, #tpu.memory_space<hbm>> -> memref<1x1x128xi32, #tpu.memory_space<hbm>>
      %dma_wait3A_1689 = tpu.memref_squeeze %dma_wait3A_1688 : memref<1x1x128xi32, #tpu.memory_space<hbm>> -> memref<128xi32, #tpu.memory_space<hbm>>
      %dma_wait3A_1690 = tpu.memref_slice %arg12[%dma_wait3A_1683] : memref<2x!tpu.dma_semaphore, #tpu.memory_space<semaphore_mem>> -> memref<1x!tpu.dma_semaphore, #tpu.memory_space<semaphore_mem>>
      %dma_wait3A_1691 = tpu.memref_squeeze %dma_wait3A_1690 : memref<1x!tpu.dma_semaphore, #tpu.memory_space<semaphore_mem>> -> memref<!tpu.dma_semaphore, #tpu.memory_space<semaphore_mem>>
      %dma_wait3A_1692 = arith.constant 0 : i32
      %dma_wait3A_1693 = tpu.memref_slice %arg7[%dma_wait3A_1682, %dma_wait3A_1692] : memref<4x128xi32, #tpu.memory_space<vmem>> -> memref<1x128xi32, #tpu.memory_space<vmem>>
      %dma_wait3A_1694 = tpu.memref_squeeze %dma_wait3A_1693 : memref<1x128xi32, #tpu.memory_space<vmem>> -> memref<128xi32, #tpu.memory_space<vmem>>
      %dma_wait3A_1695 = arith.constant 0 : i32
      %dma_wait3A_1696 = tpu.memref_slice %arg3[%dma_wait3A_1681, %min3A_1661, %dma_wait3A_1695] : memref<2x2500x128xi32, #tpu.memory_space<hbm>> -> memref<1x1x128xi32, #tpu.memory_space<hbm>>
      %dma_wait3A_1697 = tpu.memref_squeeze %dma_wait3A_1696 : memref<1x1x128xi32, #tpu.memory_space<hbm>> -> memref<128xi32, #tpu.memory_space<hbm>>
      tpu.wait_dma2 semaphore(%dma_wait3A_1691 : memref<!tpu.dma_semaphore, #tpu.memory_space<semaphore_mem>>) src(%dma_wait3A_1697 : memref<128xi32, #tpu.memory_space<hbm>>) dst(%dma_wait3A_1694 : memref<128xi32, #tpu.memory_space<vmem>>)
      %dma_wait3A_1698 = arith.constant 0 : i32
      %dma_wait3A_1699 = arith.constant 256 : i32
      %dma_wait3A_1700 = arith.constant 0 : i32
      %dma_wait3A_1701 = tpu.memref_slice %arg8[%dma_wait3A_1699, %dma_wait3A_1700] : memref<512x16xf32, #tpu.memory_space<vmem>> -> memref<128x16xf32, #tpu.memory_space<vmem>>
      %dma_wait3A_1702 = arith.constant 0 : i32
      %dma_wait3A_1703 = tpu.memref_slice %arg4[%mul3A_1663, %dma_wait3A_1702] : memref<320000x16xf32, #tpu.memory_space<hbm>> -> memref<128x16xf32, #tpu.memory_space<hbm>>
      %dma_wait3A_1704 = tpu.memref_slice %arg12[%dma_wait3A_1698] : memref<2x!tpu.dma_semaphore, #tpu.memory_space<semaphore_mem>> -> memref<1x!tpu.dma_semaphore, #tpu.memory_space<semaphore_mem>>
      %dma_wait3A_1705 = tpu.memref_squeeze %dma_wait3A_1704 : memref<1x!tpu.dma_semaphore, #tpu.memory_space<semaphore_mem>> -> memref<!tpu.dma_semaphore, #tpu.memory_space<semaphore_mem>>
      %dma_wait3A_1706 = arith.constant 256 : i32
      %dma_wait3A_1707 = arith.constant 0 : i32
      %dma_wait3A_1708 = tpu.memref_slice %arg8[%dma_wait3A_1706, %dma_wait3A_1707] : memref<512x16xf32, #tpu.memory_space<vmem>> -> memref<128x16xf32, #tpu.memory_space<vmem>>
      %dma_wait3A_1709 = arith.constant 0 : i32
      %dma_wait3A_1710 = tpu.memref_slice %arg4[%mul3A_1663, %dma_wait3A_1709] : memref<320000x16xf32, #tpu.memory_space<hbm>> -> memref<128x16xf32, #tpu.memory_space<hbm>>
      tpu.wait_dma2 semaphore(%dma_wait3A_1705 : memref<!tpu.dma_semaphore, #tpu.memory_space<semaphore_mem>>) src(%dma_wait3A_1710 : memref<128x16xf32, #tpu.memory_space<hbm>>) dst(%dma_wait3A_1708 : memref<128x16xf32, #tpu.memory_space<vmem>>)
      %dma_start3A_1711 = arith.constant 2 : i32
      %dma_start3A_1712 = arith.constant 0 : i32
      %dma_start3A_1713 = arith.constant 256 : i32
      %dma_start3A_1714 = arith.constant 0 : i32
      %dma_start3A_1715 = tpu.memref_slice %arg9[%dma_start3A_1713, %dma_start3A_1714] : memref<512x16xf32, #tpu.memory_space<vmem>> -> memref<128x16xf32, #tpu.memory_space<vmem>>
      %dma_start3A_1716 = arith.constant 0 : i32
      %dma_start3A_1717 = tpu.memref_slice %arg7[%dma_start3A_1711, %dma_start3A_1716] : memref<4x128xi32, #tpu.memory_space<vmem>> -> memref<1x128xi32, #tpu.memory_space<vmem>>
      %dma_start3A_1718 = tpu.memref_squeeze %dma_start3A_1717 : memref<1x128xi32, #tpu.memory_space<vmem>> -> memref<128xi32, #tpu.memory_space<vmem>>
      %dma_start3A_1719 = arith.constant 0 : i32
      %dma_start3A_1720 = arith.constant 0 : i32
      %dma_start3A_1721 = tpu.memref_slice %arg2[%dma_start3A_1719, %dma_start3A_1720] : memref<10000x16xf32, #tpu.memory_space<hbm>> -> memref<10000x16xf32, #tpu.memory_space<hbm>>
      %dma_start3A_1722 = tpu.memref_slice %arg13[%dma_start3A_1712] : memref<2x!tpu.dma_semaphore, #tpu.memory_space<semaphore_mem>> -> memref<1x!tpu.dma_semaphore, #tpu.memory_space<semaphore_mem>>
      %dma_start3A_1723 = tpu.memref_squeeze %dma_start3A_1722 : memref<1x!tpu.dma_semaphore, #tpu.memory_space<semaphore_mem>> -> memref<!tpu.dma_semaphore, #tpu.memory_space<semaphore_mem>>
      tpu.enqueue_indirect_dma source(%dma_start3A_1721 : memref<10000x16xf32, #tpu.memory_space<hbm>>) target(%dma_start3A_1715 : memref<128x16xf32, #tpu.memory_space<vmem>>) offsets(%dma_start3A_1718 : memref<128xi32, #tpu.memory_space<vmem>>) semaphore(%dma_start3A_1723 : memref<!tpu.dma_semaphore, #tpu.memory_space<semaphore_mem>>)
      %dma_wait3A_1724 = arith.constant 1 : i32
      %dma_wait3A_1725 = arith.constant 1 : i32
      %dma_wait3A_1726 = arith.constant 128 : i32
      %dma_wait3A_1727 = arith.constant 0 : i32
      %dma_wait3A_1728 = tpu.memref_slice %arg9[%dma_wait3A_1726, %dma_wait3A_1727] : memref<512x16xf32, #tpu.memory_space<vmem>> -> memref<128x16xf32, #tpu.memory_space<vmem>>
      %dma_wait3A_1729 = arith.constant 0 : i32
      %dma_wait3A_1730 = tpu.memref_slice %arg7[%dma_wait3A_1724, %dma_wait3A_1729] : memref<4x128xi32, #tpu.memory_space<vmem>> -> memref<1x128xi32, #tpu.memory_space<vmem>>
      %dma_wait3A_1731 = tpu.memref_squeeze %dma_wait3A_1730 : memref<1x128xi32, #tpu.memory_space<vmem>> -> memref<128xi32, #tpu.memory_space<vmem>>
      %dma_wait3A_1732 = arith.constant 0 : i32
      %dma_wait3A_1733 = arith.constant 0 : i32
      %dma_wait3A_1734 = tpu.memref_slice %arg2[%dma_wait3A_1732, %dma_wait3A_1733] : memref<10000x16xf32, #tpu.memory_space<hbm>> -> memref<10000x16xf32, #tpu.memory_space<hbm>>
      %dma_wait3A_1735 = tpu.memref_slice %arg13[%dma_wait3A_1725] : memref<2x!tpu.dma_semaphore, #tpu.memory_space<semaphore_mem>> -> memref<1x!tpu.dma_semaphore, #tpu.memory_space<semaphore_mem>>
      %dma_wait3A_1736 = tpu.memref_squeeze %dma_wait3A_1735 : memref<1x!tpu.dma_semaphore, #tpu.memory_space<semaphore_mem>> -> memref<!tpu.dma_semaphore, #tpu.memory_space<semaphore_mem>>
      tpu.wait_indirect_dma semaphore(%dma_wait3A_1736 : memref<!tpu.dma_semaphore, #tpu.memory_space<semaphore_mem>>) src(%dma_wait3A_1734 : memref<10000x16xf32, #tpu.memory_space<hbm>>) dst(%dma_wait3A_1728 : memref<128x16xf32, #tpu.memory_space<vmem>>)
      %mul3A_1737 = arith.constant 80 : i32
      %mul3A_1738 = arith.muli %add3A, %mul3A_1737 : i32
      %add3A_1739 = arith.addi %mul3A_1738, %add3A_1585 : i32
      %lt3A_1740 = arith.constant 2500 : i32
      %lt3A_1741 = arith.cmpi slt, %add3A_1739, %lt3A_1740 : i32
      %jit3A_1742 = arith.constant 1.000000e+00 : f32
      %jit3A_1743 = arith.constant 0.000000e+00 : f32
      %select_n3A_1744 = arith.select %lt3A_1741, %jit3A_1742, %jit3A_1743 : f32
      %parallel_loop3A_1745 = arith.constant 0 : i32
      %parallel_loop3A_1746 = arith.constant 128 : i32
      %parallel_loop3A_1747 = arith.constant 1 : i32
      scf.for %parallel_loop3A_2119 = %parallel_loop3A_1745 to %parallel_loop3A_1746 step %parallel_loop3A_1747  : i32 {
        %parallel_loop3A_2120 = arith.constant 128 : i32
        %parallel_loop3A_2121 = arith.addi %parallel_loop3A_2120, %parallel_loop3A_2119 : i32
        %parallel_loop3A_2122 = arith.index_cast %parallel_loop3A_2121 : i32 to index
        %parallel_loop3A_2123 = arith.constant 0 : index
        %parallel_loop3A_2124 = tpu.vector_load %arg9[%parallel_loop3A_2122, %parallel_loop3A_2123] {strides = array<i32>} : memref<512x16xf32, #tpu.memory_space<vmem>>, vector<1x16xf32>,
        %parallel_loop3A_2125 = vector.shape_cast %parallel_loop3A_2124 : vector<1x16xf32> to vector<16xf32>
        %parallel_loop3A_2126 = arith.index_cast %parallel_loop3A_2121 : i32 to index
        %parallel_loop3A_2127 = arith.constant 0 : index
        %parallel_loop3A_2128 = tpu.vector_load %arg8[%parallel_loop3A_2126, %parallel_loop3A_2127] {strides = array<i32>} : memref<512x16xf32, #tpu.memory_space<vmem>>, vector<1x16xf32>,
        %parallel_loop3A_2129 = vector.shape_cast %parallel_loop3A_2128 : vector<1x16xf32> to vector<16xf32>
        %parallel_loop3A_2130 = arith.mulf %parallel_loop3A_2125, %parallel_loop3A_2129 : vector<16xf32>
        %parallel_loop3A_2131 = vector.broadcast %select_n3A_1744 : f32 to vector<16xf32>
        %parallel_loop3A_2132 = arith.mulf %parallel_loop3A_2130, %parallel_loop3A_2131 : vector<16xf32>
        %parallel_loop3A_2133 = arith.index_cast %parallel_loop3A_2121 : i32 to index
        %parallel_loop3A_2134 = arith.constant 0 : index
        %parallel_loop3A_2135 = tpu.vector_load %arg9[%parallel_loop3A_2133, %parallel_loop3A_2134] {strides = array<i32>} : memref<512x16xf32, #tpu.memory_space<vmem>>, vector<1x16xf32>,
        %parallel_loop3A_2136 = vector.shape_cast %parallel_loop3A_2135 : vector<1x16xf32> to vector<16xf32>
        %parallel_loop3A_2137 = vector.shape_cast %parallel_loop3A_2132 : vector<16xf32> to vector<1x16xf32>
        tpu.vector_store %arg9[%parallel_loop3A_2133, %parallel_loop3A_2134], %parallel_loop3A_2137 {strides = array<i32>} : memref<512x16xf32, #tpu.memory_space<vmem>>, vector<1x16xf32>,
      } {sc.loop_unroll_factor = 8 : i64, sc.parallel_access}
      %dma_start3A_1748 = arith.constant 1 : i32
      %dma_start3A_1749 = arith.constant 1 : i32
      %dma_start3A_1750 = arith.constant 128 : i32
      %dma_start3A_1751 = arith.constant 0 : i32
      %dma_start3A_1752 = tpu.memref_slice %arg9[%dma_start3A_1750, %dma_start3A_1751] : memref<512x16xf32, #tpu.memory_space<vmem>> -> memref<128x16xf32, #tpu.memory_space<vmem>>
      %dma_start3A_1753 = arith.constant 0 : i32
      %dma_start3A_1754 = tpu.memref_slice %arg6[%dma_start3A_1748, %dma_start3A_1753] : memref<4x128xi32, #tpu.memory_space<vmem>> -> memref<1x128xi32, #tpu.memory_space<vmem>>
      %dma_start3A_1755 = tpu.memref_squeeze %dma_start3A_1754 : memref<1x128xi32, #tpu.memory_space<vmem>> -> memref<128xi32, #tpu.memory_space<vmem>>
      %dma_start3A_1756 = arith.constant 0 : i32
      %dma_start3A_1757 = arith.constant 0 : i32
      %dma_start3A_1758 = tpu.memref_slice %arg11[%dma_start3A_1756, %dma_start3A_1757] : memref<10112x16xf32, #tpu.memory_space<vmem_shared>> -> memref<10112x16xf32, #tpu.memory_space<vmem_shared>>
      %dma_start3A_1759 = tpu.memref_slice %arg14[%dma_start3A_1749] : memref<2x!tpu.dma_semaphore, #tpu.memory_space<semaphore_mem>> -> memref<1x!tpu.dma_semaphore, #tpu.memory_space<semaphore_mem>>
      %dma_start3A_1760 = tpu.memref_squeeze %dma_start3A_1759 : memref<1x!tpu.dma_semaphore, #tpu.memory_space<semaphore_mem>> -> memref<!tpu.dma_semaphore, #tpu.memory_space<semaphore_mem>>
      tpu.enqueue_indirect_dma source(%dma_start3A_1752 : memref<128x16xf32, #tpu.memory_space<vmem>>) target(%dma_start3A_1758 : memref<10112x16xf32, #tpu.memory_space<vmem_shared>>) offsets(%dma_start3A_1755 : memref<128xi32, #tpu.memory_space<vmem>>) semaphore(%dma_start3A_1760 : memref<!tpu.dma_semaphore, #tpu.memory_space<semaphore_mem>>) {add = true}
      %mul3A_1761 = arith.constant 4 : i32
      %mul3A_1762 = arith.muli %scan3A_1402, %mul3A_1761 : i32
      %add3A_1763 = arith.constant 2 : i32
      %add3A_1764 = arith.addi %mul3A_1762, %add3A_1763 : i32
      %dma_wait3A_1765 = arith.constant 0 : i32
      %dma_wait3A_1766 = arith.constant 0 : i32
      %dma_wait3A_1767 = arith.constant 0 : i32
      %dma_wait3A_1768 = arith.constant 0 : i32
      %dma_wait3A_1769 = tpu.memref_slice %arg9[%dma_wait3A_1767, %dma_wait3A_1768] : memref<512x16xf32, #tpu.memory_space<vmem>> -> memref<128x16xf32, #tpu.memory_space<vmem>>
      %dma_wait3A_1770 = arith.constant 0 : i32
      %dma_wait3A_1771 = tpu.memref_slice %arg6[%dma_wait3A_1765, %dma_wait3A_1770] : memref<4x128xi32, #tpu.memory_space<vmem>> -> memref<1x128xi32, #tpu.memory_space<vmem>>
      %dma_wait3A_1772 = tpu.memref_squeeze %dma_wait3A_1771 : memref<1x128xi32, #tpu.memory_space<vmem>> -> memref<128xi32, #tpu.memory_space<vmem>>
      %dma_wait3A_1773 = arith.constant 0 : i32
      %dma_wait3A_1774 = arith.constant 0 : i32
      %dma_wait3A_1775 = tpu.memref_slice %arg11[%dma_wait3A_1773, %dma_wait3A_1774] : memref<10112x16xf32, #tpu.memory_space<vmem_shared>> -> memref<10112x16xf32, #tpu.memory_space<vmem_shared>>
      %dma_wait3A_1776 = tpu.memref_slice %arg14[%dma_wait3A_1766] : memref<2x!tpu.dma_semaphore, #tpu.memory_space<semaphore_mem>> -> memref<1x!tpu.dma_semaphore, #tpu.memory_space<semaphore_mem>>
      %dma_wait3A_1777 = tpu.memref_squeeze %dma_wait3A_1776 : memref<1x!tpu.dma_semaphore, #tpu.memory_space<semaphore_mem>> -> memref<!tpu.dma_semaphore, #tpu.memory_space<semaphore_mem>>
      tpu.wait_indirect_dma semaphore(%dma_wait3A_1777 : memref<!tpu.dma_semaphore, #tpu.memory_space<semaphore_mem>>) src(%dma_wait3A_1769 : memref<128x16xf32, #tpu.memory_space<vmem>>) dst(%dma_wait3A_1775 : memref<10112x16xf32, #tpu.memory_space<vmem_shared>>)
      %add3A_1778 = arith.constant 2 : i32
      %add3A_1779 = arith.addi %add3A_1764, %add3A_1778 : i32
      %mul3A_1780 = arith.constant 80 : i32
      %mul3A_1781 = arith.muli %add3A, %mul3A_1780 : i32
      %add3A_1782 = arith.addi %mul3A_1781, %add3A_1779 : i32
      %min3A_1783 = arith.constant 2499 : i32
      %min3A_1784 = arith.minsi %add3A_1782, %min3A_1783 : i32
      %mul3A_1785 = arith.constant 128 : i32
      %mul3A_1786 = arith.muli %min3A_1784, %mul3A_1785 : i32
      %dma_start3A_1787 = arith.constant 0 : i32
      %dma_start3A_1788 = arith.constant 0 : i32
      %dma_start3A_1789 = arith.constant 0 : i32
      %dma_start3A_1790 = arith.constant 0 : i32
      %dma_start3A_1791 = tpu.memref_slice %arg6[%dma_start3A_1788, %dma_start3A_1790] : memref<4x128xi32, #tpu.memory_space<vmem>> -> memref<1x128xi32, #tpu.memory_space<vmem>>
      %dma_start3A_1792 = tpu.memref_squeeze %dma_start3A_1791 : memref<1x128xi32, #tpu.memory_space<vmem>> -> memref<128xi32, #tpu.memory_space<vmem>>
      %dma_start3A_1793 = arith.constant 0 : i32
      %dma_start3A_1794 = tpu.memref_slice %arg3[%dma_start3A_1787, %min3A_1784, %dma_start3A_1793] : memref<2x2500x128xi32, #tpu.memory_space<hbm>> -> memref<1x1x128xi32, #tpu.memory_space<hbm>>
      %dma_start3A_1795 = tpu.memref_squeeze %dma_start3A_1794 : memref<1x1x128xi32, #tpu.memory_space<hbm>> -> memref<128xi32, #tpu.memory_space<hbm>>
      %dma_start3A_1796 = tpu.memref_slice %arg12[%dma_start3A_1789] : memref<2x!tpu.dma_semaphore, #tpu.memory_space<semaphore_mem>> -> memref<1x!tpu.dma_semaphore, #tpu.memory_space<semaphore_mem>>
      %dma_start3A_1797 = tpu.memref_squeeze %dma_start3A_1796 : memref<1x!tpu.dma_semaphore, #tpu.memory_space<semaphore_mem>> -> memref<!tpu.dma_semaphore, #tpu.memory_space<semaphore_mem>>
      %dma_start3A_1798 = arith.constant 0 : i32
      %dma_start3A_1799 = tpu.memref_slice %arg6[%dma_start3A_1788, %dma_start3A_1798] : memref<4x128xi32, #tpu.memory_space<vmem>> -> memref<1x128xi32, #tpu.memory_space<vmem>>
      %dma_start3A_1800 = tpu.memref_squeeze %dma_start3A_1799 : memref<1x128xi32, #tpu.memory_space<vmem>> -> memref<128xi32, #tpu.memory_space<vmem>>
      %dma_start3A_1801 = arith.constant 0 : i32
      %dma_start3A_1802 = tpu.memref_slice %arg3[%dma_start3A_1787, %min3A_1784, %dma_start3A_1801] : memref<2x2500x128xi32, #tpu.memory_space<hbm>> -> memref<1x1x128xi32, #tpu.memory_space<hbm>>
      %dma_start3A_1803 = tpu.memref_squeeze %dma_start3A_1802 : memref<1x1x128xi32, #tpu.memory_space<hbm>> -> memref<128xi32, #tpu.memory_space<hbm>>
      tpu.enqueue_dma source(%dma_start3A_1803 : memref<128xi32, #tpu.memory_space<hbm>>) target(%dma_start3A_1800 : memref<128xi32, #tpu.memory_space<vmem>>) target_semaphore(%dma_start3A_1797 : memref<!tpu.dma_semaphore, #tpu.memory_space<semaphore_mem>>)
      %dma_start3A_1804 = arith.constant 1 : i32
      %dma_start3A_1805 = arith.constant 0 : i32
      %dma_start3A_1806 = arith.constant 0 : i32
      %dma_start3A_1807 = arith.constant 0 : i32
      %dma_start3A_1808 = tpu.memref_slice %arg7[%dma_start3A_1805, %dma_start3A_1807] : memref<4x128xi32, #tpu.memory_space<vmem>> -> memref<1x128xi32, #tpu.memory_space<vmem>>
      %dma_start3A_1809 = tpu.memref_squeeze %dma_start3A_1808 : memref<1x128xi32, #tpu.memory_space<vmem>> -> memref<128xi32, #tpu.memory_space<vmem>>
      %dma_start3A_1810 = arith.constant 0 : i32
      %dma_start3A_1811 = tpu.memref_slice %arg3[%dma_start3A_1804, %min3A_1784, %dma_start3A_1810] : memref<2x2500x128xi32, #tpu.memory_space<hbm>> -> memref<1x1x128xi32, #tpu.memory_space<hbm>>
      %dma_start3A_1812 = tpu.memref_squeeze %dma_start3A_1811 : memref<1x1x128xi32, #tpu.memory_space<hbm>> -> memref<128xi32, #tpu.memory_space<hbm>>
      %dma_start3A_1813 = tpu.memref_slice %arg12[%dma_start3A_1806] : memref<2x!tpu.dma_semaphore, #tpu.memory_space<semaphore_mem>> -> memref<1x!tpu.dma_semaphore, #tpu.memory_space<semaphore_mem>>
      %dma_start3A_1814 = tpu.memref_squeeze %dma_start3A_1813 : memref<1x!tpu.dma_semaphore, #tpu.memory_space<semaphore_mem>> -> memref<!tpu.dma_semaphore, #tpu.memory_space<semaphore_mem>>
      %dma_start3A_1815 = arith.constant 0 : i32
      %dma_start3A_1816 = tpu.memref_slice %arg7[%dma_start3A_1805, %dma_start3A_1815] : memref<4x128xi32, #tpu.memory_space<vmem>> -> memref<1x128xi32, #tpu.memory_space<vmem>>
      %dma_start3A_1817 = tpu.memref_squeeze %dma_start3A_1816 : memref<1x128xi32, #tpu.memory_space<vmem>> -> memref<128xi32, #tpu.memory_space<vmem>>
      %dma_start3A_1818 = arith.constant 0 : i32
      %dma_start3A_1819 = tpu.memref_slice %arg3[%dma_start3A_1804, %min3A_1784, %dma_start3A_1818] : memref<2x2500x128xi32, #tpu.memory_space<hbm>> -> memref<1x1x128xi32, #tpu.memory_space<hbm>>
      %dma_start3A_1820 = tpu.memref_squeeze %dma_start3A_1819 : memref<1x1x128xi32, #tpu.memory_space<hbm>> -> memref<128xi32, #tpu.memory_space<hbm>>
      tpu.enqueue_dma source(%dma_start3A_1820 : memref<128xi32, #tpu.memory_space<hbm>>) target(%dma_start3A_1817 : memref<128xi32, #tpu.memory_space<vmem>>) target_semaphore(%dma_start3A_1814 : memref<!tpu.dma_semaphore, #tpu.memory_space<semaphore_mem>>)
      %dma_start3A_1821 = arith.constant 0 : i32
      %dma_start3A_1822 = arith.constant 0 : i32
      %dma_start3A_1823 = arith.constant 0 : i32
      %dma_start3A_1824 = tpu.memref_slice %arg8[%dma_start3A_1822, %dma_start3A_1823] : memref<512x16xf32, #tpu.memory_space<vmem>> -> memref<128x16xf32, #tpu.memory_space<vmem>>
      %dma_start3A_1825 = arith.constant 0 : i32
      %dma_start3A_1826 = tpu.memref_slice %arg4[%mul3A_1786, %dma_start3A_1825] : memref<320000x16xf32, #tpu.memory_space<hbm>> -> memref<128x16xf32, #tpu.memory_space<hbm>>
      %dma_start3A_1827 = tpu.memref_slice %arg12[%dma_start3A_1821] : memref<2x!tpu.dma_semaphore, #tpu.memory_space<semaphore_mem>> -> memref<1x!tpu.dma_semaphore, #tpu.memory_space<semaphore_mem>>
      %dma_start3A_1828 = tpu.memref_squeeze %dma_start3A_1827 : memref<1x!tpu.dma_semaphore, #tpu.memory_space<semaphore_mem>> -> memref<!tpu.dma_semaphore, #tpu.memory_space<semaphore_mem>>
      %dma_start3A_1829 = arith.constant 0 : i32
      %dma_start3A_1830 = arith.constant 0 : i32
      %dma_start3A_1831 = tpu.memref_slice %arg8[%dma_start3A_1829, %dma_start3A_1830] : memref<512x16xf32, #tpu.memory_space<vmem>> -> memref<128x16xf32, #tpu.memory_space<vmem>>
      %dma_start3A_1832 = arith.constant 0 : i32
      %dma_start3A_1833 = tpu.memref_slice %arg4[%mul3A_1786, %dma_start3A_1832] : memref<320000x16xf32, #tpu.memory_space<hbm>> -> memref<128x16xf32, #tpu.memory_space<hbm>>
      tpu.enqueue_dma source(%dma_start3A_1833 : memref<128x16xf32, #tpu.memory_space<hbm>>) target(%dma_start3A_1831 : memref<128x16xf32, #tpu.memory_space<vmem>>) target_semaphore(%dma_start3A_1828 : memref<!tpu.dma_semaphore, #tpu.memory_space<semaphore_mem>>)
      %add3A_1834 = arith.constant 1 : i32
      %add3A_1835 = arith.addi %add3A_1764, %add3A_1834 : i32
      %mul3A_1836 = arith.constant 80 : i32
      %mul3A_1837 = arith.muli %add3A, %mul3A_1836 : i32
      %add3A_1838 = arith.addi %mul3A_1837, %add3A_1835 : i32
      %min3A_1839 = arith.constant 2499 : i32
      %min3A_1840 = arith.minsi %add3A_1838, %min3A_1839 : i32
      %mul3A_1841 = arith.constant 128 : i32
      %mul3A_1842 = arith.muli %min3A_1840, %mul3A_1841 : i32
      %dma_wait3A_1843 = arith.constant 0 : i32
      %dma_wait3A_1844 = arith.constant 3 : i32
      %dma_wait3A_1845 = arith.constant 1 : i32
      %dma_wait3A_1846 = arith.constant 0 : i32
      %dma_wait3A_1847 = tpu.memref_slice %arg6[%dma_wait3A_1844, %dma_wait3A_1846] : memref<4x128xi32, #tpu.memory_space<vmem>> -> memref<1x128xi32, #tpu.memory_space<vmem>>
      %dma_wait3A_1848 = tpu.memref_squeeze %dma_wait3A_1847 : memref<1x128xi32, #tpu.memory_space<vmem>> -> memref<128xi32, #tpu.memory_space<vmem>>
      %dma_wait3A_1849 = arith.constant 0 : i32
      %dma_wait3A_1850 = tpu.memref_slice %arg3[%dma_wait3A_1843, %min3A_1840, %dma_wait3A_1849] : memref<2x2500x128xi32, #tpu.memory_space<hbm>> -> memref<1x1x128xi32, #tpu.memory_space<hbm>>
      %dma_wait3A_1851 = tpu.memref_squeeze %dma_wait3A_1850 : memref<1x1x128xi32, #tpu.memory_space<hbm>> -> memref<128xi32, #tpu.memory_space<hbm>>
      %dma_wait3A_1852 = tpu.memref_slice %arg12[%dma_wait3A_1845] : memref<2x!tpu.dma_semaphore, #tpu.memory_space<semaphore_mem>> -> memref<1x!tpu.dma_semaphore, #tpu.memory_space<semaphore_mem>>
      %dma_wait3A_1853 = tpu.memref_squeeze %dma_wait3A_1852 : memref<1x!tpu.dma_semaphore, #tpu.memory_space<semaphore_mem>> -> memref<!tpu.dma_semaphore, #tpu.memory_space<semaphore_mem>>
      %dma_wait3A_1854 = arith.constant 0 : i32
      %dma_wait3A_1855 = tpu.memref_slice %arg6[%dma_wait3A_1844, %dma_wait3A_1854] : memref<4x128xi32, #tpu.memory_space<vmem>> -> memref<1x128xi32, #tpu.memory_space<vmem>>
      %dma_wait3A_1856 = tpu.memref_squeeze %dma_wait3A_1855 : memref<1x128xi32, #tpu.memory_space<vmem>> -> memref<128xi32, #tpu.memory_space<vmem>>
      %dma_wait3A_1857 = arith.constant 0 : i32
      %dma_wait3A_1858 = tpu.memref_slice %arg3[%dma_wait3A_1843, %min3A_1840, %dma_wait3A_1857] : memref<2x2500x128xi32, #tpu.memory_space<hbm>> -> memref<1x1x128xi32, #tpu.memory_space<hbm>>
      %dma_wait3A_1859 = tpu.memref_squeeze %dma_wait3A_1858 : memref<1x1x128xi32, #tpu.memory_space<hbm>> -> memref<128xi32, #tpu.memory_space<hbm>>
      tpu.wait_dma2 semaphore(%dma_wait3A_1853 : memref<!tpu.dma_semaphore, #tpu.memory_space<semaphore_mem>>) src(%dma_wait3A_1859 : memref<128xi32, #tpu.memory_space<hbm>>) dst(%dma_wait3A_1856 : memref<128xi32, #tpu.memory_space<vmem>>)
      %dma_wait3A_1860 = arith.constant 1 : i32
      %dma_wait3A_1861 = arith.constant 3 : i32
      %dma_wait3A_1862 = arith.constant 1 : i32
      %dma_wait3A_1863 = arith.constant 0 : i32
      %dma_wait3A_1864 = tpu.memref_slice %arg7[%dma_wait3A_1861, %dma_wait3A_1863] : memref<4x128xi32, #tpu.memory_space<vmem>> -> memref<1x128xi32, #tpu.memory_space<vmem>>
      %dma_wait3A_1865 = tpu.memref_squeeze %dma_wait3A_1864 : memref<1x128xi32, #tpu.memory_space<vmem>> -> memref<128xi32, #tpu.memory_space<vmem>>
      %dma_wait3A_1866 = arith.constant 0 : i32
      %dma_wait3A_1867 = tpu.memref_slice %arg3[%dma_wait3A_1860, %min3A_1840, %dma_wait3A_1866] : memref<2x2500x128xi32, #tpu.memory_space<hbm>> -> memref<1x1x128xi32, #tpu.memory_space<hbm>>
      %dma_wait3A_1868 = tpu.memref_squeeze %dma_wait3A_1867 : memref<1x1x128xi32, #tpu.memory_space<hbm>> -> memref<128xi32, #tpu.memory_space<hbm>>
      %dma_wait3A_1869 = tpu.memref_slice %arg12[%dma_wait3A_1862] : memref<2x!tpu.dma_semaphore, #tpu.memory_space<semaphore_mem>> -> memref<1x!tpu.dma_semaphore, #tpu.memory_space<semaphore_mem>>
      %dma_wait3A_1870 = tpu.memref_squeeze %dma_wait3A_1869 : memref<1x!tpu.dma_semaphore, #tpu.memory_space<semaphore_mem>> -> memref<!tpu.dma_semaphore, #tpu.memory_space<semaphore_mem>>
      %dma_wait3A_1871 = arith.constant 0 : i32
      %dma_wait3A_1872 = tpu.memref_slice %arg7[%dma_wait3A_1861, %dma_wait3A_1871] : memref<4x128xi32, #tpu.memory_space<vmem>> -> memref<1x128xi32, #tpu.memory_space<vmem>>
      %dma_wait3A_1873 = tpu.memref_squeeze %dma_wait3A_1872 : memref<1x128xi32, #tpu.memory_space<vmem>> -> memref<128xi32, #tpu.memory_space<vmem>>
      %dma_wait3A_1874 = arith.constant 0 : i32
      %dma_wait3A_1875 = tpu.memref_slice %arg3[%dma_wait3A_1860, %min3A_1840, %dma_wait3A_1874] : memref<2x2500x128xi32, #tpu.memory_space<hbm>> -> memref<1x1x128xi32, #tpu.memory_space<hbm>>
      %dma_wait3A_1876 = tpu.memref_squeeze %dma_wait3A_1875 : memref<1x1x128xi32, #tpu.memory_space<hbm>> -> memref<128xi32, #tpu.memory_space<hbm>>
      tpu.wait_dma2 semaphore(%dma_wait3A_1870 : memref<!tpu.dma_semaphore, #tpu.memory_space<semaphore_mem>>) src(%dma_wait3A_1876 : memref<128xi32, #tpu.memory_space<hbm>>) dst(%dma_wait3A_1873 : memref<128xi32, #tpu.memory_space<vmem>>)
      %dma_wait3A_1877 = arith.constant 1 : i32
      %dma_wait3A_1878 = arith.constant 384 : i32
      %dma_wait3A_1879 = arith.constant 0 : i32
      %dma_wait3A_1880 = tpu.memref_slice %arg8[%dma_wait3A_1878, %dma_wait3A_1879] : memref<512x16xf32, #tpu.memory_space<vmem>> -> memref<128x16xf32, #tpu.memory_space<vmem>>
      %dma_wait3A_1881 = arith.constant 0 : i32
      %dma_wait3A_1882 = tpu.memref_slice %arg4[%mul3A_1842, %dma_wait3A_1881] : memref<320000x16xf32, #tpu.memory_space<hbm>> -> memref<128x16xf32, #tpu.memory_space<hbm>>
      %dma_wait3A_1883 = tpu.memref_slice %arg12[%dma_wait3A_1877] : memref<2x!tpu.dma_semaphore, #tpu.memory_space<semaphore_mem>> -> memref<1x!tpu.dma_semaphore, #tpu.memory_space<semaphore_mem>>
      %dma_wait3A_1884 = tpu.memref_squeeze %dma_wait3A_1883 : memref<1x!tpu.dma_semaphore, #tpu.memory_space<semaphore_mem>> -> memref<!tpu.dma_semaphore, #tpu.memory_space<semaphore_mem>>
      %dma_wait3A_1885 = arith.constant 384 : i32
      %dma_wait3A_1886 = arith.constant 0 : i32
      %dma_wait3A_1887 = tpu.memref_slice %arg8[%dma_wait3A_1885, %dma_wait3A_1886] : memref<512x16xf32, #tpu.memory_space<vmem>> -> memref<128x16xf32, #tpu.memory_space<vmem>>
      %dma_wait3A_1888 = arith.constant 0 : i32
      %dma_wait3A_1889 = tpu.memref_slice %arg4[%mul3A_1842, %dma_wait3A_1888] : memref<320000x16xf32, #tpu.memory_space<hbm>> -> memref<128x16xf32, #tpu.memory_space<hbm>>
      tpu.wait_dma2 semaphore(%dma_wait3A_1884 : memref<!tpu.dma_semaphore, #tpu.memory_space<semaphore_mem>>) src(%dma_wait3A_1889 : memref<128x16xf32, #tpu.memory_space<hbm>>) dst(%dma_wait3A_1887 : memref<128x16xf32, #tpu.memory_space<vmem>>)
      %dma_start3A_1890 = arith.constant 3 : i32
      %dma_start3A_1891 = arith.constant 1 : i32
      %dma_start3A_1892 = arith.constant 384 : i32
      %dma_start3A_1893 = arith.constant 0 : i32
      %dma_start3A_1894 = tpu.memref_slice %arg9[%dma_start3A_1892, %dma_start3A_1893] : memref<512x16xf32, #tpu.memory_space<vmem>> -> memref<128x16xf32, #tpu.memory_space<vmem>>
      %dma_start3A_1895 = arith.constant 0 : i32
      %dma_start3A_1896 = tpu.memref_slice %arg7[%dma_start3A_1890, %dma_start3A_1895] : memref<4x128xi32, #tpu.memory_space<vmem>> -> memref<1x128xi32, #tpu.memory_space<vmem>>
      %dma_start3A_1897 = tpu.memref_squeeze %dma_start3A_1896 : memref<1x128xi32, #tpu.memory_space<vmem>> -> memref<128xi32, #tpu.memory_space<vmem>>
      %dma_start3A_1898 = arith.constant 0 : i32
      %dma_start3A_1899 = arith.constant 0 : i32
      %dma_start3A_1900 = tpu.memref_slice %arg2[%dma_start3A_1898, %dma_start3A_1899] : memref<10000x16xf32, #tpu.memory_space<hbm>> -> memref<10000x16xf32, #tpu.memory_space<hbm>>
      %dma_start3A_1901 = tpu.memref_slice %arg13[%dma_start3A_1891] : memref<2x!tpu.dma_semaphore, #tpu.memory_space<semaphore_mem>> -> memref<1x!tpu.dma_semaphore, #tpu.memory_space<semaphore_mem>>
      %dma_start3A_1902 = tpu.memref_squeeze %dma_start3A_1901 : memref<1x!tpu.dma_semaphore, #tpu.memory_space<semaphore_mem>> -> memref<!tpu.dma_semaphore, #tpu.memory_space<semaphore_mem>>
      tpu.enqueue_indirect_dma source(%dma_start3A_1900 : memref<10000x16xf32, #tpu.memory_space<hbm>>) target(%dma_start3A_1894 : memref<128x16xf32, #tpu.memory_space<vmem>>) offsets(%dma_start3A_1897 : memref<128xi32, #tpu.memory_space<vmem>>) semaphore(%dma_start3A_1902 : memref<!tpu.dma_semaphore, #tpu.memory_space<semaphore_mem>>)
      %dma_wait3A_1903 = arith.constant 2 : i32
      %dma_wait3A_1904 = arith.constant 0 : i32
      %dma_wait3A_1905 = arith.constant 256 : i32
      %dma_wait3A_1906 = arith.constant 0 : i32
      %dma_wait3A_1907 = tpu.memref_slice %arg9[%dma_wait3A_1905, %dma_wait3A_1906] : memref<512x16xf32, #tpu.memory_space<vmem>> -> memref<128x16xf32, #tpu.memory_space<vmem>>
      %dma_wait3A_1908 = arith.constant 0 : i32
      %dma_wait3A_1909 = tpu.memref_slice %arg7[%dma_wait3A_1903, %dma_wait3A_1908] : memref<4x128xi32, #tpu.memory_space<vmem>> -> memref<1x128xi32, #tpu.memory_space<vmem>>
      %dma_wait3A_1910 = tpu.memref_squeeze %dma_wait3A_1909 : memref<1x128xi32, #tpu.memory_space<vmem>> -> memref<128xi32, #tpu.memory_space<vmem>>
      %dma_wait3A_1911 = arith.constant 0 : i32
      %dma_wait3A_1912 = arith.constant 0 : i32
      %dma_wait3A_1913 = tpu.memref_slice %arg2[%dma_wait3A_1911, %dma_wait3A_1912] : memref<10000x16xf32, #tpu.memory_space<hbm>> -> memref<10000x16xf32, #tpu.memory_space<hbm>>
      %dma_wait3A_1914 = tpu.memref_slice %arg13[%dma_wait3A_1904] : memref<2x!tpu.dma_semaphore, #tpu.memory_space<semaphore_mem>> -> memref<1x!tpu.dma_semaphore, #tpu.memory_space<semaphore_mem>>
      %dma_wait3A_1915 = tpu.memref_squeeze %dma_wait3A_1914 : memref<1x!tpu.dma_semaphore, #tpu.memory_space<semaphore_mem>> -> memref<!tpu.dma_semaphore, #tpu.memory_space<semaphore_mem>>
      tpu.wait_indirect_dma semaphore(%dma_wait3A_1915 : memref<!tpu.dma_semaphore, #tpu.memory_space<semaphore_mem>>) src(%dma_wait3A_1913 : memref<10000x16xf32, #tpu.memory_space<hbm>>) dst(%dma_wait3A_1907 : memref<128x16xf32, #tpu.memory_space<vmem>>)
      %mul3A_1916 = arith.constant 80 : i32
      %mul3A_1917 = arith.muli %add3A, %mul3A_1916 : i32
      %add3A_1918 = arith.addi %mul3A_1917, %add3A_1764 : i32
      %lt3A_1919 = arith.constant 2500 : i32
      %lt3A_1920 = arith.cmpi slt, %add3A_1918, %lt3A_1919 : i32
      %jit3A_1921 = arith.constant 1.000000e+00 : f32
      %jit3A_1922 = arith.constant 0.000000e+00 : f32
      %select_n3A_1923 = arith.select %lt3A_1920, %jit3A_1921, %jit3A_1922 : f32
      %parallel_loop3A_1924 = arith.constant 0 : i32
      %parallel_loop3A_1925 = arith.constant 128 : i32
      %parallel_loop3A_1926 = arith.constant 1 : i32
      scf.for %parallel_loop3A_2119 = %parallel_loop3A_1924 to %parallel_loop3A_1925 step %parallel_loop3A_1926  : i32 {
        %parallel_loop3A_2120 = arith.constant 256 : i32
        %parallel_loop3A_2121 = arith.addi %parallel_loop3A_2120, %parallel_loop3A_2119 : i32
        %parallel_loop3A_2122 = arith.index_cast %parallel_loop3A_2121 : i32 to index
        %parallel_loop3A_2123 = arith.constant 0 : index
        %parallel_loop3A_2124 = tpu.vector_load %arg9[%parallel_loop3A_2122, %parallel_loop3A_2123] {strides = array<i32>} : memref<512x16xf32, #tpu.memory_space<vmem>>, vector<1x16xf32>,
        %parallel_loop3A_2125 = vector.shape_cast %parallel_loop3A_2124 : vector<1x16xf32> to vector<16xf32>
        %parallel_loop3A_2126 = arith.index_cast %parallel_loop3A_2121 : i32 to index
        %parallel_loop3A_2127 = arith.constant 0 : index
        %parallel_loop3A_2128 = tpu.vector_load %arg8[%parallel_loop3A_2126, %parallel_loop3A_2127] {strides = array<i32>} : memref<512x16xf32, #tpu.memory_space<vmem>>, vector<1x16xf32>,
        %parallel_loop3A_2129 = vector.shape_cast %parallel_loop3A_2128 : vector<1x16xf32> to vector<16xf32>
        %parallel_loop3A_2130 = arith.mulf %parallel_loop3A_2125, %parallel_loop3A_2129 : vector<16xf32>
        %parallel_loop3A_2131 = vector.broadcast %select_n3A_1923 : f32 to vector<16xf32>
        %parallel_loop3A_2132 = arith.mulf %parallel_loop3A_2130, %parallel_loop3A_2131 : vector<16xf32>
        %parallel_loop3A_2133 = arith.index_cast %parallel_loop3A_2121 : i32 to index
        %parallel_loop3A_2134 = arith.constant 0 : index
        %parallel_loop3A_2135 = tpu.vector_load %arg9[%parallel_loop3A_2133, %parallel_loop3A_2134] {strides = array<i32>} : memref<512x16xf32, #tpu.memory_space<vmem>>, vector<1x16xf32>,
        %parallel_loop3A_2136 = vector.shape_cast %parallel_loop3A_2135 : vector<1x16xf32> to vector<16xf32>
        %parallel_loop3A_2137 = vector.shape_cast %parallel_loop3A_2132 : vector<16xf32> to vector<1x16xf32>
        tpu.vector_store %arg9[%parallel_loop3A_2133, %parallel_loop3A_2134], %parallel_loop3A_2137 {strides = array<i32>} : memref<512x16xf32, #tpu.memory_space<vmem>>, vector<1x16xf32>,
      } {sc.loop_unroll_factor = 8 : i64, sc.parallel_access}
      %dma_start3A_1927 = arith.constant 2 : i32
      %dma_start3A_1928 = arith.constant 0 : i32
      %dma_start3A_1929 = arith.constant 256 : i32
      %dma_start3A_1930 = arith.constant 0 : i32
      %dma_start3A_1931 = tpu.memref_slice %arg9[%dma_start3A_1929, %dma_start3A_1930] : memref<512x16xf32, #tpu.memory_space<vmem>> -> memref<128x16xf32, #tpu.memory_space<vmem>>
      %dma_start3A_1932 = arith.constant 0 : i32
      %dma_start3A_1933 = tpu.memref_slice %arg6[%dma_start3A_1927, %dma_start3A_1932] : memref<4x128xi32, #tpu.memory_space<vmem>> -> memref<1x128xi32, #tpu.memory_space<vmem>>
      %dma_start3A_1934 = tpu.memref_squeeze %dma_start3A_1933 : memref<1x128xi32, #tpu.memory_space<vmem>> -> memref<128xi32, #tpu.memory_space<vmem>>
      %dma_start3A_1935 = arith.constant 0 : i32
      %dma_start3A_1936 = arith.constant 0 : i32
      %dma_start3A_1937 = tpu.memref_slice %arg11[%dma_start3A_1935, %dma_start3A_1936] : memref<10112x16xf32, #tpu.memory_space<vmem_shared>> -> memref<10112x16xf32, #tpu.memory_space<vmem_shared>>
      %dma_start3A_1938 = tpu.memref_slice %arg14[%dma_start3A_1928] : memref<2x!tpu.dma_semaphore, #tpu.memory_space<semaphore_mem>> -> memref<1x!tpu.dma_semaphore, #tpu.memory_space<semaphore_mem>>
      %dma_start3A_1939 = tpu.memref_squeeze %dma_start3A_1938 : memref<1x!tpu.dma_semaphore, #tpu.memory_space<semaphore_mem>> -> memref<!tpu.dma_semaphore, #tpu.memory_space<semaphore_mem>>
      tpu.enqueue_indirect_dma source(%dma_start3A_1931 : memref<128x16xf32, #tpu.memory_space<vmem>>) target(%dma_start3A_1937 : memref<10112x16xf32, #tpu.memory_space<vmem_shared>>) offsets(%dma_start3A_1934 : memref<128xi32, #tpu.memory_space<vmem>>) semaphore(%dma_start3A_1939 : memref<!tpu.dma_semaphore, #tpu.memory_space<semaphore_mem>>) {add = true}
      %mul3A_1940 = arith.constant 4 : i32
      %mul3A_1941 = arith.muli %scan3A_1402, %mul3A_1940 : i32
      %add3A_1942 = arith.constant 3 : i32
      %add3A_1943 = arith.addi %mul3A_1941, %add3A_1942 : i32
      %dma_wait3A_1944 = arith.constant 1 : i32
      %dma_wait3A_1945 = arith.constant 1 : i32
      %dma_wait3A_1946 = arith.constant 128 : i32
      %dma_wait3A_1947 = arith.constant 0 : i32
      %dma_wait3A_1948 = tpu.memref_slice %arg9[%dma_wait3A_1946, %dma_wait3A_1947] : memref<512x16xf32, #tpu.memory_space<vmem>> -> memref<128x16xf32, #tpu.memory_space<vmem>>
      %dma_wait3A_1949 = arith.constant 0 : i32
      %dma_wait3A_1950 = tpu.memref_slice %arg6[%dma_wait3A_1944, %dma_wait3A_1949] : memref<4x128xi32, #tpu.memory_space<vmem>> -> memref<1x128xi32, #tpu.memory_space<vmem>>
      %dma_wait3A_1951 = tpu.memref_squeeze %dma_wait3A_1950 : memref<1x128xi32, #tpu.memory_space<vmem>> -> memref<128xi32, #tpu.memory_space<vmem>>
      %dma_wait3A_1952 = arith.constant 0 : i32
      %dma_wait3A_1953 = arith.constant 0 : i32
      %dma_wait3A_1954 = tpu.memref_slice %arg11[%dma_wait3A_1952, %dma_wait3A_1953] : memref<10112x16xf32, #tpu.memory_space<vmem_shared>> -> memref<10112x16xf32, #tpu.memory_space<vmem_shared>>
      %dma_wait3A_1955 = tpu.memref_slice %arg14[%dma_wait3A_1945] : memref<2x!tpu.dma_semaphore, #tpu.memory_space<semaphore_mem>> -> memref<1x!tpu.dma_semaphore, #tpu.memory_space<semaphore_mem>>
      %dma_wait3A_1956 = tpu.memref_squeeze %dma_wait3A_1955 : memref<1x!tpu.dma_semaphore, #tpu.memory_space<semaphore_mem>> -> memref<!tpu.dma_semaphore, #tpu.memory_space<semaphore_mem>>
      tpu.wait_indirect_dma semaphore(%dma_wait3A_1956 : memref<!tpu.dma_semaphore, #tpu.memory_space<semaphore_mem>>) src(%dma_wait3A_1948 : memref<128x16xf32, #tpu.memory_space<vmem>>) dst(%dma_wait3A_1954 : memref<10112x16xf32, #tpu.memory_space<vmem_shared>>)
      %add3A_1957 = arith.constant 2 : i32
      %add3A_1958 = arith.addi %add3A_1943, %add3A_1957 : i32
      %mul3A_1959 = arith.constant 80 : i32
      %mul3A_1960 = arith.muli %add3A, %mul3A_1959 : i32
      %add3A_1961 = arith.addi %mul3A_1960, %add3A_1958 : i32
      %min3A_1962 = arith.constant 2499 : i32
      %min3A_1963 = arith.minsi %add3A_1961, %min3A_1962 : i32
      %mul3A_1964 = arith.constant 128 : i32
      %mul3A_1965 = arith.muli %min3A_1963, %mul3A_1964 : i32
      %dma_start3A_1966 = arith.constant 0 : i32
      %dma_start3A_1967 = arith.constant 1 : i32
      %dma_start3A_1968 = arith.constant 1 : i32
      %dma_start3A_1969 = arith.constant 0 : i32
      %dma_start3A_1970 = tpu.memref_slice %arg6[%dma_start3A_1967, %dma_start3A_1969] : memref<4x128xi32, #tpu.memory_space<vmem>> -> memref<1x128xi32, #tpu.memory_space<vmem>>
      %dma_start3A_1971 = tpu.memref_squeeze %dma_start3A_1970 : memref<1x128xi32, #tpu.memory_space<vmem>> -> memref<128xi32, #tpu.memory_space<vmem>>
      %dma_start3A_1972 = arith.constant 0 : i32
      %dma_start3A_1973 = tpu.memref_slice %arg3[%dma_start3A_1966, %min3A_1963, %dma_start3A_1972] : memref<2x2500x128xi32, #tpu.memory_space<hbm>> -> memref<1x1x128xi32, #tpu.memory_space<hbm>>
      %dma_start3A_1974 = tpu.memref_squeeze %dma_start3A_1973 : memref<1x1x128xi32, #tpu.memory_space<hbm>> -> memref<128xi32, #tpu.memory_space<hbm>>
      %dma_start3A_1975 = tpu.memref_slice %arg12[%dma_start3A_1968] : memref<2x!tpu.dma_semaphore, #tpu.memory_space<semaphore_mem>> -> memref<1x!tpu.dma_semaphore, #tpu.memory_space<semaphore_mem>>
      %dma_start3A_1976 = tpu.memref_squeeze %dma_start3A_1975 : memref<1x!tpu.dma_semaphore, #tpu.memory_space<semaphore_mem>> -> memref<!tpu.dma_semaphore, #tpu.memory_space<semaphore_mem>>
      %dma_start3A_1977 = arith.constant 0 : i32
      %dma_start3A_1978 = tpu.memref_slice %arg6[%dma_start3A_1967, %dma_start3A_1977] : memref<4x128xi32, #tpu.memory_space<vmem>> -> memref<1x128xi32, #tpu.memory_space<vmem>>
      %dma_start3A_1979 = tpu.memref_squeeze %dma_start3A_1978 : memref<1x128xi32, #tpu.memory_space<vmem>> -> memref<128xi32, #tpu.memory_space<vmem>>
      %dma_start3A_1980 = arith.constant 0 : i32
      %dma_start3A_1981 = tpu.memref_slice %arg3[%dma_start3A_1966, %min3A_1963, %dma_start3A_1980] : memref<2x2500x128xi32, #tpu.memory_space<hbm>> -> memref<1x1x128xi32, #tpu.memory_space<hbm>>
      %dma_start3A_1982 = tpu.memref_squeeze %dma_start3A_1981 : memref<1x1x128xi32, #tpu.memory_space<hbm>> -> memref<128xi32, #tpu.memory_space<hbm>>
      tpu.enqueue_dma source(%dma_start3A_1982 : memref<128xi32, #tpu.memory_space<hbm>>) target(%dma_start3A_1979 : memref<128xi32, #tpu.memory_space<vmem>>) target_semaphore(%dma_start3A_1976 : memref<!tpu.dma_semaphore, #tpu.memory_space<semaphore_mem>>)
      %dma_start3A_1983 = arith.constant 1 : i32
      %dma_start3A_1984 = arith.constant 1 : i32
      %dma_start3A_1985 = arith.constant 1 : i32
      %dma_start3A_1986 = arith.constant 0 : i32
      %dma_start3A_1987 = tpu.memref_slice %arg7[%dma_start3A_1984, %dma_start3A_1986] : memref<4x128xi32, #tpu.memory_space<vmem>> -> memref<1x128xi32, #tpu.memory_space<vmem>>
      %dma_start3A_1988 = tpu.memref_squeeze %dma_start3A_1987 : memref<1x128xi32, #tpu.memory_space<vmem>> -> memref<128xi32, #tpu.memory_space<vmem>>
      %dma_start3A_1989 = arith.constant 0 : i32
      %dma_start3A_1990 = tpu.memref_slice %arg3[%dma_start3A_1983, %min3A_1963, %dma_start3A_1989] : memref<2x2500x128xi32, #tpu.memory_space<hbm>> -> memref<1x1x128xi32, #tpu.memory_space<hbm>>
      %dma_start3A_1991 = tpu.memref_squeeze %dma_start3A_1990 : memref<1x1x128xi32, #tpu.memory_space<hbm>> -> memref<128xi32, #tpu.memory_space<hbm>>
      %dma_start3A_1992 = tpu.memref_slice %arg12[%dma_start3A_1985] : memref<2x!tpu.dma_semaphore, #tpu.memory_space<semaphore_mem>> -> memref<1x!tpu.dma_semaphore, #tpu.memory_space<semaphore_mem>>
      %dma_start3A_1993 = tpu.memref_squeeze %dma_start3A_1992 : memref<1x!tpu.dma_semaphore, #tpu.memory_space<semaphore_mem>> -> memref<!tpu.dma_semaphore, #tpu.memory_space<semaphore_mem>>
      %dma_start3A_1994 = arith.constant 0 : i32
      %dma_start3A_1995 = tpu.memref_slice %arg7[%dma_start3A_1984, %dma_start3A_1994] : memref<4x128xi32, #tpu.memory_space<vmem>> -> memref<1x128xi32, #tpu.memory_space<vmem>>
      %dma_start3A_1996 = tpu.memref_squeeze %dma_start3A_1995 : memref<1x128xi32, #tpu.memory_space<vmem>> -> memref<128xi32, #tpu.memory_space<vmem>>
      %dma_start3A_1997 = arith.constant 0 : i32
      %dma_start3A_1998 = tpu.memref_slice %arg3[%dma_start3A_1983, %min3A_1963, %dma_start3A_1997] : memref<2x2500x128xi32, #tpu.memory_space<hbm>> -> memref<1x1x128xi32, #tpu.memory_space<hbm>>
      %dma_start3A_1999 = tpu.memref_squeeze %dma_start3A_1998 : memref<1x1x128xi32, #tpu.memory_space<hbm>> -> memref<128xi32, #tpu.memory_space<hbm>>
      tpu.enqueue_dma source(%dma_start3A_1999 : memref<128xi32, #tpu.memory_space<hbm>>) target(%dma_start3A_1996 : memref<128xi32, #tpu.memory_space<vmem>>) target_semaphore(%dma_start3A_1993 : memref<!tpu.dma_semaphore, #tpu.memory_space<semaphore_mem>>)
      %dma_start3A_2000 = arith.constant 1 : i32
      %dma_start3A_2001 = arith.constant 128 : i32
      %dma_start3A_2002 = arith.constant 0 : i32
      %dma_start3A_2003 = tpu.memref_slice %arg8[%dma_start3A_2001, %dma_start3A_2002] : memref<512x16xf32, #tpu.memory_space<vmem>> -> memref<128x16xf32, #tpu.memory_space<vmem>>
      %dma_start3A_2004 = arith.constant 0 : i32
      %dma_start3A_2005 = tpu.memref_slice %arg4[%mul3A_1965, %dma_start3A_2004] : memref<320000x16xf32, #tpu.memory_space<hbm>> -> memref<128x16xf32, #tpu.memory_space<hbm>>
      %dma_start3A_2006 = tpu.memref_slice %arg12[%dma_start3A_2000] : memref<2x!tpu.dma_semaphore, #tpu.memory_space<semaphore_mem>> -> memref<1x!tpu.dma_semaphore, #tpu.memory_space<semaphore_mem>>
      %dma_start3A_2007 = tpu.memref_squeeze %dma_start3A_2006 : memref<1x!tpu.dma_semaphore, #tpu.memory_space<semaphore_mem>> -> memref<!tpu.dma_semaphore, #tpu.memory_space<semaphore_mem>>
      %dma_start3A_2008 = arith.constant 128 : i32
      %dma_start3A_2009 = arith.constant 0 : i32
      %dma_start3A_2010 = tpu.memref_slice %arg8[%dma_start3A_2008, %dma_start3A_2009] : memref<512x16xf32, #tpu.memory_space<vmem>> -> memref<128x16xf32, #tpu.memory_space<vmem>>
      %dma_start3A_2011 = arith.constant 0 : i32
      %dma_start3A_2012 = tpu.memref_slice %arg4[%mul3A_1965, %dma_start3A_2011] : memref<320000x16xf32, #tpu.memory_space<hbm>> -> memref<128x16xf32, #tpu.memory_space<hbm>>
      tpu.enqueue_dma source(%dma_start3A_2012 : memref<128x16xf32, #tpu.memory_space<hbm>>) target(%dma_start3A_2010 : memref<128x16xf32, #tpu.memory_space<vmem>>) target_semaphore(%dma_start3A_2007 : memref<!tpu.dma_semaphore, #tpu.memory_space<semaphore_mem>>)
      %add3A_2013 = arith.constant 1 : i32
      %add3A_2014 = arith.addi %add3A_1943, %add3A_2013 : i32
      %mul3A_2015 = arith.constant 80 : i32
      %mul3A_2016 = arith.muli %add3A, %mul3A_2015 : i32
      %add3A_2017 = arith.addi %mul3A_2016, %add3A_2014 : i32
      %min3A_2018 = arith.constant 2499 : i32
      %min3A_2019 = arith.minsi %add3A_2017, %min3A_2018 : i32
      %mul3A_2020 = arith.constant 128 : i32
      %mul3A_2021 = arith.muli %min3A_2019, %mul3A_2020 : i32
      %dma_wait3A_2022 = arith.constant 0 : i32
      %dma_wait3A_2023 = arith.constant 0 : i32
      %dma_wait3A_2024 = arith.constant 0 : i32
      %dma_wait3A_2025 = arith.constant 0 : i32
      %dma_wait3A_2026 = tpu.memref_slice %arg6[%dma_wait3A_2023, %dma_wait3A_2025] : memref<4x128xi32, #tpu.memory_space<vmem>> -> memref<1x128xi32, #tpu.memory_space<vmem>>
      %dma_wait3A_2027 = tpu.memref_squeeze %dma_wait3A_2026 : memref<1x128xi32, #tpu.memory_space<vmem>> -> memref<128xi32, #tpu.memory_space<vmem>>
      %dma_wait3A_2028 = arith.constant 0 : i32
      %dma_wait3A_2029 = tpu.memref_slice %arg3[%dma_wait3A_2022, %min3A_2019, %dma_wait3A_2028] : memref<2x2500x128xi32, #tpu.memory_space<hbm>> -> memref<1x1x128xi32, #tpu.memory_space<hbm>>
      %dma_wait3A_2030 = tpu.memref_squeeze %dma_wait3A_2029 : memref<1x1x128xi32, #tpu.memory_space<hbm>> -> memref<128xi32, #tpu.memory_space<hbm>>
      %dma_wait3A_2031 = tpu.memref_slice %arg12[%dma_wait3A_2024] : memref<2x!tpu.dma_semaphore, #tpu.memory_space<semaphore_mem>> -> memref<1x!tpu.dma_semaphore, #tpu.memory_space<semaphore_mem>>
      %dma_wait3A_2032 = tpu.memref_squeeze %dma_wait3A_2031 : memref<1x!tpu.dma_semaphore, #tpu.memory_space<semaphore_mem>> -> memref<!tpu.dma_semaphore, #tpu.memory_space<semaphore_mem>>
      %dma_wait3A_2033 = arith.constant 0 : i32
      %dma_wait3A_2034 = tpu.memref_slice %arg6[%dma_wait3A_2023, %dma_wait3A_2033] : memref<4x128xi32, #tpu.memory_space<vmem>> -> memref<1x128xi32, #tpu.memory_space<vmem>>
      %dma_wait3A_2035 = tpu.memref_squeeze %dma_wait3A_2034 : memref<1x128xi32, #tpu.memory_space<vmem>> -> memref<128xi32, #tpu.memory_space<vmem>>
      %dma_wait3A_2036 = arith.constant 0 : i32
      %dma_wait3A_2037 = tpu.memref_slice %arg3[%dma_wait3A_2022, %min3A_2019, %dma_wait3A_2036] : memref<2x2500x128xi32, #tpu.memory_space<hbm>> -> memref<1x1x128xi32, #tpu.memory_space<hbm>>
      %dma_wait3A_2038 = tpu.memref_squeeze %dma_wait3A_2037 : memref<1x1x128xi32, #tpu.memory_space<hbm>> -> memref<128xi32, #tpu.memory_space<hbm>>
      tpu.wait_dma2 semaphore(%dma_wait3A_2032 : memref<!tpu.dma_semaphore, #tpu.memory_space<semaphore_mem>>) src(%dma_wait3A_2038 : memref<128xi32, #tpu.memory_space<hbm>>) dst(%dma_wait3A_2035 : memref<128xi32, #tpu.memory_space<vmem>>)
      %dma_wait3A_2039 = arith.constant 1 : i32
      %dma_wait3A_2040 = arith.constant 0 : i32
      %dma_wait3A_2041 = arith.constant 0 : i32
      %dma_wait3A_2042 = arith.constant 0 : i32
      %dma_wait3A_2043 = tpu.memref_slice %arg7[%dma_wait3A_2040, %dma_wait3A_2042] : memref<4x128xi32, #tpu.memory_space<vmem>> -> memref<1x128xi32, #tpu.memory_space<vmem>>
      %dma_wait3A_2044 = tpu.memref_squeeze %dma_wait3A_2043 : memref<1x128xi32, #tpu.memory_space<vmem>> -> memref<128xi32, #tpu.memory_space<vmem>>
      %dma_wait3A_2045 = arith.constant 0 : i32
      %dma_wait3A_2046 = tpu.memref_slice %arg3[%dma_wait3A_2039, %min3A_2019, %dma_wait3A_2045] : memref<2x2500x128xi32, #tpu.memory_space<hbm>> -> memref<1x1x128xi32, #tpu.memory_space<hbm>>
      %dma_wait3A_2047 = tpu.memref_squeeze %dma_wait3A_2046 : memref<1x1x128xi32, #tpu.memory_space<hbm>> -> memref<128xi32, #tpu.memory_space<hbm>>
      %dma_wait3A_2048 = tpu.memref_slice %arg12[%dma_wait3A_2041] : memref<2x!tpu.dma_semaphore, #tpu.memory_space<semaphore_mem>> -> memref<1x!tpu.dma_semaphore, #tpu.memory_space<semaphore_mem>>
      %dma_wait3A_2049 = tpu.memref_squeeze %dma_wait3A_2048 : memref<1x!tpu.dma_semaphore, #tpu.memory_space<semaphore_mem>> -> memref<!tpu.dma_semaphore, #tpu.memory_space<semaphore_mem>>
      %dma_wait3A_2050 = arith.constant 0 : i32
      %dma_wait3A_2051 = tpu.memref_slice %arg7[%dma_wait3A_2040, %dma_wait3A_2050] : memref<4x128xi32, #tpu.memory_space<vmem>> -> memref<1x128xi32, #tpu.memory_space<vmem>>
      %dma_wait3A_2052 = tpu.memref_squeeze %dma_wait3A_2051 : memref<1x128xi32, #tpu.memory_space<vmem>> -> memref<128xi32, #tpu.memory_space<vmem>>
      %dma_wait3A_2053 = arith.constant 0 : i32
      %dma_wait3A_2054 = tpu.memref_slice %arg3[%dma_wait3A_2039, %min3A_2019, %dma_wait3A_2053] : memref<2x2500x128xi32, #tpu.memory_space<hbm>> -> memref<1x1x128xi32, #tpu.memory_space<hbm>>
      %dma_wait3A_2055 = tpu.memref_squeeze %dma_wait3A_2054 : memref<1x1x128xi32, #tpu.memory_space<hbm>> -> memref<128xi32, #tpu.memory_space<hbm>>
      tpu.wait_dma2 semaphore(%dma_wait3A_2049 : memref<!tpu.dma_semaphore, #tpu.memory_space<semaphore_mem>>) src(%dma_wait3A_2055 : memref<128xi32, #tpu.memory_space<hbm>>) dst(%dma_wait3A_2052 : memref<128xi32, #tpu.memory_space<vmem>>)
      %dma_wait3A_2056 = arith.constant 0 : i32
      %dma_wait3A_2057 = arith.constant 0 : i32
      %dma_wait3A_2058 = arith.constant 0 : i32
      %dma_wait3A_2059 = tpu.memref_slice %arg8[%dma_wait3A_2057, %dma_wait3A_2058] : memref<512x16xf32, #tpu.memory_space<vmem>> -> memref<128x16xf32, #tpu.memory_space<vmem>>
      %dma_wait3A_2060 = arith.constant 0 : i32
      %dma_wait3A_2061 = tpu.memref_slice %arg4[%mul3A_2021, %dma_wait3A_2060] : memref<320000x16xf32, #tpu.memory_space<hbm>> -> memref<128x16xf32, #tpu.memory_space<hbm>>
      %dma_wait3A_2062 = tpu.memref_slice %arg12[%dma_wait3A_2056] : memref<2x!tpu.dma_semaphore, #tpu.memory_space<semaphore_mem>> -> memref<1x!tpu.dma_semaphore, #tpu.memory_space<semaphore_mem>>
      %dma_wait3A_2063 = tpu.memref_squeeze %dma_wait3A_2062 : memref<1x!tpu.dma_semaphore, #tpu.memory_space<semaphore_mem>> -> memref<!tpu.dma_semaphore, #tpu.memory_space<semaphore_mem>>
      %dma_wait3A_2064 = arith.constant 0 : i32
      %dma_wait3A_2065 = arith.constant 0 : i32
      %dma_wait3A_2066 = tpu.memref_slice %arg8[%dma_wait3A_2064, %dma_wait3A_2065] : memref<512x16xf32, #tpu.memory_space<vmem>> -> memref<128x16xf32, #tpu.memory_space<vmem>>
      %dma_wait3A_2067 = arith.constant 0 : i32
      %dma_wait3A_2068 = tpu.memref_slice %arg4[%mul3A_2021, %dma_wait3A_2067] : memref<320000x16xf32, #tpu.memory_space<hbm>> -> memref<128x16xf32, #tpu.memory_space<hbm>>
      tpu.wait_dma2 semaphore(%dma_wait3A_2063 : memref<!tpu.dma_semaphore, #tpu.memory_space<semaphore_mem>>) src(%dma_wait3A_2068 : memref<128x16xf32, #tpu.memory_space<hbm>>) dst(%dma_wait3A_2066 : memref<128x16xf32, #tpu.memory_space<vmem>>)
      %dma_start3A_2069 = arith.constant 0 : i32
      %dma_start3A_2070 = arith.constant 0 : i32
      %dma_start3A_2071 = arith.constant 0 : i32
      %dma_start3A_2072 = arith.constant 0 : i32
      %dma_start3A_2073 = tpu.memref_slice %arg9[%dma_start3A_2071, %dma_start3A_2072] : memref<512x16xf32, #tpu.memory_space<vmem>> -> memref<128x16xf32, #tpu.memory_space<vmem>>
      %dma_start3A_2074 = arith.constant 0 : i32
      %dma_start3A_2075 = tpu.memref_slice %arg7[%dma_start3A_2069, %dma_start3A_2074] : memref<4x128xi32, #tpu.memory_space<vmem>> -> memref<1x128xi32, #tpu.memory_space<vmem>>
      %dma_start3A_2076 = tpu.memref_squeeze %dma_start3A_2075 : memref<1x128xi32, #tpu.memory_space<vmem>> -> memref<128xi32, #tpu.memory_space<vmem>>
      %dma_start3A_2077 = arith.constant 0 : i32
      %dma_start3A_2078 = arith.constant 0 : i32
      %dma_start3A_2079 = tpu.memref_slice %arg2[%dma_start3A_2077, %dma_start3A_2078] : memref<10000x16xf32, #tpu.memory_space<hbm>> -> memref<10000x16xf32, #tpu.memory_space<hbm>>
      %dma_start3A_2080 = tpu.memref_slice %arg13[%dma_start3A_2070] : memref<2x!tpu.dma_semaphore, #tpu.memory_space<semaphore_mem>> -> memref<1x!tpu.dma_semaphore, #tpu.memory_space<semaphore_mem>>
      %dma_start3A_2081 = tpu.memref_squeeze %dma_start3A_2080 : memref<1x!tpu.dma_semaphore, #tpu.memory_space<semaphore_mem>> -> memref<!tpu.dma_semaphore, #tpu.memory_space<semaphore_mem>>
      tpu.enqueue_indirect_dma source(%dma_start3A_2079 : memref<10000x16xf32, #tpu.memory_space<hbm>>) target(%dma_start3A_2073 : memref<128x16xf32, #tpu.memory_space<vmem>>) offsets(%dma_start3A_2076 : memref<128xi32, #tpu.memory_space<vmem>>) semaphore(%dma_start3A_2081 : memref<!tpu.dma_semaphore, #tpu.memory_space<semaphore_mem>>)
      %dma_wait3A_2082 = arith.constant 3 : i32
      %dma_wait3A_2083 = arith.constant 1 : i32
      %dma_wait3A_2084 = arith.constant 384 : i32
      %dma_wait3A_2085 = arith.constant 0 : i32
      %dma_wait3A_2086 = tpu.memref_slice %arg9[%dma_wait3A_2084, %dma_wait3A_2085] : memref<512x16xf32, #tpu.memory_space<vmem>> -> memref<128x16xf32, #tpu.memory_space<vmem>>
      %dma_wait3A_2087 = arith.constant 0 : i32
      %dma_wait3A_2088 = tpu.memref_slice %arg7[%dma_wait3A_2082, %dma_wait3A_2087] : memref<4x128xi32, #tpu.memory_space<vmem>> -> memref<1x128xi32, #tpu.memory_space<vmem>>
      %dma_wait3A_2089 = tpu.memref_squeeze %dma_wait3A_2088 : memref<1x128xi32, #tpu.memory_space<vmem>> -> memref<128xi32, #tpu.memory_space<vmem>>
      %dma_wait3A_2090 = arith.constant 0 : i32
      %dma_wait3A_2091 = arith.constant 0 : i32
      %dma_wait3A_2092 = tpu.memref_slice %arg2[%dma_wait3A_2090, %dma_wait3A_2091] : memref<10000x16xf32, #tpu.memory_space<hbm>> -> memref<10000x16xf32, #tpu.memory_space<hbm>>
      %dma_wait3A_2093 = tpu.memref_slice %arg13[%dma_wait3A_2083] : memref<2x!tpu.dma_semaphore, #tpu.memory_space<semaphore_mem>> -> memref<1x!tpu.dma_semaphore, #tpu.memory_space<semaphore_mem>>
      %dma_wait3A_2094 = tpu.memref_squeeze %dma_wait3A_2093 : memref<1x!tpu.dma_semaphore, #tpu.memory_space<semaphore_mem>> -> memref<!tpu.dma_semaphore, #tpu.memory_space<semaphore_mem>>
      tpu.wait_indirect_dma semaphore(%dma_wait3A_2094 : memref<!tpu.dma_semaphore, #tpu.memory_space<semaphore_mem>>) src(%dma_wait3A_2092 : memref<10000x16xf32, #tpu.memory_space<hbm>>) dst(%dma_wait3A_2086 : memref<128x16xf32, #tpu.memory_space<vmem>>)
      %mul3A_2095 = arith.constant 80 : i32
      %mul3A_2096 = arith.muli %add3A, %mul3A_2095 : i32
      %add3A_2097 = arith.addi %mul3A_2096, %add3A_1943 : i32
      %lt3A_2098 = arith.constant 2500 : i32
      %lt3A_2099 = arith.cmpi slt, %add3A_2097, %lt3A_2098 : i32
      %jit3A_2100 = arith.constant 1.000000e+00 : f32
      %jit3A_2101 = arith.constant 0.000000e+00 : f32
      %select_n3A_2102 = arith.select %lt3A_2099, %jit3A_2100, %jit3A_2101 : f32
      %parallel_loop3A_2103 = arith.constant 0 : i32
      %parallel_loop3A_2104 = arith.constant 128 : i32
      %parallel_loop3A_2105 = arith.constant 1 : i32
      scf.for %parallel_loop3A_2119 = %parallel_loop3A_2103 to %parallel_loop3A_2104 step %parallel_loop3A_2105  : i32 {
        %parallel_loop3A_2120 = arith.constant 384 : i32
        %parallel_loop3A_2121 = arith.addi %parallel_loop3A_2120, %parallel_loop3A_2119 : i32
        %parallel_loop3A_2122 = arith.index_cast %parallel_loop3A_2121 : i32 to index
        %parallel_loop3A_2123 = arith.constant 0 : index
        %parallel_loop3A_2124 = tpu.vector_load %arg9[%parallel_loop3A_2122, %parallel_loop3A_2123] {strides = array<i32>} : memref<512x16xf32, #tpu.memory_space<vmem>>, vector<1x16xf32>,
        %parallel_loop3A_2125 = vector.shape_cast %parallel_loop3A_2124 : vector<1x16xf32> to vector<16xf32>
        %parallel_loop3A_2126 = arith.index_cast %parallel_loop3A_2121 : i32 to index
        %parallel_loop3A_2127 = arith.constant 0 : index
        %parallel_loop3A_2128 = tpu.vector_load %arg8[%parallel_loop3A_2126, %parallel_loop3A_2127] {strides = array<i32>} : memref<512x16xf32, #tpu.memory_space<vmem>>, vector<1x16xf32>,
        %parallel_loop3A_2129 = vector.shape_cast %parallel_loop3A_2128 : vector<1x16xf32> to vector<16xf32>
        %parallel_loop3A_2130 = arith.mulf %parallel_loop3A_2125, %parallel_loop3A_2129 : vector<16xf32>
        %parallel_loop3A_2131 = vector.broadcast %select_n3A_2102 : f32 to vector<16xf32>
        %parallel_loop3A_2132 = arith.mulf %parallel_loop3A_2130, %parallel_loop3A_2131 : vector<16xf32>
        %parallel_loop3A_2133 = arith.index_cast %parallel_loop3A_2121 : i32 to index
        %parallel_loop3A_2134 = arith.constant 0 : index
        %parallel_loop3A_2135 = tpu.vector_load %arg9[%parallel_loop3A_2133, %parallel_loop3A_2134] {strides = array<i32>} : memref<512x16xf32, #tpu.memory_space<vmem>>, vector<1x16xf32>,
        %parallel_loop3A_2136 = vector.shape_cast %parallel_loop3A_2135 : vector<1x16xf32> to vector<16xf32>
        %parallel_loop3A_2137 = vector.shape_cast %parallel_loop3A_2132 : vector<16xf32> to vector<1x16xf32>
        tpu.vector_store %arg9[%parallel_loop3A_2133, %parallel_loop3A_2134], %parallel_loop3A_2137 {strides = array<i32>} : memref<512x16xf32, #tpu.memory_space<vmem>>, vector<1x16xf32>,
      } {sc.loop_unroll_factor = 8 : i64, sc.parallel_access}
      %dma_start3A_2106 = arith.constant 3 : i32
      %dma_start3A_2107 = arith.constant 1 : i32
      %dma_start3A_2108 = arith.constant 384 : i32
      %dma_start3A_2109 = arith.constant 0 : i32
      %dma_start3A_2110 = tpu.memref_slice %arg9[%dma_start3A_2108, %dma_start3A_2109] : memref<512x16xf32, #tpu.memory_space<vmem>> -> memref<128x16xf32, #tpu.memory_space<vmem>>
      %dma_start3A_2111 = arith.constant 0 : i32
      %dma_start3A_2112 = tpu.memref_slice %arg6[%dma_start3A_2106, %dma_start3A_2111] : memref<4x128xi32, #tpu.memory_space<vmem>> -> memref<1x128xi32, #tpu.memory_space<vmem>>
      %dma_start3A_2113 = tpu.memref_squeeze %dma_start3A_2112 : memref<1x128xi32, #tpu.memory_space<vmem>> -> memref<128xi32, #tpu.memory_space<vmem>>
      %dma_start3A_2114 = arith.constant 0 : i32
      %dma_start3A_2115 = arith.constant 0 : i32
      %dma_start3A_2116 = tpu.memref_slice %arg11[%dma_start3A_2114, %dma_start3A_2115] : memref<10112x16xf32, #tpu.memory_space<vmem_shared>> -> memref<10112x16xf32, #tpu.memory_space<vmem_shared>>
      %dma_start3A_2117 = tpu.memref_slice %arg14[%dma_start3A_2107] : memref<2x!tpu.dma_semaphore, #tpu.memory_space<semaphore_mem>> -> memref<1x!tpu.dma_semaphore, #tpu.memory_space<semaphore_mem>>
      %dma_start3A_2118 = tpu.memref_squeeze %dma_start3A_2117 : memref<1x!tpu.dma_semaphore, #tpu.memory_space<semaphore_mem>> -> memref<!tpu.dma_semaphore, #tpu.memory_space<semaphore_mem>>
      tpu.enqueue_indirect_dma source(%dma_start3A_2110 : memref<128x16xf32, #tpu.memory_space<vmem>>) target(%dma_start3A_2116 : memref<10112x16xf32, #tpu.memory_space<vmem_shared>>) offsets(%dma_start3A_2113 : memref<128xi32, #tpu.memory_space<vmem>>) semaphore(%dma_start3A_2118 : memref<!tpu.dma_semaphore, #tpu.memory_space<semaphore_mem>>) {add = true}
    }
    %scan3A_852 = arith.constant 18 : i32
    %dma_wait3A_853 = arith.constant 2 : i32
    %dma_wait3A_854 = arith.constant 0 : i32
    %dma_wait3A_855 = arith.constant 256 : i32
    %dma_wait3A_856 = arith.constant 0 : i32
    %dma_wait3A_857 = tpu.memref_slice %arg9[%dma_wait3A_855, %dma_wait3A_856] : memref<512x16xf32, #tpu.memory_space<vmem>> -> memref<128x16xf32, #tpu.memory_space<vmem>>
    %dma_wait3A_858 = arith.constant 0 : i32
    %dma_wait3A_859 = tpu.memref_slice %arg6[%dma_wait3A_853, %dma_wait3A_858] : memref<4x128xi32, #tpu.memory_space<vmem>> -> memref<1x128xi32, #tpu.memory_space<vmem>>
    %dma_wait3A_860 = tpu.memref_squeeze %dma_wait3A_859 : memref<1x128xi32, #tpu.memory_space<vmem>> -> memref<128xi32, #tpu.memory_space<vmem>>
    %dma_wait3A_861 = arith.constant 0 : i32
    %dma_wait3A_862 = arith.constant 0 : i32
    %dma_wait3A_863 = tpu.memref_slice %arg11[%dma_wait3A_861, %dma_wait3A_862] : memref<10112x16xf32, #tpu.memory_space<vmem_shared>> -> memref<10112x16xf32, #tpu.memory_space<vmem_shared>>
    %dma_wait3A_864 = tpu.memref_slice %arg14[%dma_wait3A_854] : memref<2x!tpu.dma_semaphore, #tpu.memory_space<semaphore_mem>> -> memref<1x!tpu.dma_semaphore, #tpu.memory_space<semaphore_mem>>
    %dma_wait3A_865 = tpu.memref_squeeze %dma_wait3A_864 : memref<1x!tpu.dma_semaphore, #tpu.memory_space<semaphore_mem>> -> memref<!tpu.dma_semaphore, #tpu.memory_space<semaphore_mem>>
    tpu.wait_indirect_dma semaphore(%dma_wait3A_865 : memref<!tpu.dma_semaphore, #tpu.memory_space<semaphore_mem>>) src(%dma_wait3A_857 : memref<128x16xf32, #tpu.memory_space<vmem>>) dst(%dma_wait3A_863 : memref<10112x16xf32, #tpu.memory_space<vmem_shared>>)
    %mul3A_866 = arith.constant 80 : i32
    %mul3A_867 = arith.muli %add3A, %mul3A_866 : i32
    %add3A_868 = arith.constant 78 : i32
    %add3A_869 = arith.addi %mul3A_867, %add3A_868 : i32
    %min3A_870 = arith.constant 2499 : i32
    %min3A_871 = arith.minsi %add3A_869, %min3A_870 : i32
    %mul3A_872 = arith.constant 128 : i32
    %mul3A_873 = arith.muli %min3A_871, %mul3A_872 : i32
    %dma_start3A_874 = arith.constant 0 : i32
    %dma_start3A_875 = arith.constant 2 : i32
    %dma_start3A_876 = arith.constant 0 : i32
    %dma_start3A_877 = arith.constant 0 : i32
    %dma_start3A_878 = tpu.memref_slice %arg6[%dma_start3A_875, %dma_start3A_877] : memref<4x128xi32, #tpu.memory_space<vmem>> -> memref<1x128xi32, #tpu.memory_space<vmem>>
    %dma_start3A_879 = tpu.memref_squeeze %dma_start3A_878 : memref<1x128xi32, #tpu.memory_space<vmem>> -> memref<128xi32, #tpu.memory_space<vmem>>
    %dma_start3A_880 = arith.constant 0 : i32
    %dma_start3A_881 = tpu.memref_slice %arg3[%dma_start3A_874, %min3A_871, %dma_start3A_880] : memref<2x2500x128xi32, #tpu.memory_space<hbm>> -> memref<1x1x128xi32, #tpu.memory_space<hbm>>
    %dma_start3A_882 = tpu.memref_squeeze %dma_start3A_881 : memref<1x1x128xi32, #tpu.memory_space<hbm>> -> memref<128xi32, #tpu.memory_space<hbm>>
    %dma_start3A_883 = tpu.memref_slice %arg12[%dma_start3A_876] : memref<2x!tpu.dma_semaphore, #tpu.memory_space<semaphore_mem>> -> memref<1x!tpu.dma_semaphore, #tpu.memory_space<semaphore_mem>>
    %dma_start3A_884 = tpu.memref_squeeze %dma_start3A_883 : memref<1x!tpu.dma_semaphore, #tpu.memory_space<semaphore_mem>> -> memref<!tpu.dma_semaphore, #tpu.memory_space<semaphore_mem>>
    %dma_start3A_885 = arith.constant 0 : i32
    %dma_start3A_886 = tpu.memref_slice %arg6[%dma_start3A_875, %dma_start3A_885] : memref<4x128xi32, #tpu.memory_space<vmem>> -> memref<1x128xi32, #tpu.memory_space<vmem>>
    %dma_start3A_887 = tpu.memref_squeeze %dma_start3A_886 : memref<1x128xi32, #tpu.memory_space<vmem>> -> memref<128xi32, #tpu.memory_space<vmem>>
    %dma_start3A_888 = arith.constant 0 : i32
    %dma_start3A_889 = tpu.memref_slice %arg3[%dma_start3A_874, %min3A_871, %dma_start3A_888] : memref<2x2500x128xi32, #tpu.memory_space<hbm>> -> memref<1x1x128xi32, #tpu.memory_space<hbm>>
    %dma_start3A_890 = tpu.memref_squeeze %dma_start3A_889 : memref<1x1x128xi32, #tpu.memory_space<hbm>> -> memref<128xi32, #tpu.memory_space<hbm>>
    tpu.enqueue_dma source(%dma_start3A_890 : memref<128xi32, #tpu.memory_space<hbm>>) target(%dma_start3A_887 : memref<128xi32, #tpu.memory_space<vmem>>) target_semaphore(%dma_start3A_884 : memref<!tpu.dma_semaphore, #tpu.memory_space<semaphore_mem>>)
    %dma_start3A_891 = arith.constant 1 : i32
    %dma_start3A_892 = arith.constant 2 : i32
    %dma_start3A_893 = arith.constant 0 : i32
    %dma_start3A_894 = arith.constant 0 : i32
    %dma_start3A_895 = tpu.memref_slice %arg7[%dma_start3A_892, %dma_start3A_894] : memref<4x128xi32, #tpu.memory_space<vmem>> -> memref<1x128xi32, #tpu.memory_space<vmem>>
    %dma_start3A_896 = tpu.memref_squeeze %dma_start3A_895 : memref<1x128xi32, #tpu.memory_space<vmem>> -> memref<128xi32, #tpu.memory_space<vmem>>
    %dma_start3A_897 = arith.constant 0 : i32
    %dma_start3A_898 = tpu.memref_slice %arg3[%dma_start3A_891, %min3A_871, %dma_start3A_897] : memref<2x2500x128xi32, #tpu.memory_space<hbm>> -> memref<1x1x128xi32, #tpu.memory_space<hbm>>
    %dma_start3A_899 = tpu.memref_squeeze %dma_start3A_898 : memref<1x1x128xi32, #tpu.memory_space<hbm>> -> memref<128xi32, #tpu.memory_space<hbm>>
    %dma_start3A_900 = tpu.memref_slice %arg12[%dma_start3A_893] : memref<2x!tpu.dma_semaphore, #tpu.memory_space<semaphore_mem>> -> memref<1x!tpu.dma_semaphore, #tpu.memory_space<semaphore_mem>>
    %dma_start3A_901 = tpu.memref_squeeze %dma_start3A_900 : memref<1x!tpu.dma_semaphore, #tpu.memory_space<semaphore_mem>> -> memref<!tpu.dma_semaphore, #tpu.memory_space<semaphore_mem>>
    %dma_start3A_902 = arith.constant 0 : i32
    %dma_start3A_903 = tpu.memref_slice %arg7[%dma_start3A_892, %dma_start3A_902] : memref<4x128xi32, #tpu.memory_space<vmem>> -> memref<1x128xi32, #tpu.memory_space<vmem>>
    %dma_start3A_904 = tpu.memref_squeeze %dma_start3A_903 : memref<1x128xi32, #tpu.memory_space<vmem>> -> memref<128xi32, #tpu.memory_space<vmem>>
    %dma_start3A_905 = arith.constant 0 : i32
    %dma_start3A_906 = tpu.memref_slice %arg3[%dma_start3A_891, %min3A_871, %dma_start3A_905] : memref<2x2500x128xi32, #tpu.memory_space<hbm>> -> memref<1x1x128xi32, #tpu.memory_space<hbm>>
    %dma_start3A_907 = tpu.memref_squeeze %dma_start3A_906 : memref<1x1x128xi32, #tpu.memory_space<hbm>> -> memref<128xi32, #tpu.memory_space<hbm>>
    tpu.enqueue_dma source(%dma_start3A_907 : memref<128xi32, #tpu.memory_space<hbm>>) target(%dma_start3A_904 : memref<128xi32, #tpu.memory_space<vmem>>) target_semaphore(%dma_start3A_901 : memref<!tpu.dma_semaphore, #tpu.memory_space<semaphore_mem>>)
    %dma_start3A_908 = arith.constant 0 : i32
    %dma_start3A_909 = arith.constant 256 : i32
    %dma_start3A_910 = arith.constant 0 : i32
    %dma_start3A_911 = tpu.memref_slice %arg8[%dma_start3A_909, %dma_start3A_910] : memref<512x16xf32, #tpu.memory_space<vmem>> -> memref<128x16xf32, #tpu.memory_space<vmem>>
    %dma_start3A_912 = arith.constant 0 : i32
    %dma_start3A_913 = tpu.memref_slice %arg4[%mul3A_873, %dma_start3A_912] : memref<320000x16xf32, #tpu.memory_space<hbm>> -> memref<128x16xf32, #tpu.memory_space<hbm>>
    %dma_start3A_914 = tpu.memref_slice %arg12[%dma_start3A_908] : memref<2x!tpu.dma_semaphore, #tpu.memory_space<semaphore_mem>> -> memref<1x!tpu.dma_semaphore, #tpu.memory_space<semaphore_mem>>
    %dma_start3A_915 = tpu.memref_squeeze %dma_start3A_914 : memref<1x!tpu.dma_semaphore, #tpu.memory_space<semaphore_mem>> -> memref<!tpu.dma_semaphore, #tpu.memory_space<semaphore_mem>>
    %dma_start3A_916 = arith.constant 256 : i32
    %dma_start3A_917 = arith.constant 0 : i32
    %dma_start3A_918 = tpu.memref_slice %arg8[%dma_start3A_916, %dma_start3A_917] : memref<512x16xf32, #tpu.memory_space<vmem>> -> memref<128x16xf32, #tpu.memory_space<vmem>>
    %dma_start3A_919 = arith.constant 0 : i32
    %dma_start3A_920 = tpu.memref_slice %arg4[%mul3A_873, %dma_start3A_919] : memref<320000x16xf32, #tpu.memory_space<hbm>> -> memref<128x16xf32, #tpu.memory_space<hbm>>
    tpu.enqueue_dma source(%dma_start3A_920 : memref<128x16xf32, #tpu.memory_space<hbm>>) target(%dma_start3A_918 : memref<128x16xf32, #tpu.memory_space<vmem>>) target_semaphore(%dma_start3A_915 : memref<!tpu.dma_semaphore, #tpu.memory_space<semaphore_mem>>)
    %mul3A_921 = arith.constant 80 : i32
    %mul3A_922 = arith.muli %add3A, %mul3A_921 : i32
    %add3A_923 = arith.constant 77 : i32
    %add3A_924 = arith.addi %mul3A_922, %add3A_923 : i32
    %min3A_925 = arith.constant 2499 : i32
    %min3A_926 = arith.minsi %add3A_924, %min3A_925 : i32
    %mul3A_927 = arith.constant 128 : i32
    %mul3A_928 = arith.muli %min3A_926, %mul3A_927 : i32
    %dma_wait3A_929 = arith.constant 0 : i32
    %dma_wait3A_930 = arith.constant 1 : i32
    %dma_wait3A_931 = arith.constant 1 : i32
    %dma_wait3A_932 = arith.constant 0 : i32
    %dma_wait3A_933 = tpu.memref_slice %arg6[%dma_wait3A_930, %dma_wait3A_932] : memref<4x128xi32, #tpu.memory_space<vmem>> -> memref<1x128xi32, #tpu.memory_space<vmem>>
    %dma_wait3A_934 = tpu.memref_squeeze %dma_wait3A_933 : memref<1x128xi32, #tpu.memory_space<vmem>> -> memref<128xi32, #tpu.memory_space<vmem>>
    %dma_wait3A_935 = arith.constant 0 : i32
    %dma_wait3A_936 = tpu.memref_slice %arg3[%dma_wait3A_929, %min3A_926, %dma_wait3A_935] : memref<2x2500x128xi32, #tpu.memory_space<hbm>> -> memref<1x1x128xi32, #tpu.memory_space<hbm>>
    %dma_wait3A_937 = tpu.memref_squeeze %dma_wait3A_936 : memref<1x1x128xi32, #tpu.memory_space<hbm>> -> memref<128xi32, #tpu.memory_space<hbm>>
    %dma_wait3A_938 = tpu.memref_slice %arg12[%dma_wait3A_931] : memref<2x!tpu.dma_semaphore, #tpu.memory_space<semaphore_mem>> -> memref<1x!tpu.dma_semaphore, #tpu.memory_space<semaphore_mem>>
    %dma_wait3A_939 = tpu.memref_squeeze %dma_wait3A_938 : memref<1x!tpu.dma_semaphore, #tpu.memory_space<semaphore_mem>> -> memref<!tpu.dma_semaphore, #tpu.memory_space<semaphore_mem>>
    %dma_wait3A_940 = arith.constant 0 : i32
    %dma_wait3A_941 = tpu.memref_slice %arg6[%dma_wait3A_930, %dma_wait3A_940] : memref<4x128xi32, #tpu.memory_space<vmem>> -> memref<1x128xi32, #tpu.memory_space<vmem>>
    %dma_wait3A_942 = tpu.memref_squeeze %dma_wait3A_941 : memref<1x128xi32, #tpu.memory_space<vmem>> -> memref<128xi32, #tpu.memory_space<vmem>>
    %dma_wait3A_943 = arith.constant 0 : i32
    %dma_wait3A_944 = tpu.memref_slice %arg3[%dma_wait3A_929, %min3A_926, %dma_wait3A_943] : memref<2x2500x128xi32, #tpu.memory_space<hbm>> -> memref<1x1x128xi32, #tpu.memory_space<hbm>>
    %dma_wait3A_945 = tpu.memref_squeeze %dma_wait3A_944 : memref<1x1x128xi32, #tpu.memory_space<hbm>> -> memref<128xi32, #tpu.memory_space<hbm>>
    tpu.wait_dma2 semaphore(%dma_wait3A_939 : memref<!tpu.dma_semaphore, #tpu.memory_space<semaphore_mem>>) src(%dma_wait3A_945 : memref<128xi32, #tpu.memory_space<hbm>>) dst(%dma_wait3A_942 : memref<128xi32, #tpu.memory_space<vmem>>)
    %dma_wait3A_946 = arith.constant 1 : i32
    %dma_wait3A_947 = arith.constant 1 : i32
    %dma_wait3A_948 = arith.constant 1 : i32
    %dma_wait3A_949 = arith.constant 0 : i32
    %dma_wait3A_950 = tpu.memref_slice %arg7[%dma_wait3A_947, %dma_wait3A_949] : memref<4x128xi32, #tpu.memory_space<vmem>> -> memref<1x128xi32, #tpu.memory_space<vmem>>
    %dma_wait3A_951 = tpu.memref_squeeze %dma_wait3A_950 : memref<1x128xi32, #tpu.memory_space<vmem>> -> memref<128xi32, #tpu.memory_space<vmem>>
    %dma_wait3A_952 = arith.constant 0 : i32
    %dma_wait3A_953 = tpu.memref_slice %arg3[%dma_wait3A_946, %min3A_926, %dma_wait3A_952] : memref<2x2500x128xi32, #tpu.memory_space<hbm>> -> memref<1x1x128xi32, #tpu.memory_space<hbm>>
    %dma_wait3A_954 = tpu.memref_squeeze %dma_wait3A_953 : memref<1x1x128xi32, #tpu.memory_space<hbm>> -> memref<128xi32, #tpu.memory_space<hbm>>
    %dma_wait3A_955 = tpu.memref_slice %arg12[%dma_wait3A_948] : memref<2x!tpu.dma_semaphore, #tpu.memory_space<semaphore_mem>> -> memref<1x!tpu.dma_semaphore, #tpu.memory_space<semaphore_mem>>
    %dma_wait3A_956 = tpu.memref_squeeze %dma_wait3A_955 : memref<1x!tpu.dma_semaphore, #tpu.memory_space<semaphore_mem>> -> memref<!tpu.dma_semaphore, #tpu.memory_space<semaphore_mem>>
    %dma_wait3A_957 = arith.constant 0 : i32
    %dma_wait3A_958 = tpu.memref_slice %arg7[%dma_wait3A_947, %dma_wait3A_957] : memref<4x128xi32, #tpu.memory_space<vmem>> -> memref<1x128xi32, #tpu.memory_space<vmem>>
    %dma_wait3A_959 = tpu.memref_squeeze %dma_wait3A_958 : memref<1x128xi32, #tpu.memory_space<vmem>> -> memref<128xi32, #tpu.memory_space<vmem>>
    %dma_wait3A_960 = arith.constant 0 : i32
    %dma_wait3A_961 = tpu.memref_slice %arg3[%dma_wait3A_946, %min3A_926, %dma_wait3A_960] : memref<2x2500x128xi32, #tpu.memory_space<hbm>> -> memref<1x1x128xi32, #tpu.memory_space<hbm>>
    %dma_wait3A_962 = tpu.memref_squeeze %dma_wait3A_961 : memref<1x1x128xi32, #tpu.memory_space<hbm>> -> memref<128xi32, #tpu.memory_space<hbm>>
    tpu.wait_dma2 semaphore(%dma_wait3A_956 : memref<!tpu.dma_semaphore, #tpu.memory_space<semaphore_mem>>) src(%dma_wait3A_962 : memref<128xi32, #tpu.memory_space<hbm>>) dst(%dma_wait3A_959 : memref<128xi32, #tpu.memory_space<vmem>>)
    %dma_wait3A_963 = arith.constant 1 : i32
    %dma_wait3A_964 = arith.constant 128 : i32
    %dma_wait3A_965 = arith.constant 0 : i32
    %dma_wait3A_966 = tpu.memref_slice %arg8[%dma_wait3A_964, %dma_wait3A_965] : memref<512x16xf32, #tpu.memory_space<vmem>> -> memref<128x16xf32, #tpu.memory_space<vmem>>
    %dma_wait3A_967 = arith.constant 0 : i32
    %dma_wait3A_968 = tpu.memref_slice %arg4[%mul3A_928, %dma_wait3A_967] : memref<320000x16xf32, #tpu.memory_space<hbm>> -> memref<128x16xf32, #tpu.memory_space<hbm>>
    %dma_wait3A_969 = tpu.memref_slice %arg12[%dma_wait3A_963] : memref<2x!tpu.dma_semaphore, #tpu.memory_space<semaphore_mem>> -> memref<1x!tpu.dma_semaphore, #tpu.memory_space<semaphore_mem>>
    %dma_wait3A_970 = tpu.memref_squeeze %dma_wait3A_969 : memref<1x!tpu.dma_semaphore, #tpu.memory_space<semaphore_mem>> -> memref<!tpu.dma_semaphore, #tpu.memory_space<semaphore_mem>>
    %dma_wait3A_971 = arith.constant 128 : i32
    %dma_wait3A_972 = arith.constant 0 : i32
    %dma_wait3A_973 = tpu.memref_slice %arg8[%dma_wait3A_971, %dma_wait3A_972] : memref<512x16xf32, #tpu.memory_space<vmem>> -> memref<128x16xf32, #tpu.memory_space<vmem>>
    %dma_wait3A_974 = arith.constant 0 : i32
    %dma_wait3A_975 = tpu.memref_slice %arg4[%mul3A_928, %dma_wait3A_974] : memref<320000x16xf32, #tpu.memory_space<hbm>> -> memref<128x16xf32, #tpu.memory_space<hbm>>
    tpu.wait_dma2 semaphore(%dma_wait3A_970 : memref<!tpu.dma_semaphore, #tpu.memory_space<semaphore_mem>>) src(%dma_wait3A_975 : memref<128x16xf32, #tpu.memory_space<hbm>>) dst(%dma_wait3A_973 : memref<128x16xf32, #tpu.memory_space<vmem>>)
    %dma_start3A_976 = arith.constant 1 : i32
    %dma_start3A_977 = arith.constant 1 : i32
    %dma_start3A_978 = arith.constant 128 : i32
    %dma_start3A_979 = arith.constant 0 : i32
    %dma_start3A_980 = tpu.memref_slice %arg9[%dma_start3A_978, %dma_start3A_979] : memref<512x16xf32, #tpu.memory_space<vmem>> -> memref<128x16xf32, #tpu.memory_space<vmem>>
    %dma_start3A_981 = arith.constant 0 : i32
    %dma_start3A_982 = tpu.memref_slice %arg7[%dma_start3A_976, %dma_start3A_981] : memref<4x128xi32, #tpu.memory_space<vmem>> -> memref<1x128xi32, #tpu.memory_space<vmem>>
    %dma_start3A_983 = tpu.memref_squeeze %dma_start3A_982 : memref<1x128xi32, #tpu.memory_space<vmem>> -> memref<128xi32, #tpu.memory_space<vmem>>
    %dma_start3A_984 = arith.constant 0 : i32
    %dma_start3A_985 = arith.constant 0 : i32
    %dma_start3A_986 = tpu.memref_slice %arg2[%dma_start3A_984, %dma_start3A_985] : memref<10000x16xf32, #tpu.memory_space<hbm>> -> memref<10000x16xf32, #tpu.memory_space<hbm>>
    %dma_start3A_987 = tpu.memref_slice %arg13[%dma_start3A_977] : memref<2x!tpu.dma_semaphore, #tpu.memory_space<semaphore_mem>> -> memref<1x!tpu.dma_semaphore, #tpu.memory_space<semaphore_mem>>
    %dma_start3A_988 = tpu.memref_squeeze %dma_start3A_987 : memref<1x!tpu.dma_semaphore, #tpu.memory_space<semaphore_mem>> -> memref<!tpu.dma_semaphore, #tpu.memory_space<semaphore_mem>>
    tpu.enqueue_indirect_dma source(%dma_start3A_986 : memref<10000x16xf32, #tpu.memory_space<hbm>>) target(%dma_start3A_980 : memref<128x16xf32, #tpu.memory_space<vmem>>) offsets(%dma_start3A_983 : memref<128xi32, #tpu.memory_space<vmem>>) semaphore(%dma_start3A_988 : memref<!tpu.dma_semaphore, #tpu.memory_space<semaphore_mem>>)
    %dma_wait3A_989 = arith.constant 0 : i32
    %dma_wait3A_990 = arith.constant 0 : i32
    %dma_wait3A_991 = arith.constant 0 : i32
    %dma_wait3A_992 = arith.constant 0 : i32
    %dma_wait3A_993 = tpu.memref_slice %arg9[%dma_wait3A_991, %dma_wait3A_992] : memref<512x16xf32, #tpu.memory_space<vmem>> -> memref<128x16xf32, #tpu.memory_space<vmem>>
    %dma_wait3A_994 = arith.constant 0 : i32
    %dma_wait3A_995 = tpu.memref_slice %arg7[%dma_wait3A_989, %dma_wait3A_994] : memref<4x128xi32, #tpu.memory_space<vmem>> -> memref<1x128xi32, #tpu.memory_space<vmem>>
    %dma_wait3A_996 = tpu.memref_squeeze %dma_wait3A_995 : memref<1x128xi32, #tpu.memory_space<vmem>> -> memref<128xi32, #tpu.memory_space<vmem>>
    %dma_wait3A_997 = arith.constant 0 : i32
    %dma_wait3A_998 = arith.constant 0 : i32
    %dma_wait3A_999 = tpu.memref_slice %arg2[%dma_wait3A_997, %dma_wait3A_998] : memref<10000x16xf32, #tpu.memory_space<hbm>> -> memref<10000x16xf32, #tpu.memory_space<hbm>>
    %dma_wait3A_1000 = tpu.memref_slice %arg13[%dma_wait3A_990] : memref<2x!tpu.dma_semaphore, #tpu.memory_space<semaphore_mem>> -> memref<1x!tpu.dma_semaphore, #tpu.memory_space<semaphore_mem>>
    %dma_wait3A_1001 = tpu.memref_squeeze %dma_wait3A_1000 : memref<1x!tpu.dma_semaphore, #tpu.memory_space<semaphore_mem>> -> memref<!tpu.dma_semaphore, #tpu.memory_space<semaphore_mem>>
    tpu.wait_indirect_dma semaphore(%dma_wait3A_1001 : memref<!tpu.dma_semaphore, #tpu.memory_space<semaphore_mem>>) src(%dma_wait3A_999 : memref<10000x16xf32, #tpu.memory_space<hbm>>) dst(%dma_wait3A_993 : memref<128x16xf32, #tpu.memory_space<vmem>>)
    %mul3A_1002 = arith.constant 80 : i32
    %mul3A_1003 = arith.muli %add3A, %mul3A_1002 : i32
    %add3A_1004 = arith.constant 76 : i32
    %add3A_1005 = arith.addi %mul3A_1003, %add3A_1004 : i32
    %lt3A_1006 = arith.constant 2500 : i32
    %lt3A_1007 = arith.cmpi slt, %add3A_1005, %lt3A_1006 : i32
    %jit3A_1008 = arith.constant 1.000000e+00 : f32
    %jit3A_1009 = arith.constant 0.000000e+00 : f32
    %select_n3A_1010 = arith.select %lt3A_1007, %jit3A_1008, %jit3A_1009 : f32
    %parallel_loop3A_1011 = arith.constant 0 : i32
    %parallel_loop3A_1012 = arith.constant 128 : i32
    %parallel_loop3A_1013 = arith.constant 1 : i32
    scf.for %parallel_loop3A_1402 = %parallel_loop3A_1011 to %parallel_loop3A_1012 step %parallel_loop3A_1013  : i32 {
      %parallel_loop3A_1403 = arith.constant 0 : i32
      %parallel_loop3A_1404 = arith.addi %parallel_loop3A_1403, %parallel_loop3A_1402 : i32
      %parallel_loop3A_1405 = arith.index_cast %parallel_loop3A_1404 : i32 to index
      %parallel_loop3A_1406 = arith.constant 0 : index
      %parallel_loop3A_1407 = tpu.vector_load %arg9[%parallel_loop3A_1405, %parallel_loop3A_1406] {strides = array<i32>} : memref<512x16xf32, #tpu.memory_space<vmem>>, vector<1x16xf32>,
      %parallel_loop3A_1408 = vector.shape_cast %parallel_loop3A_1407 : vector<1x16xf32> to vector<16xf32>
      %parallel_loop3A_1409 = arith.index_cast %parallel_loop3A_1404 : i32 to index
      %parallel_loop3A_1410 = arith.constant 0 : index
      %parallel_loop3A_1411 = tpu.vector_load %arg8[%parallel_loop3A_1409, %parallel_loop3A_1410] {strides = array<i32>} : memref<512x16xf32, #tpu.memory_space<vmem>>, vector<1x16xf32>,
      %parallel_loop3A_1412 = vector.shape_cast %parallel_loop3A_1411 : vector<1x16xf32> to vector<16xf32>
      %parallel_loop3A_1413 = arith.mulf %parallel_loop3A_1408, %parallel_loop3A_1412 : vector<16xf32>
      %parallel_loop3A_1414 = vector.broadcast %select_n3A_1010 : f32 to vector<16xf32>
      %parallel_loop3A_1415 = arith.mulf %parallel_loop3A_1413, %parallel_loop3A_1414 : vector<16xf32>
      %parallel_loop3A_1416 = arith.index_cast %parallel_loop3A_1404 : i32 to index
      %parallel_loop3A_1417 = arith.constant 0 : index
      %parallel_loop3A_1418 = tpu.vector_load %arg9[%parallel_loop3A_1416, %parallel_loop3A_1417] {strides = array<i32>} : memref<512x16xf32, #tpu.memory_space<vmem>>, vector<1x16xf32>,
      %parallel_loop3A_1419 = vector.shape_cast %parallel_loop3A_1418 : vector<1x16xf32> to vector<16xf32>
      %parallel_loop3A_1420 = vector.shape_cast %parallel_loop3A_1415 : vector<16xf32> to vector<1x16xf32>
      tpu.vector_store %arg9[%parallel_loop3A_1416, %parallel_loop3A_1417], %parallel_loop3A_1420 {strides = array<i32>} : memref<512x16xf32, #tpu.memory_space<vmem>>, vector<1x16xf32>,
    } {sc.loop_unroll_factor = 8 : i64, sc.parallel_access}
    %dma_start3A_1014 = arith.constant 0 : i32
    %dma_start3A_1015 = arith.constant 0 : i32
    %dma_start3A_1016 = arith.constant 0 : i32
    %dma_start3A_1017 = arith.constant 0 : i32
    %dma_start3A_1018 = tpu.memref_slice %arg9[%dma_start3A_1016, %dma_start3A_1017] : memref<512x16xf32, #tpu.memory_space<vmem>> -> memref<128x16xf32, #tpu.memory_space<vmem>>
    %dma_start3A_1019 = arith.constant 0 : i32
    %dma_start3A_1020 = tpu.memref_slice %arg6[%dma_start3A_1014, %dma_start3A_1019] : memref<4x128xi32, #tpu.memory_space<vmem>> -> memref<1x128xi32, #tpu.memory_space<vmem>>
    %dma_start3A_1021 = tpu.memref_squeeze %dma_start3A_1020 : memref<1x128xi32, #tpu.memory_space<vmem>> -> memref<128xi32, #tpu.memory_space<vmem>>
    %dma_start3A_1022 = arith.constant 0 : i32
    %dma_start3A_1023 = arith.constant 0 : i32
    %dma_start3A_1024 = tpu.memref_slice %arg11[%dma_start3A_1022, %dma_start3A_1023] : memref<10112x16xf32, #tpu.memory_space<vmem_shared>> -> memref<10112x16xf32, #tpu.memory_space<vmem_shared>>
    %dma_start3A_1025 = tpu.memref_slice %arg14[%dma_start3A_1015] : memref<2x!tpu.dma_semaphore, #tpu.memory_space<semaphore_mem>> -> memref<1x!tpu.dma_semaphore, #tpu.memory_space<semaphore_mem>>
    %dma_start3A_1026 = tpu.memref_squeeze %dma_start3A_1025 : memref<1x!tpu.dma_semaphore, #tpu.memory_space<semaphore_mem>> -> memref<!tpu.dma_semaphore, #tpu.memory_space<semaphore_mem>>
    tpu.enqueue_indirect_dma source(%dma_start3A_1018 : memref<128x16xf32, #tpu.memory_space<vmem>>) target(%dma_start3A_1024 : memref<10112x16xf32, #tpu.memory_space<vmem_shared>>) offsets(%dma_start3A_1021 : memref<128xi32, #tpu.memory_space<vmem>>) semaphore(%dma_start3A_1026 : memref<!tpu.dma_semaphore, #tpu.memory_space<semaphore_mem>>) {add = true}
    %dma_wait3A_1027 = arith.constant 3 : i32
    %dma_wait3A_1028 = arith.constant 1 : i32
    %dma_wait3A_1029 = arith.constant 384 : i32
    %dma_wait3A_1030 = arith.constant 0 : i32
    %dma_wait3A_1031 = tpu.memref_slice %arg9[%dma_wait3A_1029, %dma_wait3A_1030] : memref<512x16xf32, #tpu.memory_space<vmem>> -> memref<128x16xf32, #tpu.memory_space<vmem>>
    %dma_wait3A_1032 = arith.constant 0 : i32
    %dma_wait3A_1033 = tpu.memref_slice %arg6[%dma_wait3A_1027, %dma_wait3A_1032] : memref<4x128xi32, #tpu.memory_space<vmem>> -> memref<1x128xi32, #tpu.memory_space<vmem>>
    %dma_wait3A_1034 = tpu.memref_squeeze %dma_wait3A_1033 : memref<1x128xi32, #tpu.memory_space<vmem>> -> memref<128xi32, #tpu.memory_space<vmem>>
    %dma_wait3A_1035 = arith.constant 0 : i32
    %dma_wait3A_1036 = arith.constant 0 : i32
    %dma_wait3A_1037 = tpu.memref_slice %arg11[%dma_wait3A_1035, %dma_wait3A_1036] : memref<10112x16xf32, #tpu.memory_space<vmem_shared>> -> memref<10112x16xf32, #tpu.memory_space<vmem_shared>>
    %dma_wait3A_1038 = tpu.memref_slice %arg14[%dma_wait3A_1028] : memref<2x!tpu.dma_semaphore, #tpu.memory_space<semaphore_mem>> -> memref<1x!tpu.dma_semaphore, #tpu.memory_space<semaphore_mem>>
    %dma_wait3A_1039 = tpu.memref_squeeze %dma_wait3A_1038 : memref<1x!tpu.dma_semaphore, #tpu.memory_space<semaphore_mem>> -> memref<!tpu.dma_semaphore, #tpu.memory_space<semaphore_mem>>
    tpu.wait_indirect_dma semaphore(%dma_wait3A_1039 : memref<!tpu.dma_semaphore, #tpu.memory_space<semaphore_mem>>) src(%dma_wait3A_1031 : memref<128x16xf32, #tpu.memory_space<vmem>>) dst(%dma_wait3A_1037 : memref<10112x16xf32, #tpu.memory_space<vmem_shared>>)
    %mul3A_1040 = arith.constant 80 : i32
    %mul3A_1041 = arith.muli %add3A, %mul3A_1040 : i32
    %add3A_1042 = arith.constant 79 : i32
    %add3A_1043 = arith.addi %mul3A_1041, %add3A_1042 : i32
    %min3A_1044 = arith.constant 2499 : i32
    %min3A_1045 = arith.minsi %add3A_1043, %min3A_1044 : i32
    %mul3A_1046 = arith.constant 128 : i32
    %mul3A_1047 = arith.muli %min3A_1045, %mul3A_1046 : i32
    %dma_start3A_1048 = arith.constant 0 : i32
    %dma_start3A_1049 = arith.constant 3 : i32
    %dma_start3A_1050 = arith.constant 1 : i32
    %dma_start3A_1051 = arith.constant 0 : i32
    %dma_start3A_1052 = tpu.memref_slice %arg6[%dma_start3A_1049, %dma_start3A_1051] : memref<4x128xi32, #tpu.memory_space<vmem>> -> memref<1x128xi32, #tpu.memory_space<vmem>>
    %dma_start3A_1053 = tpu.memref_squeeze %dma_start3A_1052 : memref<1x128xi32, #tpu.memory_space<vmem>> -> memref<128xi32, #tpu.memory_space<vmem>>
    %dma_start3A_1054 = arith.constant 0 : i32
    %dma_start3A_1055 = tpu.memref_slice %arg3[%dma_start3A_1048, %min3A_1045, %dma_start3A_1054] : memref<2x2500x128xi32, #tpu.memory_space<hbm>> -> memref<1x1x128xi32, #tpu.memory_space<hbm>>
    %dma_start3A_1056 = tpu.memref_squeeze %dma_start3A_1055 : memref<1x1x128xi32, #tpu.memory_space<hbm>> -> memref<128xi32, #tpu.memory_space<hbm>>
    %dma_start3A_1057 = tpu.memref_slice %arg12[%dma_start3A_1050] : memref<2x!tpu.dma_semaphore, #tpu.memory_space<semaphore_mem>> -> memref<1x!tpu.dma_semaphore, #tpu.memory_space<semaphore_mem>>
    %dma_start3A_1058 = tpu.memref_squeeze %dma_start3A_1057 : memref<1x!tpu.dma_semaphore, #tpu.memory_space<semaphore_mem>> -> memref<!tpu.dma_semaphore, #tpu.memory_space<semaphore_mem>>
    %dma_start3A_1059 = arith.constant 0 : i32
    %dma_start3A_1060 = tpu.memref_slice %arg6[%dma_start3A_1049, %dma_start3A_1059] : memref<4x128xi32, #tpu.memory_space<vmem>> -> memref<1x128xi32, #tpu.memory_space<vmem>>
    %dma_start3A_1061 = tpu.memref_squeeze %dma_start3A_1060 : memref<1x128xi32, #tpu.memory_space<vmem>> -> memref<128xi32, #tpu.memory_space<vmem>>
    %dma_start3A_1062 = arith.constant 0 : i32
    %dma_start3A_1063 = tpu.memref_slice %arg3[%dma_start3A_1048, %min3A_1045, %dma_start3A_1062] : memref<2x2500x128xi32, #tpu.memory_space<hbm>> -> memref<1x1x128xi32, #tpu.memory_space<hbm>>
    %dma_start3A_1064 = tpu.memref_squeeze %dma_start3A_1063 : memref<1x1x128xi32, #tpu.memory_space<hbm>> -> memref<128xi32, #tpu.memory_space<hbm>>
    tpu.enqueue_dma source(%dma_start3A_1064 : memref<128xi32, #tpu.memory_space<hbm>>) target(%dma_start3A_1061 : memref<128xi32, #tpu.memory_space<vmem>>) target_semaphore(%dma_start3A_1058 : memref<!tpu.dma_semaphore, #tpu.memory_space<semaphore_mem>>)
    %dma_start3A_1065 = arith.constant 1 : i32
    %dma_start3A_1066 = arith.constant 3 : i32
    %dma_start3A_1067 = arith.constant 1 : i32
    %dma_start3A_1068 = arith.constant 0 : i32
    %dma_start3A_1069 = tpu.memref_slice %arg7[%dma_start3A_1066, %dma_start3A_1068] : memref<4x128xi32, #tpu.memory_space<vmem>> -> memref<1x128xi32, #tpu.memory_space<vmem>>
    %dma_start3A_1070 = tpu.memref_squeeze %dma_start3A_1069 : memref<1x128xi32, #tpu.memory_space<vmem>> -> memref<128xi32, #tpu.memory_space<vmem>>
    %dma_start3A_1071 = arith.constant 0 : i32
    %dma_start3A_1072 = tpu.memref_slice %arg3[%dma_start3A_1065, %min3A_1045, %dma_start3A_1071] : memref<2x2500x128xi32, #tpu.memory_space<hbm>> -> memref<1x1x128xi32, #tpu.memory_space<hbm>>
    %dma_start3A_1073 = tpu.memref_squeeze %dma_start3A_1072 : memref<1x1x128xi32, #tpu.memory_space<hbm>> -> memref<128xi32, #tpu.memory_space<hbm>>
    %dma_start3A_1074 = tpu.memref_slice %arg12[%dma_start3A_1067] : memref<2x!tpu.dma_semaphore, #tpu.memory_space<semaphore_mem>> -> memref<1x!tpu.dma_semaphore, #tpu.memory_space<semaphore_mem>>
    %dma_start3A_1075 = tpu.memref_squeeze %dma_start3A_1074 : memref<1x!tpu.dma_semaphore, #tpu.memory_space<semaphore_mem>> -> memref<!tpu.dma_semaphore, #tpu.memory_space<semaphore_mem>>
    %dma_start3A_1076 = arith.constant 0 : i32
    %dma_start3A_1077 = tpu.memref_slice %arg7[%dma_start3A_1066, %dma_start3A_1076] : memref<4x128xi32, #tpu.memory_space<vmem>> -> memref<1x128xi32, #tpu.memory_space<vmem>>
    %dma_start3A_1078 = tpu.memref_squeeze %dma_start3A_1077 : memref<1x128xi32, #tpu.memory_space<vmem>> -> memref<128xi32, #tpu.memory_space<vmem>>
    %dma_start3A_1079 = arith.constant 0 : i32
    %dma_start3A_1080 = tpu.memref_slice %arg3[%dma_start3A_1065, %min3A_1045, %dma_start3A_1079] : memref<2x2500x128xi32, #tpu.memory_space<hbm>> -> memref<1x1x128xi32, #tpu.memory_space<hbm>>
    %dma_start3A_1081 = tpu.memref_squeeze %dma_start3A_1080 : memref<1x1x128xi32, #tpu.memory_space<hbm>> -> memref<128xi32, #tpu.memory_space<hbm>>
    tpu.enqueue_dma source(%dma_start3A_1081 : memref<128xi32, #tpu.memory_space<hbm>>) target(%dma_start3A_1078 : memref<128xi32, #tpu.memory_space<vmem>>) target_semaphore(%dma_start3A_1075 : memref<!tpu.dma_semaphore, #tpu.memory_space<semaphore_mem>>)
    %dma_start3A_1082 = arith.constant 1 : i32
    %dma_start3A_1083 = arith.constant 384 : i32
    %dma_start3A_1084 = arith.constant 0 : i32
    %dma_start3A_1085 = tpu.memref_slice %arg8[%dma_start3A_1083, %dma_start3A_1084] : memref<512x16xf32, #tpu.memory_space<vmem>> -> memref<128x16xf32, #tpu.memory_space<vmem>>
    %dma_start3A_1086 = arith.constant 0 : i32
    %dma_start3A_1087 = tpu.memref_slice %arg4[%mul3A_1047, %dma_start3A_1086] : memref<320000x16xf32, #tpu.memory_space<hbm>> -> memref<128x16xf32, #tpu.memory_space<hbm>>
    %dma_start3A_1088 = tpu.memref_slice %arg12[%dma_start3A_1082] : memref<2x!tpu.dma_semaphore, #tpu.memory_space<semaphore_mem>> -> memref<1x!tpu.dma_semaphore, #tpu.memory_space<semaphore_mem>>
    %dma_start3A_1089 = tpu.memref_squeeze %dma_start3A_1088 : memref<1x!tpu.dma_semaphore, #tpu.memory_space<semaphore_mem>> -> memref<!tpu.dma_semaphore, #tpu.memory_space<semaphore_mem>>
    %dma_start3A_1090 = arith.constant 384 : i32
    %dma_start3A_1091 = arith.constant 0 : i32
    %dma_start3A_1092 = tpu.memref_slice %arg8[%dma_start3A_1090, %dma_start3A_1091] : memref<512x16xf32, #tpu.memory_space<vmem>> -> memref<128x16xf32, #tpu.memory_space<vmem>>
    %dma_start3A_1093 = arith.constant 0 : i32
    %dma_start3A_1094 = tpu.memref_slice %arg4[%mul3A_1047, %dma_start3A_1093] : memref<320000x16xf32, #tpu.memory_space<hbm>> -> memref<128x16xf32, #tpu.memory_space<hbm>>
    tpu.enqueue_dma source(%dma_start3A_1094 : memref<128x16xf32, #tpu.memory_space<hbm>>) target(%dma_start3A_1092 : memref<128x16xf32, #tpu.memory_space<vmem>>) target_semaphore(%dma_start3A_1089 : memref<!tpu.dma_semaphore, #tpu.memory_space<semaphore_mem>>)
    %mul3A_1095 = arith.constant 80 : i32
    %mul3A_1096 = arith.muli %add3A, %mul3A_1095 : i32
    %add3A_1097 = arith.constant 78 : i32
    %add3A_1098 = arith.addi %mul3A_1096, %add3A_1097 : i32
    %min3A_1099 = arith.constant 2499 : i32
    %min3A_1100 = arith.minsi %add3A_1098, %min3A_1099 : i32
    %mul3A_1101 = arith.constant 128 : i32
    %mul3A_1102 = arith.muli %min3A_1100, %mul3A_1101 : i32
    %dma_wait3A_1103 = arith.constant 0 : i32
    %dma_wait3A_1104 = arith.constant 2 : i32
    %dma_wait3A_1105 = arith.constant 0 : i32
    %dma_wait3A_1106 = arith.constant 0 : i32
    %dma_wait3A_1107 = tpu.memref_slice %arg6[%dma_wait3A_1104, %dma_wait3A_1106] : memref<4x128xi32, #tpu.memory_space<vmem>> -> memref<1x128xi32, #tpu.memory_space<vmem>>
    %dma_wait3A_1108 = tpu.memref_squeeze %dma_wait3A_1107 : memref<1x128xi32, #tpu.memory_space<vmem>> -> memref<128xi32, #tpu.memory_space<vmem>>
    %dma_wait3A_1109 = arith.constant 0 : i32
    %dma_wait3A_1110 = tpu.memref_slice %arg3[%dma_wait3A_1103, %min3A_1100, %dma_wait3A_1109] : memref<2x2500x128xi32, #tpu.memory_space<hbm>> -> memref<1x1x128xi32, #tpu.memory_space<hbm>>
    %dma_wait3A_1111 = tpu.memref_squeeze %dma_wait3A_1110 : memref<1x1x128xi32, #tpu.memory_space<hbm>> -> memref<128xi32, #tpu.memory_space<hbm>>
    %dma_wait3A_1112 = tpu.memref_slice %arg12[%dma_wait3A_1105] : memref<2x!tpu.dma_semaphore, #tpu.memory_space<semaphore_mem>> -> memref<1x!tpu.dma_semaphore, #tpu.memory_space<semaphore_mem>>
    %dma_wait3A_1113 = tpu.memref_squeeze %dma_wait3A_1112 : memref<1x!tpu.dma_semaphore, #tpu.memory_space<semaphore_mem>> -> memref<!tpu.dma_semaphore, #tpu.memory_space<semaphore_mem>>
    %dma_wait3A_1114 = arith.constant 0 : i32
    %dma_wait3A_1115 = tpu.memref_slice %arg6[%dma_wait3A_1104, %dma_wait3A_1114] : memref<4x128xi32, #tpu.memory_space<vmem>> -> memref<1x128xi32, #tpu.memory_space<vmem>>
    %dma_wait3A_1116 = tpu.memref_squeeze %dma_wait3A_1115 : memref<1x128xi32, #tpu.memory_space<vmem>> -> memref<128xi32, #tpu.memory_space<vmem>>
    %dma_wait3A_1117 = arith.constant 0 : i32
    %dma_wait3A_1118 = tpu.memref_slice %arg3[%dma_wait3A_1103, %min3A_1100, %dma_wait3A_1117] : memref<2x2500x128xi32, #tpu.memory_space<hbm>> -> memref<1x1x128xi32, #tpu.memory_space<hbm>>
    %dma_wait3A_1119 = tpu.memref_squeeze %dma_wait3A_1118 : memref<1x1x128xi32, #tpu.memory_space<hbm>> -> memref<128xi32, #tpu.memory_space<hbm>>
    tpu.wait_dma2 semaphore(%dma_wait3A_1113 : memref<!tpu.dma_semaphore, #tpu.memory_space<semaphore_mem>>) src(%dma_wait3A_1119 : memref<128xi32, #tpu.memory_space<hbm>>) dst(%dma_wait3A_1116 : memref<128xi32, #tpu.memory_space<vmem>>)
    %dma_wait3A_1120 = arith.constant 1 : i32
    %dma_wait3A_1121 = arith.constant 2 : i32
    %dma_wait3A_1122 = arith.constant 0 : i32
    %dma_wait3A_1123 = arith.constant 0 : i32
    %dma_wait3A_1124 = tpu.memref_slice %arg7[%dma_wait3A_1121, %dma_wait3A_1123] : memref<4x128xi32, #tpu.memory_space<vmem>> -> memref<1x128xi32, #tpu.memory_space<vmem>>
    %dma_wait3A_1125 = tpu.memref_squeeze %dma_wait3A_1124 : memref<1x128xi32, #tpu.memory_space<vmem>> -> memref<128xi32, #tpu.memory_space<vmem>>
    %dma_wait3A_1126 = arith.constant 0 : i32
    %dma_wait3A_1127 = tpu.memref_slice %arg3[%dma_wait3A_1120, %min3A_1100, %dma_wait3A_1126] : memref<2x2500x128xi32, #tpu.memory_space<hbm>> -> memref<1x1x128xi32, #tpu.memory_space<hbm>>
    %dma_wait3A_1128 = tpu.memref_squeeze %dma_wait3A_1127 : memref<1x1x128xi32, #tpu.memory_space<hbm>> -> memref<128xi32, #tpu.memory_space<hbm>>
    %dma_wait3A_1129 = tpu.memref_slice %arg12[%dma_wait3A_1122] : memref<2x!tpu.dma_semaphore, #tpu.memory_space<semaphore_mem>> -> memref<1x!tpu.dma_semaphore, #tpu.memory_space<semaphore_mem>>
    %dma_wait3A_1130 = tpu.memref_squeeze %dma_wait3A_1129 : memref<1x!tpu.dma_semaphore, #tpu.memory_space<semaphore_mem>> -> memref<!tpu.dma_semaphore, #tpu.memory_space<semaphore_mem>>
    %dma_wait3A_1131 = arith.constant 0 : i32
    %dma_wait3A_1132 = tpu.memref_slice %arg7[%dma_wait3A_1121, %dma_wait3A_1131] : memref<4x128xi32, #tpu.memory_space<vmem>> -> memref<1x128xi32, #tpu.memory_space<vmem>>
    %dma_wait3A_1133 = tpu.memref_squeeze %dma_wait3A_1132 : memref<1x128xi32, #tpu.memory_space<vmem>> -> memref<128xi32, #tpu.memory_space<vmem>>
    %dma_wait3A_1134 = arith.constant 0 : i32
    %dma_wait3A_1135 = tpu.memref_slice %arg3[%dma_wait3A_1120, %min3A_1100, %dma_wait3A_1134] : memref<2x2500x128xi32, #tpu.memory_space<hbm>> -> memref<1x1x128xi32, #tpu.memory_space<hbm>>
    %dma_wait3A_1136 = tpu.memref_squeeze %dma_wait3A_1135 : memref<1x1x128xi32, #tpu.memory_space<hbm>> -> memref<128xi32, #tpu.memory_space<hbm>>
    tpu.wait_dma2 semaphore(%dma_wait3A_1130 : memref<!tpu.dma_semaphore, #tpu.memory_space<semaphore_mem>>) src(%dma_wait3A_1136 : memref<128xi32, #tpu.memory_space<hbm>>) dst(%dma_wait3A_1133 : memref<128xi32, #tpu.memory_space<vmem>>)
    %dma_wait3A_1137 = arith.constant 0 : i32
    %dma_wait3A_1138 = arith.constant 256 : i32
    %dma_wait3A_1139 = arith.constant 0 : i32
    %dma_wait3A_1140 = tpu.memref_slice %arg8[%dma_wait3A_1138, %dma_wait3A_1139] : memref<512x16xf32, #tpu.memory_space<vmem>> -> memref<128x16xf32, #tpu.memory_space<vmem>>
    %dma_wait3A_1141 = arith.constant 0 : i32
    %dma_wait3A_1142 = tpu.memref_slice %arg4[%mul3A_1102, %dma_wait3A_1141] : memref<320000x16xf32, #tpu.memory_space<hbm>> -> memref<128x16xf32, #tpu.memory_space<hbm>>
    %dma_wait3A_1143 = tpu.memref_slice %arg12[%dma_wait3A_1137] : memref<2x!tpu.dma_semaphore, #tpu.memory_space<semaphore_mem>> -> memref<1x!tpu.dma_semaphore, #tpu.memory_space<semaphore_mem>>
    %dma_wait3A_1144 = tpu.memref_squeeze %dma_wait3A_1143 : memref<1x!tpu.dma_semaphore, #tpu.memory_space<semaphore_mem>> -> memref<!tpu.dma_semaphore, #tpu.memory_space<semaphore_mem>>
    %dma_wait3A_1145 = arith.constant 256 : i32
    %dma_wait3A_1146 = arith.constant 0 : i32
    %dma_wait3A_1147 = tpu.memref_slice %arg8[%dma_wait3A_1145, %dma_wait3A_1146] : memref<512x16xf32, #tpu.memory_space<vmem>> -> memref<128x16xf32, #tpu.memory_space<vmem>>
    %dma_wait3A_1148 = arith.constant 0 : i32
    %dma_wait3A_1149 = tpu.memref_slice %arg4[%mul3A_1102, %dma_wait3A_1148] : memref<320000x16xf32, #tpu.memory_space<hbm>> -> memref<128x16xf32, #tpu.memory_space<hbm>>
    tpu.wait_dma2 semaphore(%dma_wait3A_1144 : memref<!tpu.dma_semaphore, #tpu.memory_space<semaphore_mem>>) src(%dma_wait3A_1149 : memref<128x16xf32, #tpu.memory_space<hbm>>) dst(%dma_wait3A_1147 : memref<128x16xf32, #tpu.memory_space<vmem>>)
    %dma_start3A_1150 = arith.constant 2 : i32
    %dma_start3A_1151 = arith.constant 0 : i32
    %dma_start3A_1152 = arith.constant 256 : i32
    %dma_start3A_1153 = arith.constant 0 : i32
    %dma_start3A_1154 = tpu.memref_slice %arg9[%dma_start3A_1152, %dma_start3A_1153] : memref<512x16xf32, #tpu.memory_space<vmem>> -> memref<128x16xf32, #tpu.memory_space<vmem>>
    %dma_start3A_1155 = arith.constant 0 : i32
    %dma_start3A_1156 = tpu.memref_slice %arg7[%dma_start3A_1150, %dma_start3A_1155] : memref<4x128xi32, #tpu.memory_space<vmem>> -> memref<1x128xi32, #tpu.memory_space<vmem>>
    %dma_start3A_1157 = tpu.memref_squeeze %dma_start3A_1156 : memref<1x128xi32, #tpu.memory_space<vmem>> -> memref<128xi32, #tpu.memory_space<vmem>>
    %dma_start3A_1158 = arith.constant 0 : i32
    %dma_start3A_1159 = arith.constant 0 : i32
    %dma_start3A_1160 = tpu.memref_slice %arg2[%dma_start3A_1158, %dma_start3A_1159] : memref<10000x16xf32, #tpu.memory_space<hbm>> -> memref<10000x16xf32, #tpu.memory_space<hbm>>
    %dma_start3A_1161 = tpu.memref_slice %arg13[%dma_start3A_1151] : memref<2x!tpu.dma_semaphore, #tpu.memory_space<semaphore_mem>> -> memref<1x!tpu.dma_semaphore, #tpu.memory_space<semaphore_mem>>
    %dma_start3A_1162 = tpu.memref_squeeze %dma_start3A_1161 : memref<1x!tpu.dma_semaphore, #tpu.memory_space<semaphore_mem>> -> memref<!tpu.dma_semaphore, #tpu.memory_space<semaphore_mem>>
    tpu.enqueue_indirect_dma source(%dma_start3A_1160 : memref<10000x16xf32, #tpu.memory_space<hbm>>) target(%dma_start3A_1154 : memref<128x16xf32, #tpu.memory_space<vmem>>) offsets(%dma_start3A_1157 : memref<128xi32, #tpu.memory_space<vmem>>) semaphore(%dma_start3A_1162 : memref<!tpu.dma_semaphore, #tpu.memory_space<semaphore_mem>>)
    %dma_wait3A_1163 = arith.constant 1 : i32
    %dma_wait3A_1164 = arith.constant 1 : i32
    %dma_wait3A_1165 = arith.constant 128 : i32
    %dma_wait3A_1166 = arith.constant 0 : i32
    %dma_wait3A_1167 = tpu.memref_slice %arg9[%dma_wait3A_1165, %dma_wait3A_1166] : memref<512x16xf32, #tpu.memory_space<vmem>> -> memref<128x16xf32, #tpu.memory_space<vmem>>
    %dma_wait3A_1168 = arith.constant 0 : i32
    %dma_wait3A_1169 = tpu.memref_slice %arg7[%dma_wait3A_1163, %dma_wait3A_1168] : memref<4x128xi32, #tpu.memory_space<vmem>> -> memref<1x128xi32, #tpu.memory_space<vmem>>
    %dma_wait3A_1170 = tpu.memref_squeeze %dma_wait3A_1169 : memref<1x128xi32, #tpu.memory_space<vmem>> -> memref<128xi32, #tpu.memory_space<vmem>>
    %dma_wait3A_1171 = arith.constant 0 : i32
    %dma_wait3A_1172 = arith.constant 0 : i32
    %dma_wait3A_1173 = tpu.memref_slice %arg2[%dma_wait3A_1171, %dma_wait3A_1172] : memref<10000x16xf32, #tpu.memory_space<hbm>> -> memref<10000x16xf32, #tpu.memory_space<hbm>>
    %dma_wait3A_1174 = tpu.memref_slice %arg13[%dma_wait3A_1164] : memref<2x!tpu.dma_semaphore, #tpu.memory_space<semaphore_mem>> -> memref<1x!tpu.dma_semaphore, #tpu.memory_space<semaphore_mem>>
    %dma_wait3A_1175 = tpu.memref_squeeze %dma_wait3A_1174 : memref<1x!tpu.dma_semaphore, #tpu.memory_space<semaphore_mem>> -> memref<!tpu.dma_semaphore, #tpu.memory_space<semaphore_mem>>
    tpu.wait_indirect_dma semaphore(%dma_wait3A_1175 : memref<!tpu.dma_semaphore, #tpu.memory_space<semaphore_mem>>) src(%dma_wait3A_1173 : memref<10000x16xf32, #tpu.memory_space<hbm>>) dst(%dma_wait3A_1167 : memref<128x16xf32, #tpu.memory_space<vmem>>)
    %mul3A_1176 = arith.constant 80 : i32
    %mul3A_1177 = arith.muli %add3A, %mul3A_1176 : i32
    %add3A_1178 = arith.constant 77 : i32
    %add3A_1179 = arith.addi %mul3A_1177, %add3A_1178 : i32
    %lt3A_1180 = arith.constant 2500 : i32
    %lt3A_1181 = arith.cmpi slt, %add3A_1179, %lt3A_1180 : i32
    %jit3A_1182 = arith.constant 1.000000e+00 : f32
    %jit3A_1183 = arith.constant 0.000000e+00 : f32
    %select_n3A_1184 = arith.select %lt3A_1181, %jit3A_1182, %jit3A_1183 : f32
    %parallel_loop3A_1185 = arith.constant 0 : i32
    %parallel_loop3A_1186 = arith.constant 128 : i32
    %parallel_loop3A_1187 = arith.constant 1 : i32
    scf.for %parallel_loop3A_1402 = %parallel_loop3A_1185 to %parallel_loop3A_1186 step %parallel_loop3A_1187  : i32 {
      %parallel_loop3A_1403 = arith.constant 128 : i32
      %parallel_loop3A_1404 = arith.addi %parallel_loop3A_1403, %parallel_loop3A_1402 : i32
      %parallel_loop3A_1405 = arith.index_cast %parallel_loop3A_1404 : i32 to index
      %parallel_loop3A_1406 = arith.constant 0 : index
      %parallel_loop3A_1407 = tpu.vector_load %arg9[%parallel_loop3A_1405, %parallel_loop3A_1406] {strides = array<i32>} : memref<512x16xf32, #tpu.memory_space<vmem>>, vector<1x16xf32>,
      %parallel_loop3A_1408 = vector.shape_cast %parallel_loop3A_1407 : vector<1x16xf32> to vector<16xf32>
      %parallel_loop3A_1409 = arith.index_cast %parallel_loop3A_1404 : i32 to index
      %parallel_loop3A_1410 = arith.constant 0 : index
      %parallel_loop3A_1411 = tpu.vector_load %arg8[%parallel_loop3A_1409, %parallel_loop3A_1410] {strides = array<i32>} : memref<512x16xf32, #tpu.memory_space<vmem>>, vector<1x16xf32>,
      %parallel_loop3A_1412 = vector.shape_cast %parallel_loop3A_1411 : vector<1x16xf32> to vector<16xf32>
      %parallel_loop3A_1413 = arith.mulf %parallel_loop3A_1408, %parallel_loop3A_1412 : vector<16xf32>
      %parallel_loop3A_1414 = vector.broadcast %select_n3A_1184 : f32 to vector<16xf32>
      %parallel_loop3A_1415 = arith.mulf %parallel_loop3A_1413, %parallel_loop3A_1414 : vector<16xf32>
      %parallel_loop3A_1416 = arith.index_cast %parallel_loop3A_1404 : i32 to index
      %parallel_loop3A_1417 = arith.constant 0 : index
      %parallel_loop3A_1418 = tpu.vector_load %arg9[%parallel_loop3A_1416, %parallel_loop3A_1417] {strides = array<i32>} : memref<512x16xf32, #tpu.memory_space<vmem>>, vector<1x16xf32>,
      %parallel_loop3A_1419 = vector.shape_cast %parallel_loop3A_1418 : vector<1x16xf32> to vector<16xf32>
      %parallel_loop3A_1420 = vector.shape_cast %parallel_loop3A_1415 : vector<16xf32> to vector<1x16xf32>
      tpu.vector_store %arg9[%parallel_loop3A_1416, %parallel_loop3A_1417], %parallel_loop3A_1420 {strides = array<i32>} : memref<512x16xf32, #tpu.memory_space<vmem>>, vector<1x16xf32>,
    } {sc.loop_unroll_factor = 8 : i64, sc.parallel_access}
    %dma_start3A_1188 = arith.constant 1 : i32
    %dma_start3A_1189 = arith.constant 1 : i32
    %dma_start3A_1190 = arith.constant 128 : i32
    %dma_start3A_1191 = arith.constant 0 : i32
    %dma_start3A_1192 = tpu.memref_slice %arg9[%dma_start3A_1190, %dma_start3A_1191] : memref<512x16xf32, #tpu.memory_space<vmem>> -> memref<128x16xf32, #tpu.memory_space<vmem>>
    %dma_start3A_1193 = arith.constant 0 : i32
    %dma_start3A_1194 = tpu.memref_slice %arg6[%dma_start3A_1188, %dma_start3A_1193] : memref<4x128xi32, #tpu.memory_space<vmem>> -> memref<1x128xi32, #tpu.memory_space<vmem>>
    %dma_start3A_1195 = tpu.memref_squeeze %dma_start3A_1194 : memref<1x128xi32, #tpu.memory_space<vmem>> -> memref<128xi32, #tpu.memory_space<vmem>>
    %dma_start3A_1196 = arith.constant 0 : i32
    %dma_start3A_1197 = arith.constant 0 : i32
    %dma_start3A_1198 = tpu.memref_slice %arg11[%dma_start3A_1196, %dma_start3A_1197] : memref<10112x16xf32, #tpu.memory_space<vmem_shared>> -> memref<10112x16xf32, #tpu.memory_space<vmem_shared>>
    %dma_start3A_1199 = tpu.memref_slice %arg14[%dma_start3A_1189] : memref<2x!tpu.dma_semaphore, #tpu.memory_space<semaphore_mem>> -> memref<1x!tpu.dma_semaphore, #tpu.memory_space<semaphore_mem>>
    %dma_start3A_1200 = tpu.memref_squeeze %dma_start3A_1199 : memref<1x!tpu.dma_semaphore, #tpu.memory_space<semaphore_mem>> -> memref<!tpu.dma_semaphore, #tpu.memory_space<semaphore_mem>>
    tpu.enqueue_indirect_dma source(%dma_start3A_1192 : memref<128x16xf32, #tpu.memory_space<vmem>>) target(%dma_start3A_1198 : memref<10112x16xf32, #tpu.memory_space<vmem_shared>>) offsets(%dma_start3A_1195 : memref<128xi32, #tpu.memory_space<vmem>>) semaphore(%dma_start3A_1200 : memref<!tpu.dma_semaphore, #tpu.memory_space<semaphore_mem>>) {add = true}
    %dma_wait3A_1201 = arith.constant 0 : i32
    %dma_wait3A_1202 = arith.constant 0 : i32
    %dma_wait3A_1203 = arith.constant 0 : i32
    %dma_wait3A_1204 = arith.constant 0 : i32
    %dma_wait3A_1205 = tpu.memref_slice %arg9[%dma_wait3A_1203, %dma_wait3A_1204] : memref<512x16xf32, #tpu.memory_space<vmem>> -> memref<128x16xf32, #tpu.memory_space<vmem>>
    %dma_wait3A_1206 = arith.constant 0 : i32
    %dma_wait3A_1207 = tpu.memref_slice %arg6[%dma_wait3A_1201, %dma_wait3A_1206] : memref<4x128xi32, #tpu.memory_space<vmem>> -> memref<1x128xi32, #tpu.memory_space<vmem>>
    %dma_wait3A_1208 = tpu.memref_squeeze %dma_wait3A_1207 : memref<1x128xi32, #tpu.memory_space<vmem>> -> memref<128xi32, #tpu.memory_space<vmem>>
    %dma_wait3A_1209 = arith.constant 0 : i32
    %dma_wait3A_1210 = arith.constant 0 : i32
    %dma_wait3A_1211 = tpu.memref_slice %arg11[%dma_wait3A_1209, %dma_wait3A_1210] : memref<10112x16xf32, #tpu.memory_space<vmem_shared>> -> memref<10112x16xf32, #tpu.memory_space<vmem_shared>>
    %dma_wait3A_1212 = tpu.memref_slice %arg14[%dma_wait3A_1202] : memref<2x!tpu.dma_semaphore, #tpu.memory_space<semaphore_mem>> -> memref<1x!tpu.dma_semaphore, #tpu.memory_space<semaphore_mem>>
    %dma_wait3A_1213 = tpu.memref_squeeze %dma_wait3A_1212 : memref<1x!tpu.dma_semaphore, #tpu.memory_space<semaphore_mem>> -> memref<!tpu.dma_semaphore, #tpu.memory_space<semaphore_mem>>
    tpu.wait_indirect_dma semaphore(%dma_wait3A_1213 : memref<!tpu.dma_semaphore, #tpu.memory_space<semaphore_mem>>) src(%dma_wait3A_1205 : memref<128x16xf32, #tpu.memory_space<vmem>>) dst(%dma_wait3A_1211 : memref<10112x16xf32, #tpu.memory_space<vmem_shared>>)
    %mul3A_1214 = arith.constant 80 : i32
    %mul3A_1215 = arith.muli %add3A, %mul3A_1214 : i32
    %add3A_1216 = arith.constant 79 : i32
    %add3A_1217 = arith.addi %mul3A_1215, %add3A_1216 : i32
    %min3A_1218 = arith.constant 2499 : i32
    %min3A_1219 = arith.minsi %add3A_1217, %min3A_1218 : i32
    %mul3A_1220 = arith.constant 128 : i32
    %mul3A_1221 = arith.muli %min3A_1219, %mul3A_1220 : i32
    %dma_wait3A_1222 = arith.constant 0 : i32
    %dma_wait3A_1223 = arith.constant 3 : i32
    %dma_wait3A_1224 = arith.constant 1 : i32
    %dma_wait3A_1225 = arith.constant 0 : i32
    %dma_wait3A_1226 = tpu.memref_slice %arg6[%dma_wait3A_1223, %dma_wait3A_1225] : memref<4x128xi32, #tpu.memory_space<vmem>> -> memref<1x128xi32, #tpu.memory_space<vmem>>
    %dma_wait3A_1227 = tpu.memref_squeeze %dma_wait3A_1226 : memref<1x128xi32, #tpu.memory_space<vmem>> -> memref<128xi32, #tpu.memory_space<vmem>>
    %dma_wait3A_1228 = arith.constant 0 : i32
    %dma_wait3A_1229 = tpu.memref_slice %arg3[%dma_wait3A_1222, %min3A_1219, %dma_wait3A_1228] : memref<2x2500x128xi32, #tpu.memory_space<hbm>> -> memref<1x1x128xi32, #tpu.memory_space<hbm>>
    %dma_wait3A_1230 = tpu.memref_squeeze %dma_wait3A_1229 : memref<1x1x128xi32, #tpu.memory_space<hbm>> -> memref<128xi32, #tpu.memory_space<hbm>>
    %dma_wait3A_1231 = tpu.memref_slice %arg12[%dma_wait3A_1224] : memref<2x!tpu.dma_semaphore, #tpu.memory_space<semaphore_mem>> -> memref<1x!tpu.dma_semaphore, #tpu.memory_space<semaphore_mem>>
    %dma_wait3A_1232 = tpu.memref_squeeze %dma_wait3A_1231 : memref<1x!tpu.dma_semaphore, #tpu.memory_space<semaphore_mem>> -> memref<!tpu.dma_semaphore, #tpu.memory_space<semaphore_mem>>
    %dma_wait3A_1233 = arith.constant 0 : i32
    %dma_wait3A_1234 = tpu.memref_slice %arg6[%dma_wait3A_1223, %dma_wait3A_1233] : memref<4x128xi32, #tpu.memory_space<vmem>> -> memref<1x128xi32, #tpu.memory_space<vmem>>
    %dma_wait3A_1235 = tpu.memref_squeeze %dma_wait3A_1234 : memref<1x128xi32, #tpu.memory_space<vmem>> -> memref<128xi32, #tpu.memory_space<vmem>>
    %dma_wait3A_1236 = arith.constant 0 : i32
    %dma_wait3A_1237 = tpu.memref_slice %arg3[%dma_wait3A_1222, %min3A_1219, %dma_wait3A_1236] : memref<2x2500x128xi32, #tpu.memory_space<hbm>> -> memref<1x1x128xi32, #tpu.memory_space<hbm>>
    %dma_wait3A_1238 = tpu.memref_squeeze %dma_wait3A_1237 : memref<1x1x128xi32, #tpu.memory_space<hbm>> -> memref<128xi32, #tpu.memory_space<hbm>>
    tpu.wait_dma2 semaphore(%dma_wait3A_1232 : memref<!tpu.dma_semaphore, #tpu.memory_space<semaphore_mem>>) src(%dma_wait3A_1238 : memref<128xi32, #tpu.memory_space<hbm>>) dst(%dma_wait3A_1235 : memref<128xi32, #tpu.memory_space<vmem>>)
    %dma_wait3A_1239 = arith.constant 1 : i32
    %dma_wait3A_1240 = arith.constant 3 : i32
    %dma_wait3A_1241 = arith.constant 1 : i32
    %dma_wait3A_1242 = arith.constant 0 : i32
    %dma_wait3A_1243 = tpu.memref_slice %arg7[%dma_wait3A_1240, %dma_wait3A_1242] : memref<4x128xi32, #tpu.memory_space<vmem>> -> memref<1x128xi32, #tpu.memory_space<vmem>>
    %dma_wait3A_1244 = tpu.memref_squeeze %dma_wait3A_1243 : memref<1x128xi32, #tpu.memory_space<vmem>> -> memref<128xi32, #tpu.memory_space<vmem>>
    %dma_wait3A_1245 = arith.constant 0 : i32
    %dma_wait3A_1246 = tpu.memref_slice %arg3[%dma_wait3A_1239, %min3A_1219, %dma_wait3A_1245] : memref<2x2500x128xi32, #tpu.memory_space<hbm>> -> memref<1x1x128xi32, #tpu.memory_space<hbm>>
    %dma_wait3A_1247 = tpu.memref_squeeze %dma_wait3A_1246 : memref<1x1x128xi32, #tpu.memory_space<hbm>> -> memref<128xi32, #tpu.memory_space<hbm>>
    %dma_wait3A_1248 = tpu.memref_slice %arg12[%dma_wait3A_1241] : memref<2x!tpu.dma_semaphore, #tpu.memory_space<semaphore_mem>> -> memref<1x!tpu.dma_semaphore, #tpu.memory_space<semaphore_mem>>
    %dma_wait3A_1249 = tpu.memref_squeeze %dma_wait3A_1248 : memref<1x!tpu.dma_semaphore, #tpu.memory_space<semaphore_mem>> -> memref<!tpu.dma_semaphore, #tpu.memory_space<semaphore_mem>>
    %dma_wait3A_1250 = arith.constant 0 : i32
    %dma_wait3A_1251 = tpu.memref_slice %arg7[%dma_wait3A_1240, %dma_wait3A_1250] : memref<4x128xi32, #tpu.memory_space<vmem>> -> memref<1x128xi32, #tpu.memory_space<vmem>>
    %dma_wait3A_1252 = tpu.memref_squeeze %dma_wait3A_1251 : memref<1x128xi32, #tpu.memory_space<vmem>> -> memref<128xi32, #tpu.memory_space<vmem>>
    %dma_wait3A_1253 = arith.constant 0 : i32
    %dma_wait3A_1254 = tpu.memref_slice %arg3[%dma_wait3A_1239, %min3A_1219, %dma_wait3A_1253] : memref<2x2500x128xi32, #tpu.memory_space<hbm>> -> memref<1x1x128xi32, #tpu.memory_space<hbm>>
    %dma_wait3A_1255 = tpu.memref_squeeze %dma_wait3A_1254 : memref<1x1x128xi32, #tpu.memory_space<hbm>> -> memref<128xi32, #tpu.memory_space<hbm>>
    tpu.wait_dma2 semaphore(%dma_wait3A_1249 : memref<!tpu.dma_semaphore, #tpu.memory_space<semaphore_mem>>) src(%dma_wait3A_1255 : memref<128xi32, #tpu.memory_space<hbm>>) dst(%dma_wait3A_1252 : memref<128xi32, #tpu.memory_space<vmem>>)
    %dma_wait3A_1256 = arith.constant 1 : i32
    %dma_wait3A_1257 = arith.constant 384 : i32
    %dma_wait3A_1258 = arith.constant 0 : i32
    %dma_wait3A_1259 = tpu.memref_slice %arg8[%dma_wait3A_1257, %dma_wait3A_1258] : memref<512x16xf32, #tpu.memory_space<vmem>> -> memref<128x16xf32, #tpu.memory_space<vmem>>
    %dma_wait3A_1260 = arith.constant 0 : i32
    %dma_wait3A_1261 = tpu.memref_slice %arg4[%mul3A_1221, %dma_wait3A_1260] : memref<320000x16xf32, #tpu.memory_space<hbm>> -> memref<128x16xf32, #tpu.memory_space<hbm>>
    %dma_wait3A_1262 = tpu.memref_slice %arg12[%dma_wait3A_1256] : memref<2x!tpu.dma_semaphore, #tpu.memory_space<semaphore_mem>> -> memref<1x!tpu.dma_semaphore, #tpu.memory_space<semaphore_mem>>
    %dma_wait3A_1263 = tpu.memref_squeeze %dma_wait3A_1262 : memref<1x!tpu.dma_semaphore, #tpu.memory_space<semaphore_mem>> -> memref<!tpu.dma_semaphore, #tpu.memory_space<semaphore_mem>>
    %dma_wait3A_1264 = arith.constant 384 : i32
    %dma_wait3A_1265 = arith.constant 0 : i32
    %dma_wait3A_1266 = tpu.memref_slice %arg8[%dma_wait3A_1264, %dma_wait3A_1265] : memref<512x16xf32, #tpu.memory_space<vmem>> -> memref<128x16xf32, #tpu.memory_space<vmem>>
    %dma_wait3A_1267 = arith.constant 0 : i32
    %dma_wait3A_1268 = tpu.memref_slice %arg4[%mul3A_1221, %dma_wait3A_1267] : memref<320000x16xf32, #tpu.memory_space<hbm>> -> memref<128x16xf32, #tpu.memory_space<hbm>>
    tpu.wait_dma2 semaphore(%dma_wait3A_1263 : memref<!tpu.dma_semaphore, #tpu.memory_space<semaphore_mem>>) src(%dma_wait3A_1268 : memref<128x16xf32, #tpu.memory_space<hbm>>) dst(%dma_wait3A_1266 : memref<128x16xf32, #tpu.memory_space<vmem>>)
    %dma_start3A_1269 = arith.constant 3 : i32
    %dma_start3A_1270 = arith.constant 1 : i32
    %dma_start3A_1271 = arith.constant 384 : i32
    %dma_start3A_1272 = arith.constant 0 : i32
    %dma_start3A_1273 = tpu.memref_slice %arg9[%dma_start3A_1271, %dma_start3A_1272] : memref<512x16xf32, #tpu.memory_space<vmem>> -> memref<128x16xf32, #tpu.memory_space<vmem>>
    %dma_start3A_1274 = arith.constant 0 : i32
    %dma_start3A_1275 = tpu.memref_slice %arg7[%dma_start3A_1269, %dma_start3A_1274] : memref<4x128xi32, #tpu.memory_space<vmem>> -> memref<1x128xi32, #tpu.memory_space<vmem>>
    %dma_start3A_1276 = tpu.memref_squeeze %dma_start3A_1275 : memref<1x128xi32, #tpu.memory_space<vmem>> -> memref<128xi32, #tpu.memory_space<vmem>>
    %dma_start3A_1277 = arith.constant 0 : i32
    %dma_start3A_1278 = arith.constant 0 : i32
    %dma_start3A_1279 = tpu.memref_slice %arg2[%dma_start3A_1277, %dma_start3A_1278] : memref<10000x16xf32, #tpu.memory_space<hbm>> -> memref<10000x16xf32, #tpu.memory_space<hbm>>
    %dma_start3A_1280 = tpu.memref_slice %arg13[%dma_start3A_1270] : memref<2x!tpu.dma_semaphore, #tpu.memory_space<semaphore_mem>> -> memref<1x!tpu.dma_semaphore, #tpu.memory_space<semaphore_mem>>
    %dma_start3A_1281 = tpu.memref_squeeze %dma_start3A_1280 : memref<1x!tpu.dma_semaphore, #tpu.memory_space<semaphore_mem>> -> memref<!tpu.dma_semaphore, #tpu.memory_space<semaphore_mem>>
    tpu.enqueue_indirect_dma source(%dma_start3A_1279 : memref<10000x16xf32, #tpu.memory_space<hbm>>) target(%dma_start3A_1273 : memref<128x16xf32, #tpu.memory_space<vmem>>) offsets(%dma_start3A_1276 : memref<128xi32, #tpu.memory_space<vmem>>) semaphore(%dma_start3A_1281 : memref<!tpu.dma_semaphore, #tpu.memory_space<semaphore_mem>>)
    %dma_wait3A_1282 = arith.constant 2 : i32
    %dma_wait3A_1283 = arith.constant 0 : i32
    %dma_wait3A_1284 = arith.constant 256 : i32
    %dma_wait3A_1285 = arith.constant 0 : i32
    %dma_wait3A_1286 = tpu.memref_slice %arg9[%dma_wait3A_1284, %dma_wait3A_1285] : memref<512x16xf32, #tpu.memory_space<vmem>> -> memref<128x16xf32, #tpu.memory_space<vmem>>
    %dma_wait3A_1287 = arith.constant 0 : i32
    %dma_wait3A_1288 = tpu.memref_slice %arg7[%dma_wait3A_1282, %dma_wait3A_1287] : memref<4x128xi32, #tpu.memory_space<vmem>> -> memref<1x128xi32, #tpu.memory_space<vmem>>
    %dma_wait3A_1289 = tpu.memref_squeeze %dma_wait3A_1288 : memref<1x128xi32, #tpu.memory_space<vmem>> -> memref<128xi32, #tpu.memory_space<vmem>>
    %dma_wait3A_1290 = arith.constant 0 : i32
    %dma_wait3A_1291 = arith.constant 0 : i32
    %dma_wait3A_1292 = tpu.memref_slice %arg2[%dma_wait3A_1290, %dma_wait3A_1291] : memref<10000x16xf32, #tpu.memory_space<hbm>> -> memref<10000x16xf32, #tpu.memory_space<hbm>>
    %dma_wait3A_1293 = tpu.memref_slice %arg13[%dma_wait3A_1283] : memref<2x!tpu.dma_semaphore, #tpu.memory_space<semaphore_mem>> -> memref<1x!tpu.dma_semaphore, #tpu.memory_space<semaphore_mem>>
    %dma_wait3A_1294 = tpu.memref_squeeze %dma_wait3A_1293 : memref<1x!tpu.dma_semaphore, #tpu.memory_space<semaphore_mem>> -> memref<!tpu.dma_semaphore, #tpu.memory_space<semaphore_mem>>
    tpu.wait_indirect_dma semaphore(%dma_wait3A_1294 : memref<!tpu.dma_semaphore, #tpu.memory_space<semaphore_mem>>) src(%dma_wait3A_1292 : memref<10000x16xf32, #tpu.memory_space<hbm>>) dst(%dma_wait3A_1286 : memref<128x16xf32, #tpu.memory_space<vmem>>)
    %mul3A_1295 = arith.constant 80 : i32
    %mul3A_1296 = arith.muli %add3A, %mul3A_1295 : i32
    %add3A_1297 = arith.constant 78 : i32
    %add3A_1298 = arith.addi %mul3A_1296, %add3A_1297 : i32
    %lt3A_1299 = arith.constant 2500 : i32
    %lt3A_1300 = arith.cmpi slt, %add3A_1298, %lt3A_1299 : i32
    %jit3A_1301 = arith.constant 1.000000e+00 : f32
    %jit3A_1302 = arith.constant 0.000000e+00 : f32
    %select_n3A_1303 = arith.select %lt3A_1300, %jit3A_1301, %jit3A_1302 : f32
    %parallel_loop3A_1304 = arith.constant 0 : i32
    %parallel_loop3A_1305 = arith.constant 128 : i32
    %parallel_loop3A_1306 = arith.constant 1 : i32
    scf.for %parallel_loop3A_1402 = %parallel_loop3A_1304 to %parallel_loop3A_1305 step %parallel_loop3A_1306  : i32 {
      %parallel_loop3A_1403 = arith.constant 256 : i32
      %parallel_loop3A_1404 = arith.addi %parallel_loop3A_1403, %parallel_loop3A_1402 : i32
      %parallel_loop3A_1405 = arith.index_cast %parallel_loop3A_1404 : i32 to index
      %parallel_loop3A_1406 = arith.constant 0 : index
      %parallel_loop3A_1407 = tpu.vector_load %arg9[%parallel_loop3A_1405, %parallel_loop3A_1406] {strides = array<i32>} : memref<512x16xf32, #tpu.memory_space<vmem>>, vector<1x16xf32>,
      %parallel_loop3A_1408 = vector.shape_cast %parallel_loop3A_1407 : vector<1x16xf32> to vector<16xf32>
      %parallel_loop3A_1409 = arith.index_cast %parallel_loop3A_1404 : i32 to index
      %parallel_loop3A_1410 = arith.constant 0 : index
      %parallel_loop3A_1411 = tpu.vector_load %arg8[%parallel_loop3A_1409, %parallel_loop3A_1410] {strides = array<i32>} : memref<512x16xf32, #tpu.memory_space<vmem>>, vector<1x16xf32>,
      %parallel_loop3A_1412 = vector.shape_cast %parallel_loop3A_1411 : vector<1x16xf32> to vector<16xf32>
      %parallel_loop3A_1413 = arith.mulf %parallel_loop3A_1408, %parallel_loop3A_1412 : vector<16xf32>
      %parallel_loop3A_1414 = vector.broadcast %select_n3A_1303 : f32 to vector<16xf32>
      %parallel_loop3A_1415 = arith.mulf %parallel_loop3A_1413, %parallel_loop3A_1414 : vector<16xf32>
      %parallel_loop3A_1416 = arith.index_cast %parallel_loop3A_1404 : i32 to index
      %parallel_loop3A_1417 = arith.constant 0 : index
      %parallel_loop3A_1418 = tpu.vector_load %arg9[%parallel_loop3A_1416, %parallel_loop3A_1417] {strides = array<i32>} : memref<512x16xf32, #tpu.memory_space<vmem>>, vector<1x16xf32>,
      %parallel_loop3A_1419 = vector.shape_cast %parallel_loop3A_1418 : vector<1x16xf32> to vector<16xf32>
      %parallel_loop3A_1420 = vector.shape_cast %parallel_loop3A_1415 : vector<16xf32> to vector<1x16xf32>
      tpu.vector_store %arg9[%parallel_loop3A_1416, %parallel_loop3A_1417], %parallel_loop3A_1420 {strides = array<i32>} : memref<512x16xf32, #tpu.memory_space<vmem>>, vector<1x16xf32>,
    } {sc.loop_unroll_factor = 8 : i64, sc.parallel_access}
    %dma_start3A_1307 = arith.constant 2 : i32
    %dma_start3A_1308 = arith.constant 0 : i32
    %dma_start3A_1309 = arith.constant 256 : i32
    %dma_start3A_1310 = arith.constant 0 : i32
    %dma_start3A_1311 = tpu.memref_slice %arg9[%dma_start3A_1309, %dma_start3A_1310] : memref<512x16xf32, #tpu.memory_space<vmem>> -> memref<128x16xf32, #tpu.memory_space<vmem>>
    %dma_start3A_1312 = arith.constant 0 : i32
    %dma_start3A_1313 = tpu.memref_slice %arg6[%dma_start3A_1307, %dma_start3A_1312] : memref<4x128xi32, #tpu.memory_space<vmem>> -> memref<1x128xi32, #tpu.memory_space<vmem>>
    %dma_start3A_1314 = tpu.memref_squeeze %dma_start3A_1313 : memref<1x128xi32, #tpu.memory_space<vmem>> -> memref<128xi32, #tpu.memory_space<vmem>>
    %dma_start3A_1315 = arith.constant 0 : i32
    %dma_start3A_1316 = arith.constant 0 : i32
    %dma_start3A_1317 = tpu.memref_slice %arg11[%dma_start3A_1315, %dma_start3A_1316] : memref<10112x16xf32, #tpu.memory_space<vmem_shared>> -> memref<10112x16xf32, #tpu.memory_space<vmem_shared>>
    %dma_start3A_1318 = tpu.memref_slice %arg14[%dma_start3A_1308] : memref<2x!tpu.dma_semaphore, #tpu.memory_space<semaphore_mem>> -> memref<1x!tpu.dma_semaphore, #tpu.memory_space<semaphore_mem>>
    %dma_start3A_1319 = tpu.memref_squeeze %dma_start3A_1318 : memref<1x!tpu.dma_semaphore, #tpu.memory_space<semaphore_mem>> -> memref<!tpu.dma_semaphore, #tpu.memory_space<semaphore_mem>>
    tpu.enqueue_indirect_dma source(%dma_start3A_1311 : memref<128x16xf32, #tpu.memory_space<vmem>>) target(%dma_start3A_1317 : memref<10112x16xf32, #tpu.memory_space<vmem_shared>>) offsets(%dma_start3A_1314 : memref<128xi32, #tpu.memory_space<vmem>>) semaphore(%dma_start3A_1319 : memref<!tpu.dma_semaphore, #tpu.memory_space<semaphore_mem>>) {add = true}
    %dma_wait3A_1320 = arith.constant 1 : i32
    %dma_wait3A_1321 = arith.constant 1 : i32
    %dma_wait3A_1322 = arith.constant 128 : i32
    %dma_wait3A_1323 = arith.constant 0 : i32
    %dma_wait3A_1324 = tpu.memref_slice %arg9[%dma_wait3A_1322, %dma_wait3A_1323] : memref<512x16xf32, #tpu.memory_space<vmem>> -> memref<128x16xf32, #tpu.memory_space<vmem>>
    %dma_wait3A_1325 = arith.constant 0 : i32
    %dma_wait3A_1326 = tpu.memref_slice %arg6[%dma_wait3A_1320, %dma_wait3A_1325] : memref<4x128xi32, #tpu.memory_space<vmem>> -> memref<1x128xi32, #tpu.memory_space<vmem>>
    %dma_wait3A_1327 = tpu.memref_squeeze %dma_wait3A_1326 : memref<1x128xi32, #tpu.memory_space<vmem>> -> memref<128xi32, #tpu.memory_space<vmem>>
    %dma_wait3A_1328 = arith.constant 0 : i32
    %dma_wait3A_1329 = arith.constant 0 : i32
    %dma_wait3A_1330 = tpu.memref_slice %arg11[%dma_wait3A_1328, %dma_wait3A_1329] : memref<10112x16xf32, #tpu.memory_space<vmem_shared>> -> memref<10112x16xf32, #tpu.memory_space<vmem_shared>>
    %dma_wait3A_1331 = tpu.memref_slice %arg14[%dma_wait3A_1321] : memref<2x!tpu.dma_semaphore, #tpu.memory_space<semaphore_mem>> -> memref<1x!tpu.dma_semaphore, #tpu.memory_space<semaphore_mem>>
    %dma_wait3A_1332 = tpu.memref_squeeze %dma_wait3A_1331 : memref<1x!tpu.dma_semaphore, #tpu.memory_space<semaphore_mem>> -> memref<!tpu.dma_semaphore, #tpu.memory_space<semaphore_mem>>
    tpu.wait_indirect_dma semaphore(%dma_wait3A_1332 : memref<!tpu.dma_semaphore, #tpu.memory_space<semaphore_mem>>) src(%dma_wait3A_1324 : memref<128x16xf32, #tpu.memory_space<vmem>>) dst(%dma_wait3A_1330 : memref<10112x16xf32, #tpu.memory_space<vmem_shared>>)
    %dma_wait3A_1333 = arith.constant 3 : i32
    %dma_wait3A_1334 = arith.constant 1 : i32
    %dma_wait3A_1335 = arith.constant 384 : i32
    %dma_wait3A_1336 = arith.constant 0 : i32
    %dma_wait3A_1337 = tpu.memref_slice %arg9[%dma_wait3A_1335, %dma_wait3A_1336] : memref<512x16xf32, #tpu.memory_space<vmem>> -> memref<128x16xf32, #tpu.memory_space<vmem>>
    %dma_wait3A_1338 = arith.constant 0 : i32
    %dma_wait3A_1339 = tpu.memref_slice %arg7[%dma_wait3A_1333, %dma_wait3A_1338] : memref<4x128xi32, #tpu.memory_space<vmem>> -> memref<1x128xi32, #tpu.memory_space<vmem>>
    %dma_wait3A_1340 = tpu.memref_squeeze %dma_wait3A_1339 : memref<1x128xi32, #tpu.memory_space<vmem>> -> memref<128xi32, #tpu.memory_space<vmem>>
    %dma_wait3A_1341 = arith.constant 0 : i32
    %dma_wait3A_1342 = arith.constant 0 : i32
    %dma_wait3A_1343 = tpu.memref_slice %arg2[%dma_wait3A_1341, %dma_wait3A_1342] : memref<10000x16xf32, #tpu.memory_space<hbm>> -> memref<10000x16xf32, #tpu.memory_space<hbm>>
    %dma_wait3A_1344 = tpu.memref_slice %arg13[%dma_wait3A_1334] : memref<2x!tpu.dma_semaphore, #tpu.memory_space<semaphore_mem>> -> memref<1x!tpu.dma_semaphore, #tpu.memory_space<semaphore_mem>>
    %dma_wait3A_1345 = tpu.memref_squeeze %dma_wait3A_1344 : memref<1x!tpu.dma_semaphore, #tpu.memory_space<semaphore_mem>> -> memref<!tpu.dma_semaphore, #tpu.memory_space<semaphore_mem>>
    tpu.wait_indirect_dma semaphore(%dma_wait3A_1345 : memref<!tpu.dma_semaphore, #tpu.memory_space<semaphore_mem>>) src(%dma_wait3A_1343 : memref<10000x16xf32, #tpu.memory_space<hbm>>) dst(%dma_wait3A_1337 : memref<128x16xf32, #tpu.memory_space<vmem>>)
    %mul3A_1346 = arith.constant 80 : i32
    %mul3A_1347 = arith.muli %add3A, %mul3A_1346 : i32
    %add3A_1348 = arith.constant 79 : i32
    %add3A_1349 = arith.addi %mul3A_1347, %add3A_1348 : i32
    %lt3A_1350 = arith.constant 2500 : i32
    %lt3A_1351 = arith.cmpi slt, %add3A_1349, %lt3A_1350 : i32
    %jit3A_1352 = arith.constant 1.000000e+00 : f32
    %jit3A_1353 = arith.constant 0.000000e+00 : f32
    %select_n3A_1354 = arith.select %lt3A_1351, %jit3A_1352, %jit3A_1353 : f32
    %parallel_loop3A_1355 = arith.constant 0 : i32
    %parallel_loop3A_1356 = arith.constant 128 : i32
    %parallel_loop3A_1357 = arith.constant 1 : i32
    scf.for %parallel_loop3A_1402 = %parallel_loop3A_1355 to %parallel_loop3A_1356 step %parallel_loop3A_1357  : i32 {
      %parallel_loop3A_1403 = arith.constant 384 : i32
      %parallel_loop3A_1404 = arith.addi %parallel_loop3A_1403, %parallel_loop3A_1402 : i32
      %parallel_loop3A_1405 = arith.index_cast %parallel_loop3A_1404 : i32 to index
      %parallel_loop3A_1406 = arith.constant 0 : index
      %parallel_loop3A_1407 = tpu.vector_load %arg9[%parallel_loop3A_1405, %parallel_loop3A_1406] {strides = array<i32>} : memref<512x16xf32, #tpu.memory_space<vmem>>, vector<1x16xf32>,
      %parallel_loop3A_1408 = vector.shape_cast %parallel_loop3A_1407 : vector<1x16xf32> to vector<16xf32>
      %parallel_loop3A_1409 = arith.index_cast %parallel_loop3A_1404 : i32 to index
      %parallel_loop3A_1410 = arith.constant 0 : index
      %parallel_loop3A_1411 = tpu.vector_load %arg8[%parallel_loop3A_1409, %parallel_loop3A_1410] {strides = array<i32>} : memref<512x16xf32, #tpu.memory_space<vmem>>, vector<1x16xf32>,
      %parallel_loop3A_1412 = vector.shape_cast %parallel_loop3A_1411 : vector<1x16xf32> to vector<16xf32>
      %parallel_loop3A_1413 = arith.mulf %parallel_loop3A_1408, %parallel_loop3A_1412 : vector<16xf32>
      %parallel_loop3A_1414 = vector.broadcast %select_n3A_1354 : f32 to vector<16xf32>
      %parallel_loop3A_1415 = arith.mulf %parallel_loop3A_1413, %parallel_loop3A_1414 : vector<16xf32>
      %parallel_loop3A_1416 = arith.index_cast %parallel_loop3A_1404 : i32 to index
      %parallel_loop3A_1417 = arith.constant 0 : index
      %parallel_loop3A_1418 = tpu.vector_load %arg9[%parallel_loop3A_1416, %parallel_loop3A_1417] {strides = array<i32>} : memref<512x16xf32, #tpu.memory_space<vmem>>, vector<1x16xf32>,
      %parallel_loop3A_1419 = vector.shape_cast %parallel_loop3A_1418 : vector<1x16xf32> to vector<16xf32>
      %parallel_loop3A_1420 = vector.shape_cast %parallel_loop3A_1415 : vector<16xf32> to vector<1x16xf32>
      tpu.vector_store %arg9[%parallel_loop3A_1416, %parallel_loop3A_1417], %parallel_loop3A_1420 {strides = array<i32>} : memref<512x16xf32, #tpu.memory_space<vmem>>, vector<1x16xf32>,
    } {sc.loop_unroll_factor = 8 : i64, sc.parallel_access}
    %dma_start3A_1358 = arith.constant 3 : i32
    %dma_start3A_1359 = arith.constant 1 : i32
    %dma_start3A_1360 = arith.constant 384 : i32
    %dma_start3A_1361 = arith.constant 0 : i32
    %dma_start3A_1362 = tpu.memref_slice %arg9[%dma_start3A_1360, %dma_start3A_1361] : memref<512x16xf32, #tpu.memory_space<vmem>> -> memref<128x16xf32, #tpu.memory_space<vmem>>
    %dma_start3A_1363 = arith.constant 0 : i32
    %dma_start3A_1364 = tpu.memref_slice %arg6[%dma_start3A_1358, %dma_start3A_1363] : memref<4x128xi32, #tpu.memory_space<vmem>> -> memref<1x128xi32, #tpu.memory_space<vmem>>
    %dma_start3A_1365 = tpu.memref_squeeze %dma_start3A_1364 : memref<1x128xi32, #tpu.memory_space<vmem>> -> memref<128xi32, #tpu.memory_space<vmem>>
    %dma_start3A_1366 = arith.constant 0 : i32
    %dma_start3A_1367 = arith.constant 0 : i32
    %dma_start3A_1368 = tpu.memref_slice %arg11[%dma_start3A_1366, %dma_start3A_1367] : memref<10112x16xf32, #tpu.memory_space<vmem_shared>> -> memref<10112x16xf32, #tpu.memory_space<vmem_shared>>
    %dma_start3A_1369 = tpu.memref_slice %arg14[%dma_start3A_1359] : memref<2x!tpu.dma_semaphore, #tpu.memory_space<semaphore_mem>> -> memref<1x!tpu.dma_semaphore, #tpu.memory_space<semaphore_mem>>
    %dma_start3A_1370 = tpu.memref_squeeze %dma_start3A_1369 : memref<1x!tpu.dma_semaphore, #tpu.memory_space<semaphore_mem>> -> memref<!tpu.dma_semaphore, #tpu.memory_space<semaphore_mem>>
    tpu.enqueue_indirect_dma source(%dma_start3A_1362 : memref<128x16xf32, #tpu.memory_space<vmem>>) target(%dma_start3A_1368 : memref<10112x16xf32, #tpu.memory_space<vmem_shared>>) offsets(%dma_start3A_1365 : memref<128xi32, #tpu.memory_space<vmem>>) semaphore(%dma_start3A_1370 : memref<!tpu.dma_semaphore, #tpu.memory_space<semaphore_mem>>) {add = true}
    %dma_wait3A_1371 = arith.constant 2 : i32
    %dma_wait3A_1372 = arith.constant 0 : i32
    %dma_wait3A_1373 = arith.constant 256 : i32
    %dma_wait3A_1374 = arith.constant 0 : i32
    %dma_wait3A_1375 = tpu.memref_slice %arg9[%dma_wait3A_1373, %dma_wait3A_1374] : memref<512x16xf32, #tpu.memory_space<vmem>> -> memref<128x16xf32, #tpu.memory_space<vmem>>
    %dma_wait3A_1376 = arith.constant 0 : i32
    %dma_wait3A_1377 = tpu.memref_slice %arg6[%dma_wait3A_1371, %dma_wait3A_1376] : memref<4x128xi32, #tpu.memory_space<vmem>> -> memref<1x128xi32, #tpu.memory_space<vmem>>
    %dma_wait3A_1378 = tpu.memref_squeeze %dma_wait3A_1377 : memref<1x128xi32, #tpu.memory_space<vmem>> -> memref<128xi32, #tpu.memory_space<vmem>>
    %dma_wait3A_1379 = arith.constant 0 : i32
    %dma_wait3A_1380 = arith.constant 0 : i32
    %dma_wait3A_1381 = tpu.memref_slice %arg11[%dma_wait3A_1379, %dma_wait3A_1380] : memref<10112x16xf32, #tpu.memory_space<vmem_shared>> -> memref<10112x16xf32, #tpu.memory_space<vmem_shared>>
    %dma_wait3A_1382 = tpu.memref_slice %arg14[%dma_wait3A_1372] : memref<2x!tpu.dma_semaphore, #tpu.memory_space<semaphore_mem>> -> memref<1x!tpu.dma_semaphore, #tpu.memory_space<semaphore_mem>>
    %dma_wait3A_1383 = tpu.memref_squeeze %dma_wait3A_1382 : memref<1x!tpu.dma_semaphore, #tpu.memory_space<semaphore_mem>> -> memref<!tpu.dma_semaphore, #tpu.memory_space<semaphore_mem>>
    tpu.wait_indirect_dma semaphore(%dma_wait3A_1383 : memref<!tpu.dma_semaphore, #tpu.memory_space<semaphore_mem>>) src(%dma_wait3A_1375 : memref<128x16xf32, #tpu.memory_space<vmem>>) dst(%dma_wait3A_1381 : memref<10112x16xf32, #tpu.memory_space<vmem_shared>>)
    %dma_wait3A_1384 = arith.constant 3 : i32
    %dma_wait3A_1385 = arith.constant 1 : i32
    %dma_wait3A_1386 = arith.constant 384 : i32
    %dma_wait3A_1387 = arith.constant 0 : i32
    %dma_wait3A_1388 = tpu.memref_slice %arg9[%dma_wait3A_1386, %dma_wait3A_1387] : memref<512x16xf32, #tpu.memory_space<vmem>> -> memref<128x16xf32, #tpu.memory_space<vmem>>
    %dma_wait3A_1389 = arith.constant 0 : i32
    %dma_wait3A_1390 = tpu.memref_slice %arg6[%dma_wait3A_1384, %dma_wait3A_1389] : memref<4x128xi32, #tpu.memory_space<vmem>> -> memref<1x128xi32, #tpu.memory_space<vmem>>
    %dma_wait3A_1391 = tpu.memref_squeeze %dma_wait3A_1390 : memref<1x128xi32, #tpu.memory_space<vmem>> -> memref<128xi32, #tpu.memory_space<vmem>>
    %dma_wait3A_1392 = arith.constant 0 : i32
    %dma_wait3A_1393 = arith.constant 0 : i32
    %dma_wait3A_1394 = tpu.memref_slice %arg11[%dma_wait3A_1392, %dma_wait3A_1393] : memref<10112x16xf32, #tpu.memory_space<vmem_shared>> -> memref<10112x16xf32, #tpu.memory_space<vmem_shared>>
    %dma_wait3A_1395 = tpu.memref_slice %arg14[%dma_wait3A_1385] : memref<2x!tpu.dma_semaphore, #tpu.memory_space<semaphore_mem>> -> memref<1x!tpu.dma_semaphore, #tpu.memory_space<semaphore_mem>>
    %dma_wait3A_1396 = tpu.memref_squeeze %dma_wait3A_1395 : memref<1x!tpu.dma_semaphore, #tpu.memory_space<semaphore_mem>> -> memref<!tpu.dma_semaphore, #tpu.memory_space<semaphore_mem>>
    tpu.wait_indirect_dma semaphore(%dma_wait3A_1396 : memref<!tpu.dma_semaphore, #tpu.memory_space<semaphore_mem>>) src(%dma_wait3A_1388 : memref<128x16xf32, #tpu.memory_space<vmem>>) dst(%dma_wait3A_1394 : memref<10112x16xf32, #tpu.memory_space<vmem_shared>>)
    %barrier3A_1397 = arith.constant 0 : index
    tpu.barrier barrier_id(%barrier3A_1397)
    %mul3A_1398 = arith.constant 632 : i32
    %mul3A_1399 = arith.muli %arg1, %mul3A_1398 : i32
    "tpu.region"() ({
      %run_scoped3A = tpu.sem_alloc : memref<!tpu.dma_semaphore, #tpu.memory_space<semaphore_mem>>
      %dma_start3A_1402 = arith.constant 0 : i32
      %dma_start3A_1403 = tpu.memref_slice %arg11[%mul3A_1399, %dma_start3A_1402] : memref<10112x16xf32, #tpu.memory_space<vmem_shared>> -> memref<632x16xf32, #tpu.memory_space<vmem_shared>>
      %dma_start3A_1404 = arith.constant 0 : i32
      %dma_start3A_1405 = tpu.memref_slice %arg11[%mul3A_1399, %dma_start3A_1404] : memref<10112x16xf32, #tpu.memory_space<vmem_shared>> -> memref<632x16xf32, #tpu.memory_space<vmem_shared>>
      tpu.enqueue_dma source(%dma_start3A_1405 : memref<632x16xf32, #tpu.memory_space<vmem_shared>>) target(%arg10 : memref<632x16xf32, #tpu.memory_space<vmem>>) target_semaphore(%run_scoped3A : memref<!tpu.dma_semaphore, #tpu.memory_space<semaphore_mem>>)
      %dma_wait3A_1406 = arith.constant 0 : i32
      %dma_wait3A_1407 = tpu.memref_slice %arg11[%mul3A_1399, %dma_wait3A_1406] : memref<10112x16xf32, #tpu.memory_space<vmem_shared>> -> memref<632x16xf32, #tpu.memory_space<vmem_shared>>
      %dma_wait3A_1408 = arith.constant 0 : i32
      %dma_wait3A_1409 = tpu.memref_slice %arg11[%mul3A_1399, %dma_wait3A_1408] : memref<10112x16xf32, #tpu.memory_space<vmem_shared>> -> memref<632x16xf32, #tpu.memory_space<vmem_shared>>
      tpu.wait_dma2 semaphore(%run_scoped3A : memref<!tpu.dma_semaphore, #tpu.memory_space<semaphore_mem>>) src(%dma_wait3A_1409 : memref<632x16xf32, #tpu.memory_space<vmem_shared>>) dst(%arg10 : memref<632x16xf32, #tpu.memory_space<vmem>>)
      tpu.yield
    }) : () -> ()
    %mul3A_1400 = arith.constant 632 : i32
    %mul3A_1401 = arith.muli %arg1, %mul3A_1400 : i32
    "tpu.region"() ({
      %run_scoped3A = tpu.sem_alloc : memref<!tpu.dma_semaphore, #tpu.memory_space<semaphore_mem>>
      %dma_start3A_1402 = arith.constant 0 : i32
      %dma_start3A_1403 = arith.constant 0 : i32
      %dma_start3A_1404 = tpu.memref_slice %arg5[%arg0, %dma_start3A_1402, %dma_start3A_1403] : memref<2x10112x16xf32, #tpu.memory_space<hbm>> -> memref<1x10112x16xf32, #tpu.memory_space<hbm>>
      %dma_start3A_1405 = tpu.memref_squeeze %dma_start3A_1404 : memref<1x10112x16xf32, #tpu.memory_space<hbm>> -> memref<10112x16xf32, #tpu.memory_space<hbm>>
      %dma_start3A_1406 = arith.constant 0 : i32
      %dma_start3A_1407 = tpu.memref_slice %dma_start3A_1405[%mul3A_1401, %dma_start3A_1406] : memref<10112x16xf32, #tpu.memory_space<hbm>> -> memref<632x16xf32, #tpu.memory_space<hbm>>
      %dma_start3A_1408 = arith.constant 0 : i32
      %dma_start3A_1409 = arith.constant 0 : i32
      %dma_start3A_1410 = tpu.memref_slice %arg5[%arg0, %dma_start3A_1408, %dma_start3A_1409] : memref<2x10112x16xf32, #tpu.memory_space<hbm>> -> memref<1x10112x16xf32, #tpu.memory_space<hbm>>
      %dma_start3A_1411 = tpu.memref_squeeze %dma_start3A_1410 : memref<1x10112x16xf32, #tpu.memory_space<hbm>> -> memref<10112x16xf32, #tpu.memory_space<hbm>>
      %dma_start3A_1412 = arith.constant 0 : i32
      %dma_start3A_1413 = tpu.memref_slice %dma_start3A_1411[%mul3A_1401, %dma_start3A_1412] : memref<10112x16xf32, #tpu.memory_space<hbm>> -> memref<632x16xf32, #tpu.memory_space<hbm>>
      tpu.enqueue_dma source(%arg10 : memref<632x16xf32, #tpu.memory_space<vmem>>) target(%dma_start3A_1413 : memref<632x16xf32, #tpu.memory_space<hbm>>) target_semaphore(%run_scoped3A : memref<!tpu.dma_semaphore, #tpu.memory_space<semaphore_mem>>)
      %dma_wait3A_1414 = arith.constant 0 : i32
      %dma_wait3A_1415 = arith.constant 0 : i32
      %dma_wait3A_1416 = tpu.memref_slice %arg5[%arg0, %dma_wait3A_1414, %dma_wait3A_1415] : memref<2x10112x16xf32, #tpu.memory_space<hbm>> -> memref<1x10112x16xf32, #tpu.memory_space<hbm>>
      %dma_wait3A_1417 = tpu.memref_squeeze %dma_wait3A_1416 : memref<1x10112x16xf32, #tpu.memory_space<hbm>> -> memref<10112x16xf32, #tpu.memory_space<hbm>>
      %dma_wait3A_1418 = arith.constant 0 : i32
      %dma_wait3A_1419 = tpu.memref_slice %dma_wait3A_1417[%mul3A_1401, %dma_wait3A_1418] : memref<10112x16xf32, #tpu.memory_space<hbm>> -> memref<632x16xf32, #tpu.memory_space<hbm>>
      %dma_wait3A_1420 = arith.constant 0 : i32
      %dma_wait3A_1421 = arith.constant 0 : i32
      %dma_wait3A_1422 = tpu.memref_slice %arg5[%arg0, %dma_wait3A_1420, %dma_wait3A_1421] : memref<2x10112x16xf32, #tpu.memory_space<hbm>> -> memref<1x10112x16xf32, #tpu.memory_space<hbm>>
      %dma_wait3A_1423 = tpu.memref_squeeze %dma_wait3A_1422 : memref<1x10112x16xf32, #tpu.memory_space<hbm>> -> memref<10112x16xf32, #tpu.memory_space<hbm>>
      %dma_wait3A_1424 = arith.constant 0 : i32
      %dma_wait3A_1425 = tpu.memref_slice %dma_wait3A_1423[%mul3A_1401, %dma_wait3A_1424] : memref<10112x16xf32, #tpu.memory_space<hbm>> -> memref<632x16xf32, #tpu.memory_space<hbm>>
      tpu.wait_dma2 semaphore(%run_scoped3A : memref<!tpu.dma_semaphore, #tpu.memory_space<semaphore_mem>>) src(%arg10 : memref<632x16xf32, #tpu.memory_space<vmem>>) dst(%dma_wait3A_1425 : memref<632x16xf32, #tpu.memory_space<hbm>>)
      tpu.yield
    }) : () -> ()
    return
  }
}

module attributes {stable_mosaic.version = 14 : i64} {
  func.func @body(%arg0: i32, %arg1: memref<1000x128xf32, #tpu.memory_space<vmem>>, %arg2: memref<128x64xf32, #tpu.memory_space<vmem>>, %arg3: memref<1x64xf32, #tpu.memory_space<vmem>>, %arg4: memref<1x64xf32, #tpu.memory_space<vmem>>, %arg5: memref<1x64xf32, #tpu.memory_space<vmem>>, %arg6: memref<64x128xf32, #tpu.memory_space<vmem>>, %arg7: memref<1x128xf32, #tpu.memory_space<vmem>>, %arg8: memref<1x128xf32, #tpu.memory_space<vmem>>, %arg9: memref<1x128xf32, #tpu.memory_space<vmem>>, %arg10: memref<1000x16xf32, #tpu.memory_space<vmem>>) attributes {dimension_semantics = [#tpu.dimension_semantics<arbitrary>], iteration_bounds = array<i64: 10>, scalar_prefetch = 0 : i64, scratch_operands = 0 : i64, tpu.core_type = #tpu.core_type<tc>, window_params = [{transform_indices = @transform_0, window_bounds = array<i64: 1000, 128>}, {pipeline_mode = #tpu.pipeline_mode<synchronous>, transform_indices = @transform_1, window_bounds = array<i64: 128, 64>}, {pipeline_mode = #tpu.pipeline_mode<synchronous>, transform_indices = @transform_2, window_bounds = array<i64: 1, 64>}, {pipeline_mode = #tpu.pipeline_mode<synchronous>, transform_indices = @transform_3, window_bounds = array<i64: 1, 64>}, {pipeline_mode = #tpu.pipeline_mode<synchronous>, transform_indices = @transform_4, window_bounds = array<i64: 1, 64>}, {pipeline_mode = #tpu.pipeline_mode<synchronous>, transform_indices = @transform_5, window_bounds = array<i64: 64, 128>}, {pipeline_mode = #tpu.pipeline_mode<synchronous>, transform_indices = @transform_6, window_bounds = array<i64: 1, 128>}, {pipeline_mode = #tpu.pipeline_mode<synchronous>, transform_indices = @transform_7, window_bounds = array<i64: 1, 128>}, {pipeline_mode = #tpu.pipeline_mode<synchronous>, transform_indices = @transform_8, window_bounds = array<i64: 1, 128>}, {transform_indices = @transform_9, window_bounds = array<i64: 1000, 16>}]} {
    %get3A = arith.constant 0 : index
    %get3A_0 = arith.constant 0 : index
    %get3A_1 = vector.load %arg1[%get3A, %get3A_0] : memref<1000x128xf32, #tpu.memory_space<vmem>>, vector<1000x128xf32>
    %get3A_2 = arith.constant 0 : index
    %get3A_3 = arith.constant 0 : index
    %get3A_4 = vector.load %arg2[%get3A_2, %get3A_3] : memref<128x64xf32, #tpu.memory_space<vmem>>, vector<128x64xf32>
    %dot_general3A = arith.constant dense<0.000000e+00> : vector<1000x64xf32>
    %dot_general3A_5 = tpu.matmul %get3A_1, %get3A_4, %dot_general3A {dimension_numbers = #tpu.dot_dimension_numbers<[1], [0], [0], [1], [0, 0, 1, 1], [], []>, transpose_lhs_hint = false} : vector<1000x128xf32>, vector<128x64xf32>, vector<1000x64xf32> -> vector<1000x64xf32>
    %get3A_6 = arith.constant 0 : index
    %get3A_7 = arith.constant 0 : index
    %get3A_8 = vector.load %arg3[%get3A_6, %get3A_7] : memref<1x64xf32, #tpu.memory_space<vmem>>, vector<1x64xf32>
    %add3A = vector.broadcast %get3A_8 : vector<1x64xf32> to vector<1000x64xf32>
    %add3A_9 = arith.addf %dot_general3A_5, %add3A : vector<1000x64xf32>
    %get3A_10 = arith.constant 0 : index
    %get3A_11 = arith.constant 0 : index
    %get3A_12 = vector.load %arg4[%get3A_10, %get3A_11] : memref<1x64xf32, #tpu.memory_space<vmem>>, vector<1x64xf32>
    %get3A_13 = arith.constant 0 : index
    %get3A_14 = arith.constant 0 : index
    %get3A_15 = vector.load %arg5[%get3A_13, %get3A_14] : memref<1x64xf32, #tpu.memory_space<vmem>>, vector<1x64xf32>
    %reduce_sum3A = arith.constant dense<0.000000e+00> : vector<1000xf32>
    %reduce_sum3A_16 = vector.multi_reduction <add>, %add3A_9, %reduce_sum3A [1] : vector<1000x64xf32> to vector<1000xf32>
    %broadcast_in_dim3A = vector.shape_cast %reduce_sum3A_16 : vector<1000xf32> to vector<1000x1xf32>
    %div3A = arith.constant 6.400000e+01 : f32
    %div3A_17 = vector.broadcast %div3A : f32 to vector<1000x1xf32>
    %div3A_18 = arith.divf %broadcast_in_dim3A, %div3A_17 : vector<1000x1xf32>
    %sub3A = vector.broadcast %div3A_18 : vector<1000x1xf32> to vector<1000x64xf32>
    %sub3A_19 = arith.subf %add3A_9, %sub3A : vector<1000x64xf32>
    %integer_pow3A = arith.mulf %sub3A_19, %sub3A_19 : vector<1000x64xf32>
    %reduce_sum3A_20 = arith.constant dense<0.000000e+00> : vector<1000xf32>
    %reduce_sum3A_21 = vector.multi_reduction <add>, %integer_pow3A, %reduce_sum3A_20 [1] : vector<1000x64xf32> to vector<1000xf32>
    %broadcast_in_dim3A_22 = vector.shape_cast %reduce_sum3A_21 : vector<1000xf32> to vector<1000x1xf32>
    %div3A_23 = arith.constant 6.400000e+01 : f32
    %div3A_24 = vector.broadcast %div3A_23 : f32 to vector<1000x1xf32>
    %div3A_25 = arith.divf %broadcast_in_dim3A_22, %div3A_24 : vector<1000x1xf32>
    %sub3A_26 = vector.broadcast %div3A_18 : vector<1000x1xf32> to vector<1000x64xf32>
    %sub3A_27 = arith.subf %add3A_9, %sub3A_26 : vector<1000x64xf32>
    %add3A_28 = arith.constant 9.99999974E-6 : f32
    %add3A_29 = vector.broadcast %add3A_28 : f32 to vector<1000x1xf32>
    %add3A_30 = arith.addf %div3A_25, %add3A_29 : vector<1000x1xf32>
    %rsqrt3A = math.rsqrt %add3A_30 : vector<1000x1xf32>
    %mul3A = vector.broadcast %rsqrt3A : vector<1000x1xf32> to vector<1000x64xf32>
    %mul3A_31 = arith.mulf %sub3A_27, %mul3A : vector<1000x64xf32>
    %mul3A_32 = vector.broadcast %get3A_12 : vector<1x64xf32> to vector<1000x64xf32>
    %mul3A_33 = arith.mulf %mul3A_31, %mul3A_32 : vector<1000x64xf32>
    %add3A_34 = vector.broadcast %get3A_15 : vector<1x64xf32> to vector<1000x64xf32>
    %add3A_35 = arith.addf %mul3A_33, %add3A_34 : vector<1000x64xf32>
    %max3A = arith.constant 0.000000e+00 : f32
    %max3A_36 = vector.broadcast %max3A : f32 to vector<1000x64xf32>
    %max3A_37 = arith.maximumf %add3A_35, %max3A_36 : vector<1000x64xf32>
    %get3A_38 = arith.constant 0 : index
    %get3A_39 = arith.constant 0 : index
    %get3A_40 = vector.load %arg6[%get3A_38, %get3A_39] : memref<64x128xf32, #tpu.memory_space<vmem>>, vector<64x128xf32>
    %dot_general3A_41 = arith.constant dense<0.000000e+00> : vector<1000x128xf32>
    %dot_general3A_42 = tpu.matmul %max3A_37, %get3A_40, %dot_general3A_41 {dimension_numbers = #tpu.dot_dimension_numbers<[1], [0], [0], [1], [0, 0, 1, 1], [], []>, transpose_lhs_hint = false} : vector<1000x64xf32>, vector<64x128xf32>, vector<1000x128xf32> -> vector<1000x128xf32>
    %get3A_43 = arith.constant 0 : index
    %get3A_44 = arith.constant 0 : index
    %get3A_45 = vector.load %arg7[%get3A_43, %get3A_44] : memref<1x128xf32, #tpu.memory_space<vmem>>, vector<1x128xf32>
    %add3A_46 = vector.broadcast %get3A_45 : vector<1x128xf32> to vector<1000x128xf32>
    %add3A_47 = arith.addf %dot_general3A_42, %add3A_46 : vector<1000x128xf32>
    %get3A_48 = arith.constant 0 : index
    %get3A_49 = arith.constant 0 : index
    %get3A_50 = vector.load %arg8[%get3A_48, %get3A_49] : memref<1x128xf32, #tpu.memory_space<vmem>>, vector<1x128xf32>
    %get3A_51 = arith.constant 0 : index
    %get3A_52 = arith.constant 0 : index
    %get3A_53 = vector.load %arg9[%get3A_51, %get3A_52] : memref<1x128xf32, #tpu.memory_space<vmem>>, vector<1x128xf32>
    %reduce_sum3A_54 = arith.constant dense<0.000000e+00> : vector<1000xf32>
    %reduce_sum3A_55 = vector.multi_reduction <add>, %add3A_47, %reduce_sum3A_54 [1] : vector<1000x128xf32> to vector<1000xf32>
    %broadcast_in_dim3A_56 = vector.shape_cast %reduce_sum3A_55 : vector<1000xf32> to vector<1000x1xf32>
    %div3A_57 = arith.constant 1.280000e+02 : f32
    %div3A_58 = vector.broadcast %div3A_57 : f32 to vector<1000x1xf32>
    %div3A_59 = arith.divf %broadcast_in_dim3A_56, %div3A_58 : vector<1000x1xf32>
    %sub3A_60 = vector.broadcast %div3A_59 : vector<1000x1xf32> to vector<1000x128xf32>
    %sub3A_61 = arith.subf %add3A_47, %sub3A_60 : vector<1000x128xf32>
    %integer_pow3A_62 = arith.mulf %sub3A_61, %sub3A_61 : vector<1000x128xf32>
    %reduce_sum3A_63 = arith.constant dense<0.000000e+00> : vector<1000xf32>
    %reduce_sum3A_64 = vector.multi_reduction <add>, %integer_pow3A_62, %reduce_sum3A_63 [1] : vector<1000x128xf32> to vector<1000xf32>
    %broadcast_in_dim3A_65 = vector.shape_cast %reduce_sum3A_64 : vector<1000xf32> to vector<1000x1xf32>
    %div3A_66 = arith.constant 1.280000e+02 : f32
    %div3A_67 = vector.broadcast %div3A_66 : f32 to vector<1000x1xf32>
    %div3A_68 = arith.divf %broadcast_in_dim3A_65, %div3A_67 : vector<1000x1xf32>
    %sub3A_69 = vector.broadcast %div3A_59 : vector<1000x1xf32> to vector<1000x128xf32>
    %sub3A_70 = arith.subf %add3A_47, %sub3A_69 : vector<1000x128xf32>
    %add3A_71 = arith.constant 9.99999974E-6 : f32
    %add3A_72 = vector.broadcast %add3A_71 : f32 to vector<1000x1xf32>
    %add3A_73 = arith.addf %div3A_68, %add3A_72 : vector<1000x1xf32>
    %rsqrt3A_74 = math.rsqrt %add3A_73 : vector<1000x1xf32>
    %mul3A_75 = vector.broadcast %rsqrt3A_74 : vector<1000x1xf32> to vector<1000x128xf32>
    %mul3A_76 = arith.mulf %sub3A_70, %mul3A_75 : vector<1000x128xf32>
    %mul3A_77 = vector.broadcast %get3A_50 : vector<1x128xf32> to vector<1000x128xf32>
    %mul3A_78 = arith.mulf %mul3A_76, %mul3A_77 : vector<1000x128xf32>
    %add3A_79 = vector.broadcast %get3A_53 : vector<1x128xf32> to vector<1000x128xf32>
    %add3A_80 = arith.addf %mul3A_78, %add3A_79 : vector<1000x128xf32>
    %slice3A = vector.extract_strided_slice %add3A_80 {offsets = [0, 0], sizes = [1000, 16], strides = [1, 1]} : vector<1000x128xf32> to vector<1000x16xf32>
    %swap3A = arith.constant 0 : index
    %swap3A_81 = arith.constant 0 : index
    %swap3A_82 = vector.load %arg10[%swap3A, %swap3A_81] : memref<1000x16xf32, #tpu.memory_space<vmem>>, vector<1000x16xf32>
    tpu.vector_store %arg10[%swap3A, %swap3A_81], %slice3A {strides = array<i32>} : memref<1000x16xf32, #tpu.memory_space<vmem>>, vector<1000x16xf32>,
    return
  }
  func.func @transform_0(%arg0: i32) -> (i32, i32) {
    %c0_i32 = arith.constant 0 : i32
    %c0_i32_0 = arith.constant 0 : i32
    return %arg0, %c0_i32 : i32, i32
  }
  func.func @transform_1(%arg0: i32) -> (i32, i32) {
    %c0_i32 = arith.constant 0 : i32
    %c0_i32_0 = arith.constant 0 : i32
    %c0_i32_1 = arith.constant 0 : i32
    return %c0_i32, %c0_i32_0 : i32, i32
  }
  func.func @transform_2(%arg0: i32) -> (i32, i32) {
    %c0_i32 = arith.constant 0 : i32
    %c0_i32_0 = arith.constant 0 : i32
    %c0_i32_1 = arith.constant 0 : i32
    return %c0_i32, %c0_i32_0 : i32, i32
  }
  func.func @transform_3(%arg0: i32) -> (i32, i32) {
    %c0_i32 = arith.constant 0 : i32
    %c0_i32_0 = arith.constant 0 : i32
    %c0_i32_1 = arith.constant 0 : i32
    return %c0_i32, %c0_i32_0 : i32, i32
  }
  func.func @transform_4(%arg0: i32) -> (i32, i32) {
    %c0_i32 = arith.constant 0 : i32
    %c0_i32_0 = arith.constant 0 : i32
    %c0_i32_1 = arith.constant 0 : i32
    return %c0_i32, %c0_i32_0 : i32, i32
  }
  func.func @transform_5(%arg0: i32) -> (i32, i32) {
    %c0_i32 = arith.constant 0 : i32
    %c0_i32_0 = arith.constant 0 : i32
    %c0_i32_1 = arith.constant 0 : i32
    return %c0_i32, %c0_i32_0 : i32, i32
  }
  func.func @transform_6(%arg0: i32) -> (i32, i32) {
    %c0_i32 = arith.constant 0 : i32
    %c0_i32_0 = arith.constant 0 : i32
    %c0_i32_1 = arith.constant 0 : i32
    return %c0_i32, %c0_i32_0 : i32, i32
  }
  func.func @transform_7(%arg0: i32) -> (i32, i32) {
    %c0_i32 = arith.constant 0 : i32
    %c0_i32_0 = arith.constant 0 : i32
    %c0_i32_1 = arith.constant 0 : i32
    return %c0_i32, %c0_i32_0 : i32, i32
  }
  func.func @transform_8(%arg0: i32) -> (i32, i32) {
    %c0_i32 = arith.constant 0 : i32
    %c0_i32_0 = arith.constant 0 : i32
    %c0_i32_1 = arith.constant 0 : i32
    return %c0_i32, %c0_i32_0 : i32, i32
  }
  func.func @transform_9(%arg0: i32) -> (i32, i32) {
    %c0_i32 = arith.constant 0 : i32
    %c0_i32_0 = arith.constant 0 : i32
    return %arg0, %c0_i32 : i32, i32
  }
}

module attributes {stable_mosaic.version = 14 : i64} {
  func.func @body(%arg0: i32, %arg1: memref<1000x128xf32, #tpu.memory_space<vmem>>, %arg2: memref<2x1000x16xf32, #tpu.memory_space<vmem>>, %arg3: memref<1x128xf32, #tpu.memory_space<vmem>>, %arg4: memref<1x128xf32, #tpu.memory_space<vmem>>, %arg5: memref<1000x128xf32, #tpu.memory_space<vmem>>) attributes {dimension_semantics = [#tpu.dimension_semantics<arbitrary>], iteration_bounds = array<i64: 10>, scalar_prefetch = 0 : i64, scratch_operands = 0 : i64, tpu.core_type = #tpu.core_type<tc>, window_params = [{transform_indices = @transform_0, window_bounds = array<i64: 1000, 128>}, {transform_indices = @transform_1, window_bounds = array<i64: 2, 1000, 16>}, {pipeline_mode = #tpu.pipeline_mode<synchronous>, transform_indices = @transform_2, window_bounds = array<i64: 1, 128>}, {pipeline_mode = #tpu.pipeline_mode<synchronous>, transform_indices = @transform_3, window_bounds = array<i64: 1, 128>}, {transform_indices = @transform_4, window_bounds = array<i64: 1000, 128>}]} {
    %get3A = arith.constant 0 : index
    %get3A_0 = arith.constant 0 : index
    %get3A_1 = arith.constant 0 : index
    %get3A_2 = vector.load %arg2[%get3A, %get3A_0, %get3A_1] : memref<2x1000x16xf32, #tpu.memory_space<vmem>>, vector<1x1000x16xf32>
    %get3A_3 = vector.shape_cast %get3A_2 : vector<1x1000x16xf32> to vector<1000x16xf32>
    %get3A_4 = arith.constant 1 : index
    %get3A_5 = arith.constant 0 : index
    %get3A_6 = arith.constant 0 : index
    %get3A_7 = vector.load %arg2[%get3A_4, %get3A_5, %get3A_6] : memref<2x1000x16xf32, #tpu.memory_space<vmem>>, vector<1x1000x16xf32>
    %get3A_8 = vector.shape_cast %get3A_7 : vector<1x1000x16xf32> to vector<1000x16xf32>
    %add3A = arith.addf %get3A_3, %get3A_8 : vector<1000x16xf32>
    %get3A_9 = arith.constant 0 : index
    %get3A_10 = arith.constant 0 : index
    %get3A_11 = vector.load %arg1[%get3A_9, %get3A_10] : memref<1000x128xf32, #tpu.memory_space<vmem>>, vector<1000x128xf32>
    %broadcast_in_dim3A = arith.constant 0.000000e+00 : f32
    %broadcast_in_dim3A_12 = vector.broadcast %broadcast_in_dim3A : f32 to vector<1000x112xf32>
    %concatenate3A = tpu.concatenate %add3A, %broadcast_in_dim3A_12 in 1 : vector<1000x16xf32>, vector<1000x112xf32> -> vector<1000x128xf32>
    %add3A_13 = arith.addf %get3A_11, %concatenate3A : vector<1000x128xf32>
    %get3A_14 = arith.constant 0 : index
    %get3A_15 = arith.constant 0 : index
    %get3A_16 = vector.load %arg3[%get3A_14, %get3A_15] : memref<1x128xf32, #tpu.memory_space<vmem>>, vector<1x128xf32>
    %get3A_17 = arith.constant 0 : index
    %get3A_18 = arith.constant 0 : index
    %get3A_19 = vector.load %arg4[%get3A_17, %get3A_18] : memref<1x128xf32, #tpu.memory_space<vmem>>, vector<1x128xf32>
    %reduce_sum3A = arith.constant dense<0.000000e+00> : vector<1000xf32>
    %reduce_sum3A_20 = vector.multi_reduction <add>, %add3A_13, %reduce_sum3A [1] : vector<1000x128xf32> to vector<1000xf32>
    %broadcast_in_dim3A_21 = vector.shape_cast %reduce_sum3A_20 : vector<1000xf32> to vector<1000x1xf32>
    %div3A = arith.constant 1.280000e+02 : f32
    %div3A_22 = vector.broadcast %div3A : f32 to vector<1000x1xf32>
    %div3A_23 = arith.divf %broadcast_in_dim3A_21, %div3A_22 : vector<1000x1xf32>
    %sub3A = vector.broadcast %div3A_23 : vector<1000x1xf32> to vector<1000x128xf32>
    %sub3A_24 = arith.subf %add3A_13, %sub3A : vector<1000x128xf32>
    %integer_pow3A = arith.mulf %sub3A_24, %sub3A_24 : vector<1000x128xf32>
    %reduce_sum3A_25 = arith.constant dense<0.000000e+00> : vector<1000xf32>
    %reduce_sum3A_26 = vector.multi_reduction <add>, %integer_pow3A, %reduce_sum3A_25 [1] : vector<1000x128xf32> to vector<1000xf32>
    %broadcast_in_dim3A_27 = vector.shape_cast %reduce_sum3A_26 : vector<1000xf32> to vector<1000x1xf32>
    %div3A_28 = arith.constant 1.280000e+02 : f32
    %div3A_29 = vector.broadcast %div3A_28 : f32 to vector<1000x1xf32>
    %div3A_30 = arith.divf %broadcast_in_dim3A_27, %div3A_29 : vector<1000x1xf32>
    %sub3A_31 = vector.broadcast %div3A_23 : vector<1000x1xf32> to vector<1000x128xf32>
    %sub3A_32 = arith.subf %add3A_13, %sub3A_31 : vector<1000x128xf32>
    %add3A_33 = arith.constant 9.99999974E-6 : f32
    %add3A_34 = vector.broadcast %add3A_33 : f32 to vector<1000x1xf32>
    %add3A_35 = arith.addf %div3A_30, %add3A_34 : vector<1000x1xf32>
    %rsqrt3A = math.rsqrt %add3A_35 : vector<1000x1xf32>
    %mul3A = vector.broadcast %rsqrt3A : vector<1000x1xf32> to vector<1000x128xf32>
    %mul3A_36 = arith.mulf %sub3A_32, %mul3A : vector<1000x128xf32>
    %mul3A_37 = vector.broadcast %get3A_16 : vector<1x128xf32> to vector<1000x128xf32>
    %mul3A_38 = arith.mulf %mul3A_36, %mul3A_37 : vector<1000x128xf32>
    %add3A_39 = vector.broadcast %get3A_19 : vector<1x128xf32> to vector<1000x128xf32>
    %add3A_40 = arith.addf %mul3A_38, %add3A_39 : vector<1000x128xf32>
    %swap3A = arith.constant 0 : index
    %swap3A_41 = arith.constant 0 : index
    %swap3A_42 = vector.load %arg5[%swap3A, %swap3A_41] : memref<1000x128xf32, #tpu.memory_space<vmem>>, vector<1000x128xf32>
    tpu.vector_store %arg5[%swap3A, %swap3A_41], %add3A_40 {strides = array<i32>} : memref<1000x128xf32, #tpu.memory_space<vmem>>, vector<1000x128xf32>,
    return
  }
  func.func @transform_0(%arg0: i32) -> (i32, i32) {
    %c0_i32 = arith.constant 0 : i32
    %c0_i32_0 = arith.constant 0 : i32
    return %arg0, %c0_i32 : i32, i32
  }
  func.func @transform_1(%arg0: i32) -> (i32, i32, i32) {
    %c0_i32 = arith.constant 0 : i32
    %c0_i32_0 = arith.constant 0 : i32
    %c0_i32_1 = arith.constant 0 : i32
    return %c0_i32, %arg0, %c0_i32_0 : i32, i32, i32
  }
  func.func @transform_2(%arg0: i32) -> (i32, i32) {
    %c0_i32 = arith.constant 0 : i32
    %c0_i32_0 = arith.constant 0 : i32
    %c0_i32_1 = arith.constant 0 : i32
    return %c0_i32, %c0_i32_0 : i32, i32
  }
  func.func @transform_3(%arg0: i32) -> (i32, i32) {
    %c0_i32 = arith.constant 0 : i32
    %c0_i32_0 = arith.constant 0 : i32
    %c0_i32_1 = arith.constant 0 : i32
    return %c0_i32, %c0_i32_0 : i32, i32
  }
  func.func @transform_4(%arg0: i32) -> (i32, i32) {
    %c0_i32 = arith.constant 0 : i32
    %c0_i32_0 = arith.constant 0 : i32
    return %arg0, %c0_i32 : i32, i32
  }
}

</mosaic_0001>

<sc_bundles>
// kernel: kernel.5.cloned.1.call-start
scs
__scs_entry_jumppad:
0x0: {  	(pc) =	sbr.rel $0x88, $3  }
0x1: {  	(tag) =	ssettag $0x0;
	lr =	simm.s32 $0x1  }
0x2: {  	[smem:$0x3F94] =	sst lr;
	_ =	strace $0xD0000000  }
0x3: {  	_ = 	snop  }
0x4: {  	_ = 	snop  }
0x5: {  	_ = 	snop  }
0x6: {  	_ = 	snop  }
0x7: {  	_ = 	snop  }
__scs_overlays_trampoline_lowered:
0x8: {  	[smem:$0x3FA3] =	sst s0  }
0x9: {  	[smem:$0x3FA4] =	sst s1  }
0xa: {  	[smem:$0x3FA5] =	sst s2  }
0xb: {  	[smem:$0x3FA6] =	sst s3  }
0xc: {  	[smem:$0x3FA7] =	sst s4  }
0xd: {  	[smem:$0x3FA8] =	sst s5  }
0xe: {  	[smem:$0x3FA9] =	sst s6  }
0xf: {  	[smem:$0x3FAA] =	sst s7  }
0x10: {  	[smem:$0x3FAB] =	sst s8  }
0x11: {  	[smem:$0x3FAC] =	sst s9;
	s0 =	simm.s32 @!p0 $0x0  }
0x12: {  	s1 =	sld [smem:$0x3F92];
	s0 =	simm.s32 @p0 $0x1  }
0x13: {  	[smem:$0x3FAD] =	sst s0;
	s0 =	simm.s32 @!p1 $0x0  }
0x14: {  	s2 =	sld [smem:$0x3F91];
	s0 =	simm.s32 @p1 $0x1  }
0x15: {  	[smem:$0x3FAE] =	sst s0;
	s0 =	simm.s32 @!p2 $0x0  }
0x16: {  	s3 =	sld [smem:$0x3FDB];
	s0 =	simm.s32 @p2 $0x1  }
0x17: {  	s4 =	simm.s32 $0x1BF5;
	[smem:$0x3FB0] =	sst s0  }
0x18: {  	s0 =	sld [smem:$0x3F93];
	_ =	swait.ge [sflag:s4], $0x0  }
0x19: {  	s7 =	sld [smem:$0x3F94]  }
0x1a: {  	s8 =	sadd.s32 $0xFFFFE003, lr  }
0x1b: {  	s9 =	sadd.s32 $0xFFFFFEF7, lr;
	s5 =	simm.s32 $0xFFFFFFFF;
	p2 =	slt.u32 s8, $0xFFFFF086  }
0x1c: {  	p1 =	slt.u32 s9, $0xF7A;
	s5 =	simm.s32 @!p2 $0x0  }
0x1d: {  	s5 =	simm.s32 @p1 $0x1;
	p0 =	seq.s32 s7, s2  }
0x1e: {  	s7 =	smul.u32 @!p0 $0xF7A, s2;
	p2 =	seq.s32 @!p0 s5, $0x0  }
0x1f: {  	s9 =	smul.u32 $0xF7A, s1;
	s8 =	simm.s32 @!p0 $0x1BF5;
	p2 =	por !p2, p0  }
0x20: {  	[sflag:s8] =	ssyncset.s32 @!p0 $0xFFFFF086;
	s6 =	sadd.s32 @!p0 s3, s7;
	s7 =	simm.s32 @!p0 $0x108  }
0x21: {  	s3 =	sadd.s32 s3, s9;
	s6 =	sadd.s32 @!p0 $0x88, s6;
	s7 =	simm.s32 @p2 $0x1082  }
0x22: {  	[simem:s7], [sflag:s8] =	dma.local @!p0 [hbm:s6], $0xF7A  }
0x23: {  	s9 =	sor.u32 $0xD0000000, s2;
	s6 =	simm.s32 $0x108;
	_ =	swait.ge @!p0 [sflag:s8], $0x0  }
0x24: {  	s3 =	sadd.s32 $0x88, s3;
	s6 =	simm.s32 @!p1 $0x1082;
	[sflag:s4] =	ssyncset.s32 $0xFFFFF086  }
0x25: {  	[simem:s6], [sflag:s4] =	dma.local [hbm:s3], $0xF7A  }
0x26: {  	[smem:$0x3F94] =	sst s1;
	(tag) =	ssettag s2;
	_ =	strace s9  }
0x27: {  	s1 =	sld [smem:$0x3FA4]  }
0x28: {  	s2 =	sld [smem:$0x3FA5]  }
0x29: {  	s4 =	sld [smem:$0x3FA7]  }
0x2a: {  	p0 =	seq.s32 s5, $0x0;
	s5 =	sld [smem:$0x3FA8]  }
0x2b: {  	s6 =	sld [smem:$0x3FA9]  }
0x2c: {  	s7 =	sld [smem:$0x3FAA]  }
0x2d: {  	s3 =	simm.s32 $0x108;
	s8 =	sld [smem:$0x3FAB]  }
0x2e: {  	s3 =	simm.s32 @!p0 $0x1082;
	s9 =	sld [smem:$0x3FAC]  }
0x2f: {  	lr =	sadd.s32 s0, s3;
	s0 =	sld [smem:$0x3FA3]  }
0x30: {  	s3 =	sld [smem:$0x3FA6]  }
0x31: {  	[smem:$0x3FAF] =	sst s10  }
0x32: {  	s10 =	sld [smem:$0x3FAD];
	_ =	sdelay $0x3  }
0x33: {  	p0 =	seq.s32 s10, $0x1;
	s10 =	sld [smem:$0x3FAF];
	_ =	sdelay $0x3  }
0x34: {  	[smem:$0x3FAF] =	sst s10  }
0x35: {  	s10 =	sld [smem:$0x3FAE];
	_ =	sdelay $0x3  }
0x36: {  	p1 =	seq.s32 s10, $0x1;
	s10 =	sld [smem:$0x3FAF];
	_ =	sdelay $0x3  }
0x37: {  	[smem:$0x3FAF] =	sst s10  }
0x38: {  	s10 =	sld [smem:$0x3FB0]  }
0x39: {  	_ = 	snop;
	(pc) =	sbr.ind lr, $3  }
0x3a: {  	_ = 	snop  }
0x3b: {  	_ = 	snop  }
0x3c: {  	p2 =	seq.s32 s10, $0x1;
	s10 =	sld [smem:$0x3FAF]  }
0x3d: {  	_ =	shalt  }
0x3e: {  	_ =	shalt  }
0x3f: {  	_ =	shalt  }
0x40: {  	_ =	shalt  }
0x41: {  	_ =	shalt  }
0x42: {  	_ =	shalt  }
0x43: {  	_ =	shalt  }
0x44: {  	_ =	shalt  }
0x45: {  	_ =	shalt  }
0x46: {  	_ =	shalt  }
0x47: {  	_ =	shalt  }
0x48: {  	_ =	shalt  }
0x49: {  	_ =	shalt  }
0x4a: {  	_ =	shalt  }
0x4b: {  	_ =	shalt  }
0x4c: {  	_ =	shalt  }
0x4d: {  	_ =	shalt  }
0x4e: {  	_ =	shalt  }
0x4f: {  	_ =	shalt  }
0x50: {  	_ =	shalt  }
0x51: {  	_ =	shalt  }
0x52: {  	_ =	shalt  }
0x53: {  	_ =	shalt  }
0x54: {  	_ =	shalt  }
0x55: {  	_ =	shalt  }
0x56: {  	_ =	shalt  }
0x57: {  	_ =	shalt  }
0x58: {  	_ =	shalt  }
0x59: {  	_ =	shalt  }
0x5a: {  	_ =	shalt  }
0x5b: {  	_ =	shalt  }
0x5c: {  	_ =	shalt  }
0x5d: {  	_ =	shalt  }
0x5e: {  	_ =	shalt  }
0x5f: {  	_ =	shalt  }
0x60: {  	_ =	shalt  }
0x61: {  	_ =	shalt  }
0x62: {  	_ =	shalt  }
0x63: {  	_ =	shalt  }
0x64: {  	_ =	shalt  }
0x65: {  	_ =	shalt  }
0x66: {  	_ =	shalt  }
0x67: {  	_ =	shalt  }
0x68: {  	_ =	shalt  }
0x69: {  	_ =	shalt  }
0x6a: {  	_ =	shalt  }
0x6b: {  	_ =	shalt  }
0x6c: {  	_ =	shalt  }
0x6d: {  	_ =	shalt  }
0x6e: {  	_ =	shalt  }
0x6f: {  	_ =	shalt  }
0x70: {  	_ =	shalt  }
0x71: {  	_ =	shalt  }
0x72: {  	_ =	shalt  }
0x73: {  	_ =	shalt  }
0x74: {  	_ =	shalt  }
0x75: {  	_ =	shalt  }
0x76: {  	_ =	shalt  }
0x77: {  	_ =	shalt  }
0x78: {  	_ =	shalt  }
0x79: {  	_ =	shalt  }
0x7a: {  	_ =	shalt  }
0x7b: {  	_ =	shalt  }
0x7c: {  	_ =	shalt  }
0x7d: {  	_ =	shalt  }
0x7e: {  	_ =	shalt  }
0x7f: {  	_ =	shalt  }
0x80: {  	_ =	shalt  }
0x81: {  	_ =	shalt  }
0x82: {  	_ =	shalt  }
0x83: {  	_ =	shalt  }
0x84: {  	_ =	shalt  }
0x85: {  	_ =	shalt  }
0x86: {  	_ =	shalt  }
0x87: {  	_ =	shalt  }
.Lfunc_end0:
.L_simem_size_0:
called_computation_lowered:
.L_overlay_start_0:
0x88: {  	s2 =	sld [smem:$0x3FD9]  }
0x89: {  	s3 =	sld [smem:$0x3FFE];
	_ =	sdelay $0x1  }
0x8a: {  	s1 =	srdreg.scid  }
0x8b: {  	s0 =	sand.u32 $0x1, s1  }
0x8c: {  	s17 =	sshll.u32 s0, $0xA;
	s2 =	sadd.s32 s3, s2  }
0x8d: {  	s2 =	sadd.s32 s2, s17  }
0x8e: {  	[smem:$0x3FBB] =	sst s2  }
0x8f: {  	_ = 	snop  }
0x90: {  	s2 =	sld [smem:$0x3FD0];
	(tm) =	ssettm $0x1  }
0x91: {  	s18 =	sld [smem:$0x3FFB];
	_ =	sdelay $0x3  }
0x92: {  	_ =	strace s18  }
0x93: {  	s3 =	sld [smem:$0x3FFC];
	_ =	sdelay $0x3  }
0x94: {  	_ =	strace s3  }
0x95: {  	s3 =	sld [smem:$0x3FFD];
	_ =	sdelay $0x3  }
0x96: {  	_ =	strace s3  }
0x97: {  	_ =	strace $0x8FFFFFFF  }
0x98: {  	s19 =	sld [smem:$0x3FDB];
	_ =	sdelay $0x1  }
0x99: {  	s4 =	simm.s32 $_scs_section_size  }
0x9a: {  	s5 =	simm.s32 $_size__tile_overlayer_lowered;
	s6 =	simm.s32 $_tile_overlayer_lowered  }
0x9b: {  	s22 =	simm.s32 $0x1BFF;
	s21 =	sshll.u32 s6, $0x1;
	s3 =	sadd.s32 s4, s19  }
0x9c: {  	s7 =	simm.s32 $0x0;
	s20 =	sshll.u32 s5, $0x1;
	s5 =	sadd.s32 s21, s3  }
0x9d: {  	[timem:s7], [sflag:s22] =	dma.local [hbm:s5], s20  }
0x9e: {  	_ =	swait.ge [sflag:s22], s20  }
0x9f: {  	s4 =	ssub.s32 $0x0, s20;
	[sflag:s22] =	ssyncset.done $0x0  }
0xa0: {  	[sflag:s22] =	ssyncadd.s32 s4;
	_ =	sdelay $0x1  }
0xa1: {  	s23 =	simm.s32 $0x1B8B  }
0xa2: {  	_ =	swait.ge [sflag:s23], $0x1  }
0xa3: {  	[sflag:s23] =	ssyncset.done $0x0  }
0xa4: {  	s25 =	simm.s32 $0x1B8E;
	s24 =	sld [smem:$0x3FFE];
	[sflag:s23] =	ssyncadd.s32 $0xFFFFFFFF  }
0xa5: {  	s26 =	simm.s32 $execute0_lowered;
	[smem:$0x3FD2] =	sst s25  }
0xa6: {  	s5 =	sshll.u32 s26, $0x1;
	_ =	strace $0x80000046;
	[dreg:$0x1] =	wrdreg $0xFFFFFFFF  }
0xa7: {  	s28 =	simm.s32 $_size_execute0_lowered;
	s3 =	sadd.s32 s3, s5;
	[dreg:$0x0] =	wrdreg $0x0  }
0xa8: {  	s5 =	sshll.u32 s28, $0x1;
	[dreg:$0x2] =	wrdreg s3  }
0xa9: {  	[dreg:$0x3] =	wrdreg s5  }
0xaa: {  	[dreg:$0x4] =	wrdreg $0xC0  }
0xab: {  	_ =	task [dreg:s7], $0x5FFFF  }
0xac: {  	[dreg:$0x1] =	wrdreg $0xFFFFFFFF  }
0xad: {  	[dreg:$0x0] =	wrdreg $0x60  }
0xae: {  	[dreg:$0x2] =	wrdreg s24  }
0xaf: {  	[dreg:$0x3] =	wrdreg s2  }
0xb0: {  	[dreg:$0x4] =	wrdreg $0x6B800  }
0xb1: {  	[dreg:$0x5] =	wrdreg $0x9  }
0xb2: {  	_ =	task.clear_ibuf [dreg:s7], $0x6FFFF;
	_ =	strace $0x90000046  }
0xb3: {  	s29 =	simm.s32 $0x9;
	_ =	strace $0x80000048  }
0xb4: {  	_ =	swait.ge [sflag:s29], $0x1  }
0xb5: {  	[sflag:s29] =	ssyncadd.s32 $0xFFFFFFFF  }
0xb6: {  	_ =	strace $0x90000048  }
0xb7: {  	_ =	sfence  }
0xb8: {  	s30 =	sld [smem:$0x0];
	_ =	sdelay $0x2  }
0xb9: {  	s31 =	sshll.u32 s1, $0xD;
	s1 =	sshrl.u32 s1, $0x2  }
0xba: {  	s3 =	sand.u32 $0x4000, s31;
	s1 =	sadd.s32 s1, s30  }
0xbb: {  	s0 =	sor.u32 s3, s0;
	s1 =	sshll.u32 s1, $0x11  }
0xbc: {  	s0 =	sor.u32 s1, s0  }
0xbd: {  	s0 =	sadd.s32 $0x8F2B, s0  }
0xbe: {  	[sflag:s0] =	ssyncadd.remote.s32 $0x1  }
0xbf: {  	_ =	sfence.sel $0xFFFF  }
0xc0: {  	[dreg:$0x0] =	wrdreg $0xFFFFFFFF;
	(pc) =	sbr.abs _section_cstart, $3  }
0xc1: {  	[dreg:$0x1] =	wrdreg $0xFFFFFFFF  }
0xc2: {  	_ =	task.clear_ibuf [dreg:s7], $0x2FFFF;
	_ =	strace $0x9FFFFFFF  }
0xc3: {  	(tm) =	ssettm $0x7FFFFFFF  }
tec
execute0_lowered:
.L_overlay_start_1:
0x0: {  	(tag) =	ssettag $0x1  }
0x1: {  	s0 =	rddreg [dreg:$0x0]  }
0x2: {  	s1 =	rddreg [dreg:$0x1]  }
0x3: {  	s2 =	rddreg [dreg:$0x2];
	s3 =	simm.s32 $0x0  }
0x4: {  	s4 =	srdreg.scid;
	s7 =	stileid.u32;
	s28 =	simm.s32 $0x300  }
0x5: {  	s30 =	simm.s32 $0x2;
	s31 =	simm.s32 $0x2C00;
	[smem:$0x7FF] =	sst s3  }
0x6: {  	s5 =	sadd.s32 $0x2200, s0;
	s4 =	sand.u32 $0x1, s4;
	s11 =	smul.u32 $0x2780, s7  }
0x7: {  	_ =	strace $0x80000047;
	s8 =	smul.u32 $0x4F00, s4;
	s6 =	sshll.u32 s4, $0x4  }
0x8: {  	s4 =	ssub.s32 $0x2, s4;
	s9 =	sor.u32 s7, s6;
	s6 =	sadd.s32 $0x4E4200, s0  }
0x9: {  	s10 =	sshrl.u32 s4, $0x1;
	s17 =	sadd.s32 s11, s2;
	s7 =	smul.u32 $0x50, s9  }
0xa: {  	s0 =	sadd.s32 s8, s0;
	s4 =	ssub.s32 s4, s10;
	s25 =	smul.u32 $0x500, s9  }
0xb: {  	s12 =	smul.u32 $0x5000, s9;
	s10 =	sadd.s32 $0x9C40, s1;
	p0 =	seq.s32 s9, $0x1F  }
0xc: {  	[dreg:$0x4] =	wrdreg s17;
	s0 =	sadd.s32 $0x7200, s0;
	s26 =	sadd.s32 s1, s25  }
0xd: {  	s13 =	sor.u32 $0x1, s7;
	s8 =	sadd.s32 s25, s10;
	[dreg:$0x5] =	wrdreg s26  }
0xe: {  	s29 =	sadd.s32 s6, s12;
	s16 =	sor.u32 $0x2, s7;
	[dreg:$0x6] =	wrdreg s8  }
0xf: {  	s19 =	sor.u32 $0x3, s7;
	s14 =	sshll.u32 s13, $0x4;
	[dreg:$0x7] =	wrdreg s29  }
0x10: {  	s15 =	sshll.u32 s13, $0x8;
	s18 =	sshll.u32 s16, $0x4;
	s26 =	sor.u32 $0x4, s7  }
0x11: {  	s21 =	sshll.u32 s19, $0x4;
	s13 =	sor.u32 $0x5, s7;
	[dreg:$0x10] =	wrdreg s26  }
0x12: {  	s25 =	sshll.u32 s19, $0x8;
	s12 =	sadd.s32 s1, s14;
	[dreg:$0x15] =	wrdreg s13  }
0x13: {  	s29 =	sshrl.u32 s11, $0x3;
	s14 =	sadd.s32 s14, s10;
	[dreg:$0x8] =	wrdreg s12  }
0x14: {  	s8 =	sadd.s32 s6, s15;
	s20 =	sadd.s32 s1, s18;
	[dreg:$0x9] =	wrdreg s14  }
0x15: {  	s23 =	sadd.s32 s1, s21;
	s24 =	sadd.s32 s21, s10;
	[dreg:$0xa] =	wrdreg s8  }
0x16: {  	s0 =	sadd.s32 s29, s0;
	s9 =	sshll.u32 s26, $0x4;
	[dreg:$0xb] =	wrdreg s20  }
0x17: {  	s15 =	sshll.u32 s13, $0x4;
	s29 =	smax.u32 s4, $0x1;
	[dreg:$0xe] =	wrdreg s23  }
0x18: {  	s4 =	simm.s32 $0x180;
	s12 =	sshll.u32 s16, $0x8;
	[dreg:$0xf] =	wrdreg s24  }
0x19: {  	s8 =	sadd.s32 s18, s10;
	[dreg:$0x12] =	wrdreg s0;
	s11 =	sadd.s32 s1, s9  }
0x1a: {  	s0 =	sadd.s32 s9, s10;
	s14 =	sshll.u32 s26, $0x8;
	[smem:$0x7FD] =	sst s29  }
0x1b: {  	s16 =	smin.u32 s7, $0x975;
	s19 =	sadd.s32 s1, s15;
	[dreg:$0xc] =	wrdreg s8  }
0x1c: {  	s20 =	sshll.u32 s13, $0x8;
	s23 =	smin.u32 s7, $0x974;
	[dreg:$0x13] =	wrdreg s11  }
0x1d: {  	s13 =	simm.s32 $0x4;
	s22 =	sadd.s32 s6, s12;
	[dreg:$0x14] =	wrdreg s0  }
0x1e: {  	s8 =	sadd.s32 s6, s25;
	s0 =	sadd.s32 s6, s14;
	[dreg:$0x17] =	wrdreg s19  }
0x1f: {  	s18 =	sadd.s32 $0x4E, s16;
	s11 =	simm.f32 $0.0e+00;
	[dreg:$0xd] =	wrdreg s22  }
0x20: {  	s19 =	simm.s32 $0x80;
	s12 =	simm.s32 $0x3400;
	[dreg:$0x11] =	wrdreg s8  }
0x21: {  	s14 =	simm.s32 $0x5;
	s16 =	simm.s32 $0x0;
	[dreg:$0x16] =	wrdreg s0  }
0x22: {  	s8 =	sadd.s32 s15, s10;
	s21 =	sshll.u32 s18, $0x4;
	s0 =	sshll.u32 s18, $0x8  }
0x23: {  	s11 =	simm.s32 @!p0 $0x3F800000;
	s18 =	simm.s32 $0x4400;
	s15 =	simm.s32 $0x3C00  }
0x24: {  	[dreg:$0x18] =	wrdreg s8;
	s8 =	sadd.s32 s6, s20;
	s22 =	sadd.s32 s1, s21  }
0x25: {  	s9 =	sadd.s32 s21, s10;
	s0 =	sadd.s32 s6, s0;
	[dreg:$0x19] =	wrdreg s8  }
0x26: {  	s21 =	simm.s32 $0x7;
	[dreg:$0x1a] =	wrdreg s22;
	s8 =	sadd.s32 $0x4F, s23  }
0x27: {  	s20 =	simm.s32 $0x280;
	[dreg:$0x1b] =	wrdreg s9;
	s24 =	sshll.u32 s8, $0x4  }
0x28: {  	[dreg:$0x1c] =	wrdreg s0;
	s23 =	simm.s32 $0x1;
	s25 =	sadd.s32 s1, s24  }
0x29: {  	s8 =	sshll.u32 s8, $0x8;
	s0 =	sadd.s32 s24, s10;
	[dreg:$0x1d] =	wrdreg s25  }
0x2a: {  	s9 =	simm.s32 $0x380;
	s26 =	sadd.s32 s6, s8;
	[dreg:$0x1e] =	wrdreg s0  }
0x2b: {  	s24 =	simm.s32 $0x2400;
	s8 =	simm.s32 $0x6;
	[dreg:$0x1f] =	wrdreg s26  }
0x2c: {  	v1 =	vimm.f32 $0.0e+00;
	v0 =	vmov s11;
	s26 =	simm.s32 $0x200;
	s25 =	simm.s32 $0x100;
	s0 =	simm.s32 $0x3  }
.LBB2_1:
0x2d: {  	[smem:$0x7FC] =	sst s16;
	s11 =	simm.s32 $0x4440  }
0x2e: {  	[tilespmem:s11+$0xFFFFFFC0] =	vst v1  }
0x2f: {  	[tilespmem:s11+$0x30] =	vst v1  }
0x30: {  	[tilespmem:s11+$0x20] =	vst v1  }
0x31: {  	[tilespmem:s11+$0x10] =	vst v1  }
0x32: {  	[tilespmem:s11+$0x0] =	vst v1  }
0x33: {  	[tilespmem:s11+$0xFFFFFFF0] =	vst v1  }
0x34: {  	s16 =	simm.s32 $0x0;
	[tilespmem:s11+$0xFFFFFFE0] =	vst v1  }
.LBB2_2:
0x35: {  	s16 =	sadd.s32 $0x8, s16;
	[tilespmem:s11+$0xFFFFFFD0] =	vst v1;
	s11 =	sadd.s32 $0x80, s11  }
0x36: {  	[tilespmem:s11+$0xFFFFFFC0] =	vst v1;
	p0 =	slt.u32 s16, $0x270  }
0x37: {  	[tilespmem:s11+$0x30] =	vst v1  }
.Ltmp0:
0x38: {  	[tilespmem:s11+$0x20] =	vst v1;
	(pc) =	sbr.rel @p0 .LBB2_2-.Ltmp0, $4  }
0x39: {  	[tilespmem:s11+$0x10] =	vst v1  }
0x3a: {  	[tilespmem:s11+$0x0] =	vst v1  }
0x3b: {  	[tilespmem:s11+$0xFFFFFFF0] =	vst v1  }
0x3c: {  	[tilespmem:s11+$0xFFFFFFE0] =	vst v1  }
0x3d: {  	[tilespmem:s11+$0xFFFFFFD0] =	vst v1  }
0x3e: {  	[spmem:s17] =	stream.linear.scatter [tilespmem:s18], [sflag:$0x7], $0x2780, $0x38;
	[tilespmem:$0x9300] =	vst v63  }
0x3f: {  	_ =	swait.ge [sflag:s21], $0x2780  }
0x40: {  	[sflag:s21] =	ssyncset.done $0x0  }
0x41: {  	[sflag:s21] =	ssyncadd.s32 $0xFFFFD880  }
0x42: {  	[bflag:$0x0] =	sbarrier.arrive $0xFFFF  }
0x43: {  	s17 =	rddreg [dreg:$0x5]  }
0x44: {  	[tilespmem:s3], [sflag:$0x1] =	stream.linear.gather [hbm4b:s17+s3], $0x80, $0x38;
	[tilespmem:$0x9300] =	vst v63  }
0x45: {  	s18 =	rddreg [dreg:$0x6]  }
0x46: {  	[tilespmem:s26], [sflag:$0x1] =	stream.linear.gather [hbm4b:s18+s3], $0x80, $0x38;
	[tilespmem:$0x9300] =	vst v63  }
0x47: {  	s16 =	simm.s32 $0x400;
	s21 =	rddreg [dreg:$0x7]  }
0x48: {  	[tilespmem:s16], [sflag:$0x1] =	stream.linear.gather [hbm4b:s21+s3], $0x800, $0x38;
	[tilespmem:$0x9300] =	vst v63  }
0x49: {  	s22 =	rddreg [dreg:$0x8]  }
0x4a: {  	[tilespmem:s19], [sflag:$0x2] =	stream.linear.gather [hbm4b:s22+s3], $0x80, $0x38;
	[tilespmem:$0x9300] =	vst v63  }
0x4b: {  	s29 =	rddreg [dreg:$0x9]  }
0x4c: {  	[tilespmem:s20], [sflag:$0x2] =	stream.linear.gather [hbm4b:s29+s3], $0x80, $0x38;
	[tilespmem:$0x9300] =	vst v63  }
0x4d: {  	s17 =	simm.s32 $0xC00;
	s16 =	rddreg [dreg:$0xa]  }
0x4e: {  	[tilespmem:s17], [sflag:$0x2] =	stream.linear.gather [hbm4b:s16+s3], $0x800, $0x38;
	[tilespmem:$0x9300] =	vst v63  }
0x4f: {  	_ =	swait.ge [sflag:s23], $0x80  }
0x50: {  	[sflag:s23] =	ssyncset.done $0x0  }
0x51: {  	[sflag:s23] =	ssyncadd.s32 $0xFFFFFF80  }
0x52: {  	_ =	swait.ge [sflag:s23], $0x80  }
0x53: {  	[sflag:s23] =	ssyncset.done $0x0  }
0x54: {  	[sflag:s23] =	ssyncadd.s32 $0xFFFFFF80  }
0x55: {  	_ =	swait.ge [sflag:s23], $0x800  }
0x56: {  	[sflag:s23] =	ssyncset.done $0x0  }
0x57: {  	[sflag:s23] =	ssyncadd.s32 $0xFFFFF800  }
0x58: {  	[tilespmem:s24], [sflag:$0x3] =	stream.indirect.gather [hbm4b:s5+s19], $0x10, s26, s19, $0xb8;
	[tilespmem:$0x9300] =	vst v63  }
0x59: {  	s18 =	rddreg [dreg:$0xb]  }
0x5a: {  	[tilespmem:s25], [sflag:$0x1] =	stream.linear.gather [hbm4b:s18+s3], $0x80, $0x38;
	[tilespmem:$0x9300] =	vst v63  }
0x5b: {  	s21 =	rddreg [dreg:$0xc]  }
0x5c: {  	[tilespmem:s28], [sflag:$0x1] =	stream.linear.gather [hbm4b:s21+s3], $0x80, $0x38;
	[tilespmem:$0x9300] =	vst v63  }
0x5d: {  	s29 =	simm.s32 $0x1400;
	s22 =	rddreg [dreg:$0xd]  }
0x5e: {  	[tilespmem:s29], [sflag:$0x1] =	stream.linear.gather [hbm4b:s22+s3], $0x800, $0x38;
	[tilespmem:$0x9300] =	vst v63  }
0x5f: {  	_ =	swait.ge [sflag:s30], $0x80  }
0x60: {  	[sflag:s30] =	ssyncset.done $0x0  }
0x61: {  	[sflag:s30] =	ssyncadd.s32 $0xFFFFFF80  }
0x62: {  	_ =	swait.ge [sflag:s30], $0x80  }
0x63: {  	[sflag:s30] =	ssyncset.done $0x0  }
0x64: {  	[sflag:s30] =	ssyncadd.s32 $0xFFFFFF80  }
0x65: {  	_ =	swait.ge [sflag:s30], $0x800  }
0x66: {  	[sflag:s30] =	ssyncset.done $0x0  }
0x67: {  	[sflag:s30] =	ssyncadd.s32 $0xFFFFF800  }
0x68: {  	[tilespmem:s31], [sflag:$0x4] =	stream.indirect.gather [hbm4b:s5+s19], $0x10, s20, s19, $0xb8;
	[tilespmem:$0x9300] =	vst v63  }
0x69: {  	_ =	swait.ge [sflag:s0], $0x800  }
0x6a: {  	[sflag:s0] =	ssyncset.done $0x0  }
0x6b: {  	s11 =	simm.s32 $0x2440;
	[sflag:s0] =	ssyncadd.s32 $0xFFFFF800  }
0x6c: {  	s16 =	simm.s32 $0x440;
	v3 =	vld [tilespmem:s11+$0x30]  }
0x6d: {  	v4 =	vld [tilespmem:s16+$0x30]  }
0x6e: {  	v2 =	vld [tilespmem:s16+$0xFFFFFFC0]  }
0x6f: {  	v5 =	vld [tilespmem:s11+$0xFFFFFFD0]  }
0x70: {  	v6 =	vld [tilespmem:s16+$0xFFFFFFD0]  }
0x71: {  	v7 =	vld [tilespmem:s11+$0xFFFFFFE0]  }
0x72: {  	v8 =	vld [tilespmem:s16+$0xFFFFFFE0]  }
0x73: {  	v9 =	vld [tilespmem:s11+$0xFFFFFFF0]  }
0x74: {  	v10 =	vld [tilespmem:s16+$0xFFFFFFF0]  }
0x75: {  	v11 =	vld [tilespmem:s11+$0x0]  }
0x76: {  	v12 =	vld [tilespmem:s16+$0x0];
	v4 =	vmul.f32 v4, v3  }
0x77: {  	v6 =	vmul.f32 v6, v5;
	v3 =	vld [tilespmem:s11+$0x10]  }
0x78: {  	v7 =	vmul.f32 v8, v7;
	v5 =	vld [tilespmem:s16+$0x10];
	[tilespmem:s11+$0x30] =	vst v4  }
0x79: {  	v8 =	vmul.f32 v10, v9;
	[tilespmem:s11+$0xFFFFFFD0] =	vst v6;
	v4 =	vld [tilespmem:s11+$0x20]  }
0x7a: {  	[tilespmem:s11+$0xFFFFFFE0] =	vst v7;
	v7 =	vld [tilespmem:s16+$0x20]  }
0x7b: {  	s17 =	simm.s32 $0x0;
	s18 =	simm.s32 $0x24C0;
	v6 =	vld [tilespmem:s11+$0xFFFFFFC0];
	[tilespmem:s11+$0xFFFFFFF0] =	vst v8;
	v8 =	vmul.f32 v12, v11  }
.LBB2_4:
0x7c: {  	v9 =	vld [tilespmem:s18+$0x30];
	s16 =	sadd.s32 $0x80, s16  }
0x7d: {  	s17 =	sadd.s32 $0x8, s17;
	v10 =	vld [tilespmem:s16+$0x30];
	[tilespmem:s11+$0x0] =	vst v8;
	v3 =	vmul.f32 v5, v3  }
0x7e: {  	p0 =	slt.u32 s17, $0x78;
	v5 =	vld [tilespmem:s16+$0xFFFFFFC0]  }
0x7f: {  	v8 =	vld [tilespmem:s18+$0xFFFFFFD0];
	[tilespmem:s11+$0x10] =	vst v3;
	v3 =	vmul.f32 v7, v4  }
0x80: {  	v4 =	vld [tilespmem:s16+$0xFFFFFFD0];
	v11 =	vmul.f32 v2, v6  }
0x81: {  	v6 =	vld [tilespmem:s18+$0xFFFFFFE0];
	[tilespmem:s11+$0x20] =	vst v3  }
0x82: {  	v3 =	vld [tilespmem:s16+$0xFFFFFFE0];
	v7 =	vmul.f32 v10, v9;
	[tilespmem:s11+$0xFFFFFFC0] =	vst v11;
	s11 =	smov.u32 s18  }
0x83: {  	v9 =	vld [tilespmem:s18+$0xFFFFFFF0];
	v2 =	vmov v5  }
0x84: {  	v10 =	vld [tilespmem:s16+$0xFFFFFFF0];
	[tilespmem:s18+$0x30] =	vst v7  }
0x85: {  	v4 =	vmul.f32 v4, v8;
	v8 =	vld [tilespmem:s18+$0x0]  }
0x86: {  	v11 =	vld [tilespmem:s16+$0x0]  }
.Ltmp1:
0x87: {  	[tilespmem:s18+$0xFFFFFFD0] =	vst v4;
	v4 =	vmul.f32 v3, v6;
	v3 =	vld [tilespmem:s18+$0x10];
	(pc) =	sbr.rel @p0 .LBB2_4-.Ltmp1, $4  }
0x88: {  	v5 =	vld [tilespmem:s16+$0x10]  }
0x89: {  	[tilespmem:s18+$0xFFFFFFE0] =	vst v4;
	v9 =	vmul.f32 v10, v9;
	v4 =	vld [tilespmem:s18+$0x20]  }
0x8a: {  	v7 =	vld [tilespmem:s16+$0x20]  }
0x8b: {  	s18 =	sadd.s32 $0x80, s18;
	v6 =	vld [tilespmem:s11+$0xFFFFFFC0];
	[tilespmem:s11+$0xFFFFFFF0] =	vst v9;
	v8 =	vmul.f32 v11, v8  }
0x8c: {  	_ =	sdelay $0x1  }
0x8d: {  	v3 =	vmul.f32 v5, v3  }
0x8e: {  	[tilespmem:s11+$0x0] =	vst v8;
	v4 =	vmul.f32 v7, v4  }
0x8f: {  	[tilespmem:s11+$0x10] =	vst v3;
	v2 =	vmul.f32 v2, v6  }
0x90: {  	[tilespmem:s11+$0x20] =	vst v4  }
0x91: {  	[tilespmem:s11+$0xFFFFFFC0] =	vst v2  }
0x92: {  	[spmem:s2] =	stream.indirect.scatter.add.f32 [tilespmem:s24], [sflag:$0x5], $0x10, s3, s19, $0xb8;
	[tilespmem:$0x9300] =	vst v63  }
0x93: {  	s11 =	rddreg [dreg:$0xe]  }
0x94: {  	[tilespmem:s4], [sflag:$0x2] =	stream.linear.gather [hbm4b:s11+s3], $0x80, $0x38;
	[tilespmem:$0x9300] =	vst v63  }
0x95: {  	s22 =	rddreg [dreg:$0xf]  }
0x96: {  	[tilespmem:s9], [sflag:$0x2] =	stream.linear.gather [hbm4b:s22+s3], $0x80, $0x38;
	[tilespmem:$0x9300] =	vst v63  }
0x97: {  	s16 =	simm.s32 $0x1C00;
	s29 =	rddreg [dreg:$0x11]  }
0x98: {  	[tilespmem:s16], [sflag:$0x2] =	stream.linear.gather [hbm4b:s29+s3], $0x800, $0x38;
	[tilespmem:$0x9300] =	vst v63  }
0x99: {  	_ =	swait.ge [sflag:s23], $0x80  }
0x9a: {  	[sflag:s23] =	ssyncset.done $0x0  }
0x9b: {  	[sflag:s23] =	ssyncadd.s32 $0xFFFFFF80  }
0x9c: {  	_ =	swait.ge [sflag:s23], $0x80  }
0x9d: {  	[sflag:s23] =	ssyncset.done $0x0  }
0x9e: {  	[sflag:s23] =	ssyncadd.s32 $0xFFFFFF80  }
0x9f: {  	_ =	swait.ge [sflag:s23], $0x800  }
0xa0: {  	[sflag:s23] =	ssyncset.done $0x0  }
0xa1: {  	[sflag:s23] =	ssyncadd.s32 $0xFFFFF800  }
0xa2: {  	[tilespmem:s12], [sflag:$0x3] =	stream.indirect.gather [hbm4b:s5+s19], $0x10, s28, s19, $0xb8;
	[tilespmem:$0x9300] =	vst v63  }
0xa3: {  	_ =	swait.ge [sflag:s13], $0x800  }
0xa4: {  	[sflag:s13] =	ssyncset.done $0x0  }
0xa5: {  	s11 =	simm.s32 $0x2C70;
	[sflag:s13] =	ssyncadd.s32 $0xFFFFF800  }
0xa6: {  	s16 =	simm.s32 $0xC70;
	v3 =	vld [tilespmem:s11+$0x0]  }
0xa7: {  	v4 =	vld [tilespmem:s16+$0x0]  }
0xa8: {  	v2 =	vld [tilespmem:s16+$0xFFFFFF90]  }
0xa9: {  	v5 =	vld [tilespmem:s11+$0xFFFFFFA0]  }
0xaa: {  	v6 =	vld [tilespmem:s16+$0xFFFFFFA0]  }
0xab: {  	v7 =	vld [tilespmem:s11+$0xFFFFFFB0]  }
0xac: {  	v8 =	vld [tilespmem:s16+$0xFFFFFFB0]  }
0xad: {  	v9 =	vld [tilespmem:s11+$0xFFFFFFC0]  }
0xae: {  	v10 =	vld [tilespmem:s16+$0xFFFFFFC0]  }
0xaf: {  	v11 =	vld [tilespmem:s11+$0xFFFFFFD0]  }
0xb0: {  	v12 =	vld [tilespmem:s16+$0xFFFFFFD0];
	v4 =	vmul.f32 v4, v3  }
0xb1: {  	v6 =	vmul.f32 v6, v5;
	v3 =	vld [tilespmem:s11+$0xFFFFFFE0]  }
0xb2: {  	v7 =	vmul.f32 v8, v7;
	v5 =	vld [tilespmem:s16+$0xFFFFFFE0];
	[tilespmem:s11+$0x0] =	vst v4  }
0xb3: {  	v8 =	vmul.f32 v10, v9;
	[tilespmem:s11+$0xFFFFFFA0] =	vst v6;
	v4 =	vld [tilespmem:s11+$0xFFFFFFF0]  }
0xb4: {  	[tilespmem:s11+$0xFFFFFFB0] =	vst v7;
	v7 =	vld [tilespmem:s16+$0xFFFFFFF0]  }
0xb5: {  	s17 =	simm.s32 $0x0;
	s18 =	simm.s32 $0x2CF0;
	v6 =	vld [tilespmem:s11+$0xFFFFFF90];
	[tilespmem:s11+$0xFFFFFFC0] =	vst v8;
	v8 =	vmul.f32 v12, v11  }
.LBB2_6:
0xb6: {  	v9 =	vld [tilespmem:s18+$0x0];
	s16 =	sadd.s32 $0x80, s16  }
0xb7: {  	s17 =	sadd.s32 $0x8, s17;
	v10 =	vld [tilespmem:s16+$0x0];
	[tilespmem:s11+$0xFFFFFFD0] =	vst v8;
	v3 =	vmul.f32 v5, v3  }
0xb8: {  	p0 =	slt.u32 s17, $0x78;
	v5 =	vld [tilespmem:s16+$0xFFFFFF90]  }
0xb9: {  	v8 =	vld [tilespmem:s18+$0xFFFFFFA0];
	[tilespmem:s11+$0xFFFFFFE0] =	vst v3;
	v3 =	vmul.f32 v7, v4  }
0xba: {  	v4 =	vld [tilespmem:s16+$0xFFFFFFA0];
	v11 =	vmul.f32 v2, v6  }
0xbb: {  	v6 =	vld [tilespmem:s18+$0xFFFFFFB0];
	[tilespmem:s11+$0xFFFFFFF0] =	vst v3  }
0xbc: {  	v3 =	vld [tilespmem:s16+$0xFFFFFFB0];
	v7 =	vmul.f32 v10, v9;
	[tilespmem:s11+$0xFFFFFF90] =	vst v11;
	s11 =	smov.u32 s18  }
0xbd: {  	v9 =	vld [tilespmem:s18+$0xFFFFFFC0];
	v2 =	vmov v5  }
0xbe: {  	v10 =	vld [tilespmem:s16+$0xFFFFFFC0];
	[tilespmem:s18+$0x0] =	vst v7  }
0xbf: {  	v4 =	vmul.f32 v4, v8;
	v8 =	vld [tilespmem:s18+$0xFFFFFFD0]  }
0xc0: {  	v11 =	vld [tilespmem:s16+$0xFFFFFFD0]  }
.Ltmp2:
0xc1: {  	[tilespmem:s18+$0xFFFFFFA0] =	vst v4;
	v4 =	vmul.f32 v3, v6;
	v3 =	vld [tilespmem:s18+$0xFFFFFFE0];
	(pc) =	sbr.rel @p0 .LBB2_6-.Ltmp2, $4  }
0xc2: {  	v5 =	vld [tilespmem:s16+$0xFFFFFFE0]  }
0xc3: {  	[tilespmem:s18+$0xFFFFFFB0] =	vst v4;
	v9 =	vmul.f32 v10, v9;
	v4 =	vld [tilespmem:s18+$0xFFFFFFF0]  }
0xc4: {  	v7 =	vld [tilespmem:s16+$0xFFFFFFF0]  }
0xc5: {  	s18 =	sadd.s32 $0x80, s18;
	v6 =	vld [tilespmem:s11+$0xFFFFFF90];
	[tilespmem:s11+$0xFFFFFFC0] =	vst v9;
	v8 =	vmul.f32 v11, v8  }
0xc6: {  	_ =	sdelay $0x1  }
0xc7: {  	v3 =	vmul.f32 v5, v3  }
0xc8: {  	[tilespmem:s11+$0xFFFFFFD0] =	vst v8;
	v4 =	vmul.f32 v7, v4  }
0xc9: {  	[tilespmem:s11+$0xFFFFFFE0] =	vst v3;
	v2 =	vmul.f32 v2, v6  }
0xca: {  	[tilespmem:s11+$0xFFFFFFF0] =	vst v4  }
0xcb: {  	[tilespmem:s11+$0xFFFFFF90] =	vst v2  }
0xcc: {  	[spmem:s2] =	stream.indirect.scatter.add.f32 [tilespmem:s31], [sflag:$0x6], $0x10, s19, s19, $0xb8;
	[tilespmem:$0x9300] =	vst v63  }
0xcd: {  	_ =	swait.ge [sflag:s14], $0x800  }
0xce: {  	[sflag:s14] =	ssyncset.done $0x0  }
0xcf: {  	s21 =	rddreg [dreg:$0x13];
	[sflag:s14] =	ssyncadd.s32 $0xFFFFF800  }
0xd0: {  	[tilespmem:s3], [sflag:$0x1] =	stream.linear.gather [hbm4b:s21+s3], $0x80, $0x38;
	[tilespmem:$0x9300] =	vst v63  }
0xd1: {  	s22 =	rddreg [dreg:$0x14]  }
0xd2: {  	[tilespmem:s26], [sflag:$0x1] =	stream.linear.gather [hbm4b:s22+s3], $0x80, $0x38;
	[tilespmem:$0x9300] =	vst v63  }
0xd3: {  	s16 =	simm.s32 $0x400;
	s29 =	rddreg [dreg:$0x16]  }
0xd4: {  	[tilespmem:s16], [sflag:$0x1] =	stream.linear.gather [hbm4b:s29+s3], $0x800, $0x38;
	[tilespmem:$0x9300] =	vst v63  }
0xd5: {  	_ =	swait.ge [sflag:s30], $0x80  }
0xd6: {  	[sflag:s30] =	ssyncset.done $0x0  }
0xd7: {  	[sflag:s30] =	ssyncadd.s32 $0xFFFFFF80  }
0xd8: {  	_ =	swait.ge [sflag:s30], $0x80  }
0xd9: {  	[sflag:s30] =	ssyncset.done $0x0  }
0xda: {  	[sflag:s30] =	ssyncadd.s32 $0xFFFFFF80  }
0xdb: {  	_ =	swait.ge [sflag:s30], $0x800  }
0xdc: {  	[sflag:s30] =	ssyncset.done $0x0  }
0xdd: {  	[sflag:s30] =	ssyncadd.s32 $0xFFFFF800  }
0xde: {  	[tilespmem:s15], [sflag:$0x4] =	stream.indirect.gather [hbm4b:s5+s19], $0x10, s9, s19, $0xb8;
	[tilespmem:$0x9300] =	vst v63  }
0xdf: {  	_ =	swait.ge [sflag:s0], $0x800  }
0xe0: {  	[sflag:s0] =	ssyncset.done $0x0  }
0xe1: {  	s11 =	simm.s32 $0x3470;
	[sflag:s0] =	ssyncadd.s32 $0xFFFFF800  }
0xe2: {  	s16 =	simm.s32 $0x1470;
	v3 =	vld [tilespmem:s11+$0x0]  }
0xe3: {  	v4 =	vld [tilespmem:s16+$0x0]  }
0xe4: {  	v2 =	vld [tilespmem:s16+$0xFFFFFF90]  }
0xe5: {  	v5 =	vld [tilespmem:s11+$0xFFFFFFA0]  }
0xe6: {  	v6 =	vld [tilespmem:s16+$0xFFFFFFA0]  }
0xe7: {  	v7 =	vld [tilespmem:s11+$0xFFFFFFB0]  }
0xe8: {  	v8 =	vld [tilespmem:s16+$0xFFFFFFB0]  }
0xe9: {  	v9 =	vld [tilespmem:s11+$0xFFFFFFC0]  }
0xea: {  	v10 =	vld [tilespmem:s16+$0xFFFFFFC0]  }
0xeb: {  	v11 =	vld [tilespmem:s11+$0xFFFFFFD0]  }
0xec: {  	v12 =	vld [tilespmem:s16+$0xFFFFFFD0];
	v4 =	vmul.f32 v4, v3  }
0xed: {  	v6 =	vmul.f32 v6, v5;
	v3 =	vld [tilespmem:s11+$0xFFFFFFE0]  }
0xee: {  	v7 =	vmul.f32 v8, v7;
	v5 =	vld [tilespmem:s16+$0xFFFFFFE0];
	[tilespmem:s11+$0x0] =	vst v4  }
0xef: {  	v8 =	vmul.f32 v10, v9;
	[tilespmem:s11+$0xFFFFFFA0] =	vst v6;
	v4 =	vld [tilespmem:s11+$0xFFFFFFF0]  }
0xf0: {  	[tilespmem:s11+$0xFFFFFFB0] =	vst v7;
	v7 =	vld [tilespmem:s16+$0xFFFFFFF0]  }
0xf1: {  	s17 =	simm.s32 $0x0;
	s18 =	simm.s32 $0x34F0;
	v6 =	vld [tilespmem:s11+$0xFFFFFF90];
	[tilespmem:s11+$0xFFFFFFC0] =	vst v8;
	v8 =	vmul.f32 v12, v11  }
.LBB2_8:
0xf2: {  	v9 =	vld [tilespmem:s18+$0x0];
	s16 =	sadd.s32 $0x80, s16  }
0xf3: {  	s17 =	sadd.s32 $0x8, s17;
	v10 =	vld [tilespmem:s16+$0x0];
	[tilespmem:s11+$0xFFFFFFD0] =	vst v8;
	v3 =	vmul.f32 v5, v3  }
0xf4: {  	p0 =	slt.u32 s17, $0x78;
	v5 =	vld [tilespmem:s16+$0xFFFFFF90]  }
0xf5: {  	v8 =	vld [tilespmem:s18+$0xFFFFFFA0];
	[tilespmem:s11+$0xFFFFFFE0] =	vst v3;
	v3 =	vmul.f32 v7, v4  }
0xf6: {  	v4 =	vld [tilespmem:s16+$0xFFFFFFA0];
	v11 =	vmul.f32 v2, v6  }
0xf7: {  	v6 =	vld [tilespmem:s18+$0xFFFFFFB0];
	[tilespmem:s11+$0xFFFFFFF0] =	vst v3  }
0xf8: {  	v3 =	vld [tilespmem:s16+$0xFFFFFFB0];
	v7 =	vmul.f32 v10, v9;
	[tilespmem:s11+$0xFFFFFF90] =	vst v11;
	s11 =	smov.u32 s18  }
0xf9: {  	v9 =	vld [tilespmem:s18+$0xFFFFFFC0];
	v2 =	vmov v5  }
0xfa: {  	v10 =	vld [tilespmem:s16+$0xFFFFFFC0];
	[tilespmem:s18+$0x0] =	vst v7  }
0xfb: {  	v4 =	vmul.f32 v4, v8;
	v8 =	vld [tilespmem:s18+$0xFFFFFFD0]  }
0xfc: {  	v11 =	vld [tilespmem:s16+$0xFFFFFFD0]  }
.Ltmp3:
0xfd: {  	[tilespmem:s18+$0xFFFFFFA0] =	vst v4;
	v4 =	vmul.f32 v3, v6;
	v3 =	vld [tilespmem:s18+$0xFFFFFFE0];
	(pc) =	sbr.rel @p0 .LBB2_8-.Ltmp3, $4  }
0xfe: {  	v5 =	vld [tilespmem:s16+$0xFFFFFFE0]  }
0xff: {  	[tilespmem:s18+$0xFFFFFFB0] =	vst v4;
	v9 =	vmul.f32 v10, v9;
	v4 =	vld [tilespmem:s18+$0xFFFFFFF0]  }
0x100: {  	v7 =	vld [tilespmem:s16+$0xFFFFFFF0]  }
0x101: {  	s18 =	sadd.s32 $0x80, s18;
	v6 =	vld [tilespmem:s11+$0xFFFFFF90];
	[tilespmem:s11+$0xFFFFFFC0] =	vst v9;
	v8 =	vmul.f32 v11, v8  }
0x102: {  	_ =	sdelay $0x1  }
0x103: {  	v3 =	vmul.f32 v5, v3  }
0x104: {  	[tilespmem:s11+$0xFFFFFFD0] =	vst v8;
	v4 =	vmul.f32 v7, v4  }
0x105: {  	[tilespmem:s11+$0xFFFFFFE0] =	vst v3;
	v2 =	vmul.f32 v2, v6  }
0x106: {  	[tilespmem:s11+$0xFFFFFFF0] =	vst v4  }
0x107: {  	[tilespmem:s11+$0xFFFFFF90] =	vst v2  }
0x108: {  	[spmem:s2] =	stream.indirect.scatter.add.f32 [tilespmem:s12], [sflag:$0x5], $0x10, s25, s19, $0xb8;
	[tilespmem:$0x9300] =	vst v63  }
0x109: {  	_ =	swait.ge [sflag:s8], $0x800  }
0x10a: {  	[sflag:s8] =	ssyncset.done $0x0  }
0x10b: {  	s21 =	rddreg [dreg:$0x17];
	[sflag:s8] =	ssyncadd.s32 $0xFFFFF800  }
0x10c: {  	[tilespmem:s19], [sflag:$0x2] =	stream.linear.gather [hbm4b:s21+s3], $0x80, $0x38;
	[tilespmem:$0x9300] =	vst v63  }
0x10d: {  	s22 =	rddreg [dreg:$0x18]  }
0x10e: {  	[tilespmem:s20], [sflag:$0x2] =	stream.linear.gather [hbm4b:s22+s3], $0x80, $0x38;
	[tilespmem:$0x9300] =	vst v63  }
0x10f: {  	s16 =	simm.s32 $0xC00;
	s29 =	rddreg [dreg:$0x19]  }
0x110: {  	[tilespmem:s16], [sflag:$0x2] =	stream.linear.gather [hbm4b:s29+s3], $0x800, $0x38;
	[tilespmem:$0x9300] =	vst v63  }
0x111: {  	_ =	swait.ge [sflag:s23], $0x80  }
0x112: {  	[sflag:s23] =	ssyncset.done $0x0  }
0x113: {  	[sflag:s23] =	ssyncadd.s32 $0xFFFFFF80  }
0x114: {  	_ =	swait.ge [sflag:s23], $0x80  }
0x115: {  	[sflag:s23] =	ssyncset.done $0x0  }
0x116: {  	[sflag:s23] =	ssyncadd.s32 $0xFFFFFF80  }
0x117: {  	_ =	swait.ge [sflag:s23], $0x800  }
0x118: {  	[sflag:s23] =	ssyncset.done $0x0  }
0x119: {  	[sflag:s23] =	ssyncadd.s32 $0xFFFFF800  }
0x11a: {  	[tilespmem:s24], [sflag:$0x3] =	stream.indirect.gather [hbm4b:s5+s19], $0x10, s26, s19, $0xb8;
	[tilespmem:$0x9300] =	vst v63  }
0x11b: {  	_ =	swait.ge [sflag:s13], $0x800  }
0x11c: {  	[sflag:s13] =	ssyncset.done $0x0  }
0x11d: {  	s11 =	simm.s32 $0x3C70;
	[sflag:s13] =	ssyncadd.s32 $0xFFFFF800  }
0x11e: {  	s16 =	simm.s32 $0x1C70;
	v3 =	vld [tilespmem:s11+$0x0]  }
0x11f: {  	v4 =	vld [tilespmem:s16+$0x0]  }
0x120: {  	v2 =	vld [tilespmem:s16+$0xFFFFFF90]  }
0x121: {  	v5 =	vld [tilespmem:s11+$0xFFFFFFA0]  }
0x122: {  	v6 =	vld [tilespmem:s16+$0xFFFFFFA0]  }
0x123: {  	v7 =	vld [tilespmem:s11+$0xFFFFFFB0]  }
0x124: {  	v8 =	vld [tilespmem:s16+$0xFFFFFFB0]  }
0x125: {  	v9 =	vld [tilespmem:s11+$0xFFFFFFC0]  }
0x126: {  	v10 =	vld [tilespmem:s16+$0xFFFFFFC0]  }
0x127: {  	v11 =	vld [tilespmem:s11+$0xFFFFFFD0]  }
0x128: {  	v12 =	vld [tilespmem:s16+$0xFFFFFFD0];
	v4 =	vmul.f32 v4, v3  }
0x129: {  	v6 =	vmul.f32 v6, v5;
	v3 =	vld [tilespmem:s11+$0xFFFFFFE0]  }
0x12a: {  	v7 =	vmul.f32 v8, v7;
	v5 =	vld [tilespmem:s16+$0xFFFFFFE0];
	[tilespmem:s11+$0x0] =	vst v4  }
0x12b: {  	v8 =	vmul.f32 v10, v9;
	[tilespmem:s11+$0xFFFFFFA0] =	vst v6;
	v4 =	vld [tilespmem:s11+$0xFFFFFFF0]  }
0x12c: {  	[tilespmem:s11+$0xFFFFFFB0] =	vst v7;
	v7 =	vld [tilespmem:s16+$0xFFFFFFF0]  }
0x12d: {  	s17 =	simm.s32 $0x0;
	s18 =	simm.s32 $0x3CF0;
	v6 =	vld [tilespmem:s11+$0xFFFFFF90];
	[tilespmem:s11+$0xFFFFFFC0] =	vst v8;
	v8 =	vmul.f32 v12, v11  }
.LBB2_10:
0x12e: {  	v9 =	vld [tilespmem:s18+$0x0];
	s16 =	sadd.s32 $0x80, s16  }
0x12f: {  	s17 =	sadd.s32 $0x8, s17;
	v10 =	vld [tilespmem:s16+$0x0];
	[tilespmem:s11+$0xFFFFFFD0] =	vst v8;
	v3 =	vmul.f32 v5, v3  }
0x130: {  	p0 =	slt.u32 s17, $0x78;
	v5 =	vld [tilespmem:s16+$0xFFFFFF90]  }
0x131: {  	v8 =	vld [tilespmem:s18+$0xFFFFFFA0];
	[tilespmem:s11+$0xFFFFFFE0] =	vst v3;
	v3 =	vmul.f32 v7, v4  }
0x132: {  	v4 =	vld [tilespmem:s16+$0xFFFFFFA0];
	v11 =	vmul.f32 v2, v6  }
0x133: {  	v6 =	vld [tilespmem:s18+$0xFFFFFFB0];
	[tilespmem:s11+$0xFFFFFFF0] =	vst v3  }
0x134: {  	v3 =	vld [tilespmem:s16+$0xFFFFFFB0];
	v7 =	vmul.f32 v10, v9;
	[tilespmem:s11+$0xFFFFFF90] =	vst v11;
	s11 =	smov.u32 s18  }
0x135: {  	v9 =	vld [tilespmem:s18+$0xFFFFFFC0];
	v2 =	vmov v5  }
0x136: {  	v10 =	vld [tilespmem:s16+$0xFFFFFFC0];
	[tilespmem:s18+$0x0] =	vst v7  }
0x137: {  	v4 =	vmul.f32 v4, v8;
	v8 =	vld [tilespmem:s18+$0xFFFFFFD0]  }
0x138: {  	v11 =	vld [tilespmem:s16+$0xFFFFFFD0]  }
.Ltmp4:
0x139: {  	[tilespmem:s18+$0xFFFFFFA0] =	vst v4;
	v4 =	vmul.f32 v3, v6;
	v3 =	vld [tilespmem:s18+$0xFFFFFFE0];
	(pc) =	sbr.rel @p0 .LBB2_10-.Ltmp4, $4  }
0x13a: {  	v5 =	vld [tilespmem:s16+$0xFFFFFFE0]  }
0x13b: {  	[tilespmem:s18+$0xFFFFFFB0] =	vst v4;
	v9 =	vmul.f32 v10, v9;
	v4 =	vld [tilespmem:s18+$0xFFFFFFF0]  }
0x13c: {  	v7 =	vld [tilespmem:s16+$0xFFFFFFF0]  }
0x13d: {  	s18 =	sadd.s32 $0x80, s18;
	v6 =	vld [tilespmem:s11+$0xFFFFFF90];
	[tilespmem:s11+$0xFFFFFFC0] =	vst v9;
	v8 =	vmul.f32 v11, v8  }
0x13e: {  	_ =	sdelay $0x1  }
0x13f: {  	v3 =	vmul.f32 v5, v3  }
0x140: {  	[tilespmem:s11+$0xFFFFFFD0] =	vst v8;
	v4 =	vmul.f32 v7, v4  }
0x141: {  	[tilespmem:s11+$0xFFFFFFE0] =	vst v3;
	v2 =	vmul.f32 v2, v6  }
0x142: {  	[tilespmem:s11+$0xFFFFFFF0] =	vst v4  }
0x143: {  	s16 =	simm.s32 $0x1;
	[tilespmem:s11+$0xFFFFFF90] =	vst v2  }
0x144: {  	[spmem:s2] =	stream.indirect.scatter.add.f32 [tilespmem:s15], [sflag:$0x6], $0x10, s4, s19, $0xb8;
	[tilespmem:$0x9300] =	vst v63  }
.LBB2_12:
0x145: {  	s18 =	sshll.u32 s16, $0x2  }
0x146: {  	s17 =	sadd.s32 s7, s18  }
0x147: {  	s22 =	sadd.s32 $0x2, s17  }
0x148: {  	_ =	swait.ge [sflag:s14], $0x800;
	s11 =	smin.u32 s22, $0x9C3  }
0x149: {  	[sflag:s14] =	ssyncset.done $0x0;
	s21 =	sshll.u32 s11, $0x4  }
0x14a: {  	[sflag:s14] =	ssyncadd.s32 $0xFFFFF800;
	s26 =	sadd.s32 s1, s21  }
0x14b: {  	[tilespmem:s25], [sflag:$0x1] =	stream.linear.gather [hbm4b:s26+s3], $0x80, $0x38;
	[tilespmem:$0x9300] =	vst v63  }
0x14c: {  	s11 =	sshll.u32 s11, $0x8;
	s21 =	sadd.s32 s21, s10  }
0x14d: {  	[tilespmem:s28], [sflag:$0x1] =	stream.linear.gather [hbm4b:s21+s3], $0x80, $0x38;
	[tilespmem:$0x9300] =	vst v63  }
0x14e: {  	s11 =	sadd.s32 s6, s11;
	s26 =	simm.s32 $0x1400  }
0x14f: {  	[tilespmem:s26], [sflag:$0x1] =	stream.linear.gather [hbm4b:s11+s3], $0x800, $0x38;
	[tilespmem:$0x9300] =	vst v63  }
0x150: {  	_ =	swait.ge [sflag:s30], $0x80  }
0x151: {  	[sflag:s30] =	ssyncset.done $0x0  }
0x152: {  	[sflag:s30] =	ssyncadd.s32 $0xFFFFFF80  }
0x153: {  	_ =	swait.ge [sflag:s30], $0x80  }
0x154: {  	[sflag:s30] =	ssyncset.done $0x0  }
0x155: {  	[sflag:s30] =	ssyncadd.s32 $0xFFFFFF80  }
0x156: {  	_ =	swait.ge [sflag:s30], $0x800  }
0x157: {  	[sflag:s30] =	ssyncset.done $0x0  }
0x158: {  	[sflag:s30] =	ssyncadd.s32 $0xFFFFF800  }
0x159: {  	[tilespmem:s31], [sflag:$0x4] =	stream.indirect.gather [hbm4b:s5+s19], $0x10, s20, s19, $0xb8;
	[tilespmem:$0x9300] =	vst v63  }
0x15a: {  	_ =	swait.ge [sflag:s0], $0x800  }
0x15b: {  	[sflag:s0] =	ssyncset.done $0x0  }
0x15c: {  	s29 =	simm.s32 $0x2440;
	[sflag:s0] =	ssyncadd.s32 $0xFFFFF800  }
0x15d: {  	s11 =	simm.s32 $0x440;
	v2 =	vld [tilespmem:s29+$0x30]  }
0x15e: {  	v4 =	vld [tilespmem:s11+$0x30]  }
0x15f: {  	v3 =	vld [tilespmem:s11+$0xFFFFFFC0]  }
0x160: {  	v5 =	vld [tilespmem:s29+$0xFFFFFFD0]  }
0x161: {  	v6 =	vld [tilespmem:s11+$0xFFFFFFD0]  }
0x162: {  	v7 =	vld [tilespmem:s29+$0xFFFFFFE0]  }
0x163: {  	v8 =	vld [tilespmem:s11+$0xFFFFFFE0]  }
0x164: {  	v9 =	vld [tilespmem:s29+$0xFFFFFFF0]  }
0x165: {  	p0 =	slt.u32 s17, $0x9C4;
	s17 =	simm.f32 $1.000000000e+00;
	v10 =	vld [tilespmem:s11+$0xFFFFFFF0]  }
0x166: {  	s17 =	simm.s32 @!p0 $0x0;
	v11 =	vld [tilespmem:s29+$0x0];
	v4 =	vmul.f32 v4, v2  }
0x167: {  	v12 =	vld [tilespmem:s11+$0x0];
	v2 =	vmov s17;
	v5 =	vmul.f32 v6, v5  }
0x168: {  	v7 =	vmul.f32 v8, v7;
	v6 =	vld [tilespmem:s11+$0x10];
	v13 =	vmul.f32 v4, v2  }
0x169: {  	v4 =	vld [tilespmem:s29+$0x10];
	v8 =	vmul.f32 v5, v2  }
0x16a: {  	v9 =	vmul.f32 v10, v9;
	v63 =	vmul.f32 v7, v2;
	v5 =	vld [tilespmem:s29+$0x20];
	[tilespmem:s29+$0x30] =	vst v13  }
0x16b: {  	[tilespmem:s29+$0xFFFFFFD0] =	vst v8;
	v8 =	vld [tilespmem:s11+$0x20]  }
0x16c: {  	s21 =	simm.s32 $0x0;
	s26 =	simm.s32 $0x24C0;
	v10 =	vmul.f32 v12, v11;
	v7 =	vld [tilespmem:s29+$0xFFFFFFC0];
	v9 =	vmul.f32 v9, v2;
	[tilespmem:s29+$0xFFFFFFE0] =	vst v63  }
.LBB2_13:
0x16d: {  	v11 =	vld [tilespmem:s26+$0x30];
	s11 =	sadd.s32 $0x80, s11  }
0x16e: {  	s21 =	sadd.s32 $0x8, s21;
	v12 =	vld [tilespmem:s11+$0x30];
	[tilespmem:s29+$0xFFFFFFF0] =	vst v9;
	v9 =	vmul.f32 v10, v2;
	v4 =	vmul.f32 v6, v4  }
0x16f: {  	p0 =	slt.u32 s21, $0x78;
	v6 =	vld [tilespmem:s11+$0xFFFFFFC0]  }
0x170: {  	v10 =	vld [tilespmem:s26+$0xFFFFFFD0];
	[tilespmem:s29+$0x0] =	vst v9;
	v4 =	vmul.f32 v4, v2;
	v5 =	vmul.f32 v8, v5  }
0x171: {  	v8 =	vld [tilespmem:s11+$0xFFFFFFD0];
	v13 =	vmul.f32 v3, v7  }
0x172: {  	v7 =	vld [tilespmem:s26+$0xFFFFFFE0];
	[tilespmem:s29+$0x10] =	vst v4;
	v4 =	vmul.f32 v5, v2  }
0x173: {  	v5 =	vld [tilespmem:s11+$0xFFFFFFE0];
	v9 =	vmul.f32 v12, v11;
	v11 =	vmul.f32 v13, v2  }
0x174: {  	v12 =	vld [tilespmem:s26+$0xFFFFFFF0];
	[tilespmem:s29+$0x20] =	vst v4;
	v3 =	vmov v6  }
0x175: {  	v13 =	vld [tilespmem:s11+$0xFFFFFFF0];
	v4 =	vmul.f32 v9, v2;
	[tilespmem:s29+$0xFFFFFFC0] =	vst v11;
	s29 =	smov.u32 s26  }
0x176: {  	v6 =	vmul.f32 v8, v10;
	v10 =	vld [tilespmem:s26+$0x0]  }
0x177: {  	v11 =	vld [tilespmem:s11+$0x0];
	[tilespmem:s26+$0x30] =	vst v4  }
.Ltmp5:
0x178: {  	v8 =	vmul.f32 v6, v2;
	v5 =	vmul.f32 v5, v7;
	v4 =	vld [tilespmem:s26+$0x10];
	(pc) =	sbr.rel @p0 .LBB2_13-.Ltmp5, $4  }
0x179: {  	v6 =	vld [tilespmem:s11+$0x10]  }
0x17a: {  	[tilespmem:s26+$0xFFFFFFD0] =	vst v8;
	v9 =	vmul.f32 v5, v2;
	v12 =	vmul.f32 v13, v12;
	v5 =	vld [tilespmem:s26+$0x20]  }
0x17b: {  	v8 =	vld [tilespmem:s11+$0x20]  }
0x17c: {  	s26 =	sadd.s32 $0x80, s26;
	v7 =	vld [tilespmem:s29+$0xFFFFFFC0];
	[tilespmem:s29+$0xFFFFFFE0] =	vst v9;
	v9 =	vmul.f32 v12, v2;
	v10 =	vmul.f32 v11, v10  }
0x17d: {  	_ =	sdelay $0x1  }
0x17e: {  	v4 =	vmul.f32 v6, v4  }
0x17f: {  	v6 =	vmul.f32 v10, v2;
	v5 =	vmul.f32 v8, v5  }
0x180: {  	[tilespmem:s29+$0xFFFFFFF0] =	vst v9;
	v4 =	vmul.f32 v4, v2;
	v3 =	vmul.f32 v3, v7  }
0x181: {  	[tilespmem:s29+$0x0] =	vst v6;
	v5 =	vmul.f32 v5, v2  }
0x182: {  	[tilespmem:s29+$0x10] =	vst v4;
	v3 =	vmul.f32 v3, v2  }
0x183: {  	s11 =	sadd.s32 s18, s7;
	[tilespmem:s29+$0x20] =	vst v5  }
0x184: {  	[tilespmem:s29+$0xFFFFFFC0] =	vst v3;
	s29 =	sadd.s32 $0x3, s11  }
0x185: {  	[spmem:s2] =	stream.indirect.scatter.add.f32 [tilespmem:s24], [sflag:$0x5], $0x10, s3, s19, $0xb8;
	[tilespmem:$0x9300] =	vst v63  }
0x186: {  	s11 =	smin.u32 s29, $0x9C3;
	_ =	swait.ge [sflag:s8], $0x800  }
0x187: {  	s17 =	sshll.u32 s11, $0x4;
	[sflag:s8] =	ssyncset.done $0x0  }
0x188: {  	s21 =	sadd.s32 s1, s17;
	[sflag:s8] =	ssyncadd.s32 $0xFFFFF800  }
0x189: {  	[tilespmem:s4], [sflag:$0x2] =	stream.linear.gather [hbm4b:s21+s3], $0x80, $0x38;
	[tilespmem:$0x9300] =	vst v63  }
0x18a: {  	s11 =	sshll.u32 s11, $0x8;
	s17 =	sadd.s32 s17, s10  }
0x18b: {  	[tilespmem:s9], [sflag:$0x2] =	stream.linear.gather [hbm4b:s17+s3], $0x80, $0x38;
	[tilespmem:$0x9300] =	vst v63  }
0x18c: {  	s26 =	simm.s32 $0x1C00;
	s11 =	sadd.s32 s6, s11  }
0x18d: {  	[tilespmem:s26], [sflag:$0x2] =	stream.linear.gather [hbm4b:s11+s3], $0x800, $0x38;
	[tilespmem:$0x9300] =	vst v63  }
0x18e: {  	_ =	swait.ge [sflag:s23], $0x80  }
0x18f: {  	[sflag:s23] =	ssyncset.done $0x0  }
0x190: {  	[sflag:s23] =	ssyncadd.s32 $0xFFFFFF80  }
0x191: {  	_ =	swait.ge [sflag:s23], $0x80  }
0x192: {  	[sflag:s23] =	ssyncset.done $0x0  }
0x193: {  	[sflag:s23] =	ssyncadd.s32 $0xFFFFFF80  }
0x194: {  	_ =	swait.ge [sflag:s23], $0x800  }
0x195: {  	[sflag:s23] =	ssyncset.done $0x0  }
0x196: {  	[sflag:s23] =	ssyncadd.s32 $0xFFFFF800  }
0x197: {  	[tilespmem:s12], [sflag:$0x3] =	stream.indirect.gather [hbm4b:s5+s19], $0x10, s28, s19, $0xb8;
	[tilespmem:$0x9300] =	vst v63  }
0x198: {  	_ =	swait.ge [sflag:s13], $0x800  }
0x199: {  	[sflag:s13] =	ssyncset.done $0x0  }
0x19a: {  	s11 =	simm.s32 $0x2C70;
	[sflag:s13] =	ssyncadd.s32 $0xFFFFF800  }
0x19b: {  	s21 =	simm.s32 $0xC70;
	v4 =	vld [tilespmem:s11+$0x0]  }
0x19c: {  	v5 =	vld [tilespmem:s21+$0x0]  }
0x19d: {  	v3 =	vld [tilespmem:s21+$0xFFFFFF90]  }
0x19e: {  	v6 =	vld [tilespmem:s11+$0xFFFFFFA0]  }
0x19f: {  	v7 =	vld [tilespmem:s21+$0xFFFFFFA0]  }
0x1a0: {  	v8 =	vld [tilespmem:s11+$0xFFFFFFB0]  }
0x1a1: {  	v9 =	vld [tilespmem:s21+$0xFFFFFFB0]  }
0x1a2: {  	v10 =	vld [tilespmem:s11+$0xFFFFFFC0]  }
0x1a3: {  	v11 =	vld [tilespmem:s21+$0xFFFFFFC0]  }
0x1a4: {  	v12 =	vld [tilespmem:s11+$0xFFFFFFD0];
	v4 =	vmul.f32 v5, v4  }
0x1a5: {  	v13 =	vld [tilespmem:s21+$0xFFFFFFD0];
	v5 =	vmul.f32 v7, v6  }
0x1a6: {  	v8 =	vmul.f32 v9, v8;
	v6 =	vld [tilespmem:s21+$0xFFFFFFE0];
	v7 =	vmul.f32 v4, v2  }
0x1a7: {  	v4 =	vld [tilespmem:s11+$0xFFFFFFE0];
	v9 =	vmul.f32 v5, v2  }
0x1a8: {  	v10 =	vmul.f32 v11, v10;
	v14 =	vmul.f32 v8, v2;
	v5 =	vld [tilespmem:s11+$0xFFFFFFF0];
	[tilespmem:s11+$0x0] =	vst v7  }
0x1a9: {  	v8 =	vld [tilespmem:s21+$0xFFFFFFF0];
	[tilespmem:s11+$0xFFFFFFA0] =	vst v9  }
0x1aa: {  	s17 =	simm.s32 $0x2CF0;
	s26 =	simm.s32 $0x0;
	v7 =	vld [tilespmem:s11+$0xFFFFFF90];
	[tilespmem:s11+$0xFFFFFFB0] =	vst v14;
	v9 =	vmul.f32 v10, v2;
	v10 =	vmul.f32 v13, v12  }
.LBB2_15:
0x1ab: {  	v11 =	vld [tilespmem:s17+$0x0];
	s21 =	sadd.s32 $0x80, s21  }
0x1ac: {  	s26 =	sadd.s32 $0x8, s26;
	v12 =	vld [tilespmem:s21+$0x0];
	[tilespmem:s11+$0xFFFFFFC0] =	vst v9;
	v9 =	vmul.f32 v10, v2;
	v4 =	vmul.f32 v6, v4  }
0x1ad: {  	p0 =	slt.u32 s26, $0x78;
	v6 =	vld [tilespmem:s21+$0xFFFFFF90]  }
0x1ae: {  	v10 =	vld [tilespmem:s17+$0xFFFFFFA0];
	[tilespmem:s11+$0xFFFFFFD0] =	vst v9;
	v4 =	vmul.f32 v4, v2;
	v5 =	vmul.f32 v8, v5  }
0x1af: {  	v8 =	vld [tilespmem:s21+$0xFFFFFFA0];
	v13 =	vmul.f32 v3, v7  }
0x1b0: {  	v7 =	vld [tilespmem:s17+$0xFFFFFFB0];
	[tilespmem:s11+$0xFFFFFFE0] =	vst v4;
	v4 =	vmul.f32 v5, v2  }
0x1b1: {  	v5 =	vld [tilespmem:s21+$0xFFFFFFB0];
	v9 =	vmul.f32 v12, v11;
	v11 =	vmul.f32 v13, v2  }
0x1b2: {  	v12 =	vld [tilespmem:s17+$0xFFFFFFC0];
	[tilespmem:s11+$0xFFFFFFF0] =	vst v4;
	v3 =	vmov v6  }
0x1b3: {  	v13 =	vld [tilespmem:s21+$0xFFFFFFC0];
	v4 =	vmul.f32 v9, v2;
	[tilespmem:s11+$0xFFFFFF90] =	vst v11;
	s11 =	smov.u32 s17  }
0x1b4: {  	v6 =	vmul.f32 v8, v10;
	v10 =	vld [tilespmem:s17+$0xFFFFFFD0]  }
0x1b5: {  	v11 =	vld [tilespmem:s21+$0xFFFFFFD0];
	[tilespmem:s17+$0x0] =	vst v4  }
.Ltmp6:
0x1b6: {  	v8 =	vmul.f32 v6, v2;
	v5 =	vmul.f32 v5, v7;
	v4 =	vld [tilespmem:s17+$0xFFFFFFE0];
	(pc) =	sbr.rel @p0 .LBB2_15-.Ltmp6, $4  }
0x1b7: {  	v6 =	vld [tilespmem:s21+$0xFFFFFFE0]  }
0x1b8: {  	[tilespmem:s17+$0xFFFFFFA0] =	vst v8;
	v9 =	vmul.f32 v5, v2;
	v12 =	vmul.f32 v13, v12;
	v5 =	vld [tilespmem:s17+$0xFFFFFFF0]  }
0x1b9: {  	v8 =	vld [tilespmem:s21+$0xFFFFFFF0]  }
0x1ba: {  	s17 =	sadd.s32 $0x80, s17;
	v7 =	vld [tilespmem:s11+$0xFFFFFF90];
	[tilespmem:s11+$0xFFFFFFB0] =	vst v9;
	v9 =	vmul.f32 v12, v2;
	v10 =	vmul.f32 v11, v10  }
0x1bb: {  	_ =	sdelay $0x1  }
0x1bc: {  	v4 =	vmul.f32 v6, v4  }
0x1bd: {  	v6 =	vmul.f32 v10, v2;
	v5 =	vmul.f32 v8, v5  }
0x1be: {  	[tilespmem:s11+$0xFFFFFFC0] =	vst v9;
	v4 =	vmul.f32 v4, v2;
	v3 =	vmul.f32 v3, v7  }
0x1bf: {  	[tilespmem:s11+$0xFFFFFFD0] =	vst v6;
	v5 =	vmul.f32 v5, v2  }
0x1c0: {  	[tilespmem:s11+$0xFFFFFFE0] =	vst v4;
	v2 =	vmul.f32 v3, v2  }
0x1c1: {  	[tilespmem:s11+$0xFFFFFFF0] =	vst v5  }
0x1c2: {  	[tilespmem:s11+$0xFFFFFF90] =	vst v2  }
0x1c3: {  	[spmem:s2] =	stream.indirect.scatter.add.f32 [tilespmem:s31], [sflag:$0x6], $0x10, s19, s19, $0xb8;
	[tilespmem:$0x9300] =	vst v63  }
0x1c4: {  	s11 =	rddreg [dreg:$0x10]  }
0x1c5: {  	s11 =	sadd.s32 s18, s11  }
0x1c6: {  	_ =	swait.ge [sflag:s14], $0x800;
	s11 =	smin.u32 s11, $0x9C3  }
0x1c7: {  	[sflag:s14] =	ssyncset.done $0x0;
	s17 =	sshll.u32 s11, $0x4  }
0x1c8: {  	[sflag:s14] =	ssyncadd.s32 $0xFFFFF800;
	s21 =	sadd.s32 s1, s17  }
0x1c9: {  	[tilespmem:s3], [sflag:$0x1] =	stream.linear.gather [hbm4b:s21+s3], $0x80, $0x38;
	[tilespmem:$0x9300] =	vst v63  }
0x1ca: {  	s26 =	simm.s32 $0x200;
	s11 =	sshll.u32 s11, $0x8;
	s17 =	sadd.s32 s17, s10  }
0x1cb: {  	[tilespmem:s26], [sflag:$0x1] =	stream.linear.gather [hbm4b:s17+s3], $0x80, $0x38;
	[tilespmem:$0x9300] =	vst v63  }
0x1cc: {  	s11 =	sadd.s32 s6, s11;
	s21 =	simm.s32 $0x400  }
0x1cd: {  	[tilespmem:s21], [sflag:$0x1] =	stream.linear.gather [hbm4b:s11+s3], $0x800, $0x38;
	[tilespmem:$0x9300] =	vst v63  }
0x1ce: {  	_ =	swait.ge [sflag:s30], $0x80  }
0x1cf: {  	[sflag:s30] =	ssyncset.done $0x0  }
0x1d0: {  	[sflag:s30] =	ssyncadd.s32 $0xFFFFFF80  }
0x1d1: {  	_ =	swait.ge [sflag:s30], $0x80  }
0x1d2: {  	[sflag:s30] =	ssyncset.done $0x0  }
0x1d3: {  	[sflag:s30] =	ssyncadd.s32 $0xFFFFFF80  }
0x1d4: {  	_ =	swait.ge [sflag:s30], $0x800  }
0x1d5: {  	[sflag:s30] =	ssyncset.done $0x0  }
0x1d6: {  	[sflag:s30] =	ssyncadd.s32 $0xFFFFF800  }
0x1d7: {  	[tilespmem:s15], [sflag:$0x4] =	stream.indirect.gather [hbm4b:s5+s19], $0x10, s9, s19, $0xb8;
	[tilespmem:$0x9300] =	vst v63  }
0x1d8: {  	_ =	swait.ge [sflag:s0], $0x800  }
0x1d9: {  	[sflag:s0] =	ssyncset.done $0x0  }
0x1da: {  	s11 =	simm.s32 $0x3470;
	[sflag:s0] =	ssyncadd.s32 $0xFFFFF800  }
0x1db: {  	s21 =	simm.s32 $0x1470;
	v2 =	vld [tilespmem:s11+$0x0]  }
0x1dc: {  	v4 =	vld [tilespmem:s21+$0x0]  }
0x1dd: {  	v3 =	vld [tilespmem:s21+$0xFFFFFF90]  }
0x1de: {  	v5 =	vld [tilespmem:s11+$0xFFFFFFA0]  }
0x1df: {  	v6 =	vld [tilespmem:s21+$0xFFFFFFA0]  }
0x1e0: {  	v7 =	vld [tilespmem:s11+$0xFFFFFFB0]  }
0x1e1: {  	v8 =	vld [tilespmem:s21+$0xFFFFFFB0]  }
0x1e2: {  	v9 =	vld [tilespmem:s11+$0xFFFFFFC0]  }
0x1e3: {  	p0 =	slt.u32 s22, $0x9C4;
	s17 =	simm.f32 $1.000000000e+00;
	v10 =	vld [tilespmem:s21+$0xFFFFFFC0]  }
0x1e4: {  	s17 =	simm.s32 @!p0 $0x0;
	v11 =	vld [tilespmem:s11+$0xFFFFFFD0];
	v4 =	vmul.f32 v4, v2  }
0x1e5: {  	v12 =	vld [tilespmem:s21+$0xFFFFFFD0];
	v2 =	vmov s17;
	v5 =	vmul.f32 v6, v5  }
0x1e6: {  	v7 =	vmul.f32 v8, v7;
	v6 =	vld [tilespmem:s21+$0xFFFFFFE0];
	v13 =	vmul.f32 v4, v2  }
0x1e7: {  	v4 =	vld [tilespmem:s11+$0xFFFFFFE0];
	v8 =	vmul.f32 v5, v2  }
0x1e8: {  	v9 =	vmul.f32 v10, v9;
	v63 =	vmul.f32 v7, v2;
	v5 =	vld [tilespmem:s11+$0xFFFFFFF0];
	[tilespmem:s11+$0x0] =	vst v13  }
0x1e9: {  	[tilespmem:s11+$0xFFFFFFA0] =	vst v8;
	v8 =	vld [tilespmem:s21+$0xFFFFFFF0]  }
0x1ea: {  	s22 =	simm.s32 $0x0;
	v10 =	vmul.f32 v12, v11;
	s17 =	simm.s32 $0x34F0;
	v7 =	vld [tilespmem:s11+$0xFFFFFF90];
	v9 =	vmul.f32 v9, v2;
	[tilespmem:s11+$0xFFFFFFB0] =	vst v63  }
.LBB2_17:
0x1eb: {  	v11 =	vld [tilespmem:s17+$0x0];
	s21 =	sadd.s32 $0x80, s21  }
0x1ec: {  	s22 =	sadd.s32 $0x8, s22;
	v12 =	vld [tilespmem:s21+$0x0];
	[tilespmem:s11+$0xFFFFFFC0] =	vst v9;
	v9 =	vmul.f32 v10, v2;
	v4 =	vmul.f32 v6, v4  }
0x1ed: {  	p0 =	slt.u32 s22, $0x78;
	v6 =	vld [tilespmem:s21+$0xFFFFFF90]  }
0x1ee: {  	v10 =	vld [tilespmem:s17+$0xFFFFFFA0];
	[tilespmem:s11+$0xFFFFFFD0] =	vst v9;
	v4 =	vmul.f32 v4, v2;
	v5 =	vmul.f32 v8, v5  }
0x1ef: {  	v8 =	vld [tilespmem:s21+$0xFFFFFFA0];
	v13 =	vmul.f32 v3, v7  }
0x1f0: {  	v7 =	vld [tilespmem:s17+$0xFFFFFFB0];
	[tilespmem:s11+$0xFFFFFFE0] =	vst v4;
	v4 =	vmul.f32 v5, v2  }
0x1f1: {  	v5 =	vld [tilespmem:s21+$0xFFFFFFB0];
	v9 =	vmul.f32 v12, v11;
	v11 =	vmul.f32 v13, v2  }
0x1f2: {  	v12 =	vld [tilespmem:s17+$0xFFFFFFC0];
	[tilespmem:s11+$0xFFFFFFF0] =	vst v4;
	v3 =	vmov v6  }
0x1f3: {  	v13 =	vld [tilespmem:s21+$0xFFFFFFC0];
	v4 =	vmul.f32 v9, v2;
	[tilespmem:s11+$0xFFFFFF90] =	vst v11;
	s11 =	smov.u32 s17  }
0x1f4: {  	v6 =	vmul.f32 v8, v10;
	v10 =	vld [tilespmem:s17+$0xFFFFFFD0]  }
0x1f5: {  	v11 =	vld [tilespmem:s21+$0xFFFFFFD0];
	[tilespmem:s17+$0x0] =	vst v4  }
.Ltmp7:
0x1f6: {  	v8 =	vmul.f32 v6, v2;
	v5 =	vmul.f32 v5, v7;
	v4 =	vld [tilespmem:s17+$0xFFFFFFE0];
	(pc) =	sbr.rel @p0 .LBB2_17-.Ltmp7, $4  }
0x1f7: {  	v6 =	vld [tilespmem:s21+$0xFFFFFFE0]  }
0x1f8: {  	[tilespmem:s17+$0xFFFFFFA0] =	vst v8;
	v9 =	vmul.f32 v5, v2;
	v12 =	vmul.f32 v13, v12;
	v5 =	vld [tilespmem:s17+$0xFFFFFFF0]  }
0x1f9: {  	v8 =	vld [tilespmem:s21+$0xFFFFFFF0]  }
0x1fa: {  	s17 =	sadd.s32 $0x80, s17;
	v7 =	vld [tilespmem:s11+$0xFFFFFF90];
	[tilespmem:s11+$0xFFFFFFB0] =	vst v9;
	v9 =	vmul.f32 v12, v2;
	v10 =	vmul.f32 v11, v10  }
0x1fb: {  	_ =	sdelay $0x1  }
0x1fc: {  	v4 =	vmul.f32 v6, v4  }
0x1fd: {  	v6 =	vmul.f32 v10, v2;
	v5 =	vmul.f32 v8, v5  }
0x1fe: {  	[tilespmem:s11+$0xFFFFFFC0] =	vst v9;
	v4 =	vmul.f32 v4, v2;
	v3 =	vmul.f32 v3, v7  }
0x1ff: {  	[tilespmem:s11+$0xFFFFFFD0] =	vst v6;
	v5 =	vmul.f32 v5, v2  }
0x200: {  	[tilespmem:s11+$0xFFFFFFE0] =	vst v4;
	v2 =	vmul.f32 v3, v2  }
0x201: {  	[tilespmem:s11+$0xFFFFFFF0] =	vst v5  }
0x202: {  	[tilespmem:s11+$0xFFFFFF90] =	vst v2  }
0x203: {  	[spmem:s2] =	stream.indirect.scatter.add.f32 [tilespmem:s12], [sflag:$0x5], $0x10, s25, s19, $0xb8;
	[tilespmem:$0x9300] =	vst v63  }
0x204: {  	s11 =	rddreg [dreg:$0x15]  }
0x205: {  	s11 =	sadd.s32 s18, s11  }
0x206: {  	_ =	swait.ge [sflag:s8], $0x800;
	s11 =	smin.u32 s11, $0x9C3  }
0x207: {  	[sflag:s8] =	ssyncset.done $0x0;
	s17 =	sshll.u32 s11, $0x4  }
0x208: {  	[sflag:s8] =	ssyncadd.s32 $0xFFFFF800;
	s21 =	sadd.s32 s1, s17  }
0x209: {  	[tilespmem:s19], [sflag:$0x2] =	stream.linear.gather [hbm4b:s21+s3], $0x80, $0x38;
	[tilespmem:$0x9300] =	vst v63  }
0x20a: {  	s11 =	sshll.u32 s11, $0x8;
	s17 =	sadd.s32 s17, s10  }
0x20b: {  	[tilespmem:s20], [sflag:$0x2] =	stream.linear.gather [hbm4b:s17+s3], $0x80, $0x38;
	[tilespmem:$0x9300] =	vst v63  }
0x20c: {  	s22 =	simm.s32 $0xC00;
	s11 =	sadd.s32 s6, s11  }
0x20d: {  	[tilespmem:s22], [sflag:$0x2] =	stream.linear.gather [hbm4b:s11+s3], $0x800, $0x38;
	[tilespmem:$0x9300] =	vst v63  }
0x20e: {  	_ =	swait.ge [sflag:s23], $0x80  }
0x20f: {  	[sflag:s23] =	ssyncset.done $0x0  }
0x210: {  	[sflag:s23] =	ssyncadd.s32 $0xFFFFFF80  }
0x211: {  	_ =	swait.ge [sflag:s23], $0x80  }
0x212: {  	[sflag:s23] =	ssyncset.done $0x0  }
0x213: {  	[sflag:s23] =	ssyncadd.s32 $0xFFFFFF80  }
0x214: {  	_ =	swait.ge [sflag:s23], $0x800  }
0x215: {  	[sflag:s23] =	ssyncset.done $0x0  }
0x216: {  	[sflag:s23] =	ssyncadd.s32 $0xFFFFF800  }
0x217: {  	[tilespmem:s24], [sflag:$0x3] =	stream.indirect.gather [hbm4b:s5+s19], $0x10, s26, s19, $0xb8;
	[tilespmem:$0x9300] =	vst v63  }
0x218: {  	_ =	swait.ge [sflag:s13], $0x800  }
0x219: {  	[sflag:s13] =	ssyncset.done $0x0  }
0x21a: {  	s11 =	simm.s32 $0x3C70;
	[sflag:s13] =	ssyncadd.s32 $0xFFFFF800  }
0x21b: {  	s18 =	simm.s32 $0x1C70;
	v2 =	vld [tilespmem:s11+$0x0]  }
0x21c: {  	v4 =	vld [tilespmem:s18+$0x0]  }
0x21d: {  	v3 =	vld [tilespmem:s18+$0xFFFFFF90]  }
0x21e: {  	v5 =	vld [tilespmem:s11+$0xFFFFFFA0]  }
0x21f: {  	v6 =	vld [tilespmem:s18+$0xFFFFFFA0]  }
0x220: {  	v7 =	vld [tilespmem:s11+$0xFFFFFFB0]  }
0x221: {  	v8 =	vld [tilespmem:s18+$0xFFFFFFB0]  }
0x222: {  	v9 =	vld [tilespmem:s11+$0xFFFFFFC0]  }
0x223: {  	p0 =	slt.u32 s29, $0x9C4;
	s17 =	simm.f32 $1.000000000e+00;
	v10 =	vld [tilespmem:s18+$0xFFFFFFC0]  }
0x224: {  	s17 =	simm.s32 @!p0 $0x0;
	v11 =	vld [tilespmem:s11+$0xFFFFFFD0];
	v4 =	vmul.f32 v4, v2  }
0x225: {  	v12 =	vld [tilespmem:s18+$0xFFFFFFD0];
	v2 =	vmov s17;
	v5 =	vmul.f32 v6, v5  }
0x226: {  	v7 =	vmul.f32 v8, v7;
	v6 =	vld [tilespmem:s18+$0xFFFFFFE0];
	v13 =	vmul.f32 v4, v2  }
0x227: {  	v4 =	vld [tilespmem:s11+$0xFFFFFFE0];
	v8 =	vmul.f32 v5, v2  }
0x228: {  	v9 =	vmul.f32 v10, v9;
	v63 =	vmul.f32 v7, v2;
	v5 =	vld [tilespmem:s11+$0xFFFFFFF0];
	[tilespmem:s11+$0x0] =	vst v13  }
0x229: {  	[tilespmem:s11+$0xFFFFFFA0] =	vst v8;
	v8 =	vld [tilespmem:s18+$0xFFFFFFF0]  }
0x22a: {  	s21 =	simm.s32 $0x0;
	v10 =	vmul.f32 v12, v11;
	s17 =	simm.s32 $0x3CF0;
	v7 =	vld [tilespmem:s11+$0xFFFFFF90];
	v9 =	vmul.f32 v9, v2;
	[tilespmem:s11+$0xFFFFFFB0] =	vst v63  }
.LBB2_19:
0x22b: {  	v11 =	vld [tilespmem:s17+$0x0];
	s18 =	sadd.s32 $0x80, s18  }
0x22c: {  	s21 =	sadd.s32 $0x8, s21;
	v12 =	vld [tilespmem:s18+$0x0];
	[tilespmem:s11+$0xFFFFFFC0] =	vst v9;
	v9 =	vmul.f32 v10, v2;
	v4 =	vmul.f32 v6, v4  }
0x22d: {  	p0 =	slt.u32 s21, $0x78;
	v6 =	vld [tilespmem:s18+$0xFFFFFF90]  }
0x22e: {  	v10 =	vld [tilespmem:s17+$0xFFFFFFA0];
	[tilespmem:s11+$0xFFFFFFD0] =	vst v9;
	v4 =	vmul.f32 v4, v2;
	v5 =	vmul.f32 v8, v5  }
0x22f: {  	v8 =	vld [tilespmem:s18+$0xFFFFFFA0];
	v13 =	vmul.f32 v3, v7  }
0x230: {  	v7 =	vld [tilespmem:s17+$0xFFFFFFB0];
	[tilespmem:s11+$0xFFFFFFE0] =	vst v4;
	v4 =	vmul.f32 v5, v2  }
0x231: {  	v5 =	vld [tilespmem:s18+$0xFFFFFFB0];
	v9 =	vmul.f32 v12, v11;
	v11 =	vmul.f32 v13, v2  }
0x232: {  	v12 =	vld [tilespmem:s17+$0xFFFFFFC0];
	[tilespmem:s11+$0xFFFFFFF0] =	vst v4;
	v3 =	vmov v6  }
0x233: {  	v13 =	vld [tilespmem:s18+$0xFFFFFFC0];
	v4 =	vmul.f32 v9, v2;
	[tilespmem:s11+$0xFFFFFF90] =	vst v11;
	s11 =	smov.u32 s17  }
0x234: {  	v6 =	vmul.f32 v8, v10;
	v10 =	vld [tilespmem:s17+$0xFFFFFFD0]  }
0x235: {  	v11 =	vld [tilespmem:s18+$0xFFFFFFD0];
	[tilespmem:s17+$0x0] =	vst v4  }
.Ltmp8:
0x236: {  	v8 =	vmul.f32 v6, v2;
	v5 =	vmul.f32 v5, v7;
	v4 =	vld [tilespmem:s17+$0xFFFFFFE0];
	(pc) =	sbr.rel @p0 .LBB2_19-.Ltmp8, $4  }
0x237: {  	v6 =	vld [tilespmem:s18+$0xFFFFFFE0]  }
0x238: {  	[tilespmem:s17+$0xFFFFFFA0] =	vst v8;
	v9 =	vmul.f32 v5, v2;
	v12 =	vmul.f32 v13, v12;
	v5 =	vld [tilespmem:s17+$0xFFFFFFF0]  }
0x239: {  	v8 =	vld [tilespmem:s18+$0xFFFFFFF0]  }
0x23a: {  	s17 =	sadd.s32 $0x80, s17;
	v7 =	vld [tilespmem:s11+$0xFFFFFF90];
	[tilespmem:s11+$0xFFFFFFB0] =	vst v9;
	v9 =	vmul.f32 v12, v2;
	v10 =	vmul.f32 v11, v10  }
0x23b: {  	_ =	sdelay $0x1  }
0x23c: {  	v4 =	vmul.f32 v6, v4  }
0x23d: {  	s16 =	sadd.s32 $0x1, s16;
	v63 =	vmul.f32 v10, v2;
	v5 =	vmul.f32 v8, v5  }
0x23e: {  	[tilespmem:s11+$0xFFFFFFC0] =	vst v9;
	p0 =	sne.s32 s16, $0x13;
	v4 =	vmul.f32 v4, v2;
	v3 =	vmul.f32 v3, v7  }
.Ltmp9:
0x23f: {  	[tilespmem:s11+$0xFFFFFFD0] =	vst v63;
	v5 =	vmul.f32 v5, v2;
	(pc) =	sbr.rel @p0 .LBB2_12-.Ltmp9, $4  }
0x240: {  	[tilespmem:s11+$0xFFFFFFE0] =	vst v4;
	v2 =	vmul.f32 v3, v2  }
0x241: {  	[tilespmem:s11+$0xFFFFFFF0] =	vst v5  }
0x242: {  	[tilespmem:s11+$0xFFFFFF90] =	vst v2  }
0x243: {  	[spmem:s2] =	stream.indirect.scatter.add.f32 [tilespmem:s15], [sflag:$0x6], $0x10, s4, s19, $0xb8;
	[tilespmem:$0x9300] =	vst v63  }
0x244: {  	_ =	swait.ge [sflag:s14], $0x800  }
0x245: {  	[sflag:s14] =	ssyncset.done $0x0  }
0x246: {  	s11 =	rddreg [dreg:$0x1a];
	[sflag:s14] =	ssyncadd.s32 $0xFFFFF800  }
0x247: {  	[tilespmem:s25], [sflag:$0x1] =	stream.linear.gather [hbm4b:s11+s3], $0x80, $0x38;
	[tilespmem:$0x9300] =	vst v63  }
0x248: {  	s22 =	rddreg [dreg:$0x1b]  }
0x249: {  	[tilespmem:s28], [sflag:$0x1] =	stream.linear.gather [hbm4b:s22+s3], $0x80, $0x38;
	[tilespmem:$0x9300] =	vst v63  }
0x24a: {  	s16 =	simm.s32 $0x1400;
	s29 =	rddreg [dreg:$0x1c]  }
0x24b: {  	[tilespmem:s16], [sflag:$0x1] =	stream.linear.gather [hbm4b:s29+s3], $0x800, $0x38;
	[tilespmem:$0x9300] =	vst v63  }
0x24c: {  	_ =	swait.ge [sflag:s30], $0x80  }
0x24d: {  	[sflag:s30] =	ssyncset.done $0x0  }
0x24e: {  	[sflag:s30] =	ssyncadd.s32 $0xFFFFFF80  }
0x24f: {  	_ =	swait.ge [sflag:s30], $0x80  }
0x250: {  	[sflag:s30] =	ssyncset.done $0x0  }
0x251: {  	[sflag:s30] =	ssyncadd.s32 $0xFFFFFF80  }
0x252: {  	_ =	swait.ge [sflag:s30], $0x800  }
0x253: {  	[sflag:s30] =	ssyncset.done $0x0  }
0x254: {  	[sflag:s30] =	ssyncadd.s32 $0xFFFFF800  }
0x255: {  	[tilespmem:s31], [sflag:$0x4] =	stream.indirect.gather [hbm4b:s5+s19], $0x10, s20, s19, $0xb8;
	[tilespmem:$0x9300] =	vst v63  }
0x256: {  	_ =	swait.ge [sflag:s0], $0x800  }
0x257: {  	[sflag:s0] =	ssyncset.done $0x0  }
0x258: {  	s11 =	simm.s32 $0x2440;
	[sflag:s0] =	ssyncadd.s32 $0xFFFFF800  }
0x259: {  	s16 =	simm.s32 $0x440;
	v3 =	vld [tilespmem:s11+$0x30]  }
0x25a: {  	v4 =	vld [tilespmem:s16+$0x30]  }
0x25b: {  	v2 =	vld [tilespmem:s16+$0xFFFFFFC0]  }
0x25c: {  	v5 =	vld [tilespmem:s11+$0xFFFFFFD0]  }
0x25d: {  	v6 =	vld [tilespmem:s16+$0xFFFFFFD0]  }
0x25e: {  	v7 =	vld [tilespmem:s11+$0xFFFFFFE0]  }
0x25f: {  	v8 =	vld [tilespmem:s16+$0xFFFFFFE0]  }
0x260: {  	v9 =	vld [tilespmem:s11+$0xFFFFFFF0]  }
0x261: {  	v10 =	vld [tilespmem:s16+$0xFFFFFFF0]  }
0x262: {  	v11 =	vld [tilespmem:s11+$0x0];
	v3 =	vmul.f32 v4, v3  }
0x263: {  	v12 =	vld [tilespmem:s16+$0x0];
	v4 =	vmul.f32 v6, v5  }
0x264: {  	v7 =	vmul.f32 v8, v7;
	v5 =	vld [tilespmem:s16+$0x10];
	v6 =	vmul.f32 v3, v0  }
0x265: {  	v3 =	vld [tilespmem:s11+$0x10];
	v8 =	vmul.f32 v4, v0  }
0x266: {  	v9 =	vmul.f32 v10, v9;
	v13 =	vmul.f32 v7, v0;
	v4 =	vld [tilespmem:s11+$0x20];
	[tilespmem:s11+$0x30] =	vst v6  }
0x267: {  	v7 =	vld [tilespmem:s16+$0x20];
	[tilespmem:s11+$0xFFFFFFD0] =	vst v8  }
0x268: {  	s18 =	simm.s32 $0x0;
	s17 =	simm.s32 $0x24C0;
	v6 =	vld [tilespmem:s11+$0xFFFFFFC0];
	[tilespmem:s11+$0xFFFFFFE0] =	vst v13;
	v8 =	vmul.f32 v9, v0;
	v9 =	vmul.f32 v12, v11  }
.LBB2_22:
0x269: {  	v10 =	vld [tilespmem:s17+$0x30];
	s16 =	sadd.s32 $0x80, s16  }
0x26a: {  	s18 =	sadd.s32 $0x8, s18;
	v11 =	vld [tilespmem:s16+$0x30];
	[tilespmem:s11+$0xFFFFFFF0] =	vst v8;
	v8 =	vmul.f32 v9, v0;
	v3 =	vmul.f32 v5, v3  }
0x26b: {  	p0 =	slt.u32 s18, $0x78;
	v5 =	vld [tilespmem:s16+$0xFFFFFFC0]  }
0x26c: {  	v9 =	vld [tilespmem:s17+$0xFFFFFFD0];
	[tilespmem:s11+$0x0] =	vst v8;
	v3 =	vmul.f32 v3, v0;
	v4 =	vmul.f32 v7, v4  }
0x26d: {  	v7 =	vld [tilespmem:s16+$0xFFFFFFD0];
	v12 =	vmul.f32 v2, v6  }
0x26e: {  	v6 =	vld [tilespmem:s17+$0xFFFFFFE0];
	[tilespmem:s11+$0x10] =	vst v3;
	v3 =	vmul.f32 v4, v0  }
0x26f: {  	v4 =	vld [tilespmem:s16+$0xFFFFFFE0];
	v8 =	vmul.f32 v11, v10;
	v10 =	vmul.f32 v12, v0  }
0x270: {  	v11 =	vld [tilespmem:s17+$0xFFFFFFF0];
	[tilespmem:s11+$0x20] =	vst v3;
	v2 =	vmov v5  }
0x271: {  	v12 =	vld [tilespmem:s16+$0xFFFFFFF0];
	v3 =	vmul.f32 v8, v0;
	[tilespmem:s11+$0xFFFFFFC0] =	vst v10;
	s11 =	smov.u32 s17  }
0x272: {  	v5 =	vmul.f32 v7, v9;
	v9 =	vld [tilespmem:s17+$0x0]  }
0x273: {  	v10 =	vld [tilespmem:s16+$0x0];
	[tilespmem:s17+$0x30] =	vst v3  }
.Ltmp10:
0x274: {  	v7 =	vmul.f32 v5, v0;
	v4 =	vmul.f32 v4, v6;
	v3 =	vld [tilespmem:s17+$0x10];
	(pc) =	sbr.rel @p0 .LBB2_22-.Ltmp10, $4  }
0x275: {  	v5 =	vld [tilespmem:s16+$0x10]  }
0x276: {  	[tilespmem:s17+$0xFFFFFFD0] =	vst v7;
	v8 =	vmul.f32 v4, v0;
	v11 =	vmul.f32 v12, v11;
	v4 =	vld [tilespmem:s17+$0x20]  }
0x277: {  	v7 =	vld [tilespmem:s16+$0x20]  }
0x278: {  	s17 =	sadd.s32 $0x80, s17;
	v6 =	vld [tilespmem:s11+$0xFFFFFFC0];
	[tilespmem:s11+$0xFFFFFFE0] =	vst v8;
	v8 =	vmul.f32 v11, v0;
	v9 =	vmul.f32 v10, v9  }
0x279: {  	_ =	sdelay $0x1  }
0x27a: {  	v3 =	vmul.f32 v5, v3  }
0x27b: {  	v5 =	vmul.f32 v9, v0;
	v4 =	vmul.f32 v7, v4  }
0x27c: {  	[tilespmem:s11+$0xFFFFFFF0] =	vst v8;
	v3 =	vmul.f32 v3, v0;
	v2 =	vmul.f32 v2, v6  }
0x27d: {  	[tilespmem:s11+$0x0] =	vst v5;
	v4 =	vmul.f32 v4, v0  }
0x27e: {  	[tilespmem:s11+$0x10] =	vst v3;
	v2 =	vmul.f32 v2, v0  }
0x27f: {  	[tilespmem:s11+$0x20] =	vst v4  }
0x280: {  	[tilespmem:s11+$0xFFFFFFC0] =	vst v2  }
0x281: {  	[spmem:s2] =	stream.indirect.scatter.add.f32 [tilespmem:s24], [sflag:$0x5], $0x10, s3, s19, $0xb8;
	[tilespmem:$0x9300] =	vst v63  }
0x282: {  	_ =	swait.ge [sflag:s8], $0x800  }
0x283: {  	[sflag:s8] =	ssyncset.done $0x0  }
0x284: {  	s21 =	rddreg [dreg:$0x1d];
	[sflag:s8] =	ssyncadd.s32 $0xFFFFF800  }
0x285: {  	[tilespmem:s4], [sflag:$0x2] =	stream.linear.gather [hbm4b:s21+s3], $0x80, $0x38;
	[tilespmem:$0x9300] =	vst v63  }
0x286: {  	s22 =	rddreg [dreg:$0x1e]  }
0x287: {  	[tilespmem:s9], [sflag:$0x2] =	stream.linear.gather [hbm4b:s22+s3], $0x80, $0x38;
	[tilespmem:$0x9300] =	vst v63  }
0x288: {  	s16 =	simm.s32 $0x1C00;
	s29 =	rddreg [dreg:$0x1f]  }
0x289: {  	[tilespmem:s16], [sflag:$0x2] =	stream.linear.gather [hbm4b:s29+s3], $0x800, $0x38;
	[tilespmem:$0x9300] =	vst v63  }
0x28a: {  	_ =	swait.ge [sflag:s23], $0x80  }
0x28b: {  	[sflag:s23] =	ssyncset.done $0x0  }
0x28c: {  	[sflag:s23] =	ssyncadd.s32 $0xFFFFFF80  }
0x28d: {  	_ =	swait.ge [sflag:s23], $0x80  }
0x28e: {  	[sflag:s23] =	ssyncset.done $0x0  }
0x28f: {  	[sflag:s23] =	ssyncadd.s32 $0xFFFFFF80  }
0x290: {  	_ =	swait.ge [sflag:s23], $0x800  }
0x291: {  	[sflag:s23] =	ssyncset.done $0x0  }
0x292: {  	[sflag:s23] =	ssyncadd.s32 $0xFFFFF800  }
0x293: {  	[tilespmem:s12], [sflag:$0x3] =	stream.indirect.gather [hbm4b:s5+s19], $0x10, s28, s19, $0xb8;
	[tilespmem:$0x9300] =	vst v63  }
0x294: {  	_ =	swait.ge [sflag:s13], $0x800  }
0x295: {  	[sflag:s13] =	ssyncset.done $0x0  }
0x296: {  	s11 =	simm.s32 $0x2C70;
	[sflag:s13] =	ssyncadd.s32 $0xFFFFF800  }
0x297: {  	s16 =	simm.s32 $0xC70;
	v3 =	vld [tilespmem:s11+$0x0]  }
0x298: {  	v4 =	vld [tilespmem:s16+$0x0]  }
0x299: {  	v2 =	vld [tilespmem:s16+$0xFFFFFF90]  }
0x29a: {  	v5 =	vld [tilespmem:s11+$0xFFFFFFA0]  }
0x29b: {  	v6 =	vld [tilespmem:s16+$0xFFFFFFA0]  }
0x29c: {  	v7 =	vld [tilespmem:s11+$0xFFFFFFB0]  }
0x29d: {  	v8 =	vld [tilespmem:s16+$0xFFFFFFB0]  }
0x29e: {  	v9 =	vld [tilespmem:s11+$0xFFFFFFC0]  }
0x29f: {  	v10 =	vld [tilespmem:s16+$0xFFFFFFC0]  }
0x2a0: {  	v11 =	vld [tilespmem:s11+$0xFFFFFFD0];
	v3 =	vmul.f32 v4, v3  }
0x2a1: {  	v12 =	vld [tilespmem:s16+$0xFFFFFFD0];
	v4 =	vmul.f32 v6, v5  }
0x2a2: {  	v7 =	vmul.f32 v8, v7;
	v5 =	vld [tilespmem:s16+$0xFFFFFFE0];
	v6 =	vmul.f32 v3, v0  }
0x2a3: {  	v3 =	vld [tilespmem:s11+$0xFFFFFFE0];
	v8 =	vmul.f32 v4, v0  }
0x2a4: {  	v9 =	vmul.f32 v10, v9;
	v13 =	vmul.f32 v7, v0;
	v4 =	vld [tilespmem:s11+$0xFFFFFFF0];
	[tilespmem:s11+$0x0] =	vst v6  }
0x2a5: {  	v7 =	vld [tilespmem:s16+$0xFFFFFFF0];
	[tilespmem:s11+$0xFFFFFFA0] =	vst v8  }
0x2a6: {  	s18 =	simm.s32 $0x0;
	s17 =	simm.s32 $0x2CF0;
	s21 =	simm.s32 $0x7;
	v6 =	vld [tilespmem:s11+$0xFFFFFF90];
	[tilespmem:s11+$0xFFFFFFB0] =	vst v13;
	v8 =	vmul.f32 v9, v0;
	v9 =	vmul.f32 v12, v11  }
.LBB2_24:
0x2a7: {  	v10 =	vld [tilespmem:s17+$0x0];
	s16 =	sadd.s32 $0x80, s16  }
0x2a8: {  	s18 =	sadd.s32 $0x8, s18;
	v11 =	vld [tilespmem:s16+$0x0];
	[tilespmem:s11+$0xFFFFFFC0] =	vst v8;
	v8 =	vmul.f32 v9, v0;
	v3 =	vmul.f32 v5, v3  }
0x2a9: {  	p0 =	slt.u32 s18, $0x78;
	v5 =	vld [tilespmem:s16+$0xFFFFFF90]  }
0x2aa: {  	v9 =	vld [tilespmem:s17+$0xFFFFFFA0];
	[tilespmem:s11+$0xFFFFFFD0] =	vst v8;
	v3 =	vmul.f32 v3, v0;
	v4 =	vmul.f32 v7, v4  }
0x2ab: {  	v7 =	vld [tilespmem:s16+$0xFFFFFFA0];
	v12 =	vmul.f32 v2, v6  }
0x2ac: {  	v6 =	vld [tilespmem:s17+$0xFFFFFFB0];
	[tilespmem:s11+$0xFFFFFFE0] =	vst v3;
	v3 =	vmul.f32 v4, v0  }
0x2ad: {  	v4 =	vld [tilespmem:s16+$0xFFFFFFB0];
	v8 =	vmul.f32 v11, v10;
	v10 =	vmul.f32 v12, v0  }
0x2ae: {  	v11 =	vld [tilespmem:s17+$0xFFFFFFC0];
	[tilespmem:s11+$0xFFFFFFF0] =	vst v3;
	v2 =	vmov v5  }
0x2af: {  	v12 =	vld [tilespmem:s16+$0xFFFFFFC0];
	v3 =	vmul.f32 v8, v0;
	[tilespmem:s11+$0xFFFFFF90] =	vst v10;
	s11 =	smov.u32 s17  }
0x2b0: {  	v5 =	vmul.f32 v7, v9;
	v9 =	vld [tilespmem:s17+$0xFFFFFFD0]  }
0x2b1: {  	v10 =	vld [tilespmem:s16+$0xFFFFFFD0];
	[tilespmem:s17+$0x0] =	vst v3  }
.Ltmp11:
0x2b2: {  	v7 =	vmul.f32 v5, v0;
	v4 =	vmul.f32 v4, v6;
	v3 =	vld [tilespmem:s17+$0xFFFFFFE0];
	(pc) =	sbr.rel @p0 .LBB2_24-.Ltmp11, $4  }
0x2b3: {  	v5 =	vld [tilespmem:s16+$0xFFFFFFE0]  }
0x2b4: {  	[tilespmem:s17+$0xFFFFFFA0] =	vst v7;
	v8 =	vmul.f32 v4, v0;
	v11 =	vmul.f32 v12, v11;
	v4 =	vld [tilespmem:s17+$0xFFFFFFF0]  }
0x2b5: {  	v7 =	vld [tilespmem:s16+$0xFFFFFFF0]  }
0x2b6: {  	s17 =	sadd.s32 $0x80, s17;
	v6 =	vld [tilespmem:s11+$0xFFFFFF90];
	[tilespmem:s11+$0xFFFFFFB0] =	vst v8;
	v8 =	vmul.f32 v11, v0;
	v9 =	vmul.f32 v10, v9  }
0x2b7: {  	_ =	sdelay $0x1  }
0x2b8: {  	v3 =	vmul.f32 v5, v3  }
0x2b9: {  	v5 =	vmul.f32 v9, v0;
	v4 =	vmul.f32 v7, v4  }
0x2ba: {  	[tilespmem:s11+$0xFFFFFFC0] =	vst v8;
	v3 =	vmul.f32 v3, v0;
	v2 =	vmul.f32 v2, v6  }
0x2bb: {  	[tilespmem:s11+$0xFFFFFFD0] =	vst v5;
	v4 =	vmul.f32 v4, v0  }
0x2bc: {  	[tilespmem:s11+$0xFFFFFFE0] =	vst v3;
	v2 =	vmul.f32 v2, v0  }
0x2bd: {  	[tilespmem:s11+$0xFFFFFFF0] =	vst v4  }
0x2be: {  	[tilespmem:s11+$0xFFFFFF90] =	vst v2  }
0x2bf: {  	[spmem:s2] =	stream.indirect.scatter.add.f32 [tilespmem:s31], [sflag:$0x6], $0x10, s19, s19, $0xb8;
	[tilespmem:$0x9300] =	vst v63  }
0x2c0: {  	_ =	swait.ge [sflag:s14], $0x800  }
0x2c1: {  	[sflag:s14] =	ssyncset.done $0x0  }
0x2c2: {  	[sflag:s14] =	ssyncadd.s32 $0xFFFFF800  }
0x2c3: {  	_ =	swait.ge [sflag:s30], $0x80  }
0x2c4: {  	[sflag:s30] =	ssyncset.done $0x0  }
0x2c5: {  	[sflag:s30] =	ssyncadd.s32 $0xFFFFFF80  }
0x2c6: {  	_ =	swait.ge [sflag:s30], $0x80  }
0x2c7: {  	[sflag:s30] =	ssyncset.done $0x0  }
0x2c8: {  	[sflag:s30] =	ssyncadd.s32 $0xFFFFFF80  }
0x2c9: {  	_ =	swait.ge [sflag:s30], $0x800  }
0x2ca: {  	[sflag:s30] =	ssyncset.done $0x0  }
0x2cb: {  	[sflag:s30] =	ssyncadd.s32 $0xFFFFF800  }
0x2cc: {  	[tilespmem:s15], [sflag:$0x4] =	stream.indirect.gather [hbm4b:s5+s19], $0x10, s9, s19, $0xb8;
	[tilespmem:$0x9300] =	vst v63  }
0x2cd: {  	_ =	swait.ge [sflag:s0], $0x800  }
0x2ce: {  	[sflag:s0] =	ssyncset.done $0x0  }
0x2cf: {  	s11 =	simm.s32 $0x3470;
	[sflag:s0] =	ssyncadd.s32 $0xFFFFF800  }
0x2d0: {  	s16 =	simm.s32 $0x1470;
	v3 =	vld [tilespmem:s11+$0x0]  }
0x2d1: {  	v4 =	vld [tilespmem:s16+$0x0]  }
0x2d2: {  	v2 =	vld [tilespmem:s16+$0xFFFFFF90]  }
0x2d3: {  	v5 =	vld [tilespmem:s11+$0xFFFFFFA0]  }
0x2d4: {  	v6 =	vld [tilespmem:s16+$0xFFFFFFA0]  }
0x2d5: {  	v7 =	vld [tilespmem:s11+$0xFFFFFFB0]  }
0x2d6: {  	v8 =	vld [tilespmem:s16+$0xFFFFFFB0]  }
0x2d7: {  	v9 =	vld [tilespmem:s11+$0xFFFFFFC0]  }
0x2d8: {  	v10 =	vld [tilespmem:s16+$0xFFFFFFC0]  }
0x2d9: {  	v11 =	vld [tilespmem:s11+$0xFFFFFFD0];
	v3 =	vmul.f32 v4, v3  }
0x2da: {  	v12 =	vld [tilespmem:s16+$0xFFFFFFD0];
	v4 =	vmul.f32 v6, v5  }
0x2db: {  	v7 =	vmul.f32 v8, v7;
	v5 =	vld [tilespmem:s16+$0xFFFFFFE0];
	v6 =	vmul.f32 v3, v0  }
0x2dc: {  	v3 =	vld [tilespmem:s11+$0xFFFFFFE0];
	v8 =	vmul.f32 v4, v0  }
0x2dd: {  	v9 =	vmul.f32 v10, v9;
	v13 =	vmul.f32 v7, v0;
	v4 =	vld [tilespmem:s11+$0xFFFFFFF0];
	[tilespmem:s11+$0x0] =	vst v6  }
0x2de: {  	v7 =	vld [tilespmem:s16+$0xFFFFFFF0];
	[tilespmem:s11+$0xFFFFFFA0] =	vst v8  }
0x2df: {  	s18 =	simm.s32 $0x0;
	s17 =	simm.s32 $0x34F0;
	v6 =	vld [tilespmem:s11+$0xFFFFFF90];
	[tilespmem:s11+$0xFFFFFFB0] =	vst v13;
	v8 =	vmul.f32 v9, v0;
	v9 =	vmul.f32 v12, v11  }
.LBB2_26:
0x2e0: {  	v10 =	vld [tilespmem:s17+$0x0];
	s16 =	sadd.s32 $0x80, s16  }
0x2e1: {  	s18 =	sadd.s32 $0x8, s18;
	v11 =	vld [tilespmem:s16+$0x0];
	[tilespmem:s11+$0xFFFFFFC0] =	vst v8;
	v8 =	vmul.f32 v9, v0;
	v3 =	vmul.f32 v5, v3  }
0x2e2: {  	p0 =	slt.u32 s18, $0x78;
	v5 =	vld [tilespmem:s16+$0xFFFFFF90]  }
0x2e3: {  	v9 =	vld [tilespmem:s17+$0xFFFFFFA0];
	[tilespmem:s11+$0xFFFFFFD0] =	vst v8;
	v3 =	vmul.f32 v3, v0;
	v4 =	vmul.f32 v7, v4  }
0x2e4: {  	v7 =	vld [tilespmem:s16+$0xFFFFFFA0];
	v12 =	vmul.f32 v2, v6  }
0x2e5: {  	v6 =	vld [tilespmem:s17+$0xFFFFFFB0];
	[tilespmem:s11+$0xFFFFFFE0] =	vst v3;
	v3 =	vmul.f32 v4, v0  }
0x2e6: {  	v4 =	vld [tilespmem:s16+$0xFFFFFFB0];
	v8 =	vmul.f32 v11, v10;
	v10 =	vmul.f32 v12, v0  }
0x2e7: {  	v11 =	vld [tilespmem:s17+$0xFFFFFFC0];
	[tilespmem:s11+$0xFFFFFFF0] =	vst v3;
	v2 =	vmov v5  }
0x2e8: {  	v12 =	vld [tilespmem:s16+$0xFFFFFFC0];
	v3 =	vmul.f32 v8, v0;
	[tilespmem:s11+$0xFFFFFF90] =	vst v10;
	s11 =	smov.u32 s17  }
0x2e9: {  	v5 =	vmul.f32 v7, v9;
	v9 =	vld [tilespmem:s17+$0xFFFFFFD0]  }
0x2ea: {  	v10 =	vld [tilespmem:s16+$0xFFFFFFD0];
	[tilespmem:s17+$0x0] =	vst v3  }
.Ltmp12:
0x2eb: {  	v7 =	vmul.f32 v5, v0;
	v4 =	vmul.f32 v4, v6;
	v3 =	vld [tilespmem:s17+$0xFFFFFFE0];
	(pc) =	sbr.rel @p0 .LBB2_26-.Ltmp12, $4  }
0x2ec: {  	v5 =	vld [tilespmem:s16+$0xFFFFFFE0]  }
0x2ed: {  	[tilespmem:s17+$0xFFFFFFA0] =	vst v7;
	v8 =	vmul.f32 v4, v0;
	v11 =	vmul.f32 v12, v11;
	v4 =	vld [tilespmem:s17+$0xFFFFFFF0]  }
0x2ee: {  	v7 =	vld [tilespmem:s16+$0xFFFFFFF0]  }
0x2ef: {  	s17 =	sadd.s32 $0x80, s17;
	v6 =	vld [tilespmem:s11+$0xFFFFFF90];
	[tilespmem:s11+$0xFFFFFFB0] =	vst v8;
	v8 =	vmul.f32 v11, v0;
	v9 =	vmul.f32 v10, v9  }
0x2f0: {  	_ =	sdelay $0x1  }
0x2f1: {  	v3 =	vmul.f32 v5, v3  }
0x2f2: {  	v5 =	vmul.f32 v9, v0;
	v4 =	vmul.f32 v7, v4  }
0x2f3: {  	[tilespmem:s11+$0xFFFFFFC0] =	vst v8;
	v3 =	vmul.f32 v3, v0;
	v2 =	vmul.f32 v2, v6  }
0x2f4: {  	[tilespmem:s11+$0xFFFFFFD0] =	vst v5;
	v4 =	vmul.f32 v4, v0  }
0x2f5: {  	[tilespmem:s11+$0xFFFFFFE0] =	vst v3;
	v2 =	vmul.f32 v2, v0  }
0x2f6: {  	[tilespmem:s11+$0xFFFFFFF0] =	vst v4  }
0x2f7: {  	[tilespmem:s11+$0xFFFFFF90] =	vst v2  }
0x2f8: {  	[spmem:s2] =	stream.indirect.scatter.add.f32 [tilespmem:s12], [sflag:$0x5], $0x10, s25, s19, $0xb8;
	[tilespmem:$0x9300] =	vst v63  }
0x2f9: {  	_ =	swait.ge [sflag:s8], $0x800  }
0x2fa: {  	[sflag:s8] =	ssyncset.done $0x0  }
0x2fb: {  	[sflag:s8] =	ssyncadd.s32 $0xFFFFF800  }
0x2fc: {  	_ =	swait.ge [sflag:s13], $0x800  }
0x2fd: {  	[sflag:s13] =	ssyncset.done $0x0  }
0x2fe: {  	s11 =	simm.s32 $0x3C70;
	[sflag:s13] =	ssyncadd.s32 $0xFFFFF800  }
0x2ff: {  	s16 =	simm.s32 $0x1C70;
	v3 =	vld [tilespmem:s11+$0x0]  }
0x300: {  	v4 =	vld [tilespmem:s16+$0x0]  }
0x301: {  	v2 =	vld [tilespmem:s16+$0xFFFFFF90]  }
0x302: {  	v5 =	vld [tilespmem:s11+$0xFFFFFFA0]  }
0x303: {  	v6 =	vld [tilespmem:s16+$0xFFFFFFA0]  }
0x304: {  	v7 =	vld [tilespmem:s11+$0xFFFFFFB0]  }
0x305: {  	v8 =	vld [tilespmem:s16+$0xFFFFFFB0]  }
0x306: {  	v9 =	vld [tilespmem:s11+$0xFFFFFFC0]  }
0x307: {  	v10 =	vld [tilespmem:s16+$0xFFFFFFC0]  }
0x308: {  	v11 =	vld [tilespmem:s11+$0xFFFFFFD0];
	v3 =	vmul.f32 v4, v3  }
0x309: {  	v12 =	vld [tilespmem:s16+$0xFFFFFFD0];
	v4 =	vmul.f32 v6, v5  }
0x30a: {  	v7 =	vmul.f32 v8, v7;
	v5 =	vld [tilespmem:s16+$0xFFFFFFE0];
	v6 =	vmul.f32 v3, v0  }
0x30b: {  	v3 =	vld [tilespmem:s11+$0xFFFFFFE0];
	v8 =	vmul.f32 v4, v0  }
0x30c: {  	v9 =	vmul.f32 v10, v9;
	v13 =	vmul.f32 v7, v0;
	v4 =	vld [tilespmem:s11+$0xFFFFFFF0];
	[tilespmem:s11+$0x0] =	vst v6  }
0x30d: {  	v7 =	vld [tilespmem:s16+$0xFFFFFFF0];
	[tilespmem:s11+$0xFFFFFFA0] =	vst v8  }
0x30e: {  	s18 =	simm.s32 $0x0;
	s17 =	simm.s32 $0x3CF0;
	v6 =	vld [tilespmem:s11+$0xFFFFFF90];
	[tilespmem:s11+$0xFFFFFFB0] =	vst v13;
	v8 =	vmul.f32 v9, v0;
	v9 =	vmul.f32 v12, v11  }
.LBB2_28:
0x30f: {  	v10 =	vld [tilespmem:s17+$0x0];
	s16 =	sadd.s32 $0x80, s16  }
0x310: {  	s18 =	sadd.s32 $0x8, s18;
	v11 =	vld [tilespmem:s16+$0x0];
	[tilespmem:s11+$0xFFFFFFC0] =	vst v8;
	v8 =	vmul.f32 v9, v0;
	v3 =	vmul.f32 v5, v3  }
0x311: {  	p0 =	slt.u32 s18, $0x78;
	v5 =	vld [tilespmem:s16+$0xFFFFFF90]  }
0x312: {  	v9 =	vld [tilespmem:s17+$0xFFFFFFA0];
	[tilespmem:s11+$0xFFFFFFD0] =	vst v8;
	v3 =	vmul.f32 v3, v0;
	v4 =	vmul.f32 v7, v4  }
0x313: {  	v7 =	vld [tilespmem:s16+$0xFFFFFFA0];
	v12 =	vmul.f32 v2, v6  }
0x314: {  	v6 =	vld [tilespmem:s17+$0xFFFFFFB0];
	[tilespmem:s11+$0xFFFFFFE0] =	vst v3;
	v3 =	vmul.f32 v4, v0  }
0x315: {  	v4 =	vld [tilespmem:s16+$0xFFFFFFB0];
	v8 =	vmul.f32 v11, v10;
	v10 =	vmul.f32 v12, v0  }
0x316: {  	v11 =	vld [tilespmem:s17+$0xFFFFFFC0];
	[tilespmem:s11+$0xFFFFFFF0] =	vst v3;
	v2 =	vmov v5  }
0x317: {  	v12 =	vld [tilespmem:s16+$0xFFFFFFC0];
	v3 =	vmul.f32 v8, v0;
	[tilespmem:s11+$0xFFFFFF90] =	vst v10;
	s11 =	smov.u32 s17  }
0x318: {  	v5 =	vmul.f32 v7, v9;
	v9 =	vld [tilespmem:s17+$0xFFFFFFD0]  }
0x319: {  	v10 =	vld [tilespmem:s16+$0xFFFFFFD0];
	[tilespmem:s17+$0x0] =	vst v3  }
.Ltmp13:
0x31a: {  	v7 =	vmul.f32 v5, v0;
	v4 =	vmul.f32 v4, v6;
	v3 =	vld [tilespmem:s17+$0xFFFFFFE0];
	(pc) =	sbr.rel @p0 .LBB2_28-.Ltmp13, $4  }
0x31b: {  	v5 =	vld [tilespmem:s16+$0xFFFFFFE0]  }
0x31c: {  	[tilespmem:s17+$0xFFFFFFA0] =	vst v7;
	v8 =	vmul.f32 v4, v0;
	v11 =	vmul.f32 v12, v11;
	v4 =	vld [tilespmem:s17+$0xFFFFFFF0]  }
0x31d: {  	v7 =	vld [tilespmem:s16+$0xFFFFFFF0]  }
0x31e: {  	s17 =	sadd.s32 $0x80, s17;
	v6 =	vld [tilespmem:s11+$0xFFFFFF90];
	[tilespmem:s11+$0xFFFFFFB0] =	vst v8;
	v8 =	vmul.f32 v11, v0;
	v9 =	vmul.f32 v10, v9  }
0x31f: {  	_ =	sdelay $0x1  }
0x320: {  	v3 =	vmul.f32 v5, v3  }
0x321: {  	v63 =	vmul.f32 v9, v0;
	v4 =	vmul.f32 v7, v4  }
0x322: {  	[tilespmem:s11+$0xFFFFFFC0] =	vst v8;
	v3 =	vmul.f32 v3, v0;
	v2 =	vmul.f32 v2, v6  }
0x323: {  	[tilespmem:s11+$0xFFFFFFD0] =	vst v63;
	v4 =	vmul.f32 v4, v0  }
0x324: {  	[tilespmem:s11+$0xFFFFFFE0] =	vst v3;
	v2 =	vmul.f32 v2, v0  }
0x325: {  	[tilespmem:s11+$0xFFFFFFF0] =	vst v4  }
0x326: {  	[tilespmem:s11+$0xFFFFFF90] =	vst v2  }
0x327: {  	[spmem:s2] =	stream.indirect.scatter.add.f32 [tilespmem:s15], [sflag:$0x6], $0x10, s4, s19, $0xb8;
	[tilespmem:$0x9300] =	vst v63  }
0x328: {  	_ =	swait.ge [sflag:s14], $0x800  }
0x329: {  	[sflag:s14] =	ssyncset.done $0x0  }
0x32a: {  	[sflag:s14] =	ssyncadd.s32 $0xFFFFF800  }
0x32b: {  	_ =	swait.ge [sflag:s8], $0x800  }
0x32c: {  	[sflag:s8] =	ssyncset.done $0x0  }
0x32d: {  	[sflag:s8] =	ssyncadd.s32 $0xFFFFF800  }
0x32e: {  	[bflag:$0x0] =	sbarrier.arrive $0xFFFF  }
0x32f: {  	s18 =	simm.s32 $0x4400;
	s17 =	rddreg [dreg:$0x4]  }
0x330: {  	[tilespmem:s18], [sflag:$0x7] =	stream.linear.gather [spmem:s17], $0x2780, $0x38;
	[tilespmem:$0x9300] =	vst v63  }
0x331: {  	_ =	swait.ge [sflag:s21], $0x2780  }
0x332: {  	[sflag:s21] =	ssyncset.done $0x0  }
0x333: {  	s22 =	rddreg [dreg:$0x12];
	[sflag:s21] =	ssyncadd.s32 $0xFFFFD880  }
0x334: {  	[hbm4b:s22+s3] =	stream.linear.scatter [tilespmem:s18], [sflag:$0x7], $0x2780, $0x38;
	[tilespmem:$0x9300] =	vst v63  }
0x335: {  	_ =	swait.ge [sflag:s21], $0x2780  }
0x336: {  	s16 =	sld [smem:$0x7FC]  }
0x337: {  	s29 =	sld [smem:$0x7FD];
	_ =	sdelay $0x1  }
0x338: {  	s16 =	sadd.s32 $0x1, s16  }
0x339: {  	p0 =	sne.s32 s16, s29  }
.Ltmp14:
0x33a: {  	_ = 	snop;
	(pc) =	sbr.rel @p0 .LBB2_1-.Ltmp14, $3  }
0x33b: {  	_ =	sdelay $0x1  }
0x33c: {  	[sflag:s21] =	ssyncset.done $0x0  }
0x33d: {  	[sflag:s21] =	ssyncadd.s32 $0xFFFFD880  }
0x33e: {  	_ =	sfence.sel $0x180000  }
0x33f: {  	[bflag:$0x0] =	sbarrier.arrive $0xFFFF  }
0x340: {  	_ =	strace $0x90000047  }
0x341: {  	s0 =	stileid.u32;
	[bflag:$0x2] =	sbarrier.arrive $0xFFFF  }
0x342: {  	p0 =	sne.s32 s0, $0x0;
	s0 =	rddreg [dreg:$0x3]  }
0x343: {  	s0 =	sadd.s32 @!p0 $0x100000, s0  }
0x344: {  	[sflag:s0] =	ssyncadd.tile.s32 @!p0 $0x1;
	_ =	shalt  }
.Lfunc_end2:
_tile_overlayer_lowered:
.L_overlay_start_2:
0x345: {  	(tag) =	ssettag $0x2  }
0x346: {  	s0 =	rddreg [dreg:$0x0];
	s2 =	stileid.u32  }
0x347: {  	s1 =	rddreg [dreg:$0x1];
	p0 =	sne.s32 s2, $0x0  }
0x348: {  	s3 =	rddreg [dreg:$0x2];
	[bflag:$0x3] =	sbarrier.arrive $0xFFFF;
	s2 =	simm.s32 @!p0 $0x1C07  }
0x349: {  	[timem:s3], [sflag:s2] =	dma.local @!p0 [hbm:s0], s1  }
0x34a: {  	s0 =	simm.s32 @!p0 $0x7  }
0x34b: {  	_ =	swait.ge @!p0 [sflag:s0], s1  }
0x34c: {  	s1 =	ssub.s32 @!p0 $0x0, s1;
	[sflag:s0] =	ssyncset.done @!p0 $0x0  }
0x34d: {  	[sflag:s0] =	ssyncadd.s32 @!p0 s1  }
0x34e: {  	[bflag:$0x3] =	sbarrier.arrive $0xFFFF  }
0x34f: {  	_ =	shalt  }

</sc_bundles>
